<compile_context>
chip_gen: v7x
topology: tpu7x:2x2x1
jax: 0.10.2.dev20260603
libtpu: 0.0.44.dev20260713+nightly
codegen_flags: <defaults>
</compile_context>

<pallas_src>
import functools

import jax
import jax.numpy as jnp
from jax import lax
from jax.experimental import pallas as pl
from jax.experimental.pallas import tpu as pltpu
from jax.experimental.pallas import tpu_sc as plsc

_TOPK = 2
_LANES = 16
_NC = 2
_NS = 16
_NW = _NC * _NS

_MM_BLK = 1024


def _logits_body(h_ref, wt_ref, out_ref, outt_ref):
    lt = jnp.dot(h_ref[...], wt_ref[...], preferred_element_type=jnp.float32)
    out_ref[...] = lt
    outt_ref[...] = lt.T


@functools.lru_cache(maxsize=None)
def _make_topk_kernel(n_tok, n_exp):
    tpw = n_tok // _NW
    ngrp = tpw // _LANES
    mesh = plsc.VectorSubcoreMesh(core_axis_name="c", subcore_axis_name="s")

    @functools.partial(
        pl.kernel,
        mesh=mesh,
        out_type=[
            jax.ShapeDtypeStruct((n_tok,), jnp.float32),
            jax.ShapeDtypeStruct((n_tok,), jnp.float32),
            jax.ShapeDtypeStruct((n_tok,), jnp.int32),
            jax.ShapeDtypeStruct((n_tok,), jnp.int32),
        ],
        scratch_types=[
            pltpu.VMEM((2, n_exp, tpw // 2), jnp.float32),
            pltpu.VMEM((tpw,), jnp.float32),
            pltpu.VMEM((tpw,), jnp.float32),
            pltpu.VMEM((tpw,), jnp.int32),
            pltpu.VMEM((tpw,), jnp.int32),
        ] + [pltpu.SemaphoreType.DMA] * 6,
    )
    def topk_kernel(lgt_hbm, p1_hbm, p2_hbm, i1_hbm, i2_hbm,
                    lg_v, p1_v, p2_v, i1_v, i2_v, *sems):
        wid = lax.axis_index("s") * _NC + lax.axis_index("c")
        base = wid * tpw
        tph = tpw // 2
        copies = [
            pltpu.async_copy(
                lgt_hbm.at[:, pl.ds(base + hh * tph, tph)],
                lg_v.at[hh], sems[hh])
            for hh in range(2)
        ]

        zeros = jnp.zeros((_LANES,), jnp.int32)
        neg_inf = jnp.full((_LANES,), -jnp.inf, jnp.float32)
        fzero = jnp.zeros((_LANES,), jnp.float32)

        big = jnp.full((_LANES,), n_exp, jnp.int32)

        for hh in range(2):
            copies[hh].wait()

            def per_group(g, carry, hh=hh):
                off = g * _LANES
                voff = hh * tph + off

                half = n_exp // 2
                vals = []
                for c in range(2):
                    m1c, m2c = neg_inf, neg_inf
                    for k in range(half):
                        v = lg_v[hh, c * half + k, pl.ds(off, _LANES)]
                        t = jnp.minimum(m1c, v)
                        m1c = jnp.maximum(m1c, v)
                        m2c = jnp.maximum(m2c, t)
                    vals.append((m1c, m2c))
                (m1a, m2a), (m1b, m2b) = vals
                m1 = jnp.maximum(m1a, m1b)
                m2 = jnp.maximum(jnp.maximum(m2a, m2b),
                                 jnp.minimum(m1a, m1b))

                ia, ib = big, big
                s0 = s1 = fzero
                for e in range(n_exp):
                    ev = jnp.full((_LANES,), e, jnp.int32)
                    v = lg_v[hh, e, pl.ds(off, _LANES)]
                    ia = jnp.minimum(ia, jnp.where(v == m1, ev, big))
                    ib = jnp.minimum(ib, jnp.where(v == m2, ev, big))
                    if e % 2 == 0:
                        s0 = s0 + jnp.exp(v - m1)
                    else:
                        s1 = s1 + jnp.exp(v - m1)

                s = s0 + s1
                p1 = 1.0 / s
                p2 = jnp.exp(m2 - m1) / s
                t = p1 + p2 + 1e-9
                p1_v[pl.ds(voff, _LANES)] = p1 / t
                p2_v[pl.ds(voff, _LANES)] = p2 / t
                i1_v[pl.ds(voff, _LANES)] = ia
                i2_v[pl.ds(voff, _LANES)] = ib
                return carry

            lax.fori_loop(0, tph // _LANES, per_group, 0)

        outs = [
            pltpu.async_copy(p1_v, p1_hbm.at[pl.ds(base, tpw)], sems[2]),
            pltpu.async_copy(p2_v, p2_hbm.at[pl.ds(base, tpw)], sems[3]),
            pltpu.async_copy(i1_v, i1_hbm.at[pl.ds(base, tpw)], sems[4]),
            pltpu.async_copy(i2_v, i2_hbm.at[pl.ds(base, tpw)], sems[5]),
        ]
        for o in outs:
            o.wait()

    return topk_kernel


def kernel(hidden_states, gate_weight):
    b, s, d = hidden_states.shape
    n_tok = b * s
    n_exp = gate_weight.shape[0]
    h = hidden_states.reshape(n_tok, d)
    wt = gate_weight.T

    logits, logits_t = pl.pallas_call(
        _logits_body,
        grid=(n_tok // _MM_BLK,),
        in_specs=[
            pl.BlockSpec((_MM_BLK, d), lambda i: (i, 0)),
            pl.BlockSpec((d, n_exp), lambda i: (0, 0)),
        ],
        out_specs=[
            pl.BlockSpec((_MM_BLK, n_exp), lambda i: (i, 0)),
            pl.BlockSpec((n_exp, _MM_BLK), lambda i: (0, i)),
        ],
        out_shape=[
            jax.ShapeDtypeStruct((n_tok, n_exp), jnp.float32),
            jax.ShapeDtypeStruct((n_exp, n_tok), jnp.float32),
        ],
    )(h, wt)

    p1, p2, i1, i2 = _make_topk_kernel(n_tok, n_exp)(logits_t)
    return (jnp.stack([p1, p2], axis=-1),
            jnp.stack([i1, i2], axis=-1),
            logits)

# --- scband reference (transcript-rebuilt; emitter-appended) ---
"""Pipeline reference for scband-mo-erouter-1726576853050 (READ-ONLY COPY).

The authoritative reference and input builder live on the scoring server;
editing this copy changes nothing except your own understanding.
"""

import jax, jax.numpy as jnp
import numpy as np

BATCH = 4
SEQ = 4096
D_MODEL = 2048
NUM_EXPERTS = 64
TOP_K = 2

def setup_inputs(seed: int = 0) -> dict:
    key = jax.random.key(seed)
    k1, k2 = jax.random.split(key)
    hidden_states = jax.random.normal(k1, (BATCH, SEQ, D_MODEL), dtype=jnp.float32)
    # gate weight: nn.Linear(hidden_size, num_experts, bias=False) -> weight shape [num_experts, hidden_size]
    # kaiming_uniform with a=0.01: bound = sqrt(6 / ((1 + a^2) * fan_in))
    a = 0.01
    bound = float(np.sqrt(6.0 / ((1.0 + a * a) * D_MODEL)))
    gate_weight = jax.random.uniform(k2, (NUM_EXPERTS, D_MODEL), dtype=jnp.float32, minval=-bound, maxval=bound)
    return {"hidden_states": hidden_states, "gate_weight": gate_weight}

def reference(hidden_states, gate_weight):
    # eval-mode forward (no exploration noise)
    hidden_flat = hidden_states.reshape(-1, hidden_states.shape[-1])  # [num_tokens, d_model]
    router_logits = hidden_flat @ gate_weight.T  # [num_tokens, num_experts]
    router_probs = jax.nn.softmax(router_logits, axis=-1)
    top_k_probs, top_k_indices = jax.lax.top_k(router_probs, TOP_K)
    top_k_probs = top_k_probs / (jnp.sum(top_k_probs, axis=-1, keepdims=True) + 1e-09)
    return (top_k_probs, top_k_indices, router_logits)

if __name__ == "__main__":
    import jax
    _d = setup_inputs()
    print(jax.jit(kernel)(*tuple(_d.values())))

</pallas_src>

<mosaic_0001>
#map = affine_map<(d0, d1) -> (0, 0)>
#map1 = affine_map<(d0, d1) -> (0)>
module attributes {stable_mosaic.version = 14 : i64} {
  func.func @topk_kernel(%arg0: i32, %arg1: i32, %arg2: memref<64x16384xf32, #tpu.memory_space<hbm>>, %arg3: memref<16384xf32, #tpu.memory_space<hbm>>, %arg4: memref<16384xf32, #tpu.memory_space<hbm>>, %arg5: memref<16384xi32, #tpu.memory_space<hbm>>, %arg6: memref<16384xi32, #tpu.memory_space<hbm>>, %arg7: memref<2x64x256xf32, #tpu.memory_space<vmem>>, %arg8: memref<512xf32, #tpu.memory_space<vmem>>, %arg9: memref<512xf32, #tpu.memory_space<vmem>>, %arg10: memref<512xi32, #tpu.memory_space<vmem>>, %arg11: memref<512xi32, #tpu.memory_space<vmem>>, %arg12: memref<!tpu.dma_semaphore, #tpu.memory_space<semaphore_mem>>, %arg13: memref<!tpu.dma_semaphore, #tpu.memory_space<semaphore_mem>>, %arg14: memref<!tpu.dma_semaphore, #tpu.memory_space<semaphore_mem>>, %arg15: memref<!tpu.dma_semaphore, #tpu.memory_space<semaphore_mem>>, %arg16: memref<!tpu.dma_semaphore, #tpu.memory_space<semaphore_mem>>, %arg17: memref<!tpu.dma_semaphore, #tpu.memory_space<semaphore_mem>>) attributes {dimension_semantics = [#tpu.dimension_semantics<core_parallel>, #tpu.dimension_semantics<subcore_parallel>], iteration_bounds = array<i64: 2, 16>, scalar_prefetch = 0 : i64, scratch_operands = 11 : i64, tpu.core_type = #tpu.core_type<sc_vector_subcore>, window_params = [{transform_indices = #map}, {transform_indices = #map1}, {transform_indices = #map1}, {transform_indices = #map1}, {transform_indices = #map1}]} {
    %mul3A = arith.constant 2 : i32
    %mul3A_0 = arith.muli %arg1, %mul3A : i32
    %add3A = arith.addi %mul3A_0, %arg0 : i32
    %mul3A_1 = arith.constant 512 : i32
    %mul3A_2 = arith.muli %add3A, %mul3A_1 : i32
    %add3A_3 = arith.constant 0 : i32
    %add3A_4 = arith.addi %mul3A_2, %add3A_3 : i32
    %dma_start3A = arith.constant 0 : i32
    %dma_start3A_5 = arith.constant 0 : i32
    %dma_start3A_6 = arith.constant 0 : i32
    %dma_start3A_7 = tpu.memref_slice %arg7[%dma_start3A, %dma_start3A_5, %dma_start3A_6] : memref<2x64x256xf32, #tpu.memory_space<vmem>> -> memref<1x64x256xf32, #tpu.memory_space<vmem>>
    %dma_start3A_8 = tpu.memref_squeeze %dma_start3A_7 : memref<1x64x256xf32, #tpu.memory_space<vmem>> -> memref<64x256xf32, #tpu.memory_space<vmem>>
    %dma_start3A_9 = arith.constant 0 : i32
    %dma_start3A_10 = tpu.memref_slice %arg2[%dma_start3A_9, %add3A_4] : memref<64x16384xf32, #tpu.memory_space<hbm>> -> memref<64x256xf32, #tpu.memory_space<hbm>>
    %dma_start3A_11 = arith.constant 0 : i32
    %dma_start3A_12 = arith.constant 0 : i32
    %dma_start3A_13 = tpu.memref_slice %arg7[%dma_start3A, %dma_start3A_11, %dma_start3A_12] : memref<2x64x256xf32, #tpu.memory_space<vmem>> -> memref<1x64x256xf32, #tpu.memory_space<vmem>>
    %dma_start3A_14 = tpu.memref_squeeze %dma_start3A_13 : memref<1x64x256xf32, #tpu.memory_space<vmem>> -> memref<64x256xf32, #tpu.memory_space<vmem>>
    %dma_start3A_15 = arith.constant 0 : i32
    %dma_start3A_16 = tpu.memref_slice %arg2[%dma_start3A_15, %add3A_4] : memref<64x16384xf32, #tpu.memory_space<hbm>> -> memref<64x256xf32, #tpu.memory_space<hbm>>
    tpu.enqueue_dma source(%dma_start3A_16 : memref<64x256xf32, #tpu.memory_space<hbm>>) target(%dma_start3A_14 : memref<64x256xf32, #tpu.memory_space<vmem>>) target_semaphore(%arg12 : memref<!tpu.dma_semaphore, #tpu.memory_space<semaphore_mem>>)
    %add3A_17 = arith.constant 256 : i32
    %add3A_18 = arith.addi %mul3A_2, %add3A_17 : i32
    %dma_start3A_19 = arith.constant 1 : i32
    %dma_start3A_20 = arith.constant 0 : i32
    %dma_start3A_21 = arith.constant 0 : i32
    %dma_start3A_22 = tpu.memref_slice %arg7[%dma_start3A_19, %dma_start3A_20, %dma_start3A_21] : memref<2x64x256xf32, #tpu.memory_space<vmem>> -> memref<1x64x256xf32, #tpu.memory_space<vmem>>
    %dma_start3A_23 = tpu.memref_squeeze %dma_start3A_22 : memref<1x64x256xf32, #tpu.memory_space<vmem>> -> memref<64x256xf32, #tpu.memory_space<vmem>>
    %dma_start3A_24 = arith.constant 0 : i32
    %dma_start3A_25 = tpu.memref_slice %arg2[%dma_start3A_24, %add3A_18] : memref<64x16384xf32, #tpu.memory_space<hbm>> -> memref<64x256xf32, #tpu.memory_space<hbm>>
    %dma_start3A_26 = arith.constant 0 : i32
    %dma_start3A_27 = arith.constant 0 : i32
    %dma_start3A_28 = tpu.memref_slice %arg7[%dma_start3A_19, %dma_start3A_26, %dma_start3A_27] : memref<2x64x256xf32, #tpu.memory_space<vmem>> -> memref<1x64x256xf32, #tpu.memory_space<vmem>>
    %dma_start3A_29 = tpu.memref_squeeze %dma_start3A_28 : memref<1x64x256xf32, #tpu.memory_space<vmem>> -> memref<64x256xf32, #tpu.memory_space<vmem>>
    %dma_start3A_30 = arith.constant 0 : i32
    %dma_start3A_31 = tpu.memref_slice %arg2[%dma_start3A_30, %add3A_18] : memref<64x16384xf32, #tpu.memory_space<hbm>> -> memref<64x256xf32, #tpu.memory_space<hbm>>
    tpu.enqueue_dma source(%dma_start3A_31 : memref<64x256xf32, #tpu.memory_space<hbm>>) target(%dma_start3A_29 : memref<64x256xf32, #tpu.memory_space<vmem>>) target_semaphore(%arg13 : memref<!tpu.dma_semaphore, #tpu.memory_space<semaphore_mem>>)
    %broadcast_in_dim3A = arith.constant 0 : i32
    %broadcast_in_dim3A_32 = vector.broadcast %broadcast_in_dim3A : i32 to vector<16xi32>
    %broadcast_in_dim3A_33 = arith.constant 0xFF800000 : f32
    %broadcast_in_dim3A_34 = vector.broadcast %broadcast_in_dim3A_33 : f32 to vector<16xf32>
    %broadcast_in_dim3A_35 = arith.constant 0.000000e+00 : f32
    %broadcast_in_dim3A_36 = vector.broadcast %broadcast_in_dim3A_35 : f32 to vector<16xf32>
    %broadcast_in_dim3A_37 = arith.constant 64 : i32
    %broadcast_in_dim3A_38 = vector.broadcast %broadcast_in_dim3A_37 : i32 to vector<16xi32>
    %dma_wait3A = arith.constant 0 : i32
    %dma_wait3A_39 = arith.constant 0 : i32
    %dma_wait3A_40 = arith.constant 0 : i32
    %dma_wait3A_41 = tpu.memref_slice %arg7[%dma_wait3A, %dma_wait3A_39, %dma_wait3A_40] : memref<2x64x256xf32, #tpu.memory_space<vmem>> -> memref<1x64x256xf32, #tpu.memory_space<vmem>>
    %dma_wait3A_42 = tpu.memref_squeeze %dma_wait3A_41 : memref<1x64x256xf32, #tpu.memory_space<vmem>> -> memref<64x256xf32, #tpu.memory_space<vmem>>
    %dma_wait3A_43 = arith.constant 0 : i32
    %dma_wait3A_44 = tpu.memref_slice %arg2[%dma_wait3A_43, %add3A_4] : memref<64x16384xf32, #tpu.memory_space<hbm>> -> memref<64x256xf32, #tpu.memory_space<hbm>>
    %dma_wait3A_45 = arith.constant 0 : i32
    %dma_wait3A_46 = arith.constant 0 : i32
    %dma_wait3A_47 = tpu.memref_slice %arg7[%dma_wait3A, %dma_wait3A_45, %dma_wait3A_46] : memref<2x64x256xf32, #tpu.memory_space<vmem>> -> memref<1x64x256xf32, #tpu.memory_space<vmem>>
    %dma_wait3A_48 = tpu.memref_squeeze %dma_wait3A_47 : memref<1x64x256xf32, #tpu.memory_space<vmem>> -> memref<64x256xf32, #tpu.memory_space<vmem>>
    %dma_wait3A_49 = arith.constant 0 : i32
    %dma_wait3A_50 = tpu.memref_slice %arg2[%dma_wait3A_49, %add3A_4] : memref<64x16384xf32, #tpu.memory_space<hbm>> -> memref<64x256xf32, #tpu.memory_space<hbm>>
    tpu.wait_dma2 semaphore(%arg12 : memref<!tpu.dma_semaphore, #tpu.memory_space<semaphore_mem>>) src(%dma_wait3A_50 : memref<64x256xf32, #tpu.memory_space<hbm>>) dst(%dma_wait3A_48 : memref<64x256xf32, #tpu.memory_space<vmem>>)
    %scan3A = arith.constant 0 : i32
    %scan3A_51 = arith.constant 0 : i32
    %scan3A_52 = arith.constant 16 : i32
    %scan3A_53 = arith.addi %scan3A_51, %scan3A_52 : i32
    %scan3A_54 = arith.constant 1 : i32
    scf.for %scan3A_91 = %scan3A_51 to %scan3A_53 step %scan3A_54  : i32 {
      %mul3A_92 = arith.constant 16 : i32
      %mul3A_93 = arith.muli %scan3A_91, %mul3A_92 : i32
      %add3A_94 = arith.constant 0 : i32
      %add3A_95 = arith.addi %add3A_94, %mul3A_93 : i32
      %get3A = arith.constant 0 : i32
      %get3A_96 = arith.constant 0 : i32
      %get3A_97 = arith.index_cast %get3A : i32 to index
      %get3A_98 = arith.index_cast %get3A_96 : i32 to index
      %get3A_99 = arith.index_cast %mul3A_93 : i32 to index
      %get3A_100 = tpu.vector_load %arg7[%get3A_97, %get3A_98, %get3A_99] {strides = array<i32>} : memref<2x64x256xf32, #tpu.memory_space<vmem>>, vector<1x1x16xf32>,
      %get3A_101 = vector.shape_cast %get3A_100 : vector<1x1x16xf32> to vector<16xf32>
      %min3A = arith.minimumf %broadcast_in_dim3A_34, %get3A_101 : vector<16xf32>
      %max3A = arith.maximumf %broadcast_in_dim3A_34, %get3A_101 : vector<16xf32>
      %max3A_102 = arith.maximumf %broadcast_in_dim3A_34, %min3A : vector<16xf32>
      %get3A_103 = arith.constant 0 : i32
      %get3A_104 = arith.constant 1 : i32
      %get3A_105 = arith.index_cast %get3A_103 : i32 to index
      %get3A_106 = arith.index_cast %get3A_104 : i32 to index
      %get3A_107 = arith.index_cast %mul3A_93 : i32 to index
      %get3A_108 = tpu.vector_load %arg7[%get3A_105, %get3A_106, %get3A_107] {strides = array<i32>} : memref<2x64x256xf32, #tpu.memory_space<vmem>>, vector<1x1x16xf32>,
      %get3A_109 = vector.shape_cast %get3A_108 : vector<1x1x16xf32> to vector<16xf32>
      %min3A_110 = arith.minimumf %max3A, %get3A_109 : vector<16xf32>
      %max3A_111 = arith.maximumf %max3A, %get3A_109 : vector<16xf32>
      %max3A_112 = arith.maximumf %max3A_102, %min3A_110 : vector<16xf32>
      %get3A_113 = arith.constant 0 : i32
      %get3A_114 = arith.constant 2 : i32
      %get3A_115 = arith.index_cast %get3A_113 : i32 to index
      %get3A_116 = arith.index_cast %get3A_114 : i32 to index
      %get3A_117 = arith.index_cast %mul3A_93 : i32 to index
      %get3A_118 = tpu.vector_load %arg7[%get3A_115, %get3A_116, %get3A_117] {strides = array<i32>} : memref<2x64x256xf32, #tpu.memory_space<vmem>>, vector<1x1x16xf32>,
      %get3A_119 = vector.shape_cast %get3A_118 : vector<1x1x16xf32> to vector<16xf32>
      %min3A_120 = arith.minimumf %max3A_111, %get3A_119 : vector<16xf32>
      %max3A_121 = arith.maximumf %max3A_111, %get3A_119 : vector<16xf32>
      %max3A_122 = arith.maximumf %max3A_112, %min3A_120 : vector<16xf32>
      %get3A_123 = arith.constant 0 : i32
      %get3A_124 = arith.constant 3 : i32
      %get3A_125 = arith.index_cast %get3A_123 : i32 to index
      %get3A_126 = arith.index_cast %get3A_124 : i32 to index
      %get3A_127 = arith.index_cast %mul3A_93 : i32 to index
      %get3A_128 = tpu.vector_load %arg7[%get3A_125, %get3A_126, %get3A_127] {strides = array<i32>} : memref<2x64x256xf32, #tpu.memory_space<vmem>>, vector<1x1x16xf32>,
      %get3A_129 = vector.shape_cast %get3A_128 : vector<1x1x16xf32> to vector<16xf32>
      %min3A_130 = arith.minimumf %max3A_121, %get3A_129 : vector<16xf32>
      %max3A_131 = arith.maximumf %max3A_121, %get3A_129 : vector<16xf32>
      %max3A_132 = arith.maximumf %max3A_122, %min3A_130 : vector<16xf32>
      %get3A_133 = arith.constant 0 : i32
      %get3A_134 = arith.constant 4 : i32
      %get3A_135 = arith.index_cast %get3A_133 : i32 to index
      %get3A_136 = arith.index_cast %get3A_134 : i32 to index
      %get3A_137 = arith.index_cast %mul3A_93 : i32 to index
      %get3A_138 = tpu.vector_load %arg7[%get3A_135, %get3A_136, %get3A_137] {strides = array<i32>} : memref<2x64x256xf32, #tpu.memory_space<vmem>>, vector<1x1x16xf32>,
      %get3A_139 = vector.shape_cast %get3A_138 : vector<1x1x16xf32> to vector<16xf32>
      %min3A_140 = arith.minimumf %max3A_131, %get3A_139 : vector<16xf32>
      %max3A_141 = arith.maximumf %max3A_131, %get3A_139 : vector<16xf32>
      %max3A_142 = arith.maximumf %max3A_132, %min3A_140 : vector<16xf32>
      %get3A_143 = arith.constant 0 : i32
      %get3A_144 = arith.constant 5 : i32
      %get3A_145 = arith.index_cast %get3A_143 : i32 to index
      %get3A_146 = arith.index_cast %get3A_144 : i32 to index
      %get3A_147 = arith.index_cast %mul3A_93 : i32 to index
      %get3A_148 = tpu.vector_load %arg7[%get3A_145, %get3A_146, %get3A_147] {strides = array<i32>} : memref<2x64x256xf32, #tpu.memory_space<vmem>>, vector<1x1x16xf32>,
      %get3A_149 = vector.shape_cast %get3A_148 : vector<1x1x16xf32> to vector<16xf32>
      %min3A_150 = arith.minimumf %max3A_141, %get3A_149 : vector<16xf32>
      %max3A_151 = arith.maximumf %max3A_141, %get3A_149 : vector<16xf32>
      %max3A_152 = arith.maximumf %max3A_142, %min3A_150 : vector<16xf32>
      %get3A_153 = arith.constant 0 : i32
      %get3A_154 = arith.constant 6 : i32
      %get3A_155 = arith.index_cast %get3A_153 : i32 to index
      %get3A_156 = arith.index_cast %get3A_154 : i32 to index
      %get3A_157 = arith.index_cast %mul3A_93 : i32 to index
      %get3A_158 = tpu.vector_load %arg7[%get3A_155, %get3A_156, %get3A_157] {strides = array<i32>} : memref<2x64x256xf32, #tpu.memory_space<vmem>>, vector<1x1x16xf32>,
      %get3A_159 = vector.shape_cast %get3A_158 : vector<1x1x16xf32> to vector<16xf32>
      %min3A_160 = arith.minimumf %max3A_151, %get3A_159 : vector<16xf32>
      %max3A_161 = arith.maximumf %max3A_151, %get3A_159 : vector<16xf32>
      %max3A_162 = arith.maximumf %max3A_152, %min3A_160 : vector<16xf32>
      %get3A_163 = arith.constant 0 : i32
      %get3A_164 = arith.constant 7 : i32
      %get3A_165 = arith.index_cast %get3A_163 : i32 to index
      %get3A_166 = arith.index_cast %get3A_164 : i32 to index
      %get3A_167 = arith.index_cast %mul3A_93 : i32 to index
      %get3A_168 = tpu.vector_load %arg7[%get3A_165, %get3A_166, %get3A_167] {strides = array<i32>} : memref<2x64x256xf32, #tpu.memory_space<vmem>>, vector<1x1x16xf32>,
      %get3A_169 = vector.shape_cast %get3A_168 : vector<1x1x16xf32> to vector<16xf32>
      %min3A_170 = arith.minimumf %max3A_161, %get3A_169 : vector<16xf32>
      %max3A_171 = arith.maximumf %max3A_161, %get3A_169 : vector<16xf32>
      %max3A_172 = arith.maximumf %max3A_162, %min3A_170 : vector<16xf32>
      %get3A_173 = arith.constant 0 : i32
      %get3A_174 = arith.constant 8 : i32
      %get3A_175 = arith.index_cast %get3A_173 : i32 to index
      %get3A_176 = arith.index_cast %get3A_174 : i32 to index
      %get3A_177 = arith.index_cast %mul3A_93 : i32 to index
      %get3A_178 = tpu.vector_load %arg7[%get3A_175, %get3A_176, %get3A_177] {strides = array<i32>} : memref<2x64x256xf32, #tpu.memory_space<vmem>>, vector<1x1x16xf32>,
      %get3A_179 = vector.shape_cast %get3A_178 : vector<1x1x16xf32> to vector<16xf32>
      %min3A_180 = arith.minimumf %max3A_171, %get3A_179 : vector<16xf32>
      %max3A_181 = arith.maximumf %max3A_171, %get3A_179 : vector<16xf32>
      %max3A_182 = arith.maximumf %max3A_172, %min3A_180 : vector<16xf32>
      %get3A_183 = arith.constant 0 : i32
      %get3A_184 = arith.constant 9 : i32
      %get3A_185 = arith.index_cast %get3A_183 : i32 to index
      %get3A_186 = arith.index_cast %get3A_184 : i32 to index
      %get3A_187 = arith.index_cast %mul3A_93 : i32 to index
      %get3A_188 = tpu.vector_load %arg7[%get3A_185, %get3A_186, %get3A_187] {strides = array<i32>} : memref<2x64x256xf32, #tpu.memory_space<vmem>>, vector<1x1x16xf32>,
      %get3A_189 = vector.shape_cast %get3A_188 : vector<1x1x16xf32> to vector<16xf32>
      %min3A_190 = arith.minimumf %max3A_181, %get3A_189 : vector<16xf32>
      %max3A_191 = arith.maximumf %max3A_181, %get3A_189 : vector<16xf32>
      %max3A_192 = arith.maximumf %max3A_182, %min3A_190 : vector<16xf32>
      %get3A_193 = arith.constant 0 : i32
      %get3A_194 = arith.constant 10 : i32
      %get3A_195 = arith.index_cast %get3A_193 : i32 to index
      %get3A_196 = arith.index_cast %get3A_194 : i32 to index
      %get3A_197 = arith.index_cast %mul3A_93 : i32 to index
      %get3A_198 = tpu.vector_load %arg7[%get3A_195, %get3A_196, %get3A_197] {strides = array<i32>} : memref<2x64x256xf32, #tpu.memory_space<vmem>>, vector<1x1x16xf32>,
      %get3A_199 = vector.shape_cast %get3A_198 : vector<1x1x16xf32> to vector<16xf32>
      %min3A_200 = arith.minimumf %max3A_191, %get3A_199 : vector<16xf32>
      %max3A_201 = arith.maximumf %max3A_191, %get3A_199 : vector<16xf32>
      %max3A_202 = arith.maximumf %max3A_192, %min3A_200 : vector<16xf32>
      %get3A_203 = arith.constant 0 : i32
      %get3A_204 = arith.constant 11 : i32
      %get3A_205 = arith.index_cast %get3A_203 : i32 to index
      %get3A_206 = arith.index_cast %get3A_204 : i32 to index
      %get3A_207 = arith.index_cast %mul3A_93 : i32 to index
      %get3A_208 = tpu.vector_load %arg7[%get3A_205, %get3A_206, %get3A_207] {strides = array<i32>} : memref<2x64x256xf32, #tpu.memory_space<vmem>>, vector<1x1x16xf32>,
      %get3A_209 = vector.shape_cast %get3A_208 : vector<1x1x16xf32> to vector<16xf32>
      %min3A_210 = arith.minimumf %max3A_201, %get3A_209 : vector<16xf32>
      %max3A_211 = arith.maximumf %max3A_201, %get3A_209 : vector<16xf32>
      %max3A_212 = arith.maximumf %max3A_202, %min3A_210 : vector<16xf32>
      %get3A_213 = arith.constant 0 : i32
      %get3A_214 = arith.constant 12 : i32
      %get3A_215 = arith.index_cast %get3A_213 : i32 to index
      %get3A_216 = arith.index_cast %get3A_214 : i32 to index
      %get3A_217 = arith.index_cast %mul3A_93 : i32 to index
      %get3A_218 = tpu.vector_load %arg7[%get3A_215, %get3A_216, %get3A_217] {strides = array<i32>} : memref<2x64x256xf32, #tpu.memory_space<vmem>>, vector<1x1x16xf32>,
      %get3A_219 = vector.shape_cast %get3A_218 : vector<1x1x16xf32> to vector<16xf32>
      %min3A_220 = arith.minimumf %max3A_211, %get3A_219 : vector<16xf32>
      %max3A_221 = arith.maximumf %max3A_211, %get3A_219 : vector<16xf32>
      %max3A_222 = arith.maximumf %max3A_212, %min3A_220 : vector<16xf32>
      %get3A_223 = arith.constant 0 : i32
      %get3A_224 = arith.constant 13 : i32
      %get3A_225 = arith.index_cast %get3A_223 : i32 to index
      %get3A_226 = arith.index_cast %get3A_224 : i32 to index
      %get3A_227 = arith.index_cast %mul3A_93 : i32 to index
      %get3A_228 = tpu.vector_load %arg7[%get3A_225, %get3A_226, %get3A_227] {strides = array<i32>} : memref<2x64x256xf32, #tpu.memory_space<vmem>>, vector<1x1x16xf32>,
      %get3A_229 = vector.shape_cast %get3A_228 : vector<1x1x16xf32> to vector<16xf32>
      %min3A_230 = arith.minimumf %max3A_221, %get3A_229 : vector<16xf32>
      %max3A_231 = arith.maximumf %max3A_221, %get3A_229 : vector<16xf32>
      %max3A_232 = arith.maximumf %max3A_222, %min3A_230 : vector<16xf32>
      %get3A_233 = arith.constant 0 : i32
      %get3A_234 = arith.constant 14 : i32
      %get3A_235 = arith.index_cast %get3A_233 : i32 to index
      %get3A_236 = arith.index_cast %get3A_234 : i32 to index
      %get3A_237 = arith.index_cast %mul3A_93 : i32 to index
      %get3A_238 = tpu.vector_load %arg7[%get3A_235, %get3A_236, %get3A_237] {strides = array<i32>} : memref<2x64x256xf32, #tpu.memory_space<vmem>>, vector<1x1x16xf32>,
      %get3A_239 = vector.shape_cast %get3A_238 : vector<1x1x16xf32> to vector<16xf32>
      %min3A_240 = arith.minimumf %max3A_231, %get3A_239 : vector<16xf32>
      %max3A_241 = arith.maximumf %max3A_231, %get3A_239 : vector<16xf32>
      %max3A_242 = arith.maximumf %max3A_232, %min3A_240 : vector<16xf32>
      %get3A_243 = arith.constant 0 : i32
      %get3A_244 = arith.constant 15 : i32
      %get3A_245 = arith.index_cast %get3A_243 : i32 to index
      %get3A_246 = arith.index_cast %get3A_244 : i32 to index
      %get3A_247 = arith.index_cast %mul3A_93 : i32 to index
      %get3A_248 = tpu.vector_load %arg7[%get3A_245, %get3A_246, %get3A_247] {strides = array<i32>} : memref<2x64x256xf32, #tpu.memory_space<vmem>>, vector<1x1x16xf32>,
      %get3A_249 = vector.shape_cast %get3A_248 : vector<1x1x16xf32> to vector<16xf32>
      %min3A_250 = arith.minimumf %max3A_241, %get3A_249 : vector<16xf32>
      %max3A_251 = arith.maximumf %max3A_241, %get3A_249 : vector<16xf32>
      %max3A_252 = arith.maximumf %max3A_242, %min3A_250 : vector<16xf32>
      %get3A_253 = arith.constant 0 : i32
      %get3A_254 = arith.constant 16 : i32
      %get3A_255 = arith.index_cast %get3A_253 : i32 to index
      %get3A_256 = arith.index_cast %get3A_254 : i32 to index
      %get3A_257 = arith.index_cast %mul3A_93 : i32 to index
      %get3A_258 = tpu.vector_load %arg7[%get3A_255, %get3A_256, %get3A_257] {strides = array<i32>} : memref<2x64x256xf32, #tpu.memory_space<vmem>>, vector<1x1x16xf32>,
      %get3A_259 = vector.shape_cast %get3A_258 : vector<1x1x16xf32> to vector<16xf32>
      %min3A_260 = arith.minimumf %max3A_251, %get3A_259 : vector<16xf32>
      %max3A_261 = arith.maximumf %max3A_251, %get3A_259 : vector<16xf32>
      %max3A_262 = arith.maximumf %max3A_252, %min3A_260 : vector<16xf32>
      %get3A_263 = arith.constant 0 : i32
      %get3A_264 = arith.constant 17 : i32
      %get3A_265 = arith.index_cast %get3A_263 : i32 to index
      %get3A_266 = arith.index_cast %get3A_264 : i32 to index
      %get3A_267 = arith.index_cast %mul3A_93 : i32 to index
      %get3A_268 = tpu.vector_load %arg7[%get3A_265, %get3A_266, %get3A_267] {strides = array<i32>} : memref<2x64x256xf32, #tpu.memory_space<vmem>>, vector<1x1x16xf32>,
      %get3A_269 = vector.shape_cast %get3A_268 : vector<1x1x16xf32> to vector<16xf32>
      %min3A_270 = arith.minimumf %max3A_261, %get3A_269 : vector<16xf32>
      %max3A_271 = arith.maximumf %max3A_261, %get3A_269 : vector<16xf32>
      %max3A_272 = arith.maximumf %max3A_262, %min3A_270 : vector<16xf32>
      %get3A_273 = arith.constant 0 : i32
      %get3A_274 = arith.constant 18 : i32
      %get3A_275 = arith.index_cast %get3A_273 : i32 to index
      %get3A_276 = arith.index_cast %get3A_274 : i32 to index
      %get3A_277 = arith.index_cast %mul3A_93 : i32 to index
      %get3A_278 = tpu.vector_load %arg7[%get3A_275, %get3A_276, %get3A_277] {strides = array<i32>} : memref<2x64x256xf32, #tpu.memory_space<vmem>>, vector<1x1x16xf32>,
      %get3A_279 = vector.shape_cast %get3A_278 : vector<1x1x16xf32> to vector<16xf32>
      %min3A_280 = arith.minimumf %max3A_271, %get3A_279 : vector<16xf32>
      %max3A_281 = arith.maximumf %max3A_271, %get3A_279 : vector<16xf32>
      %max3A_282 = arith.maximumf %max3A_272, %min3A_280 : vector<16xf32>
      %get3A_283 = arith.constant 0 : i32
      %get3A_284 = arith.constant 19 : i32
      %get3A_285 = arith.index_cast %get3A_283 : i32 to index
      %get3A_286 = arith.index_cast %get3A_284 : i32 to index
      %get3A_287 = arith.index_cast %mul3A_93 : i32 to index
      %get3A_288 = tpu.vector_load %arg7[%get3A_285, %get3A_286, %get3A_287] {strides = array<i32>} : memref<2x64x256xf32, #tpu.memory_space<vmem>>, vector<1x1x16xf32>,
      %get3A_289 = vector.shape_cast %get3A_288 : vector<1x1x16xf32> to vector<16xf32>
      %min3A_290 = arith.minimumf %max3A_281, %get3A_289 : vector<16xf32>
      %max3A_291 = arith.maximumf %max3A_281, %get3A_289 : vector<16xf32>
      %max3A_292 = arith.maximumf %max3A_282, %min3A_290 : vector<16xf32>
      %get3A_293 = arith.constant 0 : i32
      %get3A_294 = arith.constant 20 : i32
      %get3A_295 = arith.index_cast %get3A_293 : i32 to index
      %get3A_296 = arith.index_cast %get3A_294 : i32 to index
      %get3A_297 = arith.index_cast %mul3A_93 : i32 to index
      %get3A_298 = tpu.vector_load %arg7[%get3A_295, %get3A_296, %get3A_297] {strides = array<i32>} : memref<2x64x256xf32, #tpu.memory_space<vmem>>, vector<1x1x16xf32>,
      %get3A_299 = vector.shape_cast %get3A_298 : vector<1x1x16xf32> to vector<16xf32>
      %min3A_300 = arith.minimumf %max3A_291, %get3A_299 : vector<16xf32>
      %max3A_301 = arith.maximumf %max3A_291, %get3A_299 : vector<16xf32>
      %max3A_302 = arith.maximumf %max3A_292, %min3A_300 : vector<16xf32>
      %get3A_303 = arith.constant 0 : i32
      %get3A_304 = arith.constant 21 : i32
      %get3A_305 = arith.index_cast %get3A_303 : i32 to index
      %get3A_306 = arith.index_cast %get3A_304 : i32 to index
      %get3A_307 = arith.index_cast %mul3A_93 : i32 to index
      %get3A_308 = tpu.vector_load %arg7[%get3A_305, %get3A_306, %get3A_307] {strides = array<i32>} : memref<2x64x256xf32, #tpu.memory_space<vmem>>, vector<1x1x16xf32>,
      %get3A_309 = vector.shape_cast %get3A_308 : vector<1x1x16xf32> to vector<16xf32>
      %min3A_310 = arith.minimumf %max3A_301, %get3A_309 : vector<16xf32>
      %max3A_311 = arith.maximumf %max3A_301, %get3A_309 : vector<16xf32>
      %max3A_312 = arith.maximumf %max3A_302, %min3A_310 : vector<16xf32>
      %get3A_313 = arith.constant 0 : i32
      %get3A_314 = arith.constant 22 : i32
      %get3A_315 = arith.index_cast %get3A_313 : i32 to index
      %get3A_316 = arith.index_cast %get3A_314 : i32 to index
      %get3A_317 = arith.index_cast %mul3A_93 : i32 to index
      %get3A_318 = tpu.vector_load %arg7[%get3A_315, %get3A_316, %get3A_317] {strides = array<i32>} : memref<2x64x256xf32, #tpu.memory_space<vmem>>, vector<1x1x16xf32>,
      %get3A_319 = vector.shape_cast %get3A_318 : vector<1x1x16xf32> to vector<16xf32>
      %min3A_320 = arith.minimumf %max3A_311, %get3A_319 : vector<16xf32>
      %max3A_321 = arith.maximumf %max3A_311, %get3A_319 : vector<16xf32>
      %max3A_322 = arith.maximumf %max3A_312, %min3A_320 : vector<16xf32>
      %get3A_323 = arith.constant 0 : i32
      %get3A_324 = arith.constant 23 : i32
      %get3A_325 = arith.index_cast %get3A_323 : i32 to index
      %get3A_326 = arith.index_cast %get3A_324 : i32 to index
      %get3A_327 = arith.index_cast %mul3A_93 : i32 to index
      %get3A_328 = tpu.vector_load %arg7[%get3A_325, %get3A_326, %get3A_327] {strides = array<i32>} : memref<2x64x256xf32, #tpu.memory_space<vmem>>, vector<1x1x16xf32>,
      %get3A_329 = vector.shape_cast %get3A_328 : vector<1x1x16xf32> to vector<16xf32>
      %min3A_330 = arith.minimumf %max3A_321, %get3A_329 : vector<16xf32>
      %max3A_331 = arith.maximumf %max3A_321, %get3A_329 : vector<16xf32>
      %max3A_332 = arith.maximumf %max3A_322, %min3A_330 : vector<16xf32>
      %get3A_333 = arith.constant 0 : i32
      %get3A_334 = arith.constant 24 : i32
      %get3A_335 = arith.index_cast %get3A_333 : i32 to index
      %get3A_336 = arith.index_cast %get3A_334 : i32 to index
      %get3A_337 = arith.index_cast %mul3A_93 : i32 to index
      %get3A_338 = tpu.vector_load %arg7[%get3A_335, %get3A_336, %get3A_337] {strides = array<i32>} : memref<2x64x256xf32, #tpu.memory_space<vmem>>, vector<1x1x16xf32>,
      %get3A_339 = vector.shape_cast %get3A_338 : vector<1x1x16xf32> to vector<16xf32>
      %min3A_340 = arith.minimumf %max3A_331, %get3A_339 : vector<16xf32>
      %max3A_341 = arith.maximumf %max3A_331, %get3A_339 : vector<16xf32>
      %max3A_342 = arith.maximumf %max3A_332, %min3A_340 : vector<16xf32>
      %get3A_343 = arith.constant 0 : i32
      %get3A_344 = arith.constant 25 : i32
      %get3A_345 = arith.index_cast %get3A_343 : i32 to index
      %get3A_346 = arith.index_cast %get3A_344 : i32 to index
      %get3A_347 = arith.index_cast %mul3A_93 : i32 to index
      %get3A_348 = tpu.vector_load %arg7[%get3A_345, %get3A_346, %get3A_347] {strides = array<i32>} : memref<2x64x256xf32, #tpu.memory_space<vmem>>, vector<1x1x16xf32>,
      %get3A_349 = vector.shape_cast %get3A_348 : vector<1x1x16xf32> to vector<16xf32>
      %min3A_350 = arith.minimumf %max3A_341, %get3A_349 : vector<16xf32>
      %max3A_351 = arith.maximumf %max3A_341, %get3A_349 : vector<16xf32>
      %max3A_352 = arith.maximumf %max3A_342, %min3A_350 : vector<16xf32>
      %get3A_353 = arith.constant 0 : i32
      %get3A_354 = arith.constant 26 : i32
      %get3A_355 = arith.index_cast %get3A_353 : i32 to index
      %get3A_356 = arith.index_cast %get3A_354 : i32 to index
      %get3A_357 = arith.index_cast %mul3A_93 : i32 to index
      %get3A_358 = tpu.vector_load %arg7[%get3A_355, %get3A_356, %get3A_357] {strides = array<i32>} : memref<2x64x256xf32, #tpu.memory_space<vmem>>, vector<1x1x16xf32>,
      %get3A_359 = vector.shape_cast %get3A_358 : vector<1x1x16xf32> to vector<16xf32>
      %min3A_360 = arith.minimumf %max3A_351, %get3A_359 : vector<16xf32>
      %max3A_361 = arith.maximumf %max3A_351, %get3A_359 : vector<16xf32>
      %max3A_362 = arith.maximumf %max3A_352, %min3A_360 : vector<16xf32>
      %get3A_363 = arith.constant 0 : i32
      %get3A_364 = arith.constant 27 : i32
      %get3A_365 = arith.index_cast %get3A_363 : i32 to index
      %get3A_366 = arith.index_cast %get3A_364 : i32 to index
      %get3A_367 = arith.index_cast %mul3A_93 : i32 to index
      %get3A_368 = tpu.vector_load %arg7[%get3A_365, %get3A_366, %get3A_367] {strides = array<i32>} : memref<2x64x256xf32, #tpu.memory_space<vmem>>, vector<1x1x16xf32>,
      %get3A_369 = vector.shape_cast %get3A_368 : vector<1x1x16xf32> to vector<16xf32>
      %min3A_370 = arith.minimumf %max3A_361, %get3A_369 : vector<16xf32>
      %max3A_371 = arith.maximumf %max3A_361, %get3A_369 : vector<16xf32>
      %max3A_372 = arith.maximumf %max3A_362, %min3A_370 : vector<16xf32>
      %get3A_373 = arith.constant 0 : i32
      %get3A_374 = arith.constant 28 : i32
      %get3A_375 = arith.index_cast %get3A_373 : i32 to index
      %get3A_376 = arith.index_cast %get3A_374 : i32 to index
      %get3A_377 = arith.index_cast %mul3A_93 : i32 to index
      %get3A_378 = tpu.vector_load %arg7[%get3A_375, %get3A_376, %get3A_377] {strides = array<i32>} : memref<2x64x256xf32, #tpu.memory_space<vmem>>, vector<1x1x16xf32>,
      %get3A_379 = vector.shape_cast %get3A_378 : vector<1x1x16xf32> to vector<16xf32>
      %min3A_380 = arith.minimumf %max3A_371, %get3A_379 : vector<16xf32>
      %max3A_381 = arith.maximumf %max3A_371, %get3A_379 : vector<16xf32>
      %max3A_382 = arith.maximumf %max3A_372, %min3A_380 : vector<16xf32>
      %get3A_383 = arith.constant 0 : i32
      %get3A_384 = arith.constant 29 : i32
      %get3A_385 = arith.index_cast %get3A_383 : i32 to index
      %get3A_386 = arith.index_cast %get3A_384 : i32 to index
      %get3A_387 = arith.index_cast %mul3A_93 : i32 to index
      %get3A_388 = tpu.vector_load %arg7[%get3A_385, %get3A_386, %get3A_387] {strides = array<i32>} : memref<2x64x256xf32, #tpu.memory_space<vmem>>, vector<1x1x16xf32>,
      %get3A_389 = vector.shape_cast %get3A_388 : vector<1x1x16xf32> to vector<16xf32>
      %min3A_390 = arith.minimumf %max3A_381, %get3A_389 : vector<16xf32>
      %max3A_391 = arith.maximumf %max3A_381, %get3A_389 : vector<16xf32>
      %max3A_392 = arith.maximumf %max3A_382, %min3A_390 : vector<16xf32>
      %get3A_393 = arith.constant 0 : i32
      %get3A_394 = arith.constant 30 : i32
      %get3A_395 = arith.index_cast %get3A_393 : i32 to index
      %get3A_396 = arith.index_cast %get3A_394 : i32 to index
      %get3A_397 = arith.index_cast %mul3A_93 : i32 to index
      %get3A_398 = tpu.vector_load %arg7[%get3A_395, %get3A_396, %get3A_397] {strides = array<i32>} : memref<2x64x256xf32, #tpu.memory_space<vmem>>, vector<1x1x16xf32>,
      %get3A_399 = vector.shape_cast %get3A_398 : vector<1x1x16xf32> to vector<16xf32>
      %min3A_400 = arith.minimumf %max3A_391, %get3A_399 : vector<16xf32>
      %max3A_401 = arith.maximumf %max3A_391, %get3A_399 : vector<16xf32>
      %max3A_402 = arith.maximumf %max3A_392, %min3A_400 : vector<16xf32>
      %get3A_403 = arith.constant 0 : i32
      %get3A_404 = arith.constant 31 : i32
      %get3A_405 = arith.index_cast %get3A_403 : i32 to index
      %get3A_406 = arith.index_cast %get3A_404 : i32 to index
      %get3A_407 = arith.index_cast %mul3A_93 : i32 to index
      %get3A_408 = tpu.vector_load %arg7[%get3A_405, %get3A_406, %get3A_407] {strides = array<i32>} : memref<2x64x256xf32, #tpu.memory_space<vmem>>, vector<1x1x16xf32>,
      %get3A_409 = vector.shape_cast %get3A_408 : vector<1x1x16xf32> to vector<16xf32>
      %min3A_410 = arith.minimumf %max3A_401, %get3A_409 : vector<16xf32>
      %max3A_411 = arith.maximumf %max3A_401, %get3A_409 : vector<16xf32>
      %max3A_412 = arith.maximumf %max3A_402, %min3A_410 : vector<16xf32>
      %get3A_413 = arith.constant 0 : i32
      %get3A_414 = arith.constant 32 : i32
      %get3A_415 = arith.index_cast %get3A_413 : i32 to index
      %get3A_416 = arith.index_cast %get3A_414 : i32 to index
      %get3A_417 = arith.index_cast %mul3A_93 : i32 to index
      %get3A_418 = tpu.vector_load %arg7[%get3A_415, %get3A_416, %get3A_417] {strides = array<i32>} : memref<2x64x256xf32, #tpu.memory_space<vmem>>, vector<1x1x16xf32>,
      %get3A_419 = vector.shape_cast %get3A_418 : vector<1x1x16xf32> to vector<16xf32>
      %min3A_420 = arith.minimumf %broadcast_in_dim3A_34, %get3A_419 : vector<16xf32>
      %max3A_421 = arith.maximumf %broadcast_in_dim3A_34, %get3A_419 : vector<16xf32>
      %max3A_422 = arith.maximumf %broadcast_in_dim3A_34, %min3A_420 : vector<16xf32>
      %get3A_423 = arith.constant 0 : i32
      %get3A_424 = arith.constant 33 : i32
      %get3A_425 = arith.index_cast %get3A_423 : i32 to index
      %get3A_426 = arith.index_cast %get3A_424 : i32 to index
      %get3A_427 = arith.index_cast %mul3A_93 : i32 to index
      %get3A_428 = tpu.vector_load %arg7[%get3A_425, %get3A_426, %get3A_427] {strides = array<i32>} : memref<2x64x256xf32, #tpu.memory_space<vmem>>, vector<1x1x16xf32>,
      %get3A_429 = vector.shape_cast %get3A_428 : vector<1x1x16xf32> to vector<16xf32>
      %min3A_430 = arith.minimumf %max3A_421, %get3A_429 : vector<16xf32>
      %max3A_431 = arith.maximumf %max3A_421, %get3A_429 : vector<16xf32>
      %max3A_432 = arith.maximumf %max3A_422, %min3A_430 : vector<16xf32>
      %get3A_433 = arith.constant 0 : i32
      %get3A_434 = arith.constant 34 : i32
      %get3A_435 = arith.index_cast %get3A_433 : i32 to index
      %get3A_436 = arith.index_cast %get3A_434 : i32 to index
      %get3A_437 = arith.index_cast %mul3A_93 : i32 to index
      %get3A_438 = tpu.vector_load %arg7[%get3A_435, %get3A_436, %get3A_437] {strides = array<i32>} : memref<2x64x256xf32, #tpu.memory_space<vmem>>, vector<1x1x16xf32>,
      %get3A_439 = vector.shape_cast %get3A_438 : vector<1x1x16xf32> to vector<16xf32>
      %min3A_440 = arith.minimumf %max3A_431, %get3A_439 : vector<16xf32>
      %max3A_441 = arith.maximumf %max3A_431, %get3A_439 : vector<16xf32>
      %max3A_442 = arith.maximumf %max3A_432, %min3A_440 : vector<16xf32>
      %get3A_443 = arith.constant 0 : i32
      %get3A_444 = arith.constant 35 : i32
      %get3A_445 = arith.index_cast %get3A_443 : i32 to index
      %get3A_446 = arith.index_cast %get3A_444 : i32 to index
      %get3A_447 = arith.index_cast %mul3A_93 : i32 to index
      %get3A_448 = tpu.vector_load %arg7[%get3A_445, %get3A_446, %get3A_447] {strides = array<i32>} : memref<2x64x256xf32, #tpu.memory_space<vmem>>, vector<1x1x16xf32>,
      %get3A_449 = vector.shape_cast %get3A_448 : vector<1x1x16xf32> to vector<16xf32>
      %min3A_450 = arith.minimumf %max3A_441, %get3A_449 : vector<16xf32>
      %max3A_451 = arith.maximumf %max3A_441, %get3A_449 : vector<16xf32>
      %max3A_452 = arith.maximumf %max3A_442, %min3A_450 : vector<16xf32>
      %get3A_453 = arith.constant 0 : i32
      %get3A_454 = arith.constant 36 : i32
      %get3A_455 = arith.index_cast %get3A_453 : i32 to index
      %get3A_456 = arith.index_cast %get3A_454 : i32 to index
      %get3A_457 = arith.index_cast %mul3A_93 : i32 to index
      %get3A_458 = tpu.vector_load %arg7[%get3A_455, %get3A_456, %get3A_457] {strides = array<i32>} : memref<2x64x256xf32, #tpu.memory_space<vmem>>, vector<1x1x16xf32>,
      %get3A_459 = vector.shape_cast %get3A_458 : vector<1x1x16xf32> to vector<16xf32>
      %min3A_460 = arith.minimumf %max3A_451, %get3A_459 : vector<16xf32>
      %max3A_461 = arith.maximumf %max3A_451, %get3A_459 : vector<16xf32>
      %max3A_462 = arith.maximumf %max3A_452, %min3A_460 : vector<16xf32>
      %get3A_463 = arith.constant 0 : i32
      %get3A_464 = arith.constant 37 : i32
      %get3A_465 = arith.index_cast %get3A_463 : i32 to index
      %get3A_466 = arith.index_cast %get3A_464 : i32 to index
      %get3A_467 = arith.index_cast %mul3A_93 : i32 to index
      %get3A_468 = tpu.vector_load %arg7[%get3A_465, %get3A_466, %get3A_467] {strides = array<i32>} : memref<2x64x256xf32, #tpu.memory_space<vmem>>, vector<1x1x16xf32>,
      %get3A_469 = vector.shape_cast %get3A_468 : vector<1x1x16xf32> to vector<16xf32>
      %min3A_470 = arith.minimumf %max3A_461, %get3A_469 : vector<16xf32>
      %max3A_471 = arith.maximumf %max3A_461, %get3A_469 : vector<16xf32>
      %max3A_472 = arith.maximumf %max3A_462, %min3A_470 : vector<16xf32>
      %get3A_473 = arith.constant 0 : i32
      %get3A_474 = arith.constant 38 : i32
      %get3A_475 = arith.index_cast %get3A_473 : i32 to index
      %get3A_476 = arith.index_cast %get3A_474 : i32 to index
      %get3A_477 = arith.index_cast %mul3A_93 : i32 to index
      %get3A_478 = tpu.vector_load %arg7[%get3A_475, %get3A_476, %get3A_477] {strides = array<i32>} : memref<2x64x256xf32, #tpu.memory_space<vmem>>, vector<1x1x16xf32>,
      %get3A_479 = vector.shape_cast %get3A_478 : vector<1x1x16xf32> to vector<16xf32>
      %min3A_480 = arith.minimumf %max3A_471, %get3A_479 : vector<16xf32>
      %max3A_481 = arith.maximumf %max3A_471, %get3A_479 : vector<16xf32>
      %max3A_482 = arith.maximumf %max3A_472, %min3A_480 : vector<16xf32>
      %get3A_483 = arith.constant 0 : i32
      %get3A_484 = arith.constant 39 : i32
      %get3A_485 = arith.index_cast %get3A_483 : i32 to index
      %get3A_486 = arith.index_cast %get3A_484 : i32 to index
      %get3A_487 = arith.index_cast %mul3A_93 : i32 to index
      %get3A_488 = tpu.vector_load %arg7[%get3A_485, %get3A_486, %get3A_487] {strides = array<i32>} : memref<2x64x256xf32, #tpu.memory_space<vmem>>, vector<1x1x16xf32>,
      %get3A_489 = vector.shape_cast %get3A_488 : vector<1x1x16xf32> to vector<16xf32>
      %min3A_490 = arith.minimumf %max3A_481, %get3A_489 : vector<16xf32>
      %max3A_491 = arith.maximumf %max3A_481, %get3A_489 : vector<16xf32>
      %max3A_492 = arith.maximumf %max3A_482, %min3A_490 : vector<16xf32>
      %get3A_493 = arith.constant 0 : i32
      %get3A_494 = arith.constant 40 : i32
      %get3A_495 = arith.index_cast %get3A_493 : i32 to index
      %get3A_496 = arith.index_cast %get3A_494 : i32 to index
      %get3A_497 = arith.index_cast %mul3A_93 : i32 to index
      %get3A_498 = tpu.vector_load %arg7[%get3A_495, %get3A_496, %get3A_497] {strides = array<i32>} : memref<2x64x256xf32, #tpu.memory_space<vmem>>, vector<1x1x16xf32>,
      %get3A_499 = vector.shape_cast %get3A_498 : vector<1x1x16xf32> to vector<16xf32>
      %min3A_500 = arith.minimumf %max3A_491, %get3A_499 : vector<16xf32>
      %max3A_501 = arith.maximumf %max3A_491, %get3A_499 : vector<16xf32>
      %max3A_502 = arith.maximumf %max3A_492, %min3A_500 : vector<16xf32>
      %get3A_503 = arith.constant 0 : i32
      %get3A_504 = arith.constant 41 : i32
      %get3A_505 = arith.index_cast %get3A_503 : i32 to index
      %get3A_506 = arith.index_cast %get3A_504 : i32 to index
      %get3A_507 = arith.index_cast %mul3A_93 : i32 to index
      %get3A_508 = tpu.vector_load %arg7[%get3A_505, %get3A_506, %get3A_507] {strides = array<i32>} : memref<2x64x256xf32, #tpu.memory_space<vmem>>, vector<1x1x16xf32>,
      %get3A_509 = vector.shape_cast %get3A_508 : vector<1x1x16xf32> to vector<16xf32>
      %min3A_510 = arith.minimumf %max3A_501, %get3A_509 : vector<16xf32>
      %max3A_511 = arith.maximumf %max3A_501, %get3A_509 : vector<16xf32>
      %max3A_512 = arith.maximumf %max3A_502, %min3A_510 : vector<16xf32>
      %get3A_513 = arith.constant 0 : i32
      %get3A_514 = arith.constant 42 : i32
      %get3A_515 = arith.index_cast %get3A_513 : i32 to index
      %get3A_516 = arith.index_cast %get3A_514 : i32 to index
      %get3A_517 = arith.index_cast %mul3A_93 : i32 to index
      %get3A_518 = tpu.vector_load %arg7[%get3A_515, %get3A_516, %get3A_517] {strides = array<i32>} : memref<2x64x256xf32, #tpu.memory_space<vmem>>, vector<1x1x16xf32>,
      %get3A_519 = vector.shape_cast %get3A_518 : vector<1x1x16xf32> to vector<16xf32>
      %min3A_520 = arith.minimumf %max3A_511, %get3A_519 : vector<16xf32>
      %max3A_521 = arith.maximumf %max3A_511, %get3A_519 : vector<16xf32>
      %max3A_522 = arith.maximumf %max3A_512, %min3A_520 : vector<16xf32>
      %get3A_523 = arith.constant 0 : i32
      %get3A_524 = arith.constant 43 : i32
      %get3A_525 = arith.index_cast %get3A_523 : i32 to index
      %get3A_526 = arith.index_cast %get3A_524 : i32 to index
      %get3A_527 = arith.index_cast %mul3A_93 : i32 to index
      %get3A_528 = tpu.vector_load %arg7[%get3A_525, %get3A_526, %get3A_527] {strides = array<i32>} : memref<2x64x256xf32, #tpu.memory_space<vmem>>, vector<1x1x16xf32>,
      %get3A_529 = vector.shape_cast %get3A_528 : vector<1x1x16xf32> to vector<16xf32>
      %min3A_530 = arith.minimumf %max3A_521, %get3A_529 : vector<16xf32>
      %max3A_531 = arith.maximumf %max3A_521, %get3A_529 : vector<16xf32>
      %max3A_532 = arith.maximumf %max3A_522, %min3A_530 : vector<16xf32>
      %get3A_533 = arith.constant 0 : i32
      %get3A_534 = arith.constant 44 : i32
      %get3A_535 = arith.index_cast %get3A_533 : i32 to index
      %get3A_536 = arith.index_cast %get3A_534 : i32 to index
      %get3A_537 = arith.index_cast %mul3A_93 : i32 to index
      %get3A_538 = tpu.vector_load %arg7[%get3A_535, %get3A_536, %get3A_537] {strides = array<i32>} : memref<2x64x256xf32, #tpu.memory_space<vmem>>, vector<1x1x16xf32>,
      %get3A_539 = vector.shape_cast %get3A_538 : vector<1x1x16xf32> to vector<16xf32>
      %min3A_540 = arith.minimumf %max3A_531, %get3A_539 : vector<16xf32>
      %max3A_541 = arith.maximumf %max3A_531, %get3A_539 : vector<16xf32>
      %max3A_542 = arith.maximumf %max3A_532, %min3A_540 : vector<16xf32>
      %get3A_543 = arith.constant 0 : i32
      %get3A_544 = arith.constant 45 : i32
      %get3A_545 = arith.index_cast %get3A_543 : i32 to index
      %get3A_546 = arith.index_cast %get3A_544 : i32 to index
      %get3A_547 = arith.index_cast %mul3A_93 : i32 to index
      %get3A_548 = tpu.vector_load %arg7[%get3A_545, %get3A_546, %get3A_547] {strides = array<i32>} : memref<2x64x256xf32, #tpu.memory_space<vmem>>, vector<1x1x16xf32>,
      %get3A_549 = vector.shape_cast %get3A_548 : vector<1x1x16xf32> to vector<16xf32>
      %min3A_550 = arith.minimumf %max3A_541, %get3A_549 : vector<16xf32>
      %max3A_551 = arith.maximumf %max3A_541, %get3A_549 : vector<16xf32>
      %max3A_552 = arith.maximumf %max3A_542, %min3A_550 : vector<16xf32>
      %get3A_553 = arith.constant 0 : i32
      %get3A_554 = arith.constant 46 : i32
      %get3A_555 = arith.index_cast %get3A_553 : i32 to index
      %get3A_556 = arith.index_cast %get3A_554 : i32 to index
      %get3A_557 = arith.index_cast %mul3A_93 : i32 to index
      %get3A_558 = tpu.vector_load %arg7[%get3A_555, %get3A_556, %get3A_557] {strides = array<i32>} : memref<2x64x256xf32, #tpu.memory_space<vmem>>, vector<1x1x16xf32>,
      %get3A_559 = vector.shape_cast %get3A_558 : vector<1x1x16xf32> to vector<16xf32>
      %min3A_560 = arith.minimumf %max3A_551, %get3A_559 : vector<16xf32>
      %max3A_561 = arith.maximumf %max3A_551, %get3A_559 : vector<16xf32>
      %max3A_562 = arith.maximumf %max3A_552, %min3A_560 : vector<16xf32>
      %get3A_563 = arith.constant 0 : i32
      %get3A_564 = arith.constant 47 : i32
      %get3A_565 = arith.index_cast %get3A_563 : i32 to index
      %get3A_566 = arith.index_cast %get3A_564 : i32 to index
      %get3A_567 = arith.index_cast %mul3A_93 : i32 to index
      %get3A_568 = tpu.vector_load %arg7[%get3A_565, %get3A_566, %get3A_567] {strides = array<i32>} : memref<2x64x256xf32, #tpu.memory_space<vmem>>, vector<1x1x16xf32>,
      %get3A_569 = vector.shape_cast %get3A_568 : vector<1x1x16xf32> to vector<16xf32>
      %min3A_570 = arith.minimumf %max3A_561, %get3A_569 : vector<16xf32>
      %max3A_571 = arith.maximumf %max3A_561, %get3A_569 : vector<16xf32>
      %max3A_572 = arith.maximumf %max3A_562, %min3A_570 : vector<16xf32>
      %get3A_573 = arith.constant 0 : i32
      %get3A_574 = arith.constant 48 : i32
      %get3A_575 = arith.index_cast %get3A_573 : i32 to index
      %get3A_576 = arith.index_cast %get3A_574 : i32 to index
      %get3A_577 = arith.index_cast %mul3A_93 : i32 to index
      %get3A_578 = tpu.vector_load %arg7[%get3A_575, %get3A_576, %get3A_577] {strides = array<i32>} : memref<2x64x256xf32, #tpu.memory_space<vmem>>, vector<1x1x16xf32>,
      %get3A_579 = vector.shape_cast %get3A_578 : vector<1x1x16xf32> to vector<16xf32>
      %min3A_580 = arith.minimumf %max3A_571, %get3A_579 : vector<16xf32>
      %max3A_581 = arith.maximumf %max3A_571, %get3A_579 : vector<16xf32>
      %max3A_582 = arith.maximumf %max3A_572, %min3A_580 : vector<16xf32>
      %get3A_583 = arith.constant 0 : i32
      %get3A_584 = arith.constant 49 : i32
      %get3A_585 = arith.index_cast %get3A_583 : i32 to index
      %get3A_586 = arith.index_cast %get3A_584 : i32 to index
      %get3A_587 = arith.index_cast %mul3A_93 : i32 to index
      %get3A_588 = tpu.vector_load %arg7[%get3A_585, %get3A_586, %get3A_587] {strides = array<i32>} : memref<2x64x256xf32, #tpu.memory_space<vmem>>, vector<1x1x16xf32>,
      %get3A_589 = vector.shape_cast %get3A_588 : vector<1x1x16xf32> to vector<16xf32>
      %min3A_590 = arith.minimumf %max3A_581, %get3A_589 : vector<16xf32>
      %max3A_591 = arith.maximumf %max3A_581, %get3A_589 : vector<16xf32>
      %max3A_592 = arith.maximumf %max3A_582, %min3A_590 : vector<16xf32>
      %get3A_593 = arith.constant 0 : i32
      %get3A_594 = arith.constant 50 : i32
      %get3A_595 = arith.index_cast %get3A_593 : i32 to index
      %get3A_596 = arith.index_cast %get3A_594 : i32 to index
      %get3A_597 = arith.index_cast %mul3A_93 : i32 to index
      %get3A_598 = tpu.vector_load %arg7[%get3A_595, %get3A_596, %get3A_597] {strides = array<i32>} : memref<2x64x256xf32, #tpu.memory_space<vmem>>, vector<1x1x16xf32>,
      %get3A_599 = vector.shape_cast %get3A_598 : vector<1x1x16xf32> to vector<16xf32>
      %min3A_600 = arith.minimumf %max3A_591, %get3A_599 : vector<16xf32>
      %max3A_601 = arith.maximumf %max3A_591, %get3A_599 : vector<16xf32>
      %max3A_602 = arith.maximumf %max3A_592, %min3A_600 : vector<16xf32>
      %get3A_603 = arith.constant 0 : i32
      %get3A_604 = arith.constant 51 : i32
      %get3A_605 = arith.index_cast %get3A_603 : i32 to index
      %get3A_606 = arith.index_cast %get3A_604 : i32 to index
      %get3A_607 = arith.index_cast %mul3A_93 : i32 to index
      %get3A_608 = tpu.vector_load %arg7[%get3A_605, %get3A_606, %get3A_607] {strides = array<i32>} : memref<2x64x256xf32, #tpu.memory_space<vmem>>, vector<1x1x16xf32>,
      %get3A_609 = vector.shape_cast %get3A_608 : vector<1x1x16xf32> to vector<16xf32>
      %min3A_610 = arith.minimumf %max3A_601, %get3A_609 : vector<16xf32>
      %max3A_611 = arith.maximumf %max3A_601, %get3A_609 : vector<16xf32>
      %max3A_612 = arith.maximumf %max3A_602, %min3A_610 : vector<16xf32>
      %get3A_613 = arith.constant 0 : i32
      %get3A_614 = arith.constant 52 : i32
      %get3A_615 = arith.index_cast %get3A_613 : i32 to index
      %get3A_616 = arith.index_cast %get3A_614 : i32 to index
      %get3A_617 = arith.index_cast %mul3A_93 : i32 to index
      %get3A_618 = tpu.vector_load %arg7[%get3A_615, %get3A_616, %get3A_617] {strides = array<i32>} : memref<2x64x256xf32, #tpu.memory_space<vmem>>, vector<1x1x16xf32>,
      %get3A_619 = vector.shape_cast %get3A_618 : vector<1x1x16xf32> to vector<16xf32>
      %min3A_620 = arith.minimumf %max3A_611, %get3A_619 : vector<16xf32>
      %max3A_621 = arith.maximumf %max3A_611, %get3A_619 : vector<16xf32>
      %max3A_622 = arith.maximumf %max3A_612, %min3A_620 : vector<16xf32>
      %get3A_623 = arith.constant 0 : i32
      %get3A_624 = arith.constant 53 : i32
      %get3A_625 = arith.index_cast %get3A_623 : i32 to index
      %get3A_626 = arith.index_cast %get3A_624 : i32 to index
      %get3A_627 = arith.index_cast %mul3A_93 : i32 to index
      %get3A_628 = tpu.vector_load %arg7[%get3A_625, %get3A_626, %get3A_627] {strides = array<i32>} : memref<2x64x256xf32, #tpu.memory_space<vmem>>, vector<1x1x16xf32>,
      %get3A_629 = vector.shape_cast %get3A_628 : vector<1x1x16xf32> to vector<16xf32>
      %min3A_630 = arith.minimumf %max3A_621, %get3A_629 : vector<16xf32>
      %max3A_631 = arith.maximumf %max3A_621, %get3A_629 : vector<16xf32>
      %max3A_632 = arith.maximumf %max3A_622, %min3A_630 : vector<16xf32>
      %get3A_633 = arith.constant 0 : i32
      %get3A_634 = arith.constant 54 : i32
      %get3A_635 = arith.index_cast %get3A_633 : i32 to index
      %get3A_636 = arith.index_cast %get3A_634 : i32 to index
      %get3A_637 = arith.index_cast %mul3A_93 : i32 to index
      %get3A_638 = tpu.vector_load %arg7[%get3A_635, %get3A_636, %get3A_637] {strides = array<i32>} : memref<2x64x256xf32, #tpu.memory_space<vmem>>, vector<1x1x16xf32>,
      %get3A_639 = vector.shape_cast %get3A_638 : vector<1x1x16xf32> to vector<16xf32>
      %min3A_640 = arith.minimumf %max3A_631, %get3A_639 : vector<16xf32>
      %max3A_641 = arith.maximumf %max3A_631, %get3A_639 : vector<16xf32>
      %max3A_642 = arith.maximumf %max3A_632, %min3A_640 : vector<16xf32>
      %get3A_643 = arith.constant 0 : i32
      %get3A_644 = arith.constant 55 : i32
      %get3A_645 = arith.index_cast %get3A_643 : i32 to index
      %get3A_646 = arith.index_cast %get3A_644 : i32 to index
      %get3A_647 = arith.index_cast %mul3A_93 : i32 to index
      %get3A_648 = tpu.vector_load %arg7[%get3A_645, %get3A_646, %get3A_647] {strides = array<i32>} : memref<2x64x256xf32, #tpu.memory_space<vmem>>, vector<1x1x16xf32>,
      %get3A_649 = vector.shape_cast %get3A_648 : vector<1x1x16xf32> to vector<16xf32>
      %min3A_650 = arith.minimumf %max3A_641, %get3A_649 : vector<16xf32>
      %max3A_651 = arith.maximumf %max3A_641, %get3A_649 : vector<16xf32>
      %max3A_652 = arith.maximumf %max3A_642, %min3A_650 : vector<16xf32>
      %get3A_653 = arith.constant 0 : i32
      %get3A_654 = arith.constant 56 : i32
      %get3A_655 = arith.index_cast %get3A_653 : i32 to index
      %get3A_656 = arith.index_cast %get3A_654 : i32 to index
      %get3A_657 = arith.index_cast %mul3A_93 : i32 to index
      %get3A_658 = tpu.vector_load %arg7[%get3A_655, %get3A_656, %get3A_657] {strides = array<i32>} : memref<2x64x256xf32, #tpu.memory_space<vmem>>, vector<1x1x16xf32>,
      %get3A_659 = vector.shape_cast %get3A_658 : vector<1x1x16xf32> to vector<16xf32>
      %min3A_660 = arith.minimumf %max3A_651, %get3A_659 : vector<16xf32>
      %max3A_661 = arith.maximumf %max3A_651, %get3A_659 : vector<16xf32>
      %max3A_662 = arith.maximumf %max3A_652, %min3A_660 : vector<16xf32>
      %get3A_663 = arith.constant 0 : i32
      %get3A_664 = arith.constant 57 : i32
      %get3A_665 = arith.index_cast %get3A_663 : i32 to index
      %get3A_666 = arith.index_cast %get3A_664 : i32 to index
      %get3A_667 = arith.index_cast %mul3A_93 : i32 to index
      %get3A_668 = tpu.vector_load %arg7[%get3A_665, %get3A_666, %get3A_667] {strides = array<i32>} : memref<2x64x256xf32, #tpu.memory_space<vmem>>, vector<1x1x16xf32>,
      %get3A_669 = vector.shape_cast %get3A_668 : vector<1x1x16xf32> to vector<16xf32>
      %min3A_670 = arith.minimumf %max3A_661, %get3A_669 : vector<16xf32>
      %max3A_671 = arith.maximumf %max3A_661, %get3A_669 : vector<16xf32>
      %max3A_672 = arith.maximumf %max3A_662, %min3A_670 : vector<16xf32>
      %get3A_673 = arith.constant 0 : i32
      %get3A_674 = arith.constant 58 : i32
      %get3A_675 = arith.index_cast %get3A_673 : i32 to index
      %get3A_676 = arith.index_cast %get3A_674 : i32 to index
      %get3A_677 = arith.index_cast %mul3A_93 : i32 to index
      %get3A_678 = tpu.vector_load %arg7[%get3A_675, %get3A_676, %get3A_677] {strides = array<i32>} : memref<2x64x256xf32, #tpu.memory_space<vmem>>, vector<1x1x16xf32>,
      %get3A_679 = vector.shape_cast %get3A_678 : vector<1x1x16xf32> to vector<16xf32>
      %min3A_680 = arith.minimumf %max3A_671, %get3A_679 : vector<16xf32>
      %max3A_681 = arith.maximumf %max3A_671, %get3A_679 : vector<16xf32>
      %max3A_682 = arith.maximumf %max3A_672, %min3A_680 : vector<16xf32>
      %get3A_683 = arith.constant 0 : i32
      %get3A_684 = arith.constant 59 : i32
      %get3A_685 = arith.index_cast %get3A_683 : i32 to index
      %get3A_686 = arith.index_cast %get3A_684 : i32 to index
      %get3A_687 = arith.index_cast %mul3A_93 : i32 to index
      %get3A_688 = tpu.vector_load %arg7[%get3A_685, %get3A_686, %get3A_687] {strides = array<i32>} : memref<2x64x256xf32, #tpu.memory_space<vmem>>, vector<1x1x16xf32>,
      %get3A_689 = vector.shape_cast %get3A_688 : vector<1x1x16xf32> to vector<16xf32>
      %min3A_690 = arith.minimumf %max3A_681, %get3A_689 : vector<16xf32>
      %max3A_691 = arith.maximumf %max3A_681, %get3A_689 : vector<16xf32>
      %max3A_692 = arith.maximumf %max3A_682, %min3A_690 : vector<16xf32>
      %get3A_693 = arith.constant 0 : i32
      %get3A_694 = arith.constant 60 : i32
      %get3A_695 = arith.index_cast %get3A_693 : i32 to index
      %get3A_696 = arith.index_cast %get3A_694 : i32 to index
      %get3A_697 = arith.index_cast %mul3A_93 : i32 to index
      %get3A_698 = tpu.vector_load %arg7[%get3A_695, %get3A_696, %get3A_697] {strides = array<i32>} : memref<2x64x256xf32, #tpu.memory_space<vmem>>, vector<1x1x16xf32>,
      %get3A_699 = vector.shape_cast %get3A_698 : vector<1x1x16xf32> to vector<16xf32>
      %min3A_700 = arith.minimumf %max3A_691, %get3A_699 : vector<16xf32>
      %max3A_701 = arith.maximumf %max3A_691, %get3A_699 : vector<16xf32>
      %max3A_702 = arith.maximumf %max3A_692, %min3A_700 : vector<16xf32>
      %get3A_703 = arith.constant 0 : i32
      %get3A_704 = arith.constant 61 : i32
      %get3A_705 = arith.index_cast %get3A_703 : i32 to index
      %get3A_706 = arith.index_cast %get3A_704 : i32 to index
      %get3A_707 = arith.index_cast %mul3A_93 : i32 to index
      %get3A_708 = tpu.vector_load %arg7[%get3A_705, %get3A_706, %get3A_707] {strides = array<i32>} : memref<2x64x256xf32, #tpu.memory_space<vmem>>, vector<1x1x16xf32>,
      %get3A_709 = vector.shape_cast %get3A_708 : vector<1x1x16xf32> to vector<16xf32>
      %min3A_710 = arith.minimumf %max3A_701, %get3A_709 : vector<16xf32>
      %max3A_711 = arith.maximumf %max3A_701, %get3A_709 : vector<16xf32>
      %max3A_712 = arith.maximumf %max3A_702, %min3A_710 : vector<16xf32>
      %get3A_713 = arith.constant 0 : i32
      %get3A_714 = arith.constant 62 : i32
      %get3A_715 = arith.index_cast %get3A_713 : i32 to index
      %get3A_716 = arith.index_cast %get3A_714 : i32 to index
      %get3A_717 = arith.index_cast %mul3A_93 : i32 to index
      %get3A_718 = tpu.vector_load %arg7[%get3A_715, %get3A_716, %get3A_717] {strides = array<i32>} : memref<2x64x256xf32, #tpu.memory_space<vmem>>, vector<1x1x16xf32>,
      %get3A_719 = vector.shape_cast %get3A_718 : vector<1x1x16xf32> to vector<16xf32>
      %min3A_720 = arith.minimumf %max3A_711, %get3A_719 : vector<16xf32>
      %max3A_721 = arith.maximumf %max3A_711, %get3A_719 : vector<16xf32>
      %max3A_722 = arith.maximumf %max3A_712, %min3A_720 : vector<16xf32>
      %get3A_723 = arith.constant 0 : i32
      %get3A_724 = arith.constant 63 : i32
      %get3A_725 = arith.index_cast %get3A_723 : i32 to index
      %get3A_726 = arith.index_cast %get3A_724 : i32 to index
      %get3A_727 = arith.index_cast %mul3A_93 : i32 to index
      %get3A_728 = tpu.vector_load %arg7[%get3A_725, %get3A_726, %get3A_727] {strides = array<i32>} : memref<2x64x256xf32, #tpu.memory_space<vmem>>, vector<1x1x16xf32>,
      %get3A_729 = vector.shape_cast %get3A_728 : vector<1x1x16xf32> to vector<16xf32>
      %min3A_730 = arith.minimumf %max3A_721, %get3A_729 : vector<16xf32>
      %max3A_731 = arith.maximumf %max3A_721, %get3A_729 : vector<16xf32>
      %max3A_732 = arith.maximumf %max3A_722, %min3A_730 : vector<16xf32>
      %max3A_733 = arith.maximumf %max3A_411, %max3A_731 : vector<16xf32>
      %max3A_734 = arith.maximumf %max3A_412, %max3A_732 : vector<16xf32>
      %min3A_735 = arith.minimumf %max3A_411, %max3A_731 : vector<16xf32>
      %max3A_736 = arith.maximumf %max3A_734, %min3A_735 : vector<16xf32>
      %broadcast_in_dim3A_737 = arith.constant 0 : i32
      %broadcast_in_dim3A_738 = vector.broadcast %broadcast_in_dim3A_737 : i32 to vector<16xi32>
      %get3A_739 = arith.constant 0 : i32
      %get3A_740 = arith.constant 0 : i32
      %get3A_741 = arith.index_cast %get3A_739 : i32 to index
      %get3A_742 = arith.index_cast %get3A_740 : i32 to index
      %get3A_743 = arith.index_cast %mul3A_93 : i32 to index
      %get3A_744 = tpu.vector_load %arg7[%get3A_741, %get3A_742, %get3A_743] {strides = array<i32>} : memref<2x64x256xf32, #tpu.memory_space<vmem>>, vector<1x1x16xf32>,
      %get3A_745 = vector.shape_cast %get3A_744 : vector<1x1x16xf32> to vector<16xf32>
      %eq3A = arith.cmpf oeq, %get3A_745, %max3A_733 : vector<16xf32>
      %select_n3A = arith.select %eq3A, %broadcast_in_dim3A_738, %broadcast_in_dim3A_38 : vector<16xi1>, vector<16xi32>
      %min3A_746 = arith.minsi %broadcast_in_dim3A_38, %select_n3A : vector<16xi32>
      %eq3A_747 = arith.cmpf oeq, %get3A_745, %max3A_736 : vector<16xf32>
      %select_n3A_748 = arith.select %eq3A_747, %broadcast_in_dim3A_738, %broadcast_in_dim3A_38 : vector<16xi1>, vector<16xi32>
      %min3A_749 = arith.minsi %broadcast_in_dim3A_38, %select_n3A_748 : vector<16xi32>
      %sub3A = arith.subf %get3A_745, %max3A_733 : vector<16xf32>
      %exp3A = math.exp %sub3A : vector<16xf32>
      %add3A_750 = arith.addf %broadcast_in_dim3A_36, %exp3A : vector<16xf32>
      %broadcast_in_dim3A_751 = arith.constant 1 : i32
      %broadcast_in_dim3A_752 = vector.broadcast %broadcast_in_dim3A_751 : i32 to vector<16xi32>
      %get3A_753 = arith.constant 0 : i32
      %get3A_754 = arith.constant 1 : i32
      %get3A_755 = arith.index_cast %get3A_753 : i32 to index
      %get3A_756 = arith.index_cast %get3A_754 : i32 to index
      %get3A_757 = arith.index_cast %mul3A_93 : i32 to index
      %get3A_758 = tpu.vector_load %arg7[%get3A_755, %get3A_756, %get3A_757] {strides = array<i32>} : memref<2x64x256xf32, #tpu.memory_space<vmem>>, vector<1x1x16xf32>,
      %get3A_759 = vector.shape_cast %get3A_758 : vector<1x1x16xf32> to vector<16xf32>
      %eq3A_760 = arith.cmpf oeq, %get3A_759, %max3A_733 : vector<16xf32>
      %select_n3A_761 = arith.select %eq3A_760, %broadcast_in_dim3A_752, %broadcast_in_dim3A_38 : vector<16xi1>, vector<16xi32>
      %min3A_762 = arith.minsi %min3A_746, %select_n3A_761 : vector<16xi32>
      %eq3A_763 = arith.cmpf oeq, %get3A_759, %max3A_736 : vector<16xf32>
      %select_n3A_764 = arith.select %eq3A_763, %broadcast_in_dim3A_752, %broadcast_in_dim3A_38 : vector<16xi1>, vector<16xi32>
      %min3A_765 = arith.minsi %min3A_749, %select_n3A_764 : vector<16xi32>
      %sub3A_766 = arith.subf %get3A_759, %max3A_733 : vector<16xf32>
      %exp3A_767 = math.exp %sub3A_766 : vector<16xf32>
      %add3A_768 = arith.addf %broadcast_in_dim3A_36, %exp3A_767 : vector<16xf32>
      %broadcast_in_dim3A_769 = arith.constant 2 : i32
      %broadcast_in_dim3A_770 = vector.broadcast %broadcast_in_dim3A_769 : i32 to vector<16xi32>
      %get3A_771 = arith.constant 0 : i32
      %get3A_772 = arith.constant 2 : i32
      %get3A_773 = arith.index_cast %get3A_771 : i32 to index
      %get3A_774 = arith.index_cast %get3A_772 : i32 to index
      %get3A_775 = arith.index_cast %mul3A_93 : i32 to index
      %get3A_776 = tpu.vector_load %arg7[%get3A_773, %get3A_774, %get3A_775] {strides = array<i32>} : memref<2x64x256xf32, #tpu.memory_space<vmem>>, vector<1x1x16xf32>,
      %get3A_777 = vector.shape_cast %get3A_776 : vector<1x1x16xf32> to vector<16xf32>
      %eq3A_778 = arith.cmpf oeq, %get3A_777, %max3A_733 : vector<16xf32>
      %select_n3A_779 = arith.select %eq3A_778, %broadcast_in_dim3A_770, %broadcast_in_dim3A_38 : vector<16xi1>, vector<16xi32>
      %min3A_780 = arith.minsi %min3A_762, %select_n3A_779 : vector<16xi32>
      %eq3A_781 = arith.cmpf oeq, %get3A_777, %max3A_736 : vector<16xf32>
      %select_n3A_782 = arith.select %eq3A_781, %broadcast_in_dim3A_770, %broadcast_in_dim3A_38 : vector<16xi1>, vector<16xi32>
      %min3A_783 = arith.minsi %min3A_765, %select_n3A_782 : vector<16xi32>
      %sub3A_784 = arith.subf %get3A_777, %max3A_733 : vector<16xf32>
      %exp3A_785 = math.exp %sub3A_784 : vector<16xf32>
      %add3A_786 = arith.addf %add3A_750, %exp3A_785 : vector<16xf32>
      %broadcast_in_dim3A_787 = arith.constant 3 : i32
      %broadcast_in_dim3A_788 = vector.broadcast %broadcast_in_dim3A_787 : i32 to vector<16xi32>
      %get3A_789 = arith.constant 0 : i32
      %get3A_790 = arith.constant 3 : i32
      %get3A_791 = arith.index_cast %get3A_789 : i32 to index
      %get3A_792 = arith.index_cast %get3A_790 : i32 to index
      %get3A_793 = arith.index_cast %mul3A_93 : i32 to index
      %get3A_794 = tpu.vector_load %arg7[%get3A_791, %get3A_792, %get3A_793] {strides = array<i32>} : memref<2x64x256xf32, #tpu.memory_space<vmem>>, vector<1x1x16xf32>,
      %get3A_795 = vector.shape_cast %get3A_794 : vector<1x1x16xf32> to vector<16xf32>
      %eq3A_796 = arith.cmpf oeq, %get3A_795, %max3A_733 : vector<16xf32>
      %select_n3A_797 = arith.select %eq3A_796, %broadcast_in_dim3A_788, %broadcast_in_dim3A_38 : vector<16xi1>, vector<16xi32>
      %min3A_798 = arith.minsi %min3A_780, %select_n3A_797 : vector<16xi32>
      %eq3A_799 = arith.cmpf oeq, %get3A_795, %max3A_736 : vector<16xf32>
      %select_n3A_800 = arith.select %eq3A_799, %broadcast_in_dim3A_788, %broadcast_in_dim3A_38 : vector<16xi1>, vector<16xi32>
      %min3A_801 = arith.minsi %min3A_783, %select_n3A_800 : vector<16xi32>
      %sub3A_802 = arith.subf %get3A_795, %max3A_733 : vector<16xf32>
      %exp3A_803 = math.exp %sub3A_802 : vector<16xf32>
      %add3A_804 = arith.addf %add3A_768, %exp3A_803 : vector<16xf32>
      %broadcast_in_dim3A_805 = arith.constant 4 : i32
      %broadcast_in_dim3A_806 = vector.broadcast %broadcast_in_dim3A_805 : i32 to vector<16xi32>
      %get3A_807 = arith.constant 0 : i32
      %get3A_808 = arith.constant 4 : i32
      %get3A_809 = arith.index_cast %get3A_807 : i32 to index
      %get3A_810 = arith.index_cast %get3A_808 : i32 to index
      %get3A_811 = arith.index_cast %mul3A_93 : i32 to index
      %get3A_812 = tpu.vector_load %arg7[%get3A_809, %get3A_810, %get3A_811] {strides = array<i32>} : memref<2x64x256xf32, #tpu.memory_space<vmem>>, vector<1x1x16xf32>,
      %get3A_813 = vector.shape_cast %get3A_812 : vector<1x1x16xf32> to vector<16xf32>
      %eq3A_814 = arith.cmpf oeq, %get3A_813, %max3A_733 : vector<16xf32>
      %select_n3A_815 = arith.select %eq3A_814, %broadcast_in_dim3A_806, %broadcast_in_dim3A_38 : vector<16xi1>, vector<16xi32>
      %min3A_816 = arith.minsi %min3A_798, %select_n3A_815 : vector<16xi32>
      %eq3A_817 = arith.cmpf oeq, %get3A_813, %max3A_736 : vector<16xf32>
      %select_n3A_818 = arith.select %eq3A_817, %broadcast_in_dim3A_806, %broadcast_in_dim3A_38 : vector<16xi1>, vector<16xi32>
      %min3A_819 = arith.minsi %min3A_801, %select_n3A_818 : vector<16xi32>
      %sub3A_820 = arith.subf %get3A_813, %max3A_733 : vector<16xf32>
      %exp3A_821 = math.exp %sub3A_820 : vector<16xf32>
      %add3A_822 = arith.addf %add3A_786, %exp3A_821 : vector<16xf32>
      %broadcast_in_dim3A_823 = arith.constant 5 : i32
      %broadcast_in_dim3A_824 = vector.broadcast %broadcast_in_dim3A_823 : i32 to vector<16xi32>
      %get3A_825 = arith.constant 0 : i32
      %get3A_826 = arith.constant 5 : i32
      %get3A_827 = arith.index_cast %get3A_825 : i32 to index
      %get3A_828 = arith.index_cast %get3A_826 : i32 to index
      %get3A_829 = arith.index_cast %mul3A_93 : i32 to index
      %get3A_830 = tpu.vector_load %arg7[%get3A_827, %get3A_828, %get3A_829] {strides = array<i32>} : memref<2x64x256xf32, #tpu.memory_space<vmem>>, vector<1x1x16xf32>,
      %get3A_831 = vector.shape_cast %get3A_830 : vector<1x1x16xf32> to vector<16xf32>
      %eq3A_832 = arith.cmpf oeq, %get3A_831, %max3A_733 : vector<16xf32>
      %select_n3A_833 = arith.select %eq3A_832, %broadcast_in_dim3A_824, %broadcast_in_dim3A_38 : vector<16xi1>, vector<16xi32>
      %min3A_834 = arith.minsi %min3A_816, %select_n3A_833 : vector<16xi32>
      %eq3A_835 = arith.cmpf oeq, %get3A_831, %max3A_736 : vector<16xf32>
      %select_n3A_836 = arith.select %eq3A_835, %broadcast_in_dim3A_824, %broadcast_in_dim3A_38 : vector<16xi1>, vector<16xi32>
      %min3A_837 = arith.minsi %min3A_819, %select_n3A_836 : vector<16xi32>
      %sub3A_838 = arith.subf %get3A_831, %max3A_733 : vector<16xf32>
      %exp3A_839 = math.exp %sub3A_838 : vector<16xf32>
      %add3A_840 = arith.addf %add3A_804, %exp3A_839 : vector<16xf32>
      %broadcast_in_dim3A_841 = arith.constant 6 : i32
      %broadcast_in_dim3A_842 = vector.broadcast %broadcast_in_dim3A_841 : i32 to vector<16xi32>
      %get3A_843 = arith.constant 0 : i32
      %get3A_844 = arith.constant 6 : i32
      %get3A_845 = arith.index_cast %get3A_843 : i32 to index
      %get3A_846 = arith.index_cast %get3A_844 : i32 to index
      %get3A_847 = arith.index_cast %mul3A_93 : i32 to index
      %get3A_848 = tpu.vector_load %arg7[%get3A_845, %get3A_846, %get3A_847] {strides = array<i32>} : memref<2x64x256xf32, #tpu.memory_space<vmem>>, vector<1x1x16xf32>,
      %get3A_849 = vector.shape_cast %get3A_848 : vector<1x1x16xf32> to vector<16xf32>
      %eq3A_850 = arith.cmpf oeq, %get3A_849, %max3A_733 : vector<16xf32>
      %select_n3A_851 = arith.select %eq3A_850, %broadcast_in_dim3A_842, %broadcast_in_dim3A_38 : vector<16xi1>, vector<16xi32>
      %min3A_852 = arith.minsi %min3A_834, %select_n3A_851 : vector<16xi32>
      %eq3A_853 = arith.cmpf oeq, %get3A_849, %max3A_736 : vector<16xf32>
      %select_n3A_854 = arith.select %eq3A_853, %broadcast_in_dim3A_842, %broadcast_in_dim3A_38 : vector<16xi1>, vector<16xi32>
      %min3A_855 = arith.minsi %min3A_837, %select_n3A_854 : vector<16xi32>
      %sub3A_856 = arith.subf %get3A_849, %max3A_733 : vector<16xf32>
      %exp3A_857 = math.exp %sub3A_856 : vector<16xf32>
      %add3A_858 = arith.addf %add3A_822, %exp3A_857 : vector<16xf32>
      %broadcast_in_dim3A_859 = arith.constant 7 : i32
      %broadcast_in_dim3A_860 = vector.broadcast %broadcast_in_dim3A_859 : i32 to vector<16xi32>
      %get3A_861 = arith.constant 0 : i32
      %get3A_862 = arith.constant 7 : i32
      %get3A_863 = arith.index_cast %get3A_861 : i32 to index
      %get3A_864 = arith.index_cast %get3A_862 : i32 to index
      %get3A_865 = arith.index_cast %mul3A_93 : i32 to index
      %get3A_866 = tpu.vector_load %arg7[%get3A_863, %get3A_864, %get3A_865] {strides = array<i32>} : memref<2x64x256xf32, #tpu.memory_space<vmem>>, vector<1x1x16xf32>,
      %get3A_867 = vector.shape_cast %get3A_866 : vector<1x1x16xf32> to vector<16xf32>
      %eq3A_868 = arith.cmpf oeq, %get3A_867, %max3A_733 : vector<16xf32>
      %select_n3A_869 = arith.select %eq3A_868, %broadcast_in_dim3A_860, %broadcast_in_dim3A_38 : vector<16xi1>, vector<16xi32>
      %min3A_870 = arith.minsi %min3A_852, %select_n3A_869 : vector<16xi32>
      %eq3A_871 = arith.cmpf oeq, %get3A_867, %max3A_736 : vector<16xf32>
      %select_n3A_872 = arith.select %eq3A_871, %broadcast_in_dim3A_860, %broadcast_in_dim3A_38 : vector<16xi1>, vector<16xi32>
      %min3A_873 = arith.minsi %min3A_855, %select_n3A_872 : vector<16xi32>
      %sub3A_874 = arith.subf %get3A_867, %max3A_733 : vector<16xf32>
      %exp3A_875 = math.exp %sub3A_874 : vector<16xf32>
      %add3A_876 = arith.addf %add3A_840, %exp3A_875 : vector<16xf32>
      %broadcast_in_dim3A_877 = arith.constant 8 : i32
      %broadcast_in_dim3A_878 = vector.broadcast %broadcast_in_dim3A_877 : i32 to vector<16xi32>
      %get3A_879 = arith.constant 0 : i32
      %get3A_880 = arith.constant 8 : i32
      %get3A_881 = arith.index_cast %get3A_879 : i32 to index
      %get3A_882 = arith.index_cast %get3A_880 : i32 to index
      %get3A_883 = arith.index_cast %mul3A_93 : i32 to index
      %get3A_884 = tpu.vector_load %arg7[%get3A_881, %get3A_882, %get3A_883] {strides = array<i32>} : memref<2x64x256xf32, #tpu.memory_space<vmem>>, vector<1x1x16xf32>,
      %get3A_885 = vector.shape_cast %get3A_884 : vector<1x1x16xf32> to vector<16xf32>
      %eq3A_886 = arith.cmpf oeq, %get3A_885, %max3A_733 : vector<16xf32>
      %select_n3A_887 = arith.select %eq3A_886, %broadcast_in_dim3A_878, %broadcast_in_dim3A_38 : vector<16xi1>, vector<16xi32>
      %min3A_888 = arith.minsi %min3A_870, %select_n3A_887 : vector<16xi32>
      %eq3A_889 = arith.cmpf oeq, %get3A_885, %max3A_736 : vector<16xf32>
      %select_n3A_890 = arith.select %eq3A_889, %broadcast_in_dim3A_878, %broadcast_in_dim3A_38 : vector<16xi1>, vector<16xi32>
      %min3A_891 = arith.minsi %min3A_873, %select_n3A_890 : vector<16xi32>
      %sub3A_892 = arith.subf %get3A_885, %max3A_733 : vector<16xf32>
      %exp3A_893 = math.exp %sub3A_892 : vector<16xf32>
      %add3A_894 = arith.addf %add3A_858, %exp3A_893 : vector<16xf32>
      %broadcast_in_dim3A_895 = arith.constant 9 : i32
      %broadcast_in_dim3A_896 = vector.broadcast %broadcast_in_dim3A_895 : i32 to vector<16xi32>
      %get3A_897 = arith.constant 0 : i32
      %get3A_898 = arith.constant 9 : i32
      %get3A_899 = arith.index_cast %get3A_897 : i32 to index
      %get3A_900 = arith.index_cast %get3A_898 : i32 to index
      %get3A_901 = arith.index_cast %mul3A_93 : i32 to index
      %get3A_902 = tpu.vector_load %arg7[%get3A_899, %get3A_900, %get3A_901] {strides = array<i32>} : memref<2x64x256xf32, #tpu.memory_space<vmem>>, vector<1x1x16xf32>,
      %get3A_903 = vector.shape_cast %get3A_902 : vector<1x1x16xf32> to vector<16xf32>
      %eq3A_904 = arith.cmpf oeq, %get3A_903, %max3A_733 : vector<16xf32>
      %select_n3A_905 = arith.select %eq3A_904, %broadcast_in_dim3A_896, %broadcast_in_dim3A_38 : vector<16xi1>, vector<16xi32>
      %min3A_906 = arith.minsi %min3A_888, %select_n3A_905 : vector<16xi32>
      %eq3A_907 = arith.cmpf oeq, %get3A_903, %max3A_736 : vector<16xf32>
      %select_n3A_908 = arith.select %eq3A_907, %broadcast_in_dim3A_896, %broadcast_in_dim3A_38 : vector<16xi1>, vector<16xi32>
      %min3A_909 = arith.minsi %min3A_891, %select_n3A_908 : vector<16xi32>
      %sub3A_910 = arith.subf %get3A_903, %max3A_733 : vector<16xf32>
      %exp3A_911 = math.exp %sub3A_910 : vector<16xf32>
      %add3A_912 = arith.addf %add3A_876, %exp3A_911 : vector<16xf32>
      %broadcast_in_dim3A_913 = arith.constant 10 : i32
      %broadcast_in_dim3A_914 = vector.broadcast %broadcast_in_dim3A_913 : i32 to vector<16xi32>
      %get3A_915 = arith.constant 0 : i32
      %get3A_916 = arith.constant 10 : i32
      %get3A_917 = arith.index_cast %get3A_915 : i32 to index
      %get3A_918 = arith.index_cast %get3A_916 : i32 to index
      %get3A_919 = arith.index_cast %mul3A_93 : i32 to index
      %get3A_920 = tpu.vector_load %arg7[%get3A_917, %get3A_918, %get3A_919] {strides = array<i32>} : memref<2x64x256xf32, #tpu.memory_space<vmem>>, vector<1x1x16xf32>,
      %get3A_921 = vector.shape_cast %get3A_920 : vector<1x1x16xf32> to vector<16xf32>
      %eq3A_922 = arith.cmpf oeq, %get3A_921, %max3A_733 : vector<16xf32>
      %select_n3A_923 = arith.select %eq3A_922, %broadcast_in_dim3A_914, %broadcast_in_dim3A_38 : vector<16xi1>, vector<16xi32>
      %min3A_924 = arith.minsi %min3A_906, %select_n3A_923 : vector<16xi32>
      %eq3A_925 = arith.cmpf oeq, %get3A_921, %max3A_736 : vector<16xf32>
      %select_n3A_926 = arith.select %eq3A_925, %broadcast_in_dim3A_914, %broadcast_in_dim3A_38 : vector<16xi1>, vector<16xi32>
      %min3A_927 = arith.minsi %min3A_909, %select_n3A_926 : vector<16xi32>
      %sub3A_928 = arith.subf %get3A_921, %max3A_733 : vector<16xf32>
      %exp3A_929 = math.exp %sub3A_928 : vector<16xf32>
      %add3A_930 = arith.addf %add3A_894, %exp3A_929 : vector<16xf32>
      %broadcast_in_dim3A_931 = arith.constant 11 : i32
      %broadcast_in_dim3A_932 = vector.broadcast %broadcast_in_dim3A_931 : i32 to vector<16xi32>
      %get3A_933 = arith.constant 0 : i32
      %get3A_934 = arith.constant 11 : i32
      %get3A_935 = arith.index_cast %get3A_933 : i32 to index
      %get3A_936 = arith.index_cast %get3A_934 : i32 to index
      %get3A_937 = arith.index_cast %mul3A_93 : i32 to index
      %get3A_938 = tpu.vector_load %arg7[%get3A_935, %get3A_936, %get3A_937] {strides = array<i32>} : memref<2x64x256xf32, #tpu.memory_space<vmem>>, vector<1x1x16xf32>,
      %get3A_939 = vector.shape_cast %get3A_938 : vector<1x1x16xf32> to vector<16xf32>
      %eq3A_940 = arith.cmpf oeq, %get3A_939, %max3A_733 : vector<16xf32>
      %select_n3A_941 = arith.select %eq3A_940, %broadcast_in_dim3A_932, %broadcast_in_dim3A_38 : vector<16xi1>, vector<16xi32>
      %min3A_942 = arith.minsi %min3A_924, %select_n3A_941 : vector<16xi32>
      %eq3A_943 = arith.cmpf oeq, %get3A_939, %max3A_736 : vector<16xf32>
      %select_n3A_944 = arith.select %eq3A_943, %broadcast_in_dim3A_932, %broadcast_in_dim3A_38 : vector<16xi1>, vector<16xi32>
      %min3A_945 = arith.minsi %min3A_927, %select_n3A_944 : vector<16xi32>
      %sub3A_946 = arith.subf %get3A_939, %max3A_733 : vector<16xf32>
      %exp3A_947 = math.exp %sub3A_946 : vector<16xf32>
      %add3A_948 = arith.addf %add3A_912, %exp3A_947 : vector<16xf32>
      %broadcast_in_dim3A_949 = arith.constant 12 : i32
      %broadcast_in_dim3A_950 = vector.broadcast %broadcast_in_dim3A_949 : i32 to vector<16xi32>
      %get3A_951 = arith.constant 0 : i32
      %get3A_952 = arith.constant 12 : i32
      %get3A_953 = arith.index_cast %get3A_951 : i32 to index
      %get3A_954 = arith.index_cast %get3A_952 : i32 to index
      %get3A_955 = arith.index_cast %mul3A_93 : i32 to index
      %get3A_956 = tpu.vector_load %arg7[%get3A_953, %get3A_954, %get3A_955] {strides = array<i32>} : memref<2x64x256xf32, #tpu.memory_space<vmem>>, vector<1x1x16xf32>,
      %get3A_957 = vector.shape_cast %get3A_956 : vector<1x1x16xf32> to vector<16xf32>
      %eq3A_958 = arith.cmpf oeq, %get3A_957, %max3A_733 : vector<16xf32>
      %select_n3A_959 = arith.select %eq3A_958, %broadcast_in_dim3A_950, %broadcast_in_dim3A_38 : vector<16xi1>, vector<16xi32>
      %min3A_960 = arith.minsi %min3A_942, %select_n3A_959 : vector<16xi32>
      %eq3A_961 = arith.cmpf oeq, %get3A_957, %max3A_736 : vector<16xf32>
      %select_n3A_962 = arith.select %eq3A_961, %broadcast_in_dim3A_950, %broadcast_in_dim3A_38 : vector<16xi1>, vector<16xi32>
      %min3A_963 = arith.minsi %min3A_945, %select_n3A_962 : vector<16xi32>
      %sub3A_964 = arith.subf %get3A_957, %max3A_733 : vector<16xf32>
      %exp3A_965 = math.exp %sub3A_964 : vector<16xf32>
      %add3A_966 = arith.addf %add3A_930, %exp3A_965 : vector<16xf32>
      %broadcast_in_dim3A_967 = arith.constant 13 : i32
      %broadcast_in_dim3A_968 = vector.broadcast %broadcast_in_dim3A_967 : i32 to vector<16xi32>
      %get3A_969 = arith.constant 0 : i32
      %get3A_970 = arith.constant 13 : i32
      %get3A_971 = arith.index_cast %get3A_969 : i32 to index
      %get3A_972 = arith.index_cast %get3A_970 : i32 to index
      %get3A_973 = arith.index_cast %mul3A_93 : i32 to index
      %get3A_974 = tpu.vector_load %arg7[%get3A_971, %get3A_972, %get3A_973] {strides = array<i32>} : memref<2x64x256xf32, #tpu.memory_space<vmem>>, vector<1x1x16xf32>,
      %get3A_975 = vector.shape_cast %get3A_974 : vector<1x1x16xf32> to vector<16xf32>
      %eq3A_976 = arith.cmpf oeq, %get3A_975, %max3A_733 : vector<16xf32>
      %select_n3A_977 = arith.select %eq3A_976, %broadcast_in_dim3A_968, %broadcast_in_dim3A_38 : vector<16xi1>, vector<16xi32>
      %min3A_978 = arith.minsi %min3A_960, %select_n3A_977 : vector<16xi32>
      %eq3A_979 = arith.cmpf oeq, %get3A_975, %max3A_736 : vector<16xf32>
      %select_n3A_980 = arith.select %eq3A_979, %broadcast_in_dim3A_968, %broadcast_in_dim3A_38 : vector<16xi1>, vector<16xi32>
      %min3A_981 = arith.minsi %min3A_963, %select_n3A_980 : vector<16xi32>
      %sub3A_982 = arith.subf %get3A_975, %max3A_733 : vector<16xf32>
      %exp3A_983 = math.exp %sub3A_982 : vector<16xf32>
      %add3A_984 = arith.addf %add3A_948, %exp3A_983 : vector<16xf32>
      %broadcast_in_dim3A_985 = arith.constant 14 : i32
      %broadcast_in_dim3A_986 = vector.broadcast %broadcast_in_dim3A_985 : i32 to vector<16xi32>
      %get3A_987 = arith.constant 0 : i32
      %get3A_988 = arith.constant 14 : i32
      %get3A_989 = arith.index_cast %get3A_987 : i32 to index
      %get3A_990 = arith.index_cast %get3A_988 : i32 to index
      %get3A_991 = arith.index_cast %mul3A_93 : i32 to index
      %get3A_992 = tpu.vector_load %arg7[%get3A_989, %get3A_990, %get3A_991] {strides = array<i32>} : memref<2x64x256xf32, #tpu.memory_space<vmem>>, vector<1x1x16xf32>,
      %get3A_993 = vector.shape_cast %get3A_992 : vector<1x1x16xf32> to vector<16xf32>
      %eq3A_994 = arith.cmpf oeq, %get3A_993, %max3A_733 : vector<16xf32>
      %select_n3A_995 = arith.select %eq3A_994, %broadcast_in_dim3A_986, %broadcast_in_dim3A_38 : vector<16xi1>, vector<16xi32>
      %min3A_996 = arith.minsi %min3A_978, %select_n3A_995 : vector<16xi32>
      %eq3A_997 = arith.cmpf oeq, %get3A_993, %max3A_736 : vector<16xf32>
      %select_n3A_998 = arith.select %eq3A_997, %broadcast_in_dim3A_986, %broadcast_in_dim3A_38 : vector<16xi1>, vector<16xi32>
      %min3A_999 = arith.minsi %min3A_981, %select_n3A_998 : vector<16xi32>
      %sub3A_1000 = arith.subf %get3A_993, %max3A_733 : vector<16xf32>
      %exp3A_1001 = math.exp %sub3A_1000 : vector<16xf32>
      %add3A_1002 = arith.addf %add3A_966, %exp3A_1001 : vector<16xf32>
      %broadcast_in_dim3A_1003 = arith.constant 15 : i32
      %broadcast_in_dim3A_1004 = vector.broadcast %broadcast_in_dim3A_1003 : i32 to vector<16xi32>
      %get3A_1005 = arith.constant 0 : i32
      %get3A_1006 = arith.constant 15 : i32
      %get3A_1007 = arith.index_cast %get3A_1005 : i32 to index
      %get3A_1008 = arith.index_cast %get3A_1006 : i32 to index
      %get3A_1009 = arith.index_cast %mul3A_93 : i32 to index
      %get3A_1010 = tpu.vector_load %arg7[%get3A_1007, %get3A_1008, %get3A_1009] {strides = array<i32>} : memref<2x64x256xf32, #tpu.memory_space<vmem>>, vector<1x1x16xf32>,
      %get3A_1011 = vector.shape_cast %get3A_1010 : vector<1x1x16xf32> to vector<16xf32>
      %eq3A_1012 = arith.cmpf oeq, %get3A_1011, %max3A_733 : vector<16xf32>
      %select_n3A_1013 = arith.select %eq3A_1012, %broadcast_in_dim3A_1004, %broadcast_in_dim3A_38 : vector<16xi1>, vector<16xi32>
      %min3A_1014 = arith.minsi %min3A_996, %select_n3A_1013 : vector<16xi32>
      %eq3A_1015 = arith.cmpf oeq, %get3A_1011, %max3A_736 : vector<16xf32>
      %select_n3A_1016 = arith.select %eq3A_1015, %broadcast_in_dim3A_1004, %broadcast_in_dim3A_38 : vector<16xi1>, vector<16xi32>
      %min3A_1017 = arith.minsi %min3A_999, %select_n3A_1016 : vector<16xi32>
      %sub3A_1018 = arith.subf %get3A_1011, %max3A_733 : vector<16xf32>
      %exp3A_1019 = math.exp %sub3A_1018 : vector<16xf32>
      %add3A_1020 = arith.addf %add3A_984, %exp3A_1019 : vector<16xf32>
      %broadcast_in_dim3A_1021 = arith.constant 16 : i32
      %broadcast_in_dim3A_1022 = vector.broadcast %broadcast_in_dim3A_1021 : i32 to vector<16xi32>
      %get3A_1023 = arith.constant 0 : i32
      %get3A_1024 = arith.constant 16 : i32
      %get3A_1025 = arith.index_cast %get3A_1023 : i32 to index
      %get3A_1026 = arith.index_cast %get3A_1024 : i32 to index
      %get3A_1027 = arith.index_cast %mul3A_93 : i32 to index
      %get3A_1028 = tpu.vector_load %arg7[%get3A_1025, %get3A_1026, %get3A_1027] {strides = array<i32>} : memref<2x64x256xf32, #tpu.memory_space<vmem>>, vector<1x1x16xf32>,
      %get3A_1029 = vector.shape_cast %get3A_1028 : vector<1x1x16xf32> to vector<16xf32>
      %eq3A_1030 = arith.cmpf oeq, %get3A_1029, %max3A_733 : vector<16xf32>
      %select_n3A_1031 = arith.select %eq3A_1030, %broadcast_in_dim3A_1022, %broadcast_in_dim3A_38 : vector<16xi1>, vector<16xi32>
      %min3A_1032 = arith.minsi %min3A_1014, %select_n3A_1031 : vector<16xi32>
      %eq3A_1033 = arith.cmpf oeq, %get3A_1029, %max3A_736 : vector<16xf32>
      %select_n3A_1034 = arith.select %eq3A_1033, %broadcast_in_dim3A_1022, %broadcast_in_dim3A_38 : vector<16xi1>, vector<16xi32>
      %min3A_1035 = arith.minsi %min3A_1017, %select_n3A_1034 : vector<16xi32>
      %sub3A_1036 = arith.subf %get3A_1029, %max3A_733 : vector<16xf32>
      %exp3A_1037 = math.exp %sub3A_1036 : vector<16xf32>
      %add3A_1038 = arith.addf %add3A_1002, %exp3A_1037 : vector<16xf32>
      %broadcast_in_dim3A_1039 = arith.constant 17 : i32
      %broadcast_in_dim3A_1040 = vector.broadcast %broadcast_in_dim3A_1039 : i32 to vector<16xi32>
      %get3A_1041 = arith.constant 0 : i32
      %get3A_1042 = arith.constant 17 : i32
      %get3A_1043 = arith.index_cast %get3A_1041 : i32 to index
      %get3A_1044 = arith.index_cast %get3A_1042 : i32 to index
      %get3A_1045 = arith.index_cast %mul3A_93 : i32 to index
      %get3A_1046 = tpu.vector_load %arg7[%get3A_1043, %get3A_1044, %get3A_1045] {strides = array<i32>} : memref<2x64x256xf32, #tpu.memory_space<vmem>>, vector<1x1x16xf32>,
      %get3A_1047 = vector.shape_cast %get3A_1046 : vector<1x1x16xf32> to vector<16xf32>
      %eq3A_1048 = arith.cmpf oeq, %get3A_1047, %max3A_733 : vector<16xf32>
      %select_n3A_1049 = arith.select %eq3A_1048, %broadcast_in_dim3A_1040, %broadcast_in_dim3A_38 : vector<16xi1>, vector<16xi32>
      %min3A_1050 = arith.minsi %min3A_1032, %select_n3A_1049 : vector<16xi32>
      %eq3A_1051 = arith.cmpf oeq, %get3A_1047, %max3A_736 : vector<16xf32>
      %select_n3A_1052 = arith.select %eq3A_1051, %broadcast_in_dim3A_1040, %broadcast_in_dim3A_38 : vector<16xi1>, vector<16xi32>
      %min3A_1053 = arith.minsi %min3A_1035, %select_n3A_1052 : vector<16xi32>
      %sub3A_1054 = arith.subf %get3A_1047, %max3A_733 : vector<16xf32>
      %exp3A_1055 = math.exp %sub3A_1054 : vector<16xf32>
      %add3A_1056 = arith.addf %add3A_1020, %exp3A_1055 : vector<16xf32>
      %broadcast_in_dim3A_1057 = arith.constant 18 : i32
      %broadcast_in_dim3A_1058 = vector.broadcast %broadcast_in_dim3A_1057 : i32 to vector<16xi32>
      %get3A_1059 = arith.constant 0 : i32
      %get3A_1060 = arith.constant 18 : i32
      %get3A_1061 = arith.index_cast %get3A_1059 : i32 to index
      %get3A_1062 = arith.index_cast %get3A_1060 : i32 to index
      %get3A_1063 = arith.index_cast %mul3A_93 : i32 to index
      %get3A_1064 = tpu.vector_load %arg7[%get3A_1061, %get3A_1062, %get3A_1063] {strides = array<i32>} : memref<2x64x256xf32, #tpu.memory_space<vmem>>, vector<1x1x16xf32>,
      %get3A_1065 = vector.shape_cast %get3A_1064 : vector<1x1x16xf32> to vector<16xf32>
      %eq3A_1066 = arith.cmpf oeq, %get3A_1065, %max3A_733 : vector<16xf32>
      %select_n3A_1067 = arith.select %eq3A_1066, %broadcast_in_dim3A_1058, %broadcast_in_dim3A_38 : vector<16xi1>, vector<16xi32>
      %min3A_1068 = arith.minsi %min3A_1050, %select_n3A_1067 : vector<16xi32>
      %eq3A_1069 = arith.cmpf oeq, %get3A_1065, %max3A_736 : vector<16xf32>
      %select_n3A_1070 = arith.select %eq3A_1069, %broadcast_in_dim3A_1058, %broadcast_in_dim3A_38 : vector<16xi1>, vector<16xi32>
      %min3A_1071 = arith.minsi %min3A_1053, %select_n3A_1070 : vector<16xi32>
      %sub3A_1072 = arith.subf %get3A_1065, %max3A_733 : vector<16xf32>
      %exp3A_1073 = math.exp %sub3A_1072 : vector<16xf32>
      %add3A_1074 = arith.addf %add3A_1038, %exp3A_1073 : vector<16xf32>
      %broadcast_in_dim3A_1075 = arith.constant 19 : i32
      %broadcast_in_dim3A_1076 = vector.broadcast %broadcast_in_dim3A_1075 : i32 to vector<16xi32>
      %get3A_1077 = arith.constant 0 : i32
      %get3A_1078 = arith.constant 19 : i32
      %get3A_1079 = arith.index_cast %get3A_1077 : i32 to index
      %get3A_1080 = arith.index_cast %get3A_1078 : i32 to index
      %get3A_1081 = arith.index_cast %mul3A_93 : i32 to index
      %get3A_1082 = tpu.vector_load %arg7[%get3A_1079, %get3A_1080, %get3A_1081] {strides = array<i32>} : memref<2x64x256xf32, #tpu.memory_space<vmem>>, vector<1x1x16xf32>,
      %get3A_1083 = vector.shape_cast %get3A_1082 : vector<1x1x16xf32> to vector<16xf32>
      %eq3A_1084 = arith.cmpf oeq, %get3A_1083, %max3A_733 : vector<16xf32>
      %select_n3A_1085 = arith.select %eq3A_1084, %broadcast_in_dim3A_1076, %broadcast_in_dim3A_38 : vector<16xi1>, vector<16xi32>
      %min3A_1086 = arith.minsi %min3A_1068, %select_n3A_1085 : vector<16xi32>
      %eq3A_1087 = arith.cmpf oeq, %get3A_1083, %max3A_736 : vector<16xf32>
      %select_n3A_1088 = arith.select %eq3A_1087, %broadcast_in_dim3A_1076, %broadcast_in_dim3A_38 : vector<16xi1>, vector<16xi32>
      %min3A_1089 = arith.minsi %min3A_1071, %select_n3A_1088 : vector<16xi32>
      %sub3A_1090 = arith.subf %get3A_1083, %max3A_733 : vector<16xf32>
      %exp3A_1091 = math.exp %sub3A_1090 : vector<16xf32>
      %add3A_1092 = arith.addf %add3A_1056, %exp3A_1091 : vector<16xf32>
      %broadcast_in_dim3A_1093 = arith.constant 20 : i32
      %broadcast_in_dim3A_1094 = vector.broadcast %broadcast_in_dim3A_1093 : i32 to vector<16xi32>
      %get3A_1095 = arith.constant 0 : i32
      %get3A_1096 = arith.constant 20 : i32
      %get3A_1097 = arith.index_cast %get3A_1095 : i32 to index
      %get3A_1098 = arith.index_cast %get3A_1096 : i32 to index
      %get3A_1099 = arith.index_cast %mul3A_93 : i32 to index
      %get3A_1100 = tpu.vector_load %arg7[%get3A_1097, %get3A_1098, %get3A_1099] {strides = array<i32>} : memref<2x64x256xf32, #tpu.memory_space<vmem>>, vector<1x1x16xf32>,
      %get3A_1101 = vector.shape_cast %get3A_1100 : vector<1x1x16xf32> to vector<16xf32>
      %eq3A_1102 = arith.cmpf oeq, %get3A_1101, %max3A_733 : vector<16xf32>
      %select_n3A_1103 = arith.select %eq3A_1102, %broadcast_in_dim3A_1094, %broadcast_in_dim3A_38 : vector<16xi1>, vector<16xi32>
      %min3A_1104 = arith.minsi %min3A_1086, %select_n3A_1103 : vector<16xi32>
      %eq3A_1105 = arith.cmpf oeq, %get3A_1101, %max3A_736 : vector<16xf32>
      %select_n3A_1106 = arith.select %eq3A_1105, %broadcast_in_dim3A_1094, %broadcast_in_dim3A_38 : vector<16xi1>, vector<16xi32>
      %min3A_1107 = arith.minsi %min3A_1089, %select_n3A_1106 : vector<16xi32>
      %sub3A_1108 = arith.subf %get3A_1101, %max3A_733 : vector<16xf32>
      %exp3A_1109 = math.exp %sub3A_1108 : vector<16xf32>
      %add3A_1110 = arith.addf %add3A_1074, %exp3A_1109 : vector<16xf32>
      %broadcast_in_dim3A_1111 = arith.constant 21 : i32
      %broadcast_in_dim3A_1112 = vector.broadcast %broadcast_in_dim3A_1111 : i32 to vector<16xi32>
      %get3A_1113 = arith.constant 0 : i32
      %get3A_1114 = arith.constant 21 : i32
      %get3A_1115 = arith.index_cast %get3A_1113 : i32 to index
      %get3A_1116 = arith.index_cast %get3A_1114 : i32 to index
      %get3A_1117 = arith.index_cast %mul3A_93 : i32 to index
      %get3A_1118 = tpu.vector_load %arg7[%get3A_1115, %get3A_1116, %get3A_1117] {strides = array<i32>} : memref<2x64x256xf32, #tpu.memory_space<vmem>>, vector<1x1x16xf32>,
      %get3A_1119 = vector.shape_cast %get3A_1118 : vector<1x1x16xf32> to vector<16xf32>
      %eq3A_1120 = arith.cmpf oeq, %get3A_1119, %max3A_733 : vector<16xf32>
      %select_n3A_1121 = arith.select %eq3A_1120, %broadcast_in_dim3A_1112, %broadcast_in_dim3A_38 : vector<16xi1>, vector<16xi32>
      %min3A_1122 = arith.minsi %min3A_1104, %select_n3A_1121 : vector<16xi32>
      %eq3A_1123 = arith.cmpf oeq, %get3A_1119, %max3A_736 : vector<16xf32>
      %select_n3A_1124 = arith.select %eq3A_1123, %broadcast_in_dim3A_1112, %broadcast_in_dim3A_38 : vector<16xi1>, vector<16xi32>
      %min3A_1125 = arith.minsi %min3A_1107, %select_n3A_1124 : vector<16xi32>
      %sub3A_1126 = arith.subf %get3A_1119, %max3A_733 : vector<16xf32>
      %exp3A_1127 = math.exp %sub3A_1126 : vector<16xf32>
      %add3A_1128 = arith.addf %add3A_1092, %exp3A_1127 : vector<16xf32>
      %broadcast_in_dim3A_1129 = arith.constant 22 : i32
      %broadcast_in_dim3A_1130 = vector.broadcast %broadcast_in_dim3A_1129 : i32 to vector<16xi32>
      %get3A_1131 = arith.constant 0 : i32
      %get3A_1132 = arith.constant 22 : i32
      %get3A_1133 = arith.index_cast %get3A_1131 : i32 to index
      %get3A_1134 = arith.index_cast %get3A_1132 : i32 to index
      %get3A_1135 = arith.index_cast %mul3A_93 : i32 to index
      %get3A_1136 = tpu.vector_load %arg7[%get3A_1133, %get3A_1134, %get3A_1135] {strides = array<i32>} : memref<2x64x256xf32, #tpu.memory_space<vmem>>, vector<1x1x16xf32>,
      %get3A_1137 = vector.shape_cast %get3A_1136 : vector<1x1x16xf32> to vector<16xf32>
      %eq3A_1138 = arith.cmpf oeq, %get3A_1137, %max3A_733 : vector<16xf32>
      %select_n3A_1139 = arith.select %eq3A_1138, %broadcast_in_dim3A_1130, %broadcast_in_dim3A_38 : vector<16xi1>, vector<16xi32>
      %min3A_1140 = arith.minsi %min3A_1122, %select_n3A_1139 : vector<16xi32>
      %eq3A_1141 = arith.cmpf oeq, %get3A_1137, %max3A_736 : vector<16xf32>
      %select_n3A_1142 = arith.select %eq3A_1141, %broadcast_in_dim3A_1130, %broadcast_in_dim3A_38 : vector<16xi1>, vector<16xi32>
      %min3A_1143 = arith.minsi %min3A_1125, %select_n3A_1142 : vector<16xi32>
      %sub3A_1144 = arith.subf %get3A_1137, %max3A_733 : vector<16xf32>
      %exp3A_1145 = math.exp %sub3A_1144 : vector<16xf32>
      %add3A_1146 = arith.addf %add3A_1110, %exp3A_1145 : vector<16xf32>
      %broadcast_in_dim3A_1147 = arith.constant 23 : i32
      %broadcast_in_dim3A_1148 = vector.broadcast %broadcast_in_dim3A_1147 : i32 to vector<16xi32>
      %get3A_1149 = arith.constant 0 : i32
      %get3A_1150 = arith.constant 23 : i32
      %get3A_1151 = arith.index_cast %get3A_1149 : i32 to index
      %get3A_1152 = arith.index_cast %get3A_1150 : i32 to index
      %get3A_1153 = arith.index_cast %mul3A_93 : i32 to index
      %get3A_1154 = tpu.vector_load %arg7[%get3A_1151, %get3A_1152, %get3A_1153] {strides = array<i32>} : memref<2x64x256xf32, #tpu.memory_space<vmem>>, vector<1x1x16xf32>,
      %get3A_1155 = vector.shape_cast %get3A_1154 : vector<1x1x16xf32> to vector<16xf32>
      %eq3A_1156 = arith.cmpf oeq, %get3A_1155, %max3A_733 : vector<16xf32>
      %select_n3A_1157 = arith.select %eq3A_1156, %broadcast_in_dim3A_1148, %broadcast_in_dim3A_38 : vector<16xi1>, vector<16xi32>
      %min3A_1158 = arith.minsi %min3A_1140, %select_n3A_1157 : vector<16xi32>
      %eq3A_1159 = arith.cmpf oeq, %get3A_1155, %max3A_736 : vector<16xf32>
      %select_n3A_1160 = arith.select %eq3A_1159, %broadcast_in_dim3A_1148, %broadcast_in_dim3A_38 : vector<16xi1>, vector<16xi32>
      %min3A_1161 = arith.minsi %min3A_1143, %select_n3A_1160 : vector<16xi32>
      %sub3A_1162 = arith.subf %get3A_1155, %max3A_733 : vector<16xf32>
      %exp3A_1163 = math.exp %sub3A_1162 : vector<16xf32>
      %add3A_1164 = arith.addf %add3A_1128, %exp3A_1163 : vector<16xf32>
      %broadcast_in_dim3A_1165 = arith.constant 24 : i32
      %broadcast_in_dim3A_1166 = vector.broadcast %broadcast_in_dim3A_1165 : i32 to vector<16xi32>
      %get3A_1167 = arith.constant 0 : i32
      %get3A_1168 = arith.constant 24 : i32
      %get3A_1169 = arith.index_cast %get3A_1167 : i32 to index
      %get3A_1170 = arith.index_cast %get3A_1168 : i32 to index
      %get3A_1171 = arith.index_cast %mul3A_93 : i32 to index
      %get3A_1172 = tpu.vector_load %arg7[%get3A_1169, %get3A_1170, %get3A_1171] {strides = array<i32>} : memref<2x64x256xf32, #tpu.memory_space<vmem>>, vector<1x1x16xf32>,
      %get3A_1173 = vector.shape_cast %get3A_1172 : vector<1x1x16xf32> to vector<16xf32>
      %eq3A_1174 = arith.cmpf oeq, %get3A_1173, %max3A_733 : vector<16xf32>
      %select_n3A_1175 = arith.select %eq3A_1174, %broadcast_in_dim3A_1166, %broadcast_in_dim3A_38 : vector<16xi1>, vector<16xi32>
      %min3A_1176 = arith.minsi %min3A_1158, %select_n3A_1175 : vector<16xi32>
      %eq3A_1177 = arith.cmpf oeq, %get3A_1173, %max3A_736 : vector<16xf32>
      %select_n3A_1178 = arith.select %eq3A_1177, %broadcast_in_dim3A_1166, %broadcast_in_dim3A_38 : vector<16xi1>, vector<16xi32>
      %min3A_1179 = arith.minsi %min3A_1161, %select_n3A_1178 : vector<16xi32>
      %sub3A_1180 = arith.subf %get3A_1173, %max3A_733 : vector<16xf32>
      %exp3A_1181 = math.exp %sub3A_1180 : vector<16xf32>
      %add3A_1182 = arith.addf %add3A_1146, %exp3A_1181 : vector<16xf32>
      %broadcast_in_dim3A_1183 = arith.constant 25 : i32
      %broadcast_in_dim3A_1184 = vector.broadcast %broadcast_in_dim3A_1183 : i32 to vector<16xi32>
      %get3A_1185 = arith.constant 0 : i32
      %get3A_1186 = arith.constant 25 : i32
      %get3A_1187 = arith.index_cast %get3A_1185 : i32 to index
      %get3A_1188 = arith.index_cast %get3A_1186 : i32 to index
      %get3A_1189 = arith.index_cast %mul3A_93 : i32 to index
      %get3A_1190 = tpu.vector_load %arg7[%get3A_1187, %get3A_1188, %get3A_1189] {strides = array<i32>} : memref<2x64x256xf32, #tpu.memory_space<vmem>>, vector<1x1x16xf32>,
      %get3A_1191 = vector.shape_cast %get3A_1190 : vector<1x1x16xf32> to vector<16xf32>
      %eq3A_1192 = arith.cmpf oeq, %get3A_1191, %max3A_733 : vector<16xf32>
      %select_n3A_1193 = arith.select %eq3A_1192, %broadcast_in_dim3A_1184, %broadcast_in_dim3A_38 : vector<16xi1>, vector<16xi32>
      %min3A_1194 = arith.minsi %min3A_1176, %select_n3A_1193 : vector<16xi32>
      %eq3A_1195 = arith.cmpf oeq, %get3A_1191, %max3A_736 : vector<16xf32>
      %select_n3A_1196 = arith.select %eq3A_1195, %broadcast_in_dim3A_1184, %broadcast_in_dim3A_38 : vector<16xi1>, vector<16xi32>
      %min3A_1197 = arith.minsi %min3A_1179, %select_n3A_1196 : vector<16xi32>
      %sub3A_1198 = arith.subf %get3A_1191, %max3A_733 : vector<16xf32>
      %exp3A_1199 = math.exp %sub3A_1198 : vector<16xf32>
      %add3A_1200 = arith.addf %add3A_1164, %exp3A_1199 : vector<16xf32>
      %broadcast_in_dim3A_1201 = arith.constant 26 : i32
      %broadcast_in_dim3A_1202 = vector.broadcast %broadcast_in_dim3A_1201 : i32 to vector<16xi32>
      %get3A_1203 = arith.constant 0 : i32
      %get3A_1204 = arith.constant 26 : i32
      %get3A_1205 = arith.index_cast %get3A_1203 : i32 to index
      %get3A_1206 = arith.index_cast %get3A_1204 : i32 to index
      %get3A_1207 = arith.index_cast %mul3A_93 : i32 to index
      %get3A_1208 = tpu.vector_load %arg7[%get3A_1205, %get3A_1206, %get3A_1207] {strides = array<i32>} : memref<2x64x256xf32, #tpu.memory_space<vmem>>, vector<1x1x16xf32>,
      %get3A_1209 = vector.shape_cast %get3A_1208 : vector<1x1x16xf32> to vector<16xf32>
      %eq3A_1210 = arith.cmpf oeq, %get3A_1209, %max3A_733 : vector<16xf32>
      %select_n3A_1211 = arith.select %eq3A_1210, %broadcast_in_dim3A_1202, %broadcast_in_dim3A_38 : vector<16xi1>, vector<16xi32>
      %min3A_1212 = arith.minsi %min3A_1194, %select_n3A_1211 : vector<16xi32>
      %eq3A_1213 = arith.cmpf oeq, %get3A_1209, %max3A_736 : vector<16xf32>
      %select_n3A_1214 = arith.select %eq3A_1213, %broadcast_in_dim3A_1202, %broadcast_in_dim3A_38 : vector<16xi1>, vector<16xi32>
      %min3A_1215 = arith.minsi %min3A_1197, %select_n3A_1214 : vector<16xi32>
      %sub3A_1216 = arith.subf %get3A_1209, %max3A_733 : vector<16xf32>
      %exp3A_1217 = math.exp %sub3A_1216 : vector<16xf32>
      %add3A_1218 = arith.addf %add3A_1182, %exp3A_1217 : vector<16xf32>
      %broadcast_in_dim3A_1219 = arith.constant 27 : i32
      %broadcast_in_dim3A_1220 = vector.broadcast %broadcast_in_dim3A_1219 : i32 to vector<16xi32>
      %get3A_1221 = arith.constant 0 : i32
      %get3A_1222 = arith.constant 27 : i32
      %get3A_1223 = arith.index_cast %get3A_1221 : i32 to index
      %get3A_1224 = arith.index_cast %get3A_1222 : i32 to index
      %get3A_1225 = arith.index_cast %mul3A_93 : i32 to index
      %get3A_1226 = tpu.vector_load %arg7[%get3A_1223, %get3A_1224, %get3A_1225] {strides = array<i32>} : memref<2x64x256xf32, #tpu.memory_space<vmem>>, vector<1x1x16xf32>,
      %get3A_1227 = vector.shape_cast %get3A_1226 : vector<1x1x16xf32> to vector<16xf32>
      %eq3A_1228 = arith.cmpf oeq, %get3A_1227, %max3A_733 : vector<16xf32>
      %select_n3A_1229 = arith.select %eq3A_1228, %broadcast_in_dim3A_1220, %broadcast_in_dim3A_38 : vector<16xi1>, vector<16xi32>
      %min3A_1230 = arith.minsi %min3A_1212, %select_n3A_1229 : vector<16xi32>
      %eq3A_1231 = arith.cmpf oeq, %get3A_1227, %max3A_736 : vector<16xf32>
      %select_n3A_1232 = arith.select %eq3A_1231, %broadcast_in_dim3A_1220, %broadcast_in_dim3A_38 : vector<16xi1>, vector<16xi32>
      %min3A_1233 = arith.minsi %min3A_1215, %select_n3A_1232 : vector<16xi32>
      %sub3A_1234 = arith.subf %get3A_1227, %max3A_733 : vector<16xf32>
      %exp3A_1235 = math.exp %sub3A_1234 : vector<16xf32>
      %add3A_1236 = arith.addf %add3A_1200, %exp3A_1235 : vector<16xf32>
      %broadcast_in_dim3A_1237 = arith.constant 28 : i32
      %broadcast_in_dim3A_1238 = vector.broadcast %broadcast_in_dim3A_1237 : i32 to vector<16xi32>
      %get3A_1239 = arith.constant 0 : i32
      %get3A_1240 = arith.constant 28 : i32
      %get3A_1241 = arith.index_cast %get3A_1239 : i32 to index
      %get3A_1242 = arith.index_cast %get3A_1240 : i32 to index
      %get3A_1243 = arith.index_cast %mul3A_93 : i32 to index
      %get3A_1244 = tpu.vector_load %arg7[%get3A_1241, %get3A_1242, %get3A_1243] {strides = array<i32>} : memref<2x64x256xf32, #tpu.memory_space<vmem>>, vector<1x1x16xf32>,
      %get3A_1245 = vector.shape_cast %get3A_1244 : vector<1x1x16xf32> to vector<16xf32>
      %eq3A_1246 = arith.cmpf oeq, %get3A_1245, %max3A_733 : vector<16xf32>
      %select_n3A_1247 = arith.select %eq3A_1246, %broadcast_in_dim3A_1238, %broadcast_in_dim3A_38 : vector<16xi1>, vector<16xi32>
      %min3A_1248 = arith.minsi %min3A_1230, %select_n3A_1247 : vector<16xi32>
      %eq3A_1249 = arith.cmpf oeq, %get3A_1245, %max3A_736 : vector<16xf32>
      %select_n3A_1250 = arith.select %eq3A_1249, %broadcast_in_dim3A_1238, %broadcast_in_dim3A_38 : vector<16xi1>, vector<16xi32>
      %min3A_1251 = arith.minsi %min3A_1233, %select_n3A_1250 : vector<16xi32>
      %sub3A_1252 = arith.subf %get3A_1245, %max3A_733 : vector<16xf32>
      %exp3A_1253 = math.exp %sub3A_1252 : vector<16xf32>
      %add3A_1254 = arith.addf %add3A_1218, %exp3A_1253 : vector<16xf32>
      %broadcast_in_dim3A_1255 = arith.constant 29 : i32
      %broadcast_in_dim3A_1256 = vector.broadcast %broadcast_in_dim3A_1255 : i32 to vector<16xi32>
      %get3A_1257 = arith.constant 0 : i32
      %get3A_1258 = arith.constant 29 : i32
      %get3A_1259 = arith.index_cast %get3A_1257 : i32 to index
      %get3A_1260 = arith.index_cast %get3A_1258 : i32 to index
      %get3A_1261 = arith.index_cast %mul3A_93 : i32 to index
      %get3A_1262 = tpu.vector_load %arg7[%get3A_1259, %get3A_1260, %get3A_1261] {strides = array<i32>} : memref<2x64x256xf32, #tpu.memory_space<vmem>>, vector<1x1x16xf32>,
      %get3A_1263 = vector.shape_cast %get3A_1262 : vector<1x1x16xf32> to vector<16xf32>
      %eq3A_1264 = arith.cmpf oeq, %get3A_1263, %max3A_733 : vector<16xf32>
      %select_n3A_1265 = arith.select %eq3A_1264, %broadcast_in_dim3A_1256, %broadcast_in_dim3A_38 : vector<16xi1>, vector<16xi32>
      %min3A_1266 = arith.minsi %min3A_1248, %select_n3A_1265 : vector<16xi32>
      %eq3A_1267 = arith.cmpf oeq, %get3A_1263, %max3A_736 : vector<16xf32>
      %select_n3A_1268 = arith.select %eq3A_1267, %broadcast_in_dim3A_1256, %broadcast_in_dim3A_38 : vector<16xi1>, vector<16xi32>
      %min3A_1269 = arith.minsi %min3A_1251, %select_n3A_1268 : vector<16xi32>
      %sub3A_1270 = arith.subf %get3A_1263, %max3A_733 : vector<16xf32>
      %exp3A_1271 = math.exp %sub3A_1270 : vector<16xf32>
      %add3A_1272 = arith.addf %add3A_1236, %exp3A_1271 : vector<16xf32>
      %broadcast_in_dim3A_1273 = arith.constant 30 : i32
      %broadcast_in_dim3A_1274 = vector.broadcast %broadcast_in_dim3A_1273 : i32 to vector<16xi32>
      %get3A_1275 = arith.constant 0 : i32
      %get3A_1276 = arith.constant 30 : i32
      %get3A_1277 = arith.index_cast %get3A_1275 : i32 to index
      %get3A_1278 = arith.index_cast %get3A_1276 : i32 to index
      %get3A_1279 = arith.index_cast %mul3A_93 : i32 to index
      %get3A_1280 = tpu.vector_load %arg7[%get3A_1277, %get3A_1278, %get3A_1279] {strides = array<i32>} : memref<2x64x256xf32, #tpu.memory_space<vmem>>, vector<1x1x16xf32>,
      %get3A_1281 = vector.shape_cast %get3A_1280 : vector<1x1x16xf32> to vector<16xf32>
      %eq3A_1282 = arith.cmpf oeq, %get3A_1281, %max3A_733 : vector<16xf32>
      %select_n3A_1283 = arith.select %eq3A_1282, %broadcast_in_dim3A_1274, %broadcast_in_dim3A_38 : vector<16xi1>, vector<16xi32>
      %min3A_1284 = arith.minsi %min3A_1266, %select_n3A_1283 : vector<16xi32>
      %eq3A_1285 = arith.cmpf oeq, %get3A_1281, %max3A_736 : vector<16xf32>
      %select_n3A_1286 = arith.select %eq3A_1285, %broadcast_in_dim3A_1274, %broadcast_in_dim3A_38 : vector<16xi1>, vector<16xi32>
      %min3A_1287 = arith.minsi %min3A_1269, %select_n3A_1286 : vector<16xi32>
      %sub3A_1288 = arith.subf %get3A_1281, %max3A_733 : vector<16xf32>
      %exp3A_1289 = math.exp %sub3A_1288 : vector<16xf32>
      %add3A_1290 = arith.addf %add3A_1254, %exp3A_1289 : vector<16xf32>
      %broadcast_in_dim3A_1291 = arith.constant 31 : i32
      %broadcast_in_dim3A_1292 = vector.broadcast %broadcast_in_dim3A_1291 : i32 to vector<16xi32>
      %get3A_1293 = arith.constant 0 : i32
      %get3A_1294 = arith.constant 31 : i32
      %get3A_1295 = arith.index_cast %get3A_1293 : i32 to index
      %get3A_1296 = arith.index_cast %get3A_1294 : i32 to index
      %get3A_1297 = arith.index_cast %mul3A_93 : i32 to index
      %get3A_1298 = tpu.vector_load %arg7[%get3A_1295, %get3A_1296, %get3A_1297] {strides = array<i32>} : memref<2x64x256xf32, #tpu.memory_space<vmem>>, vector<1x1x16xf32>,
      %get3A_1299 = vector.shape_cast %get3A_1298 : vector<1x1x16xf32> to vector<16xf32>
      %eq3A_1300 = arith.cmpf oeq, %get3A_1299, %max3A_733 : vector<16xf32>
      %select_n3A_1301 = arith.select %eq3A_1300, %broadcast_in_dim3A_1292, %broadcast_in_dim3A_38 : vector<16xi1>, vector<16xi32>
      %min3A_1302 = arith.minsi %min3A_1284, %select_n3A_1301 : vector<16xi32>
      %eq3A_1303 = arith.cmpf oeq, %get3A_1299, %max3A_736 : vector<16xf32>
      %select_n3A_1304 = arith.select %eq3A_1303, %broadcast_in_dim3A_1292, %broadcast_in_dim3A_38 : vector<16xi1>, vector<16xi32>
      %min3A_1305 = arith.minsi %min3A_1287, %select_n3A_1304 : vector<16xi32>
      %sub3A_1306 = arith.subf %get3A_1299, %max3A_733 : vector<16xf32>
      %exp3A_1307 = math.exp %sub3A_1306 : vector<16xf32>
      %add3A_1308 = arith.addf %add3A_1272, %exp3A_1307 : vector<16xf32>
      %broadcast_in_dim3A_1309 = arith.constant 32 : i32
      %broadcast_in_dim3A_1310 = vector.broadcast %broadcast_in_dim3A_1309 : i32 to vector<16xi32>
      %get3A_1311 = arith.constant 0 : i32
      %get3A_1312 = arith.constant 32 : i32
      %get3A_1313 = arith.index_cast %get3A_1311 : i32 to index
      %get3A_1314 = arith.index_cast %get3A_1312 : i32 to index
      %get3A_1315 = arith.index_cast %mul3A_93 : i32 to index
      %get3A_1316 = tpu.vector_load %arg7[%get3A_1313, %get3A_1314, %get3A_1315] {strides = array<i32>} : memref<2x64x256xf32, #tpu.memory_space<vmem>>, vector<1x1x16xf32>,
      %get3A_1317 = vector.shape_cast %get3A_1316 : vector<1x1x16xf32> to vector<16xf32>
      %eq3A_1318 = arith.cmpf oeq, %get3A_1317, %max3A_733 : vector<16xf32>
      %select_n3A_1319 = arith.select %eq3A_1318, %broadcast_in_dim3A_1310, %broadcast_in_dim3A_38 : vector<16xi1>, vector<16xi32>
      %min3A_1320 = arith.minsi %min3A_1302, %select_n3A_1319 : vector<16xi32>
      %eq3A_1321 = arith.cmpf oeq, %get3A_1317, %max3A_736 : vector<16xf32>
      %select_n3A_1322 = arith.select %eq3A_1321, %broadcast_in_dim3A_1310, %broadcast_in_dim3A_38 : vector<16xi1>, vector<16xi32>
      %min3A_1323 = arith.minsi %min3A_1305, %select_n3A_1322 : vector<16xi32>
      %sub3A_1324 = arith.subf %get3A_1317, %max3A_733 : vector<16xf32>
      %exp3A_1325 = math.exp %sub3A_1324 : vector<16xf32>
      %add3A_1326 = arith.addf %add3A_1290, %exp3A_1325 : vector<16xf32>
      %broadcast_in_dim3A_1327 = arith.constant 33 : i32
      %broadcast_in_dim3A_1328 = vector.broadcast %broadcast_in_dim3A_1327 : i32 to vector<16xi32>
      %get3A_1329 = arith.constant 0 : i32
      %get3A_1330 = arith.constant 33 : i32
      %get3A_1331 = arith.index_cast %get3A_1329 : i32 to index
      %get3A_1332 = arith.index_cast %get3A_1330 : i32 to index
      %get3A_1333 = arith.index_cast %mul3A_93 : i32 to index
      %get3A_1334 = tpu.vector_load %arg7[%get3A_1331, %get3A_1332, %get3A_1333] {strides = array<i32>} : memref<2x64x256xf32, #tpu.memory_space<vmem>>, vector<1x1x16xf32>,
      %get3A_1335 = vector.shape_cast %get3A_1334 : vector<1x1x16xf32> to vector<16xf32>
      %eq3A_1336 = arith.cmpf oeq, %get3A_1335, %max3A_733 : vector<16xf32>
      %select_n3A_1337 = arith.select %eq3A_1336, %broadcast_in_dim3A_1328, %broadcast_in_dim3A_38 : vector<16xi1>, vector<16xi32>
      %min3A_1338 = arith.minsi %min3A_1320, %select_n3A_1337 : vector<16xi32>
      %eq3A_1339 = arith.cmpf oeq, %get3A_1335, %max3A_736 : vector<16xf32>
      %select_n3A_1340 = arith.select %eq3A_1339, %broadcast_in_dim3A_1328, %broadcast_in_dim3A_38 : vector<16xi1>, vector<16xi32>
      %min3A_1341 = arith.minsi %min3A_1323, %select_n3A_1340 : vector<16xi32>
      %sub3A_1342 = arith.subf %get3A_1335, %max3A_733 : vector<16xf32>
      %exp3A_1343 = math.exp %sub3A_1342 : vector<16xf32>
      %add3A_1344 = arith.addf %add3A_1308, %exp3A_1343 : vector<16xf32>
      %broadcast_in_dim3A_1345 = arith.constant 34 : i32
      %broadcast_in_dim3A_1346 = vector.broadcast %broadcast_in_dim3A_1345 : i32 to vector<16xi32>
      %get3A_1347 = arith.constant 0 : i32
      %get3A_1348 = arith.constant 34 : i32
      %get3A_1349 = arith.index_cast %get3A_1347 : i32 to index
      %get3A_1350 = arith.index_cast %get3A_1348 : i32 to index
      %get3A_1351 = arith.index_cast %mul3A_93 : i32 to index
      %get3A_1352 = tpu.vector_load %arg7[%get3A_1349, %get3A_1350, %get3A_1351] {strides = array<i32>} : memref<2x64x256xf32, #tpu.memory_space<vmem>>, vector<1x1x16xf32>,
      %get3A_1353 = vector.shape_cast %get3A_1352 : vector<1x1x16xf32> to vector<16xf32>
      %eq3A_1354 = arith.cmpf oeq, %get3A_1353, %max3A_733 : vector<16xf32>
      %select_n3A_1355 = arith.select %eq3A_1354, %broadcast_in_dim3A_1346, %broadcast_in_dim3A_38 : vector<16xi1>, vector<16xi32>
      %min3A_1356 = arith.minsi %min3A_1338, %select_n3A_1355 : vector<16xi32>
      %eq3A_1357 = arith.cmpf oeq, %get3A_1353, %max3A_736 : vector<16xf32>
      %select_n3A_1358 = arith.select %eq3A_1357, %broadcast_in_dim3A_1346, %broadcast_in_dim3A_38 : vector<16xi1>, vector<16xi32>
      %min3A_1359 = arith.minsi %min3A_1341, %select_n3A_1358 : vector<16xi32>
      %sub3A_1360 = arith.subf %get3A_1353, %max3A_733 : vector<16xf32>
      %exp3A_1361 = math.exp %sub3A_1360 : vector<16xf32>
      %add3A_1362 = arith.addf %add3A_1326, %exp3A_1361 : vector<16xf32>
      %broadcast_in_dim3A_1363 = arith.constant 35 : i32
      %broadcast_in_dim3A_1364 = vector.broadcast %broadcast_in_dim3A_1363 : i32 to vector<16xi32>
      %get3A_1365 = arith.constant 0 : i32
      %get3A_1366 = arith.constant 35 : i32
      %get3A_1367 = arith.index_cast %get3A_1365 : i32 to index
      %get3A_1368 = arith.index_cast %get3A_1366 : i32 to index
      %get3A_1369 = arith.index_cast %mul3A_93 : i32 to index
      %get3A_1370 = tpu.vector_load %arg7[%get3A_1367, %get3A_1368, %get3A_1369] {strides = array<i32>} : memref<2x64x256xf32, #tpu.memory_space<vmem>>, vector<1x1x16xf32>,
      %get3A_1371 = vector.shape_cast %get3A_1370 : vector<1x1x16xf32> to vector<16xf32>
      %eq3A_1372 = arith.cmpf oeq, %get3A_1371, %max3A_733 : vector<16xf32>
      %select_n3A_1373 = arith.select %eq3A_1372, %broadcast_in_dim3A_1364, %broadcast_in_dim3A_38 : vector<16xi1>, vector<16xi32>
      %min3A_1374 = arith.minsi %min3A_1356, %select_n3A_1373 : vector<16xi32>
      %eq3A_1375 = arith.cmpf oeq, %get3A_1371, %max3A_736 : vector<16xf32>
      %select_n3A_1376 = arith.select %eq3A_1375, %broadcast_in_dim3A_1364, %broadcast_in_dim3A_38 : vector<16xi1>, vector<16xi32>
      %min3A_1377 = arith.minsi %min3A_1359, %select_n3A_1376 : vector<16xi32>
      %sub3A_1378 = arith.subf %get3A_1371, %max3A_733 : vector<16xf32>
      %exp3A_1379 = math.exp %sub3A_1378 : vector<16xf32>
      %add3A_1380 = arith.addf %add3A_1344, %exp3A_1379 : vector<16xf32>
      %broadcast_in_dim3A_1381 = arith.constant 36 : i32
      %broadcast_in_dim3A_1382 = vector.broadcast %broadcast_in_dim3A_1381 : i32 to vector<16xi32>
      %get3A_1383 = arith.constant 0 : i32
      %get3A_1384 = arith.constant 36 : i32
      %get3A_1385 = arith.index_cast %get3A_1383 : i32 to index
      %get3A_1386 = arith.index_cast %get3A_1384 : i32 to index
      %get3A_1387 = arith.index_cast %mul3A_93 : i32 to index
      %get3A_1388 = tpu.vector_load %arg7[%get3A_1385, %get3A_1386, %get3A_1387] {strides = array<i32>} : memref<2x64x256xf32, #tpu.memory_space<vmem>>, vector<1x1x16xf32>,
      %get3A_1389 = vector.shape_cast %get3A_1388 : vector<1x1x16xf32> to vector<16xf32>
      %eq3A_1390 = arith.cmpf oeq, %get3A_1389, %max3A_733 : vector<16xf32>
      %select_n3A_1391 = arith.select %eq3A_1390, %broadcast_in_dim3A_1382, %broadcast_in_dim3A_38 : vector<16xi1>, vector<16xi32>
      %min3A_1392 = arith.minsi %min3A_1374, %select_n3A_1391 : vector<16xi32>
      %eq3A_1393 = arith.cmpf oeq, %get3A_1389, %max3A_736 : vector<16xf32>
      %select_n3A_1394 = arith.select %eq3A_1393, %broadcast_in_dim3A_1382, %broadcast_in_dim3A_38 : vector<16xi1>, vector<16xi32>
      %min3A_1395 = arith.minsi %min3A_1377, %select_n3A_1394 : vector<16xi32>
      %sub3A_1396 = arith.subf %get3A_1389, %max3A_733 : vector<16xf32>
      %exp3A_1397 = math.exp %sub3A_1396 : vector<16xf32>
      %add3A_1398 = arith.addf %add3A_1362, %exp3A_1397 : vector<16xf32>
      %broadcast_in_dim3A_1399 = arith.constant 37 : i32
      %broadcast_in_dim3A_1400 = vector.broadcast %broadcast_in_dim3A_1399 : i32 to vector<16xi32>
      %get3A_1401 = arith.constant 0 : i32
      %get3A_1402 = arith.constant 37 : i32
      %get3A_1403 = arith.index_cast %get3A_1401 : i32 to index
      %get3A_1404 = arith.index_cast %get3A_1402 : i32 to index
      %get3A_1405 = arith.index_cast %mul3A_93 : i32 to index
      %get3A_1406 = tpu.vector_load %arg7[%get3A_1403, %get3A_1404, %get3A_1405] {strides = array<i32>} : memref<2x64x256xf32, #tpu.memory_space<vmem>>, vector<1x1x16xf32>,
      %get3A_1407 = vector.shape_cast %get3A_1406 : vector<1x1x16xf32> to vector<16xf32>
      %eq3A_1408 = arith.cmpf oeq, %get3A_1407, %max3A_733 : vector<16xf32>
      %select_n3A_1409 = arith.select %eq3A_1408, %broadcast_in_dim3A_1400, %broadcast_in_dim3A_38 : vector<16xi1>, vector<16xi32>
      %min3A_1410 = arith.minsi %min3A_1392, %select_n3A_1409 : vector<16xi32>
      %eq3A_1411 = arith.cmpf oeq, %get3A_1407, %max3A_736 : vector<16xf32>
      %select_n3A_1412 = arith.select %eq3A_1411, %broadcast_in_dim3A_1400, %broadcast_in_dim3A_38 : vector<16xi1>, vector<16xi32>
      %min3A_1413 = arith.minsi %min3A_1395, %select_n3A_1412 : vector<16xi32>
      %sub3A_1414 = arith.subf %get3A_1407, %max3A_733 : vector<16xf32>
      %exp3A_1415 = math.exp %sub3A_1414 : vector<16xf32>
      %add3A_1416 = arith.addf %add3A_1380, %exp3A_1415 : vector<16xf32>
      %broadcast_in_dim3A_1417 = arith.constant 38 : i32
      %broadcast_in_dim3A_1418 = vector.broadcast %broadcast_in_dim3A_1417 : i32 to vector<16xi32>
      %get3A_1419 = arith.constant 0 : i32
      %get3A_1420 = arith.constant 38 : i32
      %get3A_1421 = arith.index_cast %get3A_1419 : i32 to index
      %get3A_1422 = arith.index_cast %get3A_1420 : i32 to index
      %get3A_1423 = arith.index_cast %mul3A_93 : i32 to index
      %get3A_1424 = tpu.vector_load %arg7[%get3A_1421, %get3A_1422, %get3A_1423] {strides = array<i32>} : memref<2x64x256xf32, #tpu.memory_space<vmem>>, vector<1x1x16xf32>,
      %get3A_1425 = vector.shape_cast %get3A_1424 : vector<1x1x16xf32> to vector<16xf32>
      %eq3A_1426 = arith.cmpf oeq, %get3A_1425, %max3A_733 : vector<16xf32>
      %select_n3A_1427 = arith.select %eq3A_1426, %broadcast_in_dim3A_1418, %broadcast_in_dim3A_38 : vector<16xi1>, vector<16xi32>
      %min3A_1428 = arith.minsi %min3A_1410, %select_n3A_1427 : vector<16xi32>
      %eq3A_1429 = arith.cmpf oeq, %get3A_1425, %max3A_736 : vector<16xf32>
      %select_n3A_1430 = arith.select %eq3A_1429, %broadcast_in_dim3A_1418, %broadcast_in_dim3A_38 : vector<16xi1>, vector<16xi32>
      %min3A_1431 = arith.minsi %min3A_1413, %select_n3A_1430 : vector<16xi32>
      %sub3A_1432 = arith.subf %get3A_1425, %max3A_733 : vector<16xf32>
      %exp3A_1433 = math.exp %sub3A_1432 : vector<16xf32>
      %add3A_1434 = arith.addf %add3A_1398, %exp3A_1433 : vector<16xf32>
      %broadcast_in_dim3A_1435 = arith.constant 39 : i32
      %broadcast_in_dim3A_1436 = vector.broadcast %broadcast_in_dim3A_1435 : i32 to vector<16xi32>
      %get3A_1437 = arith.constant 0 : i32
      %get3A_1438 = arith.constant 39 : i32
      %get3A_1439 = arith.index_cast %get3A_1437 : i32 to index
      %get3A_1440 = arith.index_cast %get3A_1438 : i32 to index
      %get3A_1441 = arith.index_cast %mul3A_93 : i32 to index
      %get3A_1442 = tpu.vector_load %arg7[%get3A_1439, %get3A_1440, %get3A_1441] {strides = array<i32>} : memref<2x64x256xf32, #tpu.memory_space<vmem>>, vector<1x1x16xf32>,
      %get3A_1443 = vector.shape_cast %get3A_1442 : vector<1x1x16xf32> to vector<16xf32>
      %eq3A_1444 = arith.cmpf oeq, %get3A_1443, %max3A_733 : vector<16xf32>
      %select_n3A_1445 = arith.select %eq3A_1444, %broadcast_in_dim3A_1436, %broadcast_in_dim3A_38 : vector<16xi1>, vector<16xi32>
      %min3A_1446 = arith.minsi %min3A_1428, %select_n3A_1445 : vector<16xi32>
      %eq3A_1447 = arith.cmpf oeq, %get3A_1443, %max3A_736 : vector<16xf32>
      %select_n3A_1448 = arith.select %eq3A_1447, %broadcast_in_dim3A_1436, %broadcast_in_dim3A_38 : vector<16xi1>, vector<16xi32>
      %min3A_1449 = arith.minsi %min3A_1431, %select_n3A_1448 : vector<16xi32>
      %sub3A_1450 = arith.subf %get3A_1443, %max3A_733 : vector<16xf32>
      %exp3A_1451 = math.exp %sub3A_1450 : vector<16xf32>
      %add3A_1452 = arith.addf %add3A_1416, %exp3A_1451 : vector<16xf32>
      %broadcast_in_dim3A_1453 = arith.constant 40 : i32
      %broadcast_in_dim3A_1454 = vector.broadcast %broadcast_in_dim3A_1453 : i32 to vector<16xi32>
      %get3A_1455 = arith.constant 0 : i32
      %get3A_1456 = arith.constant 40 : i32
      %get3A_1457 = arith.index_cast %get3A_1455 : i32 to index
      %get3A_1458 = arith.index_cast %get3A_1456 : i32 to index
      %get3A_1459 = arith.index_cast %mul3A_93 : i32 to index
      %get3A_1460 = tpu.vector_load %arg7[%get3A_1457, %get3A_1458, %get3A_1459] {strides = array<i32>} : memref<2x64x256xf32, #tpu.memory_space<vmem>>, vector<1x1x16xf32>,
      %get3A_1461 = vector.shape_cast %get3A_1460 : vector<1x1x16xf32> to vector<16xf32>
      %eq3A_1462 = arith.cmpf oeq, %get3A_1461, %max3A_733 : vector<16xf32>
      %select_n3A_1463 = arith.select %eq3A_1462, %broadcast_in_dim3A_1454, %broadcast_in_dim3A_38 : vector<16xi1>, vector<16xi32>
      %min3A_1464 = arith.minsi %min3A_1446, %select_n3A_1463 : vector<16xi32>
      %eq3A_1465 = arith.cmpf oeq, %get3A_1461, %max3A_736 : vector<16xf32>
      %select_n3A_1466 = arith.select %eq3A_1465, %broadcast_in_dim3A_1454, %broadcast_in_dim3A_38 : vector<16xi1>, vector<16xi32>
      %min3A_1467 = arith.minsi %min3A_1449, %select_n3A_1466 : vector<16xi32>
      %sub3A_1468 = arith.subf %get3A_1461, %max3A_733 : vector<16xf32>
      %exp3A_1469 = math.exp %sub3A_1468 : vector<16xf32>
      %add3A_1470 = arith.addf %add3A_1434, %exp3A_1469 : vector<16xf32>
      %broadcast_in_dim3A_1471 = arith.constant 41 : i32
      %broadcast_in_dim3A_1472 = vector.broadcast %broadcast_in_dim3A_1471 : i32 to vector<16xi32>
      %get3A_1473 = arith.constant 0 : i32
      %get3A_1474 = arith.constant 41 : i32
      %get3A_1475 = arith.index_cast %get3A_1473 : i32 to index
      %get3A_1476 = arith.index_cast %get3A_1474 : i32 to index
      %get3A_1477 = arith.index_cast %mul3A_93 : i32 to index
      %get3A_1478 = tpu.vector_load %arg7[%get3A_1475, %get3A_1476, %get3A_1477] {strides = array<i32>} : memref<2x64x256xf32, #tpu.memory_space<vmem>>, vector<1x1x16xf32>,
      %get3A_1479 = vector.shape_cast %get3A_1478 : vector<1x1x16xf32> to vector<16xf32>
      %eq3A_1480 = arith.cmpf oeq, %get3A_1479, %max3A_733 : vector<16xf32>
      %select_n3A_1481 = arith.select %eq3A_1480, %broadcast_in_dim3A_1472, %broadcast_in_dim3A_38 : vector<16xi1>, vector<16xi32>
      %min3A_1482 = arith.minsi %min3A_1464, %select_n3A_1481 : vector<16xi32>
      %eq3A_1483 = arith.cmpf oeq, %get3A_1479, %max3A_736 : vector<16xf32>
      %select_n3A_1484 = arith.select %eq3A_1483, %broadcast_in_dim3A_1472, %broadcast_in_dim3A_38 : vector<16xi1>, vector<16xi32>
      %min3A_1485 = arith.minsi %min3A_1467, %select_n3A_1484 : vector<16xi32>
      %sub3A_1486 = arith.subf %get3A_1479, %max3A_733 : vector<16xf32>
      %exp3A_1487 = math.exp %sub3A_1486 : vector<16xf32>
      %add3A_1488 = arith.addf %add3A_1452, %exp3A_1487 : vector<16xf32>
      %broadcast_in_dim3A_1489 = arith.constant 42 : i32
      %broadcast_in_dim3A_1490 = vector.broadcast %broadcast_in_dim3A_1489 : i32 to vector<16xi32>
      %get3A_1491 = arith.constant 0 : i32
      %get3A_1492 = arith.constant 42 : i32
      %get3A_1493 = arith.index_cast %get3A_1491 : i32 to index
      %get3A_1494 = arith.index_cast %get3A_1492 : i32 to index
      %get3A_1495 = arith.index_cast %mul3A_93 : i32 to index
      %get3A_1496 = tpu.vector_load %arg7[%get3A_1493, %get3A_1494, %get3A_1495] {strides = array<i32>} : memref<2x64x256xf32, #tpu.memory_space<vmem>>, vector<1x1x16xf32>,
      %get3A_1497 = vector.shape_cast %get3A_1496 : vector<1x1x16xf32> to vector<16xf32>
      %eq3A_1498 = arith.cmpf oeq, %get3A_1497, %max3A_733 : vector<16xf32>
      %select_n3A_1499 = arith.select %eq3A_1498, %broadcast_in_dim3A_1490, %broadcast_in_dim3A_38 : vector<16xi1>, vector<16xi32>
      %min3A_1500 = arith.minsi %min3A_1482, %select_n3A_1499 : vector<16xi32>
      %eq3A_1501 = arith.cmpf oeq, %get3A_1497, %max3A_736 : vector<16xf32>
      %select_n3A_1502 = arith.select %eq3A_1501, %broadcast_in_dim3A_1490, %broadcast_in_dim3A_38 : vector<16xi1>, vector<16xi32>
      %min3A_1503 = arith.minsi %min3A_1485, %select_n3A_1502 : vector<16xi32>
      %sub3A_1504 = arith.subf %get3A_1497, %max3A_733 : vector<16xf32>
      %exp3A_1505 = math.exp %sub3A_1504 : vector<16xf32>
      %add3A_1506 = arith.addf %add3A_1470, %exp3A_1505 : vector<16xf32>
      %broadcast_in_dim3A_1507 = arith.constant 43 : i32
      %broadcast_in_dim3A_1508 = vector.broadcast %broadcast_in_dim3A_1507 : i32 to vector<16xi32>
      %get3A_1509 = arith.constant 0 : i32
      %get3A_1510 = arith.constant 43 : i32
      %get3A_1511 = arith.index_cast %get3A_1509 : i32 to index
      %get3A_1512 = arith.index_cast %get3A_1510 : i32 to index
      %get3A_1513 = arith.index_cast %mul3A_93 : i32 to index
      %get3A_1514 = tpu.vector_load %arg7[%get3A_1511, %get3A_1512, %get3A_1513] {strides = array<i32>} : memref<2x64x256xf32, #tpu.memory_space<vmem>>, vector<1x1x16xf32>,
      %get3A_1515 = vector.shape_cast %get3A_1514 : vector<1x1x16xf32> to vector<16xf32>
      %eq3A_1516 = arith.cmpf oeq, %get3A_1515, %max3A_733 : vector<16xf32>
      %select_n3A_1517 = arith.select %eq3A_1516, %broadcast_in_dim3A_1508, %broadcast_in_dim3A_38 : vector<16xi1>, vector<16xi32>
      %min3A_1518 = arith.minsi %min3A_1500, %select_n3A_1517 : vector<16xi32>
      %eq3A_1519 = arith.cmpf oeq, %get3A_1515, %max3A_736 : vector<16xf32>
      %select_n3A_1520 = arith.select %eq3A_1519, %broadcast_in_dim3A_1508, %broadcast_in_dim3A_38 : vector<16xi1>, vector<16xi32>
      %min3A_1521 = arith.minsi %min3A_1503, %select_n3A_1520 : vector<16xi32>
      %sub3A_1522 = arith.subf %get3A_1515, %max3A_733 : vector<16xf32>
      %exp3A_1523 = math.exp %sub3A_1522 : vector<16xf32>
      %add3A_1524 = arith.addf %add3A_1488, %exp3A_1523 : vector<16xf32>
      %broadcast_in_dim3A_1525 = arith.constant 44 : i32
      %broadcast_in_dim3A_1526 = vector.broadcast %broadcast_in_dim3A_1525 : i32 to vector<16xi32>
      %get3A_1527 = arith.constant 0 : i32
      %get3A_1528 = arith.constant 44 : i32
      %get3A_1529 = arith.index_cast %get3A_1527 : i32 to index
      %get3A_1530 = arith.index_cast %get3A_1528 : i32 to index
      %get3A_1531 = arith.index_cast %mul3A_93 : i32 to index
      %get3A_1532 = tpu.vector_load %arg7[%get3A_1529, %get3A_1530, %get3A_1531] {strides = array<i32>} : memref<2x64x256xf32, #tpu.memory_space<vmem>>, vector<1x1x16xf32>,
      %get3A_1533 = vector.shape_cast %get3A_1532 : vector<1x1x16xf32> to vector<16xf32>
      %eq3A_1534 = arith.cmpf oeq, %get3A_1533, %max3A_733 : vector<16xf32>
      %select_n3A_1535 = arith.select %eq3A_1534, %broadcast_in_dim3A_1526, %broadcast_in_dim3A_38 : vector<16xi1>, vector<16xi32>
      %min3A_1536 = arith.minsi %min3A_1518, %select_n3A_1535 : vector<16xi32>
      %eq3A_1537 = arith.cmpf oeq, %get3A_1533, %max3A_736 : vector<16xf32>
      %select_n3A_1538 = arith.select %eq3A_1537, %broadcast_in_dim3A_1526, %broadcast_in_dim3A_38 : vector<16xi1>, vector<16xi32>
      %min3A_1539 = arith.minsi %min3A_1521, %select_n3A_1538 : vector<16xi32>
      %sub3A_1540 = arith.subf %get3A_1533, %max3A_733 : vector<16xf32>
      %exp3A_1541 = math.exp %sub3A_1540 : vector<16xf32>
      %add3A_1542 = arith.addf %add3A_1506, %exp3A_1541 : vector<16xf32>
      %broadcast_in_dim3A_1543 = arith.constant 45 : i32
      %broadcast_in_dim3A_1544 = vector.broadcast %broadcast_in_dim3A_1543 : i32 to vector<16xi32>
      %get3A_1545 = arith.constant 0 : i32
      %get3A_1546 = arith.constant 45 : i32
      %get3A_1547 = arith.index_cast %get3A_1545 : i32 to index
      %get3A_1548 = arith.index_cast %get3A_1546 : i32 to index
      %get3A_1549 = arith.index_cast %mul3A_93 : i32 to index
      %get3A_1550 = tpu.vector_load %arg7[%get3A_1547, %get3A_1548, %get3A_1549] {strides = array<i32>} : memref<2x64x256xf32, #tpu.memory_space<vmem>>, vector<1x1x16xf32>,
      %get3A_1551 = vector.shape_cast %get3A_1550 : vector<1x1x16xf32> to vector<16xf32>
      %eq3A_1552 = arith.cmpf oeq, %get3A_1551, %max3A_733 : vector<16xf32>
      %select_n3A_1553 = arith.select %eq3A_1552, %broadcast_in_dim3A_1544, %broadcast_in_dim3A_38 : vector<16xi1>, vector<16xi32>
      %min3A_1554 = arith.minsi %min3A_1536, %select_n3A_1553 : vector<16xi32>
      %eq3A_1555 = arith.cmpf oeq, %get3A_1551, %max3A_736 : vector<16xf32>
      %select_n3A_1556 = arith.select %eq3A_1555, %broadcast_in_dim3A_1544, %broadcast_in_dim3A_38 : vector<16xi1>, vector<16xi32>
      %min3A_1557 = arith.minsi %min3A_1539, %select_n3A_1556 : vector<16xi32>
      %sub3A_1558 = arith.subf %get3A_1551, %max3A_733 : vector<16xf32>
      %exp3A_1559 = math.exp %sub3A_1558 : vector<16xf32>
      %add3A_1560 = arith.addf %add3A_1524, %exp3A_1559 : vector<16xf32>
      %broadcast_in_dim3A_1561 = arith.constant 46 : i32
      %broadcast_in_dim3A_1562 = vector.broadcast %broadcast_in_dim3A_1561 : i32 to vector<16xi32>
      %get3A_1563 = arith.constant 0 : i32
      %get3A_1564 = arith.constant 46 : i32
      %get3A_1565 = arith.index_cast %get3A_1563 : i32 to index
      %get3A_1566 = arith.index_cast %get3A_1564 : i32 to index
      %get3A_1567 = arith.index_cast %mul3A_93 : i32 to index
      %get3A_1568 = tpu.vector_load %arg7[%get3A_1565, %get3A_1566, %get3A_1567] {strides = array<i32>} : memref<2x64x256xf32, #tpu.memory_space<vmem>>, vector<1x1x16xf32>,
      %get3A_1569 = vector.shape_cast %get3A_1568 : vector<1x1x16xf32> to vector<16xf32>
      %eq3A_1570 = arith.cmpf oeq, %get3A_1569, %max3A_733 : vector<16xf32>
      %select_n3A_1571 = arith.select %eq3A_1570, %broadcast_in_dim3A_1562, %broadcast_in_dim3A_38 : vector<16xi1>, vector<16xi32>
      %min3A_1572 = arith.minsi %min3A_1554, %select_n3A_1571 : vector<16xi32>
      %eq3A_1573 = arith.cmpf oeq, %get3A_1569, %max3A_736 : vector<16xf32>
      %select_n3A_1574 = arith.select %eq3A_1573, %broadcast_in_dim3A_1562, %broadcast_in_dim3A_38 : vector<16xi1>, vector<16xi32>
      %min3A_1575 = arith.minsi %min3A_1557, %select_n3A_1574 : vector<16xi32>
      %sub3A_1576 = arith.subf %get3A_1569, %max3A_733 : vector<16xf32>
      %exp3A_1577 = math.exp %sub3A_1576 : vector<16xf32>
      %add3A_1578 = arith.addf %add3A_1542, %exp3A_1577 : vector<16xf32>
      %broadcast_in_dim3A_1579 = arith.constant 47 : i32
      %broadcast_in_dim3A_1580 = vector.broadcast %broadcast_in_dim3A_1579 : i32 to vector<16xi32>
      %get3A_1581 = arith.constant 0 : i32
      %get3A_1582 = arith.constant 47 : i32
      %get3A_1583 = arith.index_cast %get3A_1581 : i32 to index
      %get3A_1584 = arith.index_cast %get3A_1582 : i32 to index
      %get3A_1585 = arith.index_cast %mul3A_93 : i32 to index
      %get3A_1586 = tpu.vector_load %arg7[%get3A_1583, %get3A_1584, %get3A_1585] {strides = array<i32>} : memref<2x64x256xf32, #tpu.memory_space<vmem>>, vector<1x1x16xf32>,
      %get3A_1587 = vector.shape_cast %get3A_1586 : vector<1x1x16xf32> to vector<16xf32>
      %eq3A_1588 = arith.cmpf oeq, %get3A_1587, %max3A_733 : vector<16xf32>
      %select_n3A_1589 = arith.select %eq3A_1588, %broadcast_in_dim3A_1580, %broadcast_in_dim3A_38 : vector<16xi1>, vector<16xi32>
      %min3A_1590 = arith.minsi %min3A_1572, %select_n3A_1589 : vector<16xi32>
      %eq3A_1591 = arith.cmpf oeq, %get3A_1587, %max3A_736 : vector<16xf32>
      %select_n3A_1592 = arith.select %eq3A_1591, %broadcast_in_dim3A_1580, %broadcast_in_dim3A_38 : vector<16xi1>, vector<16xi32>
      %min3A_1593 = arith.minsi %min3A_1575, %select_n3A_1592 : vector<16xi32>
      %sub3A_1594 = arith.subf %get3A_1587, %max3A_733 : vector<16xf32>
      %exp3A_1595 = math.exp %sub3A_1594 : vector<16xf32>
      %add3A_1596 = arith.addf %add3A_1560, %exp3A_1595 : vector<16xf32>
      %broadcast_in_dim3A_1597 = arith.constant 48 : i32
      %broadcast_in_dim3A_1598 = vector.broadcast %broadcast_in_dim3A_1597 : i32 to vector<16xi32>
      %get3A_1599 = arith.constant 0 : i32
      %get3A_1600 = arith.constant 48 : i32
      %get3A_1601 = arith.index_cast %get3A_1599 : i32 to index
      %get3A_1602 = arith.index_cast %get3A_1600 : i32 to index
      %get3A_1603 = arith.index_cast %mul3A_93 : i32 to index
      %get3A_1604 = tpu.vector_load %arg7[%get3A_1601, %get3A_1602, %get3A_1603] {strides = array<i32>} : memref<2x64x256xf32, #tpu.memory_space<vmem>>, vector<1x1x16xf32>,
      %get3A_1605 = vector.shape_cast %get3A_1604 : vector<1x1x16xf32> to vector<16xf32>
      %eq3A_1606 = arith.cmpf oeq, %get3A_1605, %max3A_733 : vector<16xf32>
      %select_n3A_1607 = arith.select %eq3A_1606, %broadcast_in_dim3A_1598, %broadcast_in_dim3A_38 : vector<16xi1>, vector<16xi32>
      %min3A_1608 = arith.minsi %min3A_1590, %select_n3A_1607 : vector<16xi32>
      %eq3A_1609 = arith.cmpf oeq, %get3A_1605, %max3A_736 : vector<16xf32>
      %select_n3A_1610 = arith.select %eq3A_1609, %broadcast_in_dim3A_1598, %broadcast_in_dim3A_38 : vector<16xi1>, vector<16xi32>
      %min3A_1611 = arith.minsi %min3A_1593, %select_n3A_1610 : vector<16xi32>
      %sub3A_1612 = arith.subf %get3A_1605, %max3A_733 : vector<16xf32>
      %exp3A_1613 = math.exp %sub3A_1612 : vector<16xf32>
      %add3A_1614 = arith.addf %add3A_1578, %exp3A_1613 : vector<16xf32>
      %broadcast_in_dim3A_1615 = arith.constant 49 : i32
      %broadcast_in_dim3A_1616 = vector.broadcast %broadcast_in_dim3A_1615 : i32 to vector<16xi32>
      %get3A_1617 = arith.constant 0 : i32
      %get3A_1618 = arith.constant 49 : i32
      %get3A_1619 = arith.index_cast %get3A_1617 : i32 to index
      %get3A_1620 = arith.index_cast %get3A_1618 : i32 to index
      %get3A_1621 = arith.index_cast %mul3A_93 : i32 to index
      %get3A_1622 = tpu.vector_load %arg7[%get3A_1619, %get3A_1620, %get3A_1621] {strides = array<i32>} : memref<2x64x256xf32, #tpu.memory_space<vmem>>, vector<1x1x16xf32>,
      %get3A_1623 = vector.shape_cast %get3A_1622 : vector<1x1x16xf32> to vector<16xf32>
      %eq3A_1624 = arith.cmpf oeq, %get3A_1623, %max3A_733 : vector<16xf32>
      %select_n3A_1625 = arith.select %eq3A_1624, %broadcast_in_dim3A_1616, %broadcast_in_dim3A_38 : vector<16xi1>, vector<16xi32>
      %min3A_1626 = arith.minsi %min3A_1608, %select_n3A_1625 : vector<16xi32>
      %eq3A_1627 = arith.cmpf oeq, %get3A_1623, %max3A_736 : vector<16xf32>
      %select_n3A_1628 = arith.select %eq3A_1627, %broadcast_in_dim3A_1616, %broadcast_in_dim3A_38 : vector<16xi1>, vector<16xi32>
      %min3A_1629 = arith.minsi %min3A_1611, %select_n3A_1628 : vector<16xi32>
      %sub3A_1630 = arith.subf %get3A_1623, %max3A_733 : vector<16xf32>
      %exp3A_1631 = math.exp %sub3A_1630 : vector<16xf32>
      %add3A_1632 = arith.addf %add3A_1596, %exp3A_1631 : vector<16xf32>
      %broadcast_in_dim3A_1633 = arith.constant 50 : i32
      %broadcast_in_dim3A_1634 = vector.broadcast %broadcast_in_dim3A_1633 : i32 to vector<16xi32>
      %get3A_1635 = arith.constant 0 : i32
      %get3A_1636 = arith.constant 50 : i32
      %get3A_1637 = arith.index_cast %get3A_1635 : i32 to index
      %get3A_1638 = arith.index_cast %get3A_1636 : i32 to index
      %get3A_1639 = arith.index_cast %mul3A_93 : i32 to index
      %get3A_1640 = tpu.vector_load %arg7[%get3A_1637, %get3A_1638, %get3A_1639] {strides = array<i32>} : memref<2x64x256xf32, #tpu.memory_space<vmem>>, vector<1x1x16xf32>,
      %get3A_1641 = vector.shape_cast %get3A_1640 : vector<1x1x16xf32> to vector<16xf32>
      %eq3A_1642 = arith.cmpf oeq, %get3A_1641, %max3A_733 : vector<16xf32>
      %select_n3A_1643 = arith.select %eq3A_1642, %broadcast_in_dim3A_1634, %broadcast_in_dim3A_38 : vector<16xi1>, vector<16xi32>
      %min3A_1644 = arith.minsi %min3A_1626, %select_n3A_1643 : vector<16xi32>
      %eq3A_1645 = arith.cmpf oeq, %get3A_1641, %max3A_736 : vector<16xf32>
      %select_n3A_1646 = arith.select %eq3A_1645, %broadcast_in_dim3A_1634, %broadcast_in_dim3A_38 : vector<16xi1>, vector<16xi32>
      %min3A_1647 = arith.minsi %min3A_1629, %select_n3A_1646 : vector<16xi32>
      %sub3A_1648 = arith.subf %get3A_1641, %max3A_733 : vector<16xf32>
      %exp3A_1649 = math.exp %sub3A_1648 : vector<16xf32>
      %add3A_1650 = arith.addf %add3A_1614, %exp3A_1649 : vector<16xf32>
      %broadcast_in_dim3A_1651 = arith.constant 51 : i32
      %broadcast_in_dim3A_1652 = vector.broadcast %broadcast_in_dim3A_1651 : i32 to vector<16xi32>
      %get3A_1653 = arith.constant 0 : i32
      %get3A_1654 = arith.constant 51 : i32
      %get3A_1655 = arith.index_cast %get3A_1653 : i32 to index
      %get3A_1656 = arith.index_cast %get3A_1654 : i32 to index
      %get3A_1657 = arith.index_cast %mul3A_93 : i32 to index
      %get3A_1658 = tpu.vector_load %arg7[%get3A_1655, %get3A_1656, %get3A_1657] {strides = array<i32>} : memref<2x64x256xf32, #tpu.memory_space<vmem>>, vector<1x1x16xf32>,
      %get3A_1659 = vector.shape_cast %get3A_1658 : vector<1x1x16xf32> to vector<16xf32>
      %eq3A_1660 = arith.cmpf oeq, %get3A_1659, %max3A_733 : vector<16xf32>
      %select_n3A_1661 = arith.select %eq3A_1660, %broadcast_in_dim3A_1652, %broadcast_in_dim3A_38 : vector<16xi1>, vector<16xi32>
      %min3A_1662 = arith.minsi %min3A_1644, %select_n3A_1661 : vector<16xi32>
      %eq3A_1663 = arith.cmpf oeq, %get3A_1659, %max3A_736 : vector<16xf32>
      %select_n3A_1664 = arith.select %eq3A_1663, %broadcast_in_dim3A_1652, %broadcast_in_dim3A_38 : vector<16xi1>, vector<16xi32>
      %min3A_1665 = arith.minsi %min3A_1647, %select_n3A_1664 : vector<16xi32>
      %sub3A_1666 = arith.subf %get3A_1659, %max3A_733 : vector<16xf32>
      %exp3A_1667 = math.exp %sub3A_1666 : vector<16xf32>
      %add3A_1668 = arith.addf %add3A_1632, %exp3A_1667 : vector<16xf32>
      %broadcast_in_dim3A_1669 = arith.constant 52 : i32
      %broadcast_in_dim3A_1670 = vector.broadcast %broadcast_in_dim3A_1669 : i32 to vector<16xi32>
      %get3A_1671 = arith.constant 0 : i32
      %get3A_1672 = arith.constant 52 : i32
      %get3A_1673 = arith.index_cast %get3A_1671 : i32 to index
      %get3A_1674 = arith.index_cast %get3A_1672 : i32 to index
      %get3A_1675 = arith.index_cast %mul3A_93 : i32 to index
      %get3A_1676 = tpu.vector_load %arg7[%get3A_1673, %get3A_1674, %get3A_1675] {strides = array<i32>} : memref<2x64x256xf32, #tpu.memory_space<vmem>>, vector<1x1x16xf32>,
      %get3A_1677 = vector.shape_cast %get3A_1676 : vector<1x1x16xf32> to vector<16xf32>
      %eq3A_1678 = arith.cmpf oeq, %get3A_1677, %max3A_733 : vector<16xf32>
      %select_n3A_1679 = arith.select %eq3A_1678, %broadcast_in_dim3A_1670, %broadcast_in_dim3A_38 : vector<16xi1>, vector<16xi32>
      %min3A_1680 = arith.minsi %min3A_1662, %select_n3A_1679 : vector<16xi32>
      %eq3A_1681 = arith.cmpf oeq, %get3A_1677, %max3A_736 : vector<16xf32>
      %select_n3A_1682 = arith.select %eq3A_1681, %broadcast_in_dim3A_1670, %broadcast_in_dim3A_38 : vector<16xi1>, vector<16xi32>
      %min3A_1683 = arith.minsi %min3A_1665, %select_n3A_1682 : vector<16xi32>
      %sub3A_1684 = arith.subf %get3A_1677, %max3A_733 : vector<16xf32>
      %exp3A_1685 = math.exp %sub3A_1684 : vector<16xf32>
      %add3A_1686 = arith.addf %add3A_1650, %exp3A_1685 : vector<16xf32>
      %broadcast_in_dim3A_1687 = arith.constant 53 : i32
      %broadcast_in_dim3A_1688 = vector.broadcast %broadcast_in_dim3A_1687 : i32 to vector<16xi32>
      %get3A_1689 = arith.constant 0 : i32
      %get3A_1690 = arith.constant 53 : i32
      %get3A_1691 = arith.index_cast %get3A_1689 : i32 to index
      %get3A_1692 = arith.index_cast %get3A_1690 : i32 to index
      %get3A_1693 = arith.index_cast %mul3A_93 : i32 to index
      %get3A_1694 = tpu.vector_load %arg7[%get3A_1691, %get3A_1692, %get3A_1693] {strides = array<i32>} : memref<2x64x256xf32, #tpu.memory_space<vmem>>, vector<1x1x16xf32>,
      %get3A_1695 = vector.shape_cast %get3A_1694 : vector<1x1x16xf32> to vector<16xf32>
      %eq3A_1696 = arith.cmpf oeq, %get3A_1695, %max3A_733 : vector<16xf32>
      %select_n3A_1697 = arith.select %eq3A_1696, %broadcast_in_dim3A_1688, %broadcast_in_dim3A_38 : vector<16xi1>, vector<16xi32>
      %min3A_1698 = arith.minsi %min3A_1680, %select_n3A_1697 : vector<16xi32>
      %eq3A_1699 = arith.cmpf oeq, %get3A_1695, %max3A_736 : vector<16xf32>
      %select_n3A_1700 = arith.select %eq3A_1699, %broadcast_in_dim3A_1688, %broadcast_in_dim3A_38 : vector<16xi1>, vector<16xi32>
      %min3A_1701 = arith.minsi %min3A_1683, %select_n3A_1700 : vector<16xi32>
      %sub3A_1702 = arith.subf %get3A_1695, %max3A_733 : vector<16xf32>
      %exp3A_1703 = math.exp %sub3A_1702 : vector<16xf32>
      %add3A_1704 = arith.addf %add3A_1668, %exp3A_1703 : vector<16xf32>
      %broadcast_in_dim3A_1705 = arith.constant 54 : i32
      %broadcast_in_dim3A_1706 = vector.broadcast %broadcast_in_dim3A_1705 : i32 to vector<16xi32>
      %get3A_1707 = arith.constant 0 : i32
      %get3A_1708 = arith.constant 54 : i32
      %get3A_1709 = arith.index_cast %get3A_1707 : i32 to index
      %get3A_1710 = arith.index_cast %get3A_1708 : i32 to index
      %get3A_1711 = arith.index_cast %mul3A_93 : i32 to index
      %get3A_1712 = tpu.vector_load %arg7[%get3A_1709, %get3A_1710, %get3A_1711] {strides = array<i32>} : memref<2x64x256xf32, #tpu.memory_space<vmem>>, vector<1x1x16xf32>,
      %get3A_1713 = vector.shape_cast %get3A_1712 : vector<1x1x16xf32> to vector<16xf32>
      %eq3A_1714 = arith.cmpf oeq, %get3A_1713, %max3A_733 : vector<16xf32>
      %select_n3A_1715 = arith.select %eq3A_1714, %broadcast_in_dim3A_1706, %broadcast_in_dim3A_38 : vector<16xi1>, vector<16xi32>
      %min3A_1716 = arith.minsi %min3A_1698, %select_n3A_1715 : vector<16xi32>
      %eq3A_1717 = arith.cmpf oeq, %get3A_1713, %max3A_736 : vector<16xf32>
      %select_n3A_1718 = arith.select %eq3A_1717, %broadcast_in_dim3A_1706, %broadcast_in_dim3A_38 : vector<16xi1>, vector<16xi32>
      %min3A_1719 = arith.minsi %min3A_1701, %select_n3A_1718 : vector<16xi32>
      %sub3A_1720 = arith.subf %get3A_1713, %max3A_733 : vector<16xf32>
      %exp3A_1721 = math.exp %sub3A_1720 : vector<16xf32>
      %add3A_1722 = arith.addf %add3A_1686, %exp3A_1721 : vector<16xf32>
      %broadcast_in_dim3A_1723 = arith.constant 55 : i32
      %broadcast_in_dim3A_1724 = vector.broadcast %broadcast_in_dim3A_1723 : i32 to vector<16xi32>
      %get3A_1725 = arith.constant 0 : i32
      %get3A_1726 = arith.constant 55 : i32
      %get3A_1727 = arith.index_cast %get3A_1725 : i32 to index
      %get3A_1728 = arith.index_cast %get3A_1726 : i32 to index
      %get3A_1729 = arith.index_cast %mul3A_93 : i32 to index
      %get3A_1730 = tpu.vector_load %arg7[%get3A_1727, %get3A_1728, %get3A_1729] {strides = array<i32>} : memref<2x64x256xf32, #tpu.memory_space<vmem>>, vector<1x1x16xf32>,
      %get3A_1731 = vector.shape_cast %get3A_1730 : vector<1x1x16xf32> to vector<16xf32>
      %eq3A_1732 = arith.cmpf oeq, %get3A_1731, %max3A_733 : vector<16xf32>
      %select_n3A_1733 = arith.select %eq3A_1732, %broadcast_in_dim3A_1724, %broadcast_in_dim3A_38 : vector<16xi1>, vector<16xi32>
      %min3A_1734 = arith.minsi %min3A_1716, %select_n3A_1733 : vector<16xi32>
      %eq3A_1735 = arith.cmpf oeq, %get3A_1731, %max3A_736 : vector<16xf32>
      %select_n3A_1736 = arith.select %eq3A_1735, %broadcast_in_dim3A_1724, %broadcast_in_dim3A_38 : vector<16xi1>, vector<16xi32>
      %min3A_1737 = arith.minsi %min3A_1719, %select_n3A_1736 : vector<16xi32>
      %sub3A_1738 = arith.subf %get3A_1731, %max3A_733 : vector<16xf32>
      %exp3A_1739 = math.exp %sub3A_1738 : vector<16xf32>
      %add3A_1740 = arith.addf %add3A_1704, %exp3A_1739 : vector<16xf32>
      %broadcast_in_dim3A_1741 = arith.constant 56 : i32
      %broadcast_in_dim3A_1742 = vector.broadcast %broadcast_in_dim3A_1741 : i32 to vector<16xi32>
      %get3A_1743 = arith.constant 0 : i32
      %get3A_1744 = arith.constant 56 : i32
      %get3A_1745 = arith.index_cast %get3A_1743 : i32 to index
      %get3A_1746 = arith.index_cast %get3A_1744 : i32 to index
      %get3A_1747 = arith.index_cast %mul3A_93 : i32 to index
      %get3A_1748 = tpu.vector_load %arg7[%get3A_1745, %get3A_1746, %get3A_1747] {strides = array<i32>} : memref<2x64x256xf32, #tpu.memory_space<vmem>>, vector<1x1x16xf32>,
      %get3A_1749 = vector.shape_cast %get3A_1748 : vector<1x1x16xf32> to vector<16xf32>
      %eq3A_1750 = arith.cmpf oeq, %get3A_1749, %max3A_733 : vector<16xf32>
      %select_n3A_1751 = arith.select %eq3A_1750, %broadcast_in_dim3A_1742, %broadcast_in_dim3A_38 : vector<16xi1>, vector<16xi32>
      %min3A_1752 = arith.minsi %min3A_1734, %select_n3A_1751 : vector<16xi32>
      %eq3A_1753 = arith.cmpf oeq, %get3A_1749, %max3A_736 : vector<16xf32>
      %select_n3A_1754 = arith.select %eq3A_1753, %broadcast_in_dim3A_1742, %broadcast_in_dim3A_38 : vector<16xi1>, vector<16xi32>
      %min3A_1755 = arith.minsi %min3A_1737, %select_n3A_1754 : vector<16xi32>
      %sub3A_1756 = arith.subf %get3A_1749, %max3A_733 : vector<16xf32>
      %exp3A_1757 = math.exp %sub3A_1756 : vector<16xf32>
      %add3A_1758 = arith.addf %add3A_1722, %exp3A_1757 : vector<16xf32>
      %broadcast_in_dim3A_1759 = arith.constant 57 : i32
      %broadcast_in_dim3A_1760 = vector.broadcast %broadcast_in_dim3A_1759 : i32 to vector<16xi32>
      %get3A_1761 = arith.constant 0 : i32
      %get3A_1762 = arith.constant 57 : i32
      %get3A_1763 = arith.index_cast %get3A_1761 : i32 to index
      %get3A_1764 = arith.index_cast %get3A_1762 : i32 to index
      %get3A_1765 = arith.index_cast %mul3A_93 : i32 to index
      %get3A_1766 = tpu.vector_load %arg7[%get3A_1763, %get3A_1764, %get3A_1765] {strides = array<i32>} : memref<2x64x256xf32, #tpu.memory_space<vmem>>, vector<1x1x16xf32>,
      %get3A_1767 = vector.shape_cast %get3A_1766 : vector<1x1x16xf32> to vector<16xf32>
      %eq3A_1768 = arith.cmpf oeq, %get3A_1767, %max3A_733 : vector<16xf32>
      %select_n3A_1769 = arith.select %eq3A_1768, %broadcast_in_dim3A_1760, %broadcast_in_dim3A_38 : vector<16xi1>, vector<16xi32>
      %min3A_1770 = arith.minsi %min3A_1752, %select_n3A_1769 : vector<16xi32>
      %eq3A_1771 = arith.cmpf oeq, %get3A_1767, %max3A_736 : vector<16xf32>
      %select_n3A_1772 = arith.select %eq3A_1771, %broadcast_in_dim3A_1760, %broadcast_in_dim3A_38 : vector<16xi1>, vector<16xi32>
      %min3A_1773 = arith.minsi %min3A_1755, %select_n3A_1772 : vector<16xi32>
      %sub3A_1774 = arith.subf %get3A_1767, %max3A_733 : vector<16xf32>
      %exp3A_1775 = math.exp %sub3A_1774 : vector<16xf32>
      %add3A_1776 = arith.addf %add3A_1740, %exp3A_1775 : vector<16xf32>
      %broadcast_in_dim3A_1777 = arith.constant 58 : i32
      %broadcast_in_dim3A_1778 = vector.broadcast %broadcast_in_dim3A_1777 : i32 to vector<16xi32>
      %get3A_1779 = arith.constant 0 : i32
      %get3A_1780 = arith.constant 58 : i32
      %get3A_1781 = arith.index_cast %get3A_1779 : i32 to index
      %get3A_1782 = arith.index_cast %get3A_1780 : i32 to index
      %get3A_1783 = arith.index_cast %mul3A_93 : i32 to index
      %get3A_1784 = tpu.vector_load %arg7[%get3A_1781, %get3A_1782, %get3A_1783] {strides = array<i32>} : memref<2x64x256xf32, #tpu.memory_space<vmem>>, vector<1x1x16xf32>,
      %get3A_1785 = vector.shape_cast %get3A_1784 : vector<1x1x16xf32> to vector<16xf32>
      %eq3A_1786 = arith.cmpf oeq, %get3A_1785, %max3A_733 : vector<16xf32>
      %select_n3A_1787 = arith.select %eq3A_1786, %broadcast_in_dim3A_1778, %broadcast_in_dim3A_38 : vector<16xi1>, vector<16xi32>
      %min3A_1788 = arith.minsi %min3A_1770, %select_n3A_1787 : vector<16xi32>
      %eq3A_1789 = arith.cmpf oeq, %get3A_1785, %max3A_736 : vector<16xf32>
      %select_n3A_1790 = arith.select %eq3A_1789, %broadcast_in_dim3A_1778, %broadcast_in_dim3A_38 : vector<16xi1>, vector<16xi32>
      %min3A_1791 = arith.minsi %min3A_1773, %select_n3A_1790 : vector<16xi32>
      %sub3A_1792 = arith.subf %get3A_1785, %max3A_733 : vector<16xf32>
      %exp3A_1793 = math.exp %sub3A_1792 : vector<16xf32>
      %add3A_1794 = arith.addf %add3A_1758, %exp3A_1793 : vector<16xf32>
      %broadcast_in_dim3A_1795 = arith.constant 59 : i32
      %broadcast_in_dim3A_1796 = vector.broadcast %broadcast_in_dim3A_1795 : i32 to vector<16xi32>
      %get3A_1797 = arith.constant 0 : i32
      %get3A_1798 = arith.constant 59 : i32
      %get3A_1799 = arith.index_cast %get3A_1797 : i32 to index
      %get3A_1800 = arith.index_cast %get3A_1798 : i32 to index
      %get3A_1801 = arith.index_cast %mul3A_93 : i32 to index
      %get3A_1802 = tpu.vector_load %arg7[%get3A_1799, %get3A_1800, %get3A_1801] {strides = array<i32>} : memref<2x64x256xf32, #tpu.memory_space<vmem>>, vector<1x1x16xf32>,
      %get3A_1803 = vector.shape_cast %get3A_1802 : vector<1x1x16xf32> to vector<16xf32>
      %eq3A_1804 = arith.cmpf oeq, %get3A_1803, %max3A_733 : vector<16xf32>
      %select_n3A_1805 = arith.select %eq3A_1804, %broadcast_in_dim3A_1796, %broadcast_in_dim3A_38 : vector<16xi1>, vector<16xi32>
      %min3A_1806 = arith.minsi %min3A_1788, %select_n3A_1805 : vector<16xi32>
      %eq3A_1807 = arith.cmpf oeq, %get3A_1803, %max3A_736 : vector<16xf32>
      %select_n3A_1808 = arith.select %eq3A_1807, %broadcast_in_dim3A_1796, %broadcast_in_dim3A_38 : vector<16xi1>, vector<16xi32>
      %min3A_1809 = arith.minsi %min3A_1791, %select_n3A_1808 : vector<16xi32>
      %sub3A_1810 = arith.subf %get3A_1803, %max3A_733 : vector<16xf32>
      %exp3A_1811 = math.exp %sub3A_1810 : vector<16xf32>
      %add3A_1812 = arith.addf %add3A_1776, %exp3A_1811 : vector<16xf32>
      %broadcast_in_dim3A_1813 = arith.constant 60 : i32
      %broadcast_in_dim3A_1814 = vector.broadcast %broadcast_in_dim3A_1813 : i32 to vector<16xi32>
      %get3A_1815 = arith.constant 0 : i32
      %get3A_1816 = arith.constant 60 : i32
      %get3A_1817 = arith.index_cast %get3A_1815 : i32 to index
      %get3A_1818 = arith.index_cast %get3A_1816 : i32 to index
      %get3A_1819 = arith.index_cast %mul3A_93 : i32 to index
      %get3A_1820 = tpu.vector_load %arg7[%get3A_1817, %get3A_1818, %get3A_1819] {strides = array<i32>} : memref<2x64x256xf32, #tpu.memory_space<vmem>>, vector<1x1x16xf32>,
      %get3A_1821 = vector.shape_cast %get3A_1820 : vector<1x1x16xf32> to vector<16xf32>
      %eq3A_1822 = arith.cmpf oeq, %get3A_1821, %max3A_733 : vector<16xf32>
      %select_n3A_1823 = arith.select %eq3A_1822, %broadcast_in_dim3A_1814, %broadcast_in_dim3A_38 : vector<16xi1>, vector<16xi32>
      %min3A_1824 = arith.minsi %min3A_1806, %select_n3A_1823 : vector<16xi32>
      %eq3A_1825 = arith.cmpf oeq, %get3A_1821, %max3A_736 : vector<16xf32>
      %select_n3A_1826 = arith.select %eq3A_1825, %broadcast_in_dim3A_1814, %broadcast_in_dim3A_38 : vector<16xi1>, vector<16xi32>
      %min3A_1827 = arith.minsi %min3A_1809, %select_n3A_1826 : vector<16xi32>
      %sub3A_1828 = arith.subf %get3A_1821, %max3A_733 : vector<16xf32>
      %exp3A_1829 = math.exp %sub3A_1828 : vector<16xf32>
      %add3A_1830 = arith.addf %add3A_1794, %exp3A_1829 : vector<16xf32>
      %broadcast_in_dim3A_1831 = arith.constant 61 : i32
      %broadcast_in_dim3A_1832 = vector.broadcast %broadcast_in_dim3A_1831 : i32 to vector<16xi32>
      %get3A_1833 = arith.constant 0 : i32
      %get3A_1834 = arith.constant 61 : i32
      %get3A_1835 = arith.index_cast %get3A_1833 : i32 to index
      %get3A_1836 = arith.index_cast %get3A_1834 : i32 to index
      %get3A_1837 = arith.index_cast %mul3A_93 : i32 to index
      %get3A_1838 = tpu.vector_load %arg7[%get3A_1835, %get3A_1836, %get3A_1837] {strides = array<i32>} : memref<2x64x256xf32, #tpu.memory_space<vmem>>, vector<1x1x16xf32>,
      %get3A_1839 = vector.shape_cast %get3A_1838 : vector<1x1x16xf32> to vector<16xf32>
      %eq3A_1840 = arith.cmpf oeq, %get3A_1839, %max3A_733 : vector<16xf32>
      %select_n3A_1841 = arith.select %eq3A_1840, %broadcast_in_dim3A_1832, %broadcast_in_dim3A_38 : vector<16xi1>, vector<16xi32>
      %min3A_1842 = arith.minsi %min3A_1824, %select_n3A_1841 : vector<16xi32>
      %eq3A_1843 = arith.cmpf oeq, %get3A_1839, %max3A_736 : vector<16xf32>
      %select_n3A_1844 = arith.select %eq3A_1843, %broadcast_in_dim3A_1832, %broadcast_in_dim3A_38 : vector<16xi1>, vector<16xi32>
      %min3A_1845 = arith.minsi %min3A_1827, %select_n3A_1844 : vector<16xi32>
      %sub3A_1846 = arith.subf %get3A_1839, %max3A_733 : vector<16xf32>
      %exp3A_1847 = math.exp %sub3A_1846 : vector<16xf32>
      %add3A_1848 = arith.addf %add3A_1812, %exp3A_1847 : vector<16xf32>
      %broadcast_in_dim3A_1849 = arith.constant 62 : i32
      %broadcast_in_dim3A_1850 = vector.broadcast %broadcast_in_dim3A_1849 : i32 to vector<16xi32>
      %get3A_1851 = arith.constant 0 : i32
      %get3A_1852 = arith.constant 62 : i32
      %get3A_1853 = arith.index_cast %get3A_1851 : i32 to index
      %get3A_1854 = arith.index_cast %get3A_1852 : i32 to index
      %get3A_1855 = arith.index_cast %mul3A_93 : i32 to index
      %get3A_1856 = tpu.vector_load %arg7[%get3A_1853, %get3A_1854, %get3A_1855] {strides = array<i32>} : memref<2x64x256xf32, #tpu.memory_space<vmem>>, vector<1x1x16xf32>,
      %get3A_1857 = vector.shape_cast %get3A_1856 : vector<1x1x16xf32> to vector<16xf32>
      %eq3A_1858 = arith.cmpf oeq, %get3A_1857, %max3A_733 : vector<16xf32>
      %select_n3A_1859 = arith.select %eq3A_1858, %broadcast_in_dim3A_1850, %broadcast_in_dim3A_38 : vector<16xi1>, vector<16xi32>
      %min3A_1860 = arith.minsi %min3A_1842, %select_n3A_1859 : vector<16xi32>
      %eq3A_1861 = arith.cmpf oeq, %get3A_1857, %max3A_736 : vector<16xf32>
      %select_n3A_1862 = arith.select %eq3A_1861, %broadcast_in_dim3A_1850, %broadcast_in_dim3A_38 : vector<16xi1>, vector<16xi32>
      %min3A_1863 = arith.minsi %min3A_1845, %select_n3A_1862 : vector<16xi32>
      %sub3A_1864 = arith.subf %get3A_1857, %max3A_733 : vector<16xf32>
      %exp3A_1865 = math.exp %sub3A_1864 : vector<16xf32>
      %add3A_1866 = arith.addf %add3A_1830, %exp3A_1865 : vector<16xf32>
      %broadcast_in_dim3A_1867 = arith.constant 63 : i32
      %broadcast_in_dim3A_1868 = vector.broadcast %broadcast_in_dim3A_1867 : i32 to vector<16xi32>
      %get3A_1869 = arith.constant 0 : i32
      %get3A_1870 = arith.constant 63 : i32
      %get3A_1871 = arith.index_cast %get3A_1869 : i32 to index
      %get3A_1872 = arith.index_cast %get3A_1870 : i32 to index
      %get3A_1873 = arith.index_cast %mul3A_93 : i32 to index
      %get3A_1874 = tpu.vector_load %arg7[%get3A_1871, %get3A_1872, %get3A_1873] {strides = array<i32>} : memref<2x64x256xf32, #tpu.memory_space<vmem>>, vector<1x1x16xf32>,
      %get3A_1875 = vector.shape_cast %get3A_1874 : vector<1x1x16xf32> to vector<16xf32>
      %eq3A_1876 = arith.cmpf oeq, %get3A_1875, %max3A_733 : vector<16xf32>
      %select_n3A_1877 = arith.select %eq3A_1876, %broadcast_in_dim3A_1868, %broadcast_in_dim3A_38 : vector<16xi1>, vector<16xi32>
      %min3A_1878 = arith.minsi %min3A_1860, %select_n3A_1877 : vector<16xi32>
      %eq3A_1879 = arith.cmpf oeq, %get3A_1875, %max3A_736 : vector<16xf32>
      %select_n3A_1880 = arith.select %eq3A_1879, %broadcast_in_dim3A_1868, %broadcast_in_dim3A_38 : vector<16xi1>, vector<16xi32>
      %min3A_1881 = arith.minsi %min3A_1863, %select_n3A_1880 : vector<16xi32>
      %sub3A_1882 = arith.subf %get3A_1875, %max3A_733 : vector<16xf32>
      %exp3A_1883 = math.exp %sub3A_1882 : vector<16xf32>
      %add3A_1884 = arith.addf %add3A_1848, %exp3A_1883 : vector<16xf32>
      %add3A_1885 = arith.addf %add3A_1866, %add3A_1884 : vector<16xf32>
      %div3A = arith.constant 1.000000e+00 : f32
      %div3A_1886 = vector.broadcast %div3A : f32 to vector<16xf32>
      %div3A_1887 = arith.divf %div3A_1886, %add3A_1885 : vector<16xf32>
      %sub3A_1888 = arith.subf %max3A_736, %max3A_733 : vector<16xf32>
      %exp3A_1889 = math.exp %sub3A_1888 : vector<16xf32>
      %div3A_1890 = arith.divf %exp3A_1889, %add3A_1885 : vector<16xf32>
      %add3A_1891 = arith.addf %div3A_1887, %div3A_1890 : vector<16xf32>
      %add3A_1892 = arith.constant 9.99999971E-10 : f32
      %add3A_1893 = vector.broadcast %add3A_1892 : f32 to vector<16xf32>
      %add3A_1894 = arith.addf %add3A_1891, %add3A_1893 : vector<16xf32>
      %div3A_1895 = arith.divf %div3A_1887, %add3A_1894 : vector<16xf32>
      %swap3A = arith.index_cast %add3A_95 : i32 to index
      %swap3A_1896 = tpu.vector_load %arg8[%swap3A] {strides = array<i32>} : memref<512xf32, #tpu.memory_space<vmem>>, vector<16xf32>,
      %swap3A_1897 = vector.shape_cast %swap3A_1896 : vector<16xf32> to vector<16xf32>
      %swap3A_1898 = vector.shape_cast %div3A_1895 : vector<16xf32> to vector<16xf32>
      tpu.vector_store %arg8[%swap3A], %swap3A_1898 {strides = array<i32>} : memref<512xf32, #tpu.memory_space<vmem>>, vector<16xf32>,
      %div3A_1899 = arith.divf %div3A_1890, %add3A_1894 : vector<16xf32>
      %swap3A_1900 = arith.index_cast %add3A_95 : i32 to index
      %swap3A_1901 = tpu.vector_load %arg9[%swap3A_1900] {strides = array<i32>} : memref<512xf32, #tpu.memory_space<vmem>>, vector<16xf32>,
      %swap3A_1902 = vector.shape_cast %swap3A_1901 : vector<16xf32> to vector<16xf32>
      %swap3A_1903 = vector.shape_cast %div3A_1899 : vector<16xf32> to vector<16xf32>
      tpu.vector_store %arg9[%swap3A_1900], %swap3A_1903 {strides = array<i32>} : memref<512xf32, #tpu.memory_space<vmem>>, vector<16xf32>,
      %swap3A_1904 = arith.index_cast %add3A_95 : i32 to index
      %swap3A_1905 = tpu.vector_load %arg10[%swap3A_1904] {strides = array<i32>} : memref<512xi32, #tpu.memory_space<vmem>>, vector<16xi32>,
      %swap3A_1906 = vector.shape_cast %swap3A_1905 : vector<16xi32> to vector<16xi32>
      %swap3A_1907 = vector.shape_cast %min3A_1878 : vector<16xi32> to vector<16xi32>
      tpu.vector_store %arg10[%swap3A_1904], %swap3A_1907 {strides = array<i32>} : memref<512xi32, #tpu.memory_space<vmem>>, vector<16xi32>,
      %swap3A_1908 = arith.index_cast %add3A_95 : i32 to index
      %swap3A_1909 = tpu.vector_load %arg11[%swap3A_1908] {strides = array<i32>} : memref<512xi32, #tpu.memory_space<vmem>>, vector<16xi32>,
      %swap3A_1910 = vector.shape_cast %swap3A_1909 : vector<16xi32> to vector<16xi32>
      %swap3A_1911 = vector.shape_cast %min3A_1881 : vector<16xi32> to vector<16xi32>
      tpu.vector_store %arg11[%swap3A_1908], %swap3A_1911 {strides = array<i32>} : memref<512xi32, #tpu.memory_space<vmem>>, vector<16xi32>,
    }
    %scan3A_55 = arith.constant 16 : i32
    %dma_wait3A_56 = arith.constant 1 : i32
    %dma_wait3A_57 = arith.constant 0 : i32
    %dma_wait3A_58 = arith.constant 0 : i32
    %dma_wait3A_59 = tpu.memref_slice %arg7[%dma_wait3A_56, %dma_wait3A_57, %dma_wait3A_58] : memref<2x64x256xf32, #tpu.memory_space<vmem>> -> memref<1x64x256xf32, #tpu.memory_space<vmem>>
    %dma_wait3A_60 = tpu.memref_squeeze %dma_wait3A_59 : memref<1x64x256xf32, #tpu.memory_space<vmem>> -> memref<64x256xf32, #tpu.memory_space<vmem>>
    %dma_wait3A_61 = arith.constant 0 : i32
    %dma_wait3A_62 = tpu.memref_slice %arg2[%dma_wait3A_61, %add3A_18] : memref<64x16384xf32, #tpu.memory_space<hbm>> -> memref<64x256xf32, #tpu.memory_space<hbm>>
    %dma_wait3A_63 = arith.constant 0 : i32
    %dma_wait3A_64 = arith.constant 0 : i32
    %dma_wait3A_65 = tpu.memref_slice %arg7[%dma_wait3A_56, %dma_wait3A_63, %dma_wait3A_64] : memref<2x64x256xf32, #tpu.memory_space<vmem>> -> memref<1x64x256xf32, #tpu.memory_space<vmem>>
    %dma_wait3A_66 = tpu.memref_squeeze %dma_wait3A_65 : memref<1x64x256xf32, #tpu.memory_space<vmem>> -> memref<64x256xf32, #tpu.memory_space<vmem>>
    %dma_wait3A_67 = arith.constant 0 : i32
    %dma_wait3A_68 = tpu.memref_slice %arg2[%dma_wait3A_67, %add3A_18] : memref<64x16384xf32, #tpu.memory_space<hbm>> -> memref<64x256xf32, #tpu.memory_space<hbm>>
    tpu.wait_dma2 semaphore(%arg13 : memref<!tpu.dma_semaphore, #tpu.memory_space<semaphore_mem>>) src(%dma_wait3A_68 : memref<64x256xf32, #tpu.memory_space<hbm>>) dst(%dma_wait3A_66 : memref<64x256xf32, #tpu.memory_space<vmem>>)
    %scan3A_69 = arith.constant 0 : i32
    %scan3A_70 = arith.constant 0 : i32
    %scan3A_71 = arith.constant 16 : i32
    %scan3A_72 = arith.addi %scan3A_70, %scan3A_71 : i32
    %scan3A_73 = arith.constant 1 : i32
    scf.for %scan3A_91 = %scan3A_70 to %scan3A_72 step %scan3A_73  : i32 {
      %mul3A_92 = arith.constant 16 : i32
      %mul3A_93 = arith.muli %scan3A_91, %mul3A_92 : i32
      %add3A_94 = arith.constant 256 : i32
      %add3A_95 = arith.addi %add3A_94, %mul3A_93 : i32
      %get3A = arith.constant 1 : i32
      %get3A_96 = arith.constant 0 : i32
      %get3A_97 = arith.index_cast %get3A : i32 to index
      %get3A_98 = arith.index_cast %get3A_96 : i32 to index
      %get3A_99 = arith.index_cast %mul3A_93 : i32 to index
      %get3A_100 = tpu.vector_load %arg7[%get3A_97, %get3A_98, %get3A_99] {strides = array<i32>} : memref<2x64x256xf32, #tpu.memory_space<vmem>>, vector<1x1x16xf32>,
      %get3A_101 = vector.shape_cast %get3A_100 : vector<1x1x16xf32> to vector<16xf32>
      %min3A = arith.minimumf %broadcast_in_dim3A_34, %get3A_101 : vector<16xf32>
      %max3A = arith.maximumf %broadcast_in_dim3A_34, %get3A_101 : vector<16xf32>
      %max3A_102 = arith.maximumf %broadcast_in_dim3A_34, %min3A : vector<16xf32>
      %get3A_103 = arith.constant 1 : i32
      %get3A_104 = arith.constant 1 : i32
      %get3A_105 = arith.index_cast %get3A_103 : i32 to index
      %get3A_106 = arith.index_cast %get3A_104 : i32 to index
      %get3A_107 = arith.index_cast %mul3A_93 : i32 to index
      %get3A_108 = tpu.vector_load %arg7[%get3A_105, %get3A_106, %get3A_107] {strides = array<i32>} : memref<2x64x256xf32, #tpu.memory_space<vmem>>, vector<1x1x16xf32>,
      %get3A_109 = vector.shape_cast %get3A_108 : vector<1x1x16xf32> to vector<16xf32>
      %min3A_110 = arith.minimumf %max3A, %get3A_109 : vector<16xf32>
      %max3A_111 = arith.maximumf %max3A, %get3A_109 : vector<16xf32>
      %max3A_112 = arith.maximumf %max3A_102, %min3A_110 : vector<16xf32>
      %get3A_113 = arith.constant 1 : i32
      %get3A_114 = arith.constant 2 : i32
      %get3A_115 = arith.index_cast %get3A_113 : i32 to index
      %get3A_116 = arith.index_cast %get3A_114 : i32 to index
      %get3A_117 = arith.index_cast %mul3A_93 : i32 to index
      %get3A_118 = tpu.vector_load %arg7[%get3A_115, %get3A_116, %get3A_117] {strides = array<i32>} : memref<2x64x256xf32, #tpu.memory_space<vmem>>, vector<1x1x16xf32>,
      %get3A_119 = vector.shape_cast %get3A_118 : vector<1x1x16xf32> to vector<16xf32>
      %min3A_120 = arith.minimumf %max3A_111, %get3A_119 : vector<16xf32>
      %max3A_121 = arith.maximumf %max3A_111, %get3A_119 : vector<16xf32>
      %max3A_122 = arith.maximumf %max3A_112, %min3A_120 : vector<16xf32>
      %get3A_123 = arith.constant 1 : i32
      %get3A_124 = arith.constant 3 : i32
      %get3A_125 = arith.index_cast %get3A_123 : i32 to index
      %get3A_126 = arith.index_cast %get3A_124 : i32 to index
      %get3A_127 = arith.index_cast %mul3A_93 : i32 to index
      %get3A_128 = tpu.vector_load %arg7[%get3A_125, %get3A_126, %get3A_127] {strides = array<i32>} : memref<2x64x256xf32, #tpu.memory_space<vmem>>, vector<1x1x16xf32>,
      %get3A_129 = vector.shape_cast %get3A_128 : vector<1x1x16xf32> to vector<16xf32>
      %min3A_130 = arith.minimumf %max3A_121, %get3A_129 : vector<16xf32>
      %max3A_131 = arith.maximumf %max3A_121, %get3A_129 : vector<16xf32>
      %max3A_132 = arith.maximumf %max3A_122, %min3A_130 : vector<16xf32>
      %get3A_133 = arith.constant 1 : i32
      %get3A_134 = arith.constant 4 : i32
      %get3A_135 = arith.index_cast %get3A_133 : i32 to index
      %get3A_136 = arith.index_cast %get3A_134 : i32 to index
      %get3A_137 = arith.index_cast %mul3A_93 : i32 to index
      %get3A_138 = tpu.vector_load %arg7[%get3A_135, %get3A_136, %get3A_137] {strides = array<i32>} : memref<2x64x256xf32, #tpu.memory_space<vmem>>, vector<1x1x16xf32>,
      %get3A_139 = vector.shape_cast %get3A_138 : vector<1x1x16xf32> to vector<16xf32>
      %min3A_140 = arith.minimumf %max3A_131, %get3A_139 : vector<16xf32>
      %max3A_141 = arith.maximumf %max3A_131, %get3A_139 : vector<16xf32>
      %max3A_142 = arith.maximumf %max3A_132, %min3A_140 : vector<16xf32>
      %get3A_143 = arith.constant 1 : i32
      %get3A_144 = arith.constant 5 : i32
      %get3A_145 = arith.index_cast %get3A_143 : i32 to index
      %get3A_146 = arith.index_cast %get3A_144 : i32 to index
      %get3A_147 = arith.index_cast %mul3A_93 : i32 to index
      %get3A_148 = tpu.vector_load %arg7[%get3A_145, %get3A_146, %get3A_147] {strides = array<i32>} : memref<2x64x256xf32, #tpu.memory_space<vmem>>, vector<1x1x16xf32>,
      %get3A_149 = vector.shape_cast %get3A_148 : vector<1x1x16xf32> to vector<16xf32>
      %min3A_150 = arith.minimumf %max3A_141, %get3A_149 : vector<16xf32>
      %max3A_151 = arith.maximumf %max3A_141, %get3A_149 : vector<16xf32>
      %max3A_152 = arith.maximumf %max3A_142, %min3A_150 : vector<16xf32>
      %get3A_153 = arith.constant 1 : i32
      %get3A_154 = arith.constant 6 : i32
      %get3A_155 = arith.index_cast %get3A_153 : i32 to index
      %get3A_156 = arith.index_cast %get3A_154 : i32 to index
      %get3A_157 = arith.index_cast %mul3A_93 : i32 to index
      %get3A_158 = tpu.vector_load %arg7[%get3A_155, %get3A_156, %get3A_157] {strides = array<i32>} : memref<2x64x256xf32, #tpu.memory_space<vmem>>, vector<1x1x16xf32>,
      %get3A_159 = vector.shape_cast %get3A_158 : vector<1x1x16xf32> to vector<16xf32>
      %min3A_160 = arith.minimumf %max3A_151, %get3A_159 : vector<16xf32>
      %max3A_161 = arith.maximumf %max3A_151, %get3A_159 : vector<16xf32>
      %max3A_162 = arith.maximumf %max3A_152, %min3A_160 : vector<16xf32>
      %get3A_163 = arith.constant 1 : i32
      %get3A_164 = arith.constant 7 : i32
      %get3A_165 = arith.index_cast %get3A_163 : i32 to index
      %get3A_166 = arith.index_cast %get3A_164 : i32 to index
      %get3A_167 = arith.index_cast %mul3A_93 : i32 to index
      %get3A_168 = tpu.vector_load %arg7[%get3A_165, %get3A_166, %get3A_167] {strides = array<i32>} : memref<2x64x256xf32, #tpu.memory_space<vmem>>, vector<1x1x16xf32>,
      %get3A_169 = vector.shape_cast %get3A_168 : vector<1x1x16xf32> to vector<16xf32>
      %min3A_170 = arith.minimumf %max3A_161, %get3A_169 : vector<16xf32>
      %max3A_171 = arith.maximumf %max3A_161, %get3A_169 : vector<16xf32>
      %max3A_172 = arith.maximumf %max3A_162, %min3A_170 : vector<16xf32>
      %get3A_173 = arith.constant 1 : i32
      %get3A_174 = arith.constant 8 : i32
      %get3A_175 = arith.index_cast %get3A_173 : i32 to index
      %get3A_176 = arith.index_cast %get3A_174 : i32 to index
      %get3A_177 = arith.index_cast %mul3A_93 : i32 to index
      %get3A_178 = tpu.vector_load %arg7[%get3A_175, %get3A_176, %get3A_177] {strides = array<i32>} : memref<2x64x256xf32, #tpu.memory_space<vmem>>, vector<1x1x16xf32>,
      %get3A_179 = vector.shape_cast %get3A_178 : vector<1x1x16xf32> to vector<16xf32>
      %min3A_180 = arith.minimumf %max3A_171, %get3A_179 : vector<16xf32>
      %max3A_181 = arith.maximumf %max3A_171, %get3A_179 : vector<16xf32>
      %max3A_182 = arith.maximumf %max3A_172, %min3A_180 : vector<16xf32>
      %get3A_183 = arith.constant 1 : i32
      %get3A_184 = arith.constant 9 : i32
      %get3A_185 = arith.index_cast %get3A_183 : i32 to index
      %get3A_186 = arith.index_cast %get3A_184 : i32 to index
      %get3A_187 = arith.index_cast %mul3A_93 : i32 to index
      %get3A_188 = tpu.vector_load %arg7[%get3A_185, %get3A_186, %get3A_187] {strides = array<i32>} : memref<2x64x256xf32, #tpu.memory_space<vmem>>, vector<1x1x16xf32>,
      %get3A_189 = vector.shape_cast %get3A_188 : vector<1x1x16xf32> to vector<16xf32>
      %min3A_190 = arith.minimumf %max3A_181, %get3A_189 : vector<16xf32>
      %max3A_191 = arith.maximumf %max3A_181, %get3A_189 : vector<16xf32>
      %max3A_192 = arith.maximumf %max3A_182, %min3A_190 : vector<16xf32>
      %get3A_193 = arith.constant 1 : i32
      %get3A_194 = arith.constant 10 : i32
      %get3A_195 = arith.index_cast %get3A_193 : i32 to index
      %get3A_196 = arith.index_cast %get3A_194 : i32 to index
      %get3A_197 = arith.index_cast %mul3A_93 : i32 to index
      %get3A_198 = tpu.vector_load %arg7[%get3A_195, %get3A_196, %get3A_197] {strides = array<i32>} : memref<2x64x256xf32, #tpu.memory_space<vmem>>, vector<1x1x16xf32>,
      %get3A_199 = vector.shape_cast %get3A_198 : vector<1x1x16xf32> to vector<16xf32>
      %min3A_200 = arith.minimumf %max3A_191, %get3A_199 : vector<16xf32>
      %max3A_201 = arith.maximumf %max3A_191, %get3A_199 : vector<16xf32>
      %max3A_202 = arith.maximumf %max3A_192, %min3A_200 : vector<16xf32>
      %get3A_203 = arith.constant 1 : i32
      %get3A_204 = arith.constant 11 : i32
      %get3A_205 = arith.index_cast %get3A_203 : i32 to index
      %get3A_206 = arith.index_cast %get3A_204 : i32 to index
      %get3A_207 = arith.index_cast %mul3A_93 : i32 to index
      %get3A_208 = tpu.vector_load %arg7[%get3A_205, %get3A_206, %get3A_207] {strides = array<i32>} : memref<2x64x256xf32, #tpu.memory_space<vmem>>, vector<1x1x16xf32>,
      %get3A_209 = vector.shape_cast %get3A_208 : vector<1x1x16xf32> to vector<16xf32>
      %min3A_210 = arith.minimumf %max3A_201, %get3A_209 : vector<16xf32>
      %max3A_211 = arith.maximumf %max3A_201, %get3A_209 : vector<16xf32>
      %max3A_212 = arith.maximumf %max3A_202, %min3A_210 : vector<16xf32>
      %get3A_213 = arith.constant 1 : i32
      %get3A_214 = arith.constant 12 : i32
      %get3A_215 = arith.index_cast %get3A_213 : i32 to index
      %get3A_216 = arith.index_cast %get3A_214 : i32 to index
      %get3A_217 = arith.index_cast %mul3A_93 : i32 to index
      %get3A_218 = tpu.vector_load %arg7[%get3A_215, %get3A_216, %get3A_217] {strides = array<i32>} : memref<2x64x256xf32, #tpu.memory_space<vmem>>, vector<1x1x16xf32>,
      %get3A_219 = vector.shape_cast %get3A_218 : vector<1x1x16xf32> to vector<16xf32>
      %min3A_220 = arith.minimumf %max3A_211, %get3A_219 : vector<16xf32>
      %max3A_221 = arith.maximumf %max3A_211, %get3A_219 : vector<16xf32>
      %max3A_222 = arith.maximumf %max3A_212, %min3A_220 : vector<16xf32>
      %get3A_223 = arith.constant 1 : i32
      %get3A_224 = arith.constant 13 : i32
      %get3A_225 = arith.index_cast %get3A_223 : i32 to index
      %get3A_226 = arith.index_cast %get3A_224 : i32 to index
      %get3A_227 = arith.index_cast %mul3A_93 : i32 to index
      %get3A_228 = tpu.vector_load %arg7[%get3A_225, %get3A_226, %get3A_227] {strides = array<i32>} : memref<2x64x256xf32, #tpu.memory_space<vmem>>, vector<1x1x16xf32>,
      %get3A_229 = vector.shape_cast %get3A_228 : vector<1x1x16xf32> to vector<16xf32>
      %min3A_230 = arith.minimumf %max3A_221, %get3A_229 : vector<16xf32>
      %max3A_231 = arith.maximumf %max3A_221, %get3A_229 : vector<16xf32>
      %max3A_232 = arith.maximumf %max3A_222, %min3A_230 : vector<16xf32>
      %get3A_233 = arith.constant 1 : i32
      %get3A_234 = arith.constant 14 : i32
      %get3A_235 = arith.index_cast %get3A_233 : i32 to index
      %get3A_236 = arith.index_cast %get3A_234 : i32 to index
      %get3A_237 = arith.index_cast %mul3A_93 : i32 to index
      %get3A_238 = tpu.vector_load %arg7[%get3A_235, %get3A_236, %get3A_237] {strides = array<i32>} : memref<2x64x256xf32, #tpu.memory_space<vmem>>, vector<1x1x16xf32>,
      %get3A_239 = vector.shape_cast %get3A_238 : vector<1x1x16xf32> to vector<16xf32>
      %min3A_240 = arith.minimumf %max3A_231, %get3A_239 : vector<16xf32>
      %max3A_241 = arith.maximumf %max3A_231, %get3A_239 : vector<16xf32>
      %max3A_242 = arith.maximumf %max3A_232, %min3A_240 : vector<16xf32>
      %get3A_243 = arith.constant 1 : i32
      %get3A_244 = arith.constant 15 : i32
      %get3A_245 = arith.index_cast %get3A_243 : i32 to index
      %get3A_246 = arith.index_cast %get3A_244 : i32 to index
      %get3A_247 = arith.index_cast %mul3A_93 : i32 to index
      %get3A_248 = tpu.vector_load %arg7[%get3A_245, %get3A_246, %get3A_247] {strides = array<i32>} : memref<2x64x256xf32, #tpu.memory_space<vmem>>, vector<1x1x16xf32>,
      %get3A_249 = vector.shape_cast %get3A_248 : vector<1x1x16xf32> to vector<16xf32>
      %min3A_250 = arith.minimumf %max3A_241, %get3A_249 : vector<16xf32>
      %max3A_251 = arith.maximumf %max3A_241, %get3A_249 : vector<16xf32>
      %max3A_252 = arith.maximumf %max3A_242, %min3A_250 : vector<16xf32>
      %get3A_253 = arith.constant 1 : i32
      %get3A_254 = arith.constant 16 : i32
      %get3A_255 = arith.index_cast %get3A_253 : i32 to index
      %get3A_256 = arith.index_cast %get3A_254 : i32 to index
      %get3A_257 = arith.index_cast %mul3A_93 : i32 to index
      %get3A_258 = tpu.vector_load %arg7[%get3A_255, %get3A_256, %get3A_257] {strides = array<i32>} : memref<2x64x256xf32, #tpu.memory_space<vmem>>, vector<1x1x16xf32>,
      %get3A_259 = vector.shape_cast %get3A_258 : vector<1x1x16xf32> to vector<16xf32>
      %min3A_260 = arith.minimumf %max3A_251, %get3A_259 : vector<16xf32>
      %max3A_261 = arith.maximumf %max3A_251, %get3A_259 : vector<16xf32>
      %max3A_262 = arith.maximumf %max3A_252, %min3A_260 : vector<16xf32>
      %get3A_263 = arith.constant 1 : i32
      %get3A_264 = arith.constant 17 : i32
      %get3A_265 = arith.index_cast %get3A_263 : i32 to index
      %get3A_266 = arith.index_cast %get3A_264 : i32 to index
      %get3A_267 = arith.index_cast %mul3A_93 : i32 to index
      %get3A_268 = tpu.vector_load %arg7[%get3A_265, %get3A_266, %get3A_267] {strides = array<i32>} : memref<2x64x256xf32, #tpu.memory_space<vmem>>, vector<1x1x16xf32>,
      %get3A_269 = vector.shape_cast %get3A_268 : vector<1x1x16xf32> to vector<16xf32>
      %min3A_270 = arith.minimumf %max3A_261, %get3A_269 : vector<16xf32>
      %max3A_271 = arith.maximumf %max3A_261, %get3A_269 : vector<16xf32>
      %max3A_272 = arith.maximumf %max3A_262, %min3A_270 : vector<16xf32>
      %get3A_273 = arith.constant 1 : i32
      %get3A_274 = arith.constant 18 : i32
      %get3A_275 = arith.index_cast %get3A_273 : i32 to index
      %get3A_276 = arith.index_cast %get3A_274 : i32 to index
      %get3A_277 = arith.index_cast %mul3A_93 : i32 to index
      %get3A_278 = tpu.vector_load %arg7[%get3A_275, %get3A_276, %get3A_277] {strides = array<i32>} : memref<2x64x256xf32, #tpu.memory_space<vmem>>, vector<1x1x16xf32>,
      %get3A_279 = vector.shape_cast %get3A_278 : vector<1x1x16xf32> to vector<16xf32>
      %min3A_280 = arith.minimumf %max3A_271, %get3A_279 : vector<16xf32>
      %max3A_281 = arith.maximumf %max3A_271, %get3A_279 : vector<16xf32>
      %max3A_282 = arith.maximumf %max3A_272, %min3A_280 : vector<16xf32>
      %get3A_283 = arith.constant 1 : i32
      %get3A_284 = arith.constant 19 : i32
      %get3A_285 = arith.index_cast %get3A_283 : i32 to index
      %get3A_286 = arith.index_cast %get3A_284 : i32 to index
      %get3A_287 = arith.index_cast %mul3A_93 : i32 to index
      %get3A_288 = tpu.vector_load %arg7[%get3A_285, %get3A_286, %get3A_287] {strides = array<i32>} : memref<2x64x256xf32, #tpu.memory_space<vmem>>, vector<1x1x16xf32>,
      %get3A_289 = vector.shape_cast %get3A_288 : vector<1x1x16xf32> to vector<16xf32>
      %min3A_290 = arith.minimumf %max3A_281, %get3A_289 : vector<16xf32>
      %max3A_291 = arith.maximumf %max3A_281, %get3A_289 : vector<16xf32>
      %max3A_292 = arith.maximumf %max3A_282, %min3A_290 : vector<16xf32>
      %get3A_293 = arith.constant 1 : i32
      %get3A_294 = arith.constant 20 : i32
      %get3A_295 = arith.index_cast %get3A_293 : i32 to index
      %get3A_296 = arith.index_cast %get3A_294 : i32 to index
      %get3A_297 = arith.index_cast %mul3A_93 : i32 to index
      %get3A_298 = tpu.vector_load %arg7[%get3A_295, %get3A_296, %get3A_297] {strides = array<i32>} : memref<2x64x256xf32, #tpu.memory_space<vmem>>, vector<1x1x16xf32>,
      %get3A_299 = vector.shape_cast %get3A_298 : vector<1x1x16xf32> to vector<16xf32>
      %min3A_300 = arith.minimumf %max3A_291, %get3A_299 : vector<16xf32>
      %max3A_301 = arith.maximumf %max3A_291, %get3A_299 : vector<16xf32>
      %max3A_302 = arith.maximumf %max3A_292, %min3A_300 : vector<16xf32>
      %get3A_303 = arith.constant 1 : i32
      %get3A_304 = arith.constant 21 : i32
      %get3A_305 = arith.index_cast %get3A_303 : i32 to index
      %get3A_306 = arith.index_cast %get3A_304 : i32 to index
      %get3A_307 = arith.index_cast %mul3A_93 : i32 to index
      %get3A_308 = tpu.vector_load %arg7[%get3A_305, %get3A_306, %get3A_307] {strides = array<i32>} : memref<2x64x256xf32, #tpu.memory_space<vmem>>, vector<1x1x16xf32>,
      %get3A_309 = vector.shape_cast %get3A_308 : vector<1x1x16xf32> to vector<16xf32>
      %min3A_310 = arith.minimumf %max3A_301, %get3A_309 : vector<16xf32>
      %max3A_311 = arith.maximumf %max3A_301, %get3A_309 : vector<16xf32>
      %max3A_312 = arith.maximumf %max3A_302, %min3A_310 : vector<16xf32>
      %get3A_313 = arith.constant 1 : i32
      %get3A_314 = arith.constant 22 : i32
      %get3A_315 = arith.index_cast %get3A_313 : i32 to index
      %get3A_316 = arith.index_cast %get3A_314 : i32 to index
      %get3A_317 = arith.index_cast %mul3A_93 : i32 to index
      %get3A_318 = tpu.vector_load %arg7[%get3A_315, %get3A_316, %get3A_317] {strides = array<i32>} : memref<2x64x256xf32, #tpu.memory_space<vmem>>, vector<1x1x16xf32>,
      %get3A_319 = vector.shape_cast %get3A_318 : vector<1x1x16xf32> to vector<16xf32>
      %min3A_320 = arith.minimumf %max3A_311, %get3A_319 : vector<16xf32>
      %max3A_321 = arith.maximumf %max3A_311, %get3A_319 : vector<16xf32>
      %max3A_322 = arith.maximumf %max3A_312, %min3A_320 : vector<16xf32>
      %get3A_323 = arith.constant 1 : i32
      %get3A_324 = arith.constant 23 : i32
      %get3A_325 = arith.index_cast %get3A_323 : i32 to index
      %get3A_326 = arith.index_cast %get3A_324 : i32 to index
      %get3A_327 = arith.index_cast %mul3A_93 : i32 to index
      %get3A_328 = tpu.vector_load %arg7[%get3A_325, %get3A_326, %get3A_327] {strides = array<i32>} : memref<2x64x256xf32, #tpu.memory_space<vmem>>, vector<1x1x16xf32>,
      %get3A_329 = vector.shape_cast %get3A_328 : vector<1x1x16xf32> to vector<16xf32>
      %min3A_330 = arith.minimumf %max3A_321, %get3A_329 : vector<16xf32>
      %max3A_331 = arith.maximumf %max3A_321, %get3A_329 : vector<16xf32>
      %max3A_332 = arith.maximumf %max3A_322, %min3A_330 : vector<16xf32>
      %get3A_333 = arith.constant 1 : i32
      %get3A_334 = arith.constant 24 : i32
      %get3A_335 = arith.index_cast %get3A_333 : i32 to index
      %get3A_336 = arith.index_cast %get3A_334 : i32 to index
      %get3A_337 = arith.index_cast %mul3A_93 : i32 to index
      %get3A_338 = tpu.vector_load %arg7[%get3A_335, %get3A_336, %get3A_337] {strides = array<i32>} : memref<2x64x256xf32, #tpu.memory_space<vmem>>, vector<1x1x16xf32>,
      %get3A_339 = vector.shape_cast %get3A_338 : vector<1x1x16xf32> to vector<16xf32>
      %min3A_340 = arith.minimumf %max3A_331, %get3A_339 : vector<16xf32>
      %max3A_341 = arith.maximumf %max3A_331, %get3A_339 : vector<16xf32>
      %max3A_342 = arith.maximumf %max3A_332, %min3A_340 : vector<16xf32>
      %get3A_343 = arith.constant 1 : i32
      %get3A_344 = arith.constant 25 : i32
      %get3A_345 = arith.index_cast %get3A_343 : i32 to index
      %get3A_346 = arith.index_cast %get3A_344 : i32 to index
      %get3A_347 = arith.index_cast %mul3A_93 : i32 to index
      %get3A_348 = tpu.vector_load %arg7[%get3A_345, %get3A_346, %get3A_347] {strides = array<i32>} : memref<2x64x256xf32, #tpu.memory_space<vmem>>, vector<1x1x16xf32>,
      %get3A_349 = vector.shape_cast %get3A_348 : vector<1x1x16xf32> to vector<16xf32>
      %min3A_350 = arith.minimumf %max3A_341, %get3A_349 : vector<16xf32>
      %max3A_351 = arith.maximumf %max3A_341, %get3A_349 : vector<16xf32>
      %max3A_352 = arith.maximumf %max3A_342, %min3A_350 : vector<16xf32>
      %get3A_353 = arith.constant 1 : i32
      %get3A_354 = arith.constant 26 : i32
      %get3A_355 = arith.index_cast %get3A_353 : i32 to index
      %get3A_356 = arith.index_cast %get3A_354 : i32 to index
      %get3A_357 = arith.index_cast %mul3A_93 : i32 to index
      %get3A_358 = tpu.vector_load %arg7[%get3A_355, %get3A_356, %get3A_357] {strides = array<i32>} : memref<2x64x256xf32, #tpu.memory_space<vmem>>, vector<1x1x16xf32>,
      %get3A_359 = vector.shape_cast %get3A_358 : vector<1x1x16xf32> to vector<16xf32>
      %min3A_360 = arith.minimumf %max3A_351, %get3A_359 : vector<16xf32>
      %max3A_361 = arith.maximumf %max3A_351, %get3A_359 : vector<16xf32>
      %max3A_362 = arith.maximumf %max3A_352, %min3A_360 : vector<16xf32>
      %get3A_363 = arith.constant 1 : i32
      %get3A_364 = arith.constant 27 : i32
      %get3A_365 = arith.index_cast %get3A_363 : i32 to index
      %get3A_366 = arith.index_cast %get3A_364 : i32 to index
      %get3A_367 = arith.index_cast %mul3A_93 : i32 to index
      %get3A_368 = tpu.vector_load %arg7[%get3A_365, %get3A_366, %get3A_367] {strides = array<i32>} : memref<2x64x256xf32, #tpu.memory_space<vmem>>, vector<1x1x16xf32>,
      %get3A_369 = vector.shape_cast %get3A_368 : vector<1x1x16xf32> to vector<16xf32>
      %min3A_370 = arith.minimumf %max3A_361, %get3A_369 : vector<16xf32>
      %max3A_371 = arith.maximumf %max3A_361, %get3A_369 : vector<16xf32>
      %max3A_372 = arith.maximumf %max3A_362, %min3A_370 : vector<16xf32>
      %get3A_373 = arith.constant 1 : i32
      %get3A_374 = arith.constant 28 : i32
      %get3A_375 = arith.index_cast %get3A_373 : i32 to index
      %get3A_376 = arith.index_cast %get3A_374 : i32 to index
      %get3A_377 = arith.index_cast %mul3A_93 : i32 to index
      %get3A_378 = tpu.vector_load %arg7[%get3A_375, %get3A_376, %get3A_377] {strides = array<i32>} : memref<2x64x256xf32, #tpu.memory_space<vmem>>, vector<1x1x16xf32>,
      %get3A_379 = vector.shape_cast %get3A_378 : vector<1x1x16xf32> to vector<16xf32>
      %min3A_380 = arith.minimumf %max3A_371, %get3A_379 : vector<16xf32>
      %max3A_381 = arith.maximumf %max3A_371, %get3A_379 : vector<16xf32>
      %max3A_382 = arith.maximumf %max3A_372, %min3A_380 : vector<16xf32>
      %get3A_383 = arith.constant 1 : i32
      %get3A_384 = arith.constant 29 : i32
      %get3A_385 = arith.index_cast %get3A_383 : i32 to index
      %get3A_386 = arith.index_cast %get3A_384 : i32 to index
      %get3A_387 = arith.index_cast %mul3A_93 : i32 to index
      %get3A_388 = tpu.vector_load %arg7[%get3A_385, %get3A_386, %get3A_387] {strides = array<i32>} : memref<2x64x256xf32, #tpu.memory_space<vmem>>, vector<1x1x16xf32>,
      %get3A_389 = vector.shape_cast %get3A_388 : vector<1x1x16xf32> to vector<16xf32>
      %min3A_390 = arith.minimumf %max3A_381, %get3A_389 : vector<16xf32>
      %max3A_391 = arith.maximumf %max3A_381, %get3A_389 : vector<16xf32>
      %max3A_392 = arith.maximumf %max3A_382, %min3A_390 : vector<16xf32>
      %get3A_393 = arith.constant 1 : i32
      %get3A_394 = arith.constant 30 : i32
      %get3A_395 = arith.index_cast %get3A_393 : i32 to index
      %get3A_396 = arith.index_cast %get3A_394 : i32 to index
      %get3A_397 = arith.index_cast %mul3A_93 : i32 to index
      %get3A_398 = tpu.vector_load %arg7[%get3A_395, %get3A_396, %get3A_397] {strides = array<i32>} : memref<2x64x256xf32, #tpu.memory_space<vmem>>, vector<1x1x16xf32>,
      %get3A_399 = vector.shape_cast %get3A_398 : vector<1x1x16xf32> to vector<16xf32>
      %min3A_400 = arith.minimumf %max3A_391, %get3A_399 : vector<16xf32>
      %max3A_401 = arith.maximumf %max3A_391, %get3A_399 : vector<16xf32>
      %max3A_402 = arith.maximumf %max3A_392, %min3A_400 : vector<16xf32>
      %get3A_403 = arith.constant 1 : i32
      %get3A_404 = arith.constant 31 : i32
      %get3A_405 = arith.index_cast %get3A_403 : i32 to index
      %get3A_406 = arith.index_cast %get3A_404 : i32 to index
      %get3A_407 = arith.index_cast %mul3A_93 : i32 to index
      %get3A_408 = tpu.vector_load %arg7[%get3A_405, %get3A_406, %get3A_407] {strides = array<i32>} : memref<2x64x256xf32, #tpu.memory_space<vmem>>, vector<1x1x16xf32>,
      %get3A_409 = vector.shape_cast %get3A_408 : vector<1x1x16xf32> to vector<16xf32>
      %min3A_410 = arith.minimumf %max3A_401, %get3A_409 : vector<16xf32>
      %max3A_411 = arith.maximumf %max3A_401, %get3A_409 : vector<16xf32>
      %max3A_412 = arith.maximumf %max3A_402, %min3A_410 : vector<16xf32>
      %get3A_413 = arith.constant 1 : i32
      %get3A_414 = arith.constant 32 : i32
      %get3A_415 = arith.index_cast %get3A_413 : i32 to index
      %get3A_416 = arith.index_cast %get3A_414 : i32 to index
      %get3A_417 = arith.index_cast %mul3A_93 : i32 to index
      %get3A_418 = tpu.vector_load %arg7[%get3A_415, %get3A_416, %get3A_417] {strides = array<i32>} : memref<2x64x256xf32, #tpu.memory_space<vmem>>, vector<1x1x16xf32>,
      %get3A_419 = vector.shape_cast %get3A_418 : vector<1x1x16xf32> to vector<16xf32>
      %min3A_420 = arith.minimumf %broadcast_in_dim3A_34, %get3A_419 : vector<16xf32>
      %max3A_421 = arith.maximumf %broadcast_in_dim3A_34, %get3A_419 : vector<16xf32>
      %max3A_422 = arith.maximumf %broadcast_in_dim3A_34, %min3A_420 : vector<16xf32>
      %get3A_423 = arith.constant 1 : i32
      %get3A_424 = arith.constant 33 : i32
      %get3A_425 = arith.index_cast %get3A_423 : i32 to index
      %get3A_426 = arith.index_cast %get3A_424 : i32 to index
      %get3A_427 = arith.index_cast %mul3A_93 : i32 to index
      %get3A_428 = tpu.vector_load %arg7[%get3A_425, %get3A_426, %get3A_427] {strides = array<i32>} : memref<2x64x256xf32, #tpu.memory_space<vmem>>, vector<1x1x16xf32>,
      %get3A_429 = vector.shape_cast %get3A_428 : vector<1x1x16xf32> to vector<16xf32>
      %min3A_430 = arith.minimumf %max3A_421, %get3A_429 : vector<16xf32>
      %max3A_431 = arith.maximumf %max3A_421, %get3A_429 : vector<16xf32>
      %max3A_432 = arith.maximumf %max3A_422, %min3A_430 : vector<16xf32>
      %get3A_433 = arith.constant 1 : i32
      %get3A_434 = arith.constant 34 : i32
      %get3A_435 = arith.index_cast %get3A_433 : i32 to index
      %get3A_436 = arith.index_cast %get3A_434 : i32 to index
      %get3A_437 = arith.index_cast %mul3A_93 : i32 to index
      %get3A_438 = tpu.vector_load %arg7[%get3A_435, %get3A_436, %get3A_437] {strides = array<i32>} : memref<2x64x256xf32, #tpu.memory_space<vmem>>, vector<1x1x16xf32>,
      %get3A_439 = vector.shape_cast %get3A_438 : vector<1x1x16xf32> to vector<16xf32>
      %min3A_440 = arith.minimumf %max3A_431, %get3A_439 : vector<16xf32>
      %max3A_441 = arith.maximumf %max3A_431, %get3A_439 : vector<16xf32>
      %max3A_442 = arith.maximumf %max3A_432, %min3A_440 : vector<16xf32>
      %get3A_443 = arith.constant 1 : i32
      %get3A_444 = arith.constant 35 : i32
      %get3A_445 = arith.index_cast %get3A_443 : i32 to index
      %get3A_446 = arith.index_cast %get3A_444 : i32 to index
      %get3A_447 = arith.index_cast %mul3A_93 : i32 to index
      %get3A_448 = tpu.vector_load %arg7[%get3A_445, %get3A_446, %get3A_447] {strides = array<i32>} : memref<2x64x256xf32, #tpu.memory_space<vmem>>, vector<1x1x16xf32>,
      %get3A_449 = vector.shape_cast %get3A_448 : vector<1x1x16xf32> to vector<16xf32>
      %min3A_450 = arith.minimumf %max3A_441, %get3A_449 : vector<16xf32>
      %max3A_451 = arith.maximumf %max3A_441, %get3A_449 : vector<16xf32>
      %max3A_452 = arith.maximumf %max3A_442, %min3A_450 : vector<16xf32>
      %get3A_453 = arith.constant 1 : i32
      %get3A_454 = arith.constant 36 : i32
      %get3A_455 = arith.index_cast %get3A_453 : i32 to index
      %get3A_456 = arith.index_cast %get3A_454 : i32 to index
      %get3A_457 = arith.index_cast %mul3A_93 : i32 to index
      %get3A_458 = tpu.vector_load %arg7[%get3A_455, %get3A_456, %get3A_457] {strides = array<i32>} : memref<2x64x256xf32, #tpu.memory_space<vmem>>, vector<1x1x16xf32>,
      %get3A_459 = vector.shape_cast %get3A_458 : vector<1x1x16xf32> to vector<16xf32>
      %min3A_460 = arith.minimumf %max3A_451, %get3A_459 : vector<16xf32>
      %max3A_461 = arith.maximumf %max3A_451, %get3A_459 : vector<16xf32>
      %max3A_462 = arith.maximumf %max3A_452, %min3A_460 : vector<16xf32>
      %get3A_463 = arith.constant 1 : i32
      %get3A_464 = arith.constant 37 : i32
      %get3A_465 = arith.index_cast %get3A_463 : i32 to index
      %get3A_466 = arith.index_cast %get3A_464 : i32 to index
      %get3A_467 = arith.index_cast %mul3A_93 : i32 to index
      %get3A_468 = tpu.vector_load %arg7[%get3A_465, %get3A_466, %get3A_467] {strides = array<i32>} : memref<2x64x256xf32, #tpu.memory_space<vmem>>, vector<1x1x16xf32>,
      %get3A_469 = vector.shape_cast %get3A_468 : vector<1x1x16xf32> to vector<16xf32>
      %min3A_470 = arith.minimumf %max3A_461, %get3A_469 : vector<16xf32>
      %max3A_471 = arith.maximumf %max3A_461, %get3A_469 : vector<16xf32>
      %max3A_472 = arith.maximumf %max3A_462, %min3A_470 : vector<16xf32>
      %get3A_473 = arith.constant 1 : i32
      %get3A_474 = arith.constant 38 : i32
      %get3A_475 = arith.index_cast %get3A_473 : i32 to index
      %get3A_476 = arith.index_cast %get3A_474 : i32 to index
      %get3A_477 = arith.index_cast %mul3A_93 : i32 to index
      %get3A_478 = tpu.vector_load %arg7[%get3A_475, %get3A_476, %get3A_477] {strides = array<i32>} : memref<2x64x256xf32, #tpu.memory_space<vmem>>, vector<1x1x16xf32>,
      %get3A_479 = vector.shape_cast %get3A_478 : vector<1x1x16xf32> to vector<16xf32>
      %min3A_480 = arith.minimumf %max3A_471, %get3A_479 : vector<16xf32>
      %max3A_481 = arith.maximumf %max3A_471, %get3A_479 : vector<16xf32>
      %max3A_482 = arith.maximumf %max3A_472, %min3A_480 : vector<16xf32>
      %get3A_483 = arith.constant 1 : i32
      %get3A_484 = arith.constant 39 : i32
      %get3A_485 = arith.index_cast %get3A_483 : i32 to index
      %get3A_486 = arith.index_cast %get3A_484 : i32 to index
      %get3A_487 = arith.index_cast %mul3A_93 : i32 to index
      %get3A_488 = tpu.vector_load %arg7[%get3A_485, %get3A_486, %get3A_487] {strides = array<i32>} : memref<2x64x256xf32, #tpu.memory_space<vmem>>, vector<1x1x16xf32>,
      %get3A_489 = vector.shape_cast %get3A_488 : vector<1x1x16xf32> to vector<16xf32>
      %min3A_490 = arith.minimumf %max3A_481, %get3A_489 : vector<16xf32>
      %max3A_491 = arith.maximumf %max3A_481, %get3A_489 : vector<16xf32>
      %max3A_492 = arith.maximumf %max3A_482, %min3A_490 : vector<16xf32>
      %get3A_493 = arith.constant 1 : i32
      %get3A_494 = arith.constant 40 : i32
      %get3A_495 = arith.index_cast %get3A_493 : i32 to index
      %get3A_496 = arith.index_cast %get3A_494 : i32 to index
      %get3A_497 = arith.index_cast %mul3A_93 : i32 to index
      %get3A_498 = tpu.vector_load %arg7[%get3A_495, %get3A_496, %get3A_497] {strides = array<i32>} : memref<2x64x256xf32, #tpu.memory_space<vmem>>, vector<1x1x16xf32>,
      %get3A_499 = vector.shape_cast %get3A_498 : vector<1x1x16xf32> to vector<16xf32>
      %min3A_500 = arith.minimumf %max3A_491, %get3A_499 : vector<16xf32>
      %max3A_501 = arith.maximumf %max3A_491, %get3A_499 : vector<16xf32>
      %max3A_502 = arith.maximumf %max3A_492, %min3A_500 : vector<16xf32>
      %get3A_503 = arith.constant 1 : i32
      %get3A_504 = arith.constant 41 : i32
      %get3A_505 = arith.index_cast %get3A_503 : i32 to index
      %get3A_506 = arith.index_cast %get3A_504 : i32 to index
      %get3A_507 = arith.index_cast %mul3A_93 : i32 to index
      %get3A_508 = tpu.vector_load %arg7[%get3A_505, %get3A_506, %get3A_507] {strides = array<i32>} : memref<2x64x256xf32, #tpu.memory_space<vmem>>, vector<1x1x16xf32>,
      %get3A_509 = vector.shape_cast %get3A_508 : vector<1x1x16xf32> to vector<16xf32>
      %min3A_510 = arith.minimumf %max3A_501, %get3A_509 : vector<16xf32>
      %max3A_511 = arith.maximumf %max3A_501, %get3A_509 : vector<16xf32>
      %max3A_512 = arith.maximumf %max3A_502, %min3A_510 : vector<16xf32>
      %get3A_513 = arith.constant 1 : i32
      %get3A_514 = arith.constant 42 : i32
      %get3A_515 = arith.index_cast %get3A_513 : i32 to index
      %get3A_516 = arith.index_cast %get3A_514 : i32 to index
      %get3A_517 = arith.index_cast %mul3A_93 : i32 to index
      %get3A_518 = tpu.vector_load %arg7[%get3A_515, %get3A_516, %get3A_517] {strides = array<i32>} : memref<2x64x256xf32, #tpu.memory_space<vmem>>, vector<1x1x16xf32>,
      %get3A_519 = vector.shape_cast %get3A_518 : vector<1x1x16xf32> to vector<16xf32>
      %min3A_520 = arith.minimumf %max3A_511, %get3A_519 : vector<16xf32>
      %max3A_521 = arith.maximumf %max3A_511, %get3A_519 : vector<16xf32>
      %max3A_522 = arith.maximumf %max3A_512, %min3A_520 : vector<16xf32>
      %get3A_523 = arith.constant 1 : i32
      %get3A_524 = arith.constant 43 : i32
      %get3A_525 = arith.index_cast %get3A_523 : i32 to index
      %get3A_526 = arith.index_cast %get3A_524 : i32 to index
      %get3A_527 = arith.index_cast %mul3A_93 : i32 to index
      %get3A_528 = tpu.vector_load %arg7[%get3A_525, %get3A_526, %get3A_527] {strides = array<i32>} : memref<2x64x256xf32, #tpu.memory_space<vmem>>, vector<1x1x16xf32>,
      %get3A_529 = vector.shape_cast %get3A_528 : vector<1x1x16xf32> to vector<16xf32>
      %min3A_530 = arith.minimumf %max3A_521, %get3A_529 : vector<16xf32>
      %max3A_531 = arith.maximumf %max3A_521, %get3A_529 : vector<16xf32>
      %max3A_532 = arith.maximumf %max3A_522, %min3A_530 : vector<16xf32>
      %get3A_533 = arith.constant 1 : i32
      %get3A_534 = arith.constant 44 : i32
      %get3A_535 = arith.index_cast %get3A_533 : i32 to index
      %get3A_536 = arith.index_cast %get3A_534 : i32 to index
      %get3A_537 = arith.index_cast %mul3A_93 : i32 to index
      %get3A_538 = tpu.vector_load %arg7[%get3A_535, %get3A_536, %get3A_537] {strides = array<i32>} : memref<2x64x256xf32, #tpu.memory_space<vmem>>, vector<1x1x16xf32>,
      %get3A_539 = vector.shape_cast %get3A_538 : vector<1x1x16xf32> to vector<16xf32>
      %min3A_540 = arith.minimumf %max3A_531, %get3A_539 : vector<16xf32>
      %max3A_541 = arith.maximumf %max3A_531, %get3A_539 : vector<16xf32>
      %max3A_542 = arith.maximumf %max3A_532, %min3A_540 : vector<16xf32>
      %get3A_543 = arith.constant 1 : i32
      %get3A_544 = arith.constant 45 : i32
      %get3A_545 = arith.index_cast %get3A_543 : i32 to index
      %get3A_546 = arith.index_cast %get3A_544 : i32 to index
      %get3A_547 = arith.index_cast %mul3A_93 : i32 to index
      %get3A_548 = tpu.vector_load %arg7[%get3A_545, %get3A_546, %get3A_547] {strides = array<i32>} : memref<2x64x256xf32, #tpu.memory_space<vmem>>, vector<1x1x16xf32>,
      %get3A_549 = vector.shape_cast %get3A_548 : vector<1x1x16xf32> to vector<16xf32>
      %min3A_550 = arith.minimumf %max3A_541, %get3A_549 : vector<16xf32>
      %max3A_551 = arith.maximumf %max3A_541, %get3A_549 : vector<16xf32>
      %max3A_552 = arith.maximumf %max3A_542, %min3A_550 : vector<16xf32>
      %get3A_553 = arith.constant 1 : i32
      %get3A_554 = arith.constant 46 : i32
      %get3A_555 = arith.index_cast %get3A_553 : i32 to index
      %get3A_556 = arith.index_cast %get3A_554 : i32 to index
      %get3A_557 = arith.index_cast %mul3A_93 : i32 to index
      %get3A_558 = tpu.vector_load %arg7[%get3A_555, %get3A_556, %get3A_557] {strides = array<i32>} : memref<2x64x256xf32, #tpu.memory_space<vmem>>, vector<1x1x16xf32>,
      %get3A_559 = vector.shape_cast %get3A_558 : vector<1x1x16xf32> to vector<16xf32>
      %min3A_560 = arith.minimumf %max3A_551, %get3A_559 : vector<16xf32>
      %max3A_561 = arith.maximumf %max3A_551, %get3A_559 : vector<16xf32>
      %max3A_562 = arith.maximumf %max3A_552, %min3A_560 : vector<16xf32>
      %get3A_563 = arith.constant 1 : i32
      %get3A_564 = arith.constant 47 : i32
      %get3A_565 = arith.index_cast %get3A_563 : i32 to index
      %get3A_566 = arith.index_cast %get3A_564 : i32 to index
      %get3A_567 = arith.index_cast %mul3A_93 : i32 to index
      %get3A_568 = tpu.vector_load %arg7[%get3A_565, %get3A_566, %get3A_567] {strides = array<i32>} : memref<2x64x256xf32, #tpu.memory_space<vmem>>, vector<1x1x16xf32>,
      %get3A_569 = vector.shape_cast %get3A_568 : vector<1x1x16xf32> to vector<16xf32>
      %min3A_570 = arith.minimumf %max3A_561, %get3A_569 : vector<16xf32>
      %max3A_571 = arith.maximumf %max3A_561, %get3A_569 : vector<16xf32>
      %max3A_572 = arith.maximumf %max3A_562, %min3A_570 : vector<16xf32>
      %get3A_573 = arith.constant 1 : i32
      %get3A_574 = arith.constant 48 : i32
      %get3A_575 = arith.index_cast %get3A_573 : i32 to index
      %get3A_576 = arith.index_cast %get3A_574 : i32 to index
      %get3A_577 = arith.index_cast %mul3A_93 : i32 to index
      %get3A_578 = tpu.vector_load %arg7[%get3A_575, %get3A_576, %get3A_577] {strides = array<i32>} : memref<2x64x256xf32, #tpu.memory_space<vmem>>, vector<1x1x16xf32>,
      %get3A_579 = vector.shape_cast %get3A_578 : vector<1x1x16xf32> to vector<16xf32>
      %min3A_580 = arith.minimumf %max3A_571, %get3A_579 : vector<16xf32>
      %max3A_581 = arith.maximumf %max3A_571, %get3A_579 : vector<16xf32>
      %max3A_582 = arith.maximumf %max3A_572, %min3A_580 : vector<16xf32>
      %get3A_583 = arith.constant 1 : i32
      %get3A_584 = arith.constant 49 : i32
      %get3A_585 = arith.index_cast %get3A_583 : i32 to index
      %get3A_586 = arith.index_cast %get3A_584 : i32 to index
      %get3A_587 = arith.index_cast %mul3A_93 : i32 to index
      %get3A_588 = tpu.vector_load %arg7[%get3A_585, %get3A_586, %get3A_587] {strides = array<i32>} : memref<2x64x256xf32, #tpu.memory_space<vmem>>, vector<1x1x16xf32>,
      %get3A_589 = vector.shape_cast %get3A_588 : vector<1x1x16xf32> to vector<16xf32>
      %min3A_590 = arith.minimumf %max3A_581, %get3A_589 : vector<16xf32>
      %max3A_591 = arith.maximumf %max3A_581, %get3A_589 : vector<16xf32>
      %max3A_592 = arith.maximumf %max3A_582, %min3A_590 : vector<16xf32>
      %get3A_593 = arith.constant 1 : i32
      %get3A_594 = arith.constant 50 : i32
      %get3A_595 = arith.index_cast %get3A_593 : i32 to index
      %get3A_596 = arith.index_cast %get3A_594 : i32 to index
      %get3A_597 = arith.index_cast %mul3A_93 : i32 to index
      %get3A_598 = tpu.vector_load %arg7[%get3A_595, %get3A_596, %get3A_597] {strides = array<i32>} : memref<2x64x256xf32, #tpu.memory_space<vmem>>, vector<1x1x16xf32>,
      %get3A_599 = vector.shape_cast %get3A_598 : vector<1x1x16xf32> to vector<16xf32>
      %min3A_600 = arith.minimumf %max3A_591, %get3A_599 : vector<16xf32>
      %max3A_601 = arith.maximumf %max3A_591, %get3A_599 : vector<16xf32>
      %max3A_602 = arith.maximumf %max3A_592, %min3A_600 : vector<16xf32>
      %get3A_603 = arith.constant 1 : i32
      %get3A_604 = arith.constant 51 : i32
      %get3A_605 = arith.index_cast %get3A_603 : i32 to index
      %get3A_606 = arith.index_cast %get3A_604 : i32 to index
      %get3A_607 = arith.index_cast %mul3A_93 : i32 to index
      %get3A_608 = tpu.vector_load %arg7[%get3A_605, %get3A_606, %get3A_607] {strides = array<i32>} : memref<2x64x256xf32, #tpu.memory_space<vmem>>, vector<1x1x16xf32>,
      %get3A_609 = vector.shape_cast %get3A_608 : vector<1x1x16xf32> to vector<16xf32>
      %min3A_610 = arith.minimumf %max3A_601, %get3A_609 : vector<16xf32>
      %max3A_611 = arith.maximumf %max3A_601, %get3A_609 : vector<16xf32>
      %max3A_612 = arith.maximumf %max3A_602, %min3A_610 : vector<16xf32>
      %get3A_613 = arith.constant 1 : i32
      %get3A_614 = arith.constant 52 : i32
      %get3A_615 = arith.index_cast %get3A_613 : i32 to index
      %get3A_616 = arith.index_cast %get3A_614 : i32 to index
      %get3A_617 = arith.index_cast %mul3A_93 : i32 to index
      %get3A_618 = tpu.vector_load %arg7[%get3A_615, %get3A_616, %get3A_617] {strides = array<i32>} : memref<2x64x256xf32, #tpu.memory_space<vmem>>, vector<1x1x16xf32>,
      %get3A_619 = vector.shape_cast %get3A_618 : vector<1x1x16xf32> to vector<16xf32>
      %min3A_620 = arith.minimumf %max3A_611, %get3A_619 : vector<16xf32>
      %max3A_621 = arith.maximumf %max3A_611, %get3A_619 : vector<16xf32>
      %max3A_622 = arith.maximumf %max3A_612, %min3A_620 : vector<16xf32>
      %get3A_623 = arith.constant 1 : i32
      %get3A_624 = arith.constant 53 : i32
      %get3A_625 = arith.index_cast %get3A_623 : i32 to index
      %get3A_626 = arith.index_cast %get3A_624 : i32 to index
      %get3A_627 = arith.index_cast %mul3A_93 : i32 to index
      %get3A_628 = tpu.vector_load %arg7[%get3A_625, %get3A_626, %get3A_627] {strides = array<i32>} : memref<2x64x256xf32, #tpu.memory_space<vmem>>, vector<1x1x16xf32>,
      %get3A_629 = vector.shape_cast %get3A_628 : vector<1x1x16xf32> to vector<16xf32>
      %min3A_630 = arith.minimumf %max3A_621, %get3A_629 : vector<16xf32>
      %max3A_631 = arith.maximumf %max3A_621, %get3A_629 : vector<16xf32>
      %max3A_632 = arith.maximumf %max3A_622, %min3A_630 : vector<16xf32>
      %get3A_633 = arith.constant 1 : i32
      %get3A_634 = arith.constant 54 : i32
      %get3A_635 = arith.index_cast %get3A_633 : i32 to index
      %get3A_636 = arith.index_cast %get3A_634 : i32 to index
      %get3A_637 = arith.index_cast %mul3A_93 : i32 to index
      %get3A_638 = tpu.vector_load %arg7[%get3A_635, %get3A_636, %get3A_637] {strides = array<i32>} : memref<2x64x256xf32, #tpu.memory_space<vmem>>, vector<1x1x16xf32>,
      %get3A_639 = vector.shape_cast %get3A_638 : vector<1x1x16xf32> to vector<16xf32>
      %min3A_640 = arith.minimumf %max3A_631, %get3A_639 : vector<16xf32>
      %max3A_641 = arith.maximumf %max3A_631, %get3A_639 : vector<16xf32>
      %max3A_642 = arith.maximumf %max3A_632, %min3A_640 : vector<16xf32>
      %get3A_643 = arith.constant 1 : i32
      %get3A_644 = arith.constant 55 : i32
      %get3A_645 = arith.index_cast %get3A_643 : i32 to index
      %get3A_646 = arith.index_cast %get3A_644 : i32 to index
      %get3A_647 = arith.index_cast %mul3A_93 : i32 to index
      %get3A_648 = tpu.vector_load %arg7[%get3A_645, %get3A_646, %get3A_647] {strides = array<i32>} : memref<2x64x256xf32, #tpu.memory_space<vmem>>, vector<1x1x16xf32>,
      %get3A_649 = vector.shape_cast %get3A_648 : vector<1x1x16xf32> to vector<16xf32>
      %min3A_650 = arith.minimumf %max3A_641, %get3A_649 : vector<16xf32>
      %max3A_651 = arith.maximumf %max3A_641, %get3A_649 : vector<16xf32>
      %max3A_652 = arith.maximumf %max3A_642, %min3A_650 : vector<16xf32>
      %get3A_653 = arith.constant 1 : i32
      %get3A_654 = arith.constant 56 : i32
      %get3A_655 = arith.index_cast %get3A_653 : i32 to index
      %get3A_656 = arith.index_cast %get3A_654 : i32 to index
      %get3A_657 = arith.index_cast %mul3A_93 : i32 to index
      %get3A_658 = tpu.vector_load %arg7[%get3A_655, %get3A_656, %get3A_657] {strides = array<i32>} : memref<2x64x256xf32, #tpu.memory_space<vmem>>, vector<1x1x16xf32>,
      %get3A_659 = vector.shape_cast %get3A_658 : vector<1x1x16xf32> to vector<16xf32>
      %min3A_660 = arith.minimumf %max3A_651, %get3A_659 : vector<16xf32>
      %max3A_661 = arith.maximumf %max3A_651, %get3A_659 : vector<16xf32>
      %max3A_662 = arith.maximumf %max3A_652, %min3A_660 : vector<16xf32>
      %get3A_663 = arith.constant 1 : i32
      %get3A_664 = arith.constant 57 : i32
      %get3A_665 = arith.index_cast %get3A_663 : i32 to index
      %get3A_666 = arith.index_cast %get3A_664 : i32 to index
      %get3A_667 = arith.index_cast %mul3A_93 : i32 to index
      %get3A_668 = tpu.vector_load %arg7[%get3A_665, %get3A_666, %get3A_667] {strides = array<i32>} : memref<2x64x256xf32, #tpu.memory_space<vmem>>, vector<1x1x16xf32>,
      %get3A_669 = vector.shape_cast %get3A_668 : vector<1x1x16xf32> to vector<16xf32>
      %min3A_670 = arith.minimumf %max3A_661, %get3A_669 : vector<16xf32>
      %max3A_671 = arith.maximumf %max3A_661, %get3A_669 : vector<16xf32>
      %max3A_672 = arith.maximumf %max3A_662, %min3A_670 : vector<16xf32>
      %get3A_673 = arith.constant 1 : i32
      %get3A_674 = arith.constant 58 : i32
      %get3A_675 = arith.index_cast %get3A_673 : i32 to index
      %get3A_676 = arith.index_cast %get3A_674 : i32 to index
      %get3A_677 = arith.index_cast %mul3A_93 : i32 to index
      %get3A_678 = tpu.vector_load %arg7[%get3A_675, %get3A_676, %get3A_677] {strides = array<i32>} : memref<2x64x256xf32, #tpu.memory_space<vmem>>, vector<1x1x16xf32>,
      %get3A_679 = vector.shape_cast %get3A_678 : vector<1x1x16xf32> to vector<16xf32>
      %min3A_680 = arith.minimumf %max3A_671, %get3A_679 : vector<16xf32>
      %max3A_681 = arith.maximumf %max3A_671, %get3A_679 : vector<16xf32>
      %max3A_682 = arith.maximumf %max3A_672, %min3A_680 : vector<16xf32>
      %get3A_683 = arith.constant 1 : i32
      %get3A_684 = arith.constant 59 : i32
      %get3A_685 = arith.index_cast %get3A_683 : i32 to index
      %get3A_686 = arith.index_cast %get3A_684 : i32 to index
      %get3A_687 = arith.index_cast %mul3A_93 : i32 to index
      %get3A_688 = tpu.vector_load %arg7[%get3A_685, %get3A_686, %get3A_687] {strides = array<i32>} : memref<2x64x256xf32, #tpu.memory_space<vmem>>, vector<1x1x16xf32>,
      %get3A_689 = vector.shape_cast %get3A_688 : vector<1x1x16xf32> to vector<16xf32>
      %min3A_690 = arith.minimumf %max3A_681, %get3A_689 : vector<16xf32>
      %max3A_691 = arith.maximumf %max3A_681, %get3A_689 : vector<16xf32>
      %max3A_692 = arith.maximumf %max3A_682, %min3A_690 : vector<16xf32>
      %get3A_693 = arith.constant 1 : i32
      %get3A_694 = arith.constant 60 : i32
      %get3A_695 = arith.index_cast %get3A_693 : i32 to index
      %get3A_696 = arith.index_cast %get3A_694 : i32 to index
      %get3A_697 = arith.index_cast %mul3A_93 : i32 to index
      %get3A_698 = tpu.vector_load %arg7[%get3A_695, %get3A_696, %get3A_697] {strides = array<i32>} : memref<2x64x256xf32, #tpu.memory_space<vmem>>, vector<1x1x16xf32>,
      %get3A_699 = vector.shape_cast %get3A_698 : vector<1x1x16xf32> to vector<16xf32>
      %min3A_700 = arith.minimumf %max3A_691, %get3A_699 : vector<16xf32>
      %max3A_701 = arith.maximumf %max3A_691, %get3A_699 : vector<16xf32>
      %max3A_702 = arith.maximumf %max3A_692, %min3A_700 : vector<16xf32>
      %get3A_703 = arith.constant 1 : i32
      %get3A_704 = arith.constant 61 : i32
      %get3A_705 = arith.index_cast %get3A_703 : i32 to index
      %get3A_706 = arith.index_cast %get3A_704 : i32 to index
      %get3A_707 = arith.index_cast %mul3A_93 : i32 to index
      %get3A_708 = tpu.vector_load %arg7[%get3A_705, %get3A_706, %get3A_707] {strides = array<i32>} : memref<2x64x256xf32, #tpu.memory_space<vmem>>, vector<1x1x16xf32>,
      %get3A_709 = vector.shape_cast %get3A_708 : vector<1x1x16xf32> to vector<16xf32>
      %min3A_710 = arith.minimumf %max3A_701, %get3A_709 : vector<16xf32>
      %max3A_711 = arith.maximumf %max3A_701, %get3A_709 : vector<16xf32>
      %max3A_712 = arith.maximumf %max3A_702, %min3A_710 : vector<16xf32>
      %get3A_713 = arith.constant 1 : i32
      %get3A_714 = arith.constant 62 : i32
      %get3A_715 = arith.index_cast %get3A_713 : i32 to index
      %get3A_716 = arith.index_cast %get3A_714 : i32 to index
      %get3A_717 = arith.index_cast %mul3A_93 : i32 to index
      %get3A_718 = tpu.vector_load %arg7[%get3A_715, %get3A_716, %get3A_717] {strides = array<i32>} : memref<2x64x256xf32, #tpu.memory_space<vmem>>, vector<1x1x16xf32>,
      %get3A_719 = vector.shape_cast %get3A_718 : vector<1x1x16xf32> to vector<16xf32>
      %min3A_720 = arith.minimumf %max3A_711, %get3A_719 : vector<16xf32>
      %max3A_721 = arith.maximumf %max3A_711, %get3A_719 : vector<16xf32>
      %max3A_722 = arith.maximumf %max3A_712, %min3A_720 : vector<16xf32>
      %get3A_723 = arith.constant 1 : i32
      %get3A_724 = arith.constant 63 : i32
      %get3A_725 = arith.index_cast %get3A_723 : i32 to index
      %get3A_726 = arith.index_cast %get3A_724 : i32 to index
      %get3A_727 = arith.index_cast %mul3A_93 : i32 to index
      %get3A_728 = tpu.vector_load %arg7[%get3A_725, %get3A_726, %get3A_727] {strides = array<i32>} : memref<2x64x256xf32, #tpu.memory_space<vmem>>, vector<1x1x16xf32>,
      %get3A_729 = vector.shape_cast %get3A_728 : vector<1x1x16xf32> to vector<16xf32>
      %min3A_730 = arith.minimumf %max3A_721, %get3A_729 : vector<16xf32>
      %max3A_731 = arith.maximumf %max3A_721, %get3A_729 : vector<16xf32>
      %max3A_732 = arith.maximumf %max3A_722, %min3A_730 : vector<16xf32>
      %max3A_733 = arith.maximumf %max3A_411, %max3A_731 : vector<16xf32>
      %max3A_734 = arith.maximumf %max3A_412, %max3A_732 : vector<16xf32>
      %min3A_735 = arith.minimumf %max3A_411, %max3A_731 : vector<16xf32>
      %max3A_736 = arith.maximumf %max3A_734, %min3A_735 : vector<16xf32>
      %broadcast_in_dim3A_737 = arith.constant 0 : i32
      %broadcast_in_dim3A_738 = vector.broadcast %broadcast_in_dim3A_737 : i32 to vector<16xi32>
      %get3A_739 = arith.constant 1 : i32
      %get3A_740 = arith.constant 0 : i32
      %get3A_741 = arith.index_cast %get3A_739 : i32 to index
      %get3A_742 = arith.index_cast %get3A_740 : i32 to index
      %get3A_743 = arith.index_cast %mul3A_93 : i32 to index
      %get3A_744 = tpu.vector_load %arg7[%get3A_741, %get3A_742, %get3A_743] {strides = array<i32>} : memref<2x64x256xf32, #tpu.memory_space<vmem>>, vector<1x1x16xf32>,
      %get3A_745 = vector.shape_cast %get3A_744 : vector<1x1x16xf32> to vector<16xf32>
      %eq3A = arith.cmpf oeq, %get3A_745, %max3A_733 : vector<16xf32>
      %select_n3A = arith.select %eq3A, %broadcast_in_dim3A_738, %broadcast_in_dim3A_38 : vector<16xi1>, vector<16xi32>
      %min3A_746 = arith.minsi %broadcast_in_dim3A_38, %select_n3A : vector<16xi32>
      %eq3A_747 = arith.cmpf oeq, %get3A_745, %max3A_736 : vector<16xf32>
      %select_n3A_748 = arith.select %eq3A_747, %broadcast_in_dim3A_738, %broadcast_in_dim3A_38 : vector<16xi1>, vector<16xi32>
      %min3A_749 = arith.minsi %broadcast_in_dim3A_38, %select_n3A_748 : vector<16xi32>
      %sub3A = arith.subf %get3A_745, %max3A_733 : vector<16xf32>
      %exp3A = math.exp %sub3A : vector<16xf32>
      %add3A_750 = arith.addf %broadcast_in_dim3A_36, %exp3A : vector<16xf32>
      %broadcast_in_dim3A_751 = arith.constant 1 : i32
      %broadcast_in_dim3A_752 = vector.broadcast %broadcast_in_dim3A_751 : i32 to vector<16xi32>
      %get3A_753 = arith.constant 1 : i32
      %get3A_754 = arith.constant 1 : i32
      %get3A_755 = arith.index_cast %get3A_753 : i32 to index
      %get3A_756 = arith.index_cast %get3A_754 : i32 to index
      %get3A_757 = arith.index_cast %mul3A_93 : i32 to index
      %get3A_758 = tpu.vector_load %arg7[%get3A_755, %get3A_756, %get3A_757] {strides = array<i32>} : memref<2x64x256xf32, #tpu.memory_space<vmem>>, vector<1x1x16xf32>,
      %get3A_759 = vector.shape_cast %get3A_758 : vector<1x1x16xf32> to vector<16xf32>
      %eq3A_760 = arith.cmpf oeq, %get3A_759, %max3A_733 : vector<16xf32>
      %select_n3A_761 = arith.select %eq3A_760, %broadcast_in_dim3A_752, %broadcast_in_dim3A_38 : vector<16xi1>, vector<16xi32>
      %min3A_762 = arith.minsi %min3A_746, %select_n3A_761 : vector<16xi32>
      %eq3A_763 = arith.cmpf oeq, %get3A_759, %max3A_736 : vector<16xf32>
      %select_n3A_764 = arith.select %eq3A_763, %broadcast_in_dim3A_752, %broadcast_in_dim3A_38 : vector<16xi1>, vector<16xi32>
      %min3A_765 = arith.minsi %min3A_749, %select_n3A_764 : vector<16xi32>
      %sub3A_766 = arith.subf %get3A_759, %max3A_733 : vector<16xf32>
      %exp3A_767 = math.exp %sub3A_766 : vector<16xf32>
      %add3A_768 = arith.addf %broadcast_in_dim3A_36, %exp3A_767 : vector<16xf32>
      %broadcast_in_dim3A_769 = arith.constant 2 : i32
      %broadcast_in_dim3A_770 = vector.broadcast %broadcast_in_dim3A_769 : i32 to vector<16xi32>
      %get3A_771 = arith.constant 1 : i32
      %get3A_772 = arith.constant 2 : i32
      %get3A_773 = arith.index_cast %get3A_771 : i32 to index
      %get3A_774 = arith.index_cast %get3A_772 : i32 to index
      %get3A_775 = arith.index_cast %mul3A_93 : i32 to index
      %get3A_776 = tpu.vector_load %arg7[%get3A_773, %get3A_774, %get3A_775] {strides = array<i32>} : memref<2x64x256xf32, #tpu.memory_space<vmem>>, vector<1x1x16xf32>,
      %get3A_777 = vector.shape_cast %get3A_776 : vector<1x1x16xf32> to vector<16xf32>
      %eq3A_778 = arith.cmpf oeq, %get3A_777, %max3A_733 : vector<16xf32>
      %select_n3A_779 = arith.select %eq3A_778, %broadcast_in_dim3A_770, %broadcast_in_dim3A_38 : vector<16xi1>, vector<16xi32>
      %min3A_780 = arith.minsi %min3A_762, %select_n3A_779 : vector<16xi32>
      %eq3A_781 = arith.cmpf oeq, %get3A_777, %max3A_736 : vector<16xf32>
      %select_n3A_782 = arith.select %eq3A_781, %broadcast_in_dim3A_770, %broadcast_in_dim3A_38 : vector<16xi1>, vector<16xi32>
      %min3A_783 = arith.minsi %min3A_765, %select_n3A_782 : vector<16xi32>
      %sub3A_784 = arith.subf %get3A_777, %max3A_733 : vector<16xf32>
      %exp3A_785 = math.exp %sub3A_784 : vector<16xf32>
      %add3A_786 = arith.addf %add3A_750, %exp3A_785 : vector<16xf32>
      %broadcast_in_dim3A_787 = arith.constant 3 : i32
      %broadcast_in_dim3A_788 = vector.broadcast %broadcast_in_dim3A_787 : i32 to vector<16xi32>
      %get3A_789 = arith.constant 1 : i32
      %get3A_790 = arith.constant 3 : i32
      %get3A_791 = arith.index_cast %get3A_789 : i32 to index
      %get3A_792 = arith.index_cast %get3A_790 : i32 to index
      %get3A_793 = arith.index_cast %mul3A_93 : i32 to index
      %get3A_794 = tpu.vector_load %arg7[%get3A_791, %get3A_792, %get3A_793] {strides = array<i32>} : memref<2x64x256xf32, #tpu.memory_space<vmem>>, vector<1x1x16xf32>,
      %get3A_795 = vector.shape_cast %get3A_794 : vector<1x1x16xf32> to vector<16xf32>
      %eq3A_796 = arith.cmpf oeq, %get3A_795, %max3A_733 : vector<16xf32>
      %select_n3A_797 = arith.select %eq3A_796, %broadcast_in_dim3A_788, %broadcast_in_dim3A_38 : vector<16xi1>, vector<16xi32>
      %min3A_798 = arith.minsi %min3A_780, %select_n3A_797 : vector<16xi32>
      %eq3A_799 = arith.cmpf oeq, %get3A_795, %max3A_736 : vector<16xf32>
      %select_n3A_800 = arith.select %eq3A_799, %broadcast_in_dim3A_788, %broadcast_in_dim3A_38 : vector<16xi1>, vector<16xi32>
      %min3A_801 = arith.minsi %min3A_783, %select_n3A_800 : vector<16xi32>
      %sub3A_802 = arith.subf %get3A_795, %max3A_733 : vector<16xf32>
      %exp3A_803 = math.exp %sub3A_802 : vector<16xf32>
      %add3A_804 = arith.addf %add3A_768, %exp3A_803 : vector<16xf32>
      %broadcast_in_dim3A_805 = arith.constant 4 : i32
      %broadcast_in_dim3A_806 = vector.broadcast %broadcast_in_dim3A_805 : i32 to vector<16xi32>
      %get3A_807 = arith.constant 1 : i32
      %get3A_808 = arith.constant 4 : i32
      %get3A_809 = arith.index_cast %get3A_807 : i32 to index
      %get3A_810 = arith.index_cast %get3A_808 : i32 to index
      %get3A_811 = arith.index_cast %mul3A_93 : i32 to index
      %get3A_812 = tpu.vector_load %arg7[%get3A_809, %get3A_810, %get3A_811] {strides = array<i32>} : memref<2x64x256xf32, #tpu.memory_space<vmem>>, vector<1x1x16xf32>,
      %get3A_813 = vector.shape_cast %get3A_812 : vector<1x1x16xf32> to vector<16xf32>
      %eq3A_814 = arith.cmpf oeq, %get3A_813, %max3A_733 : vector<16xf32>
      %select_n3A_815 = arith.select %eq3A_814, %broadcast_in_dim3A_806, %broadcast_in_dim3A_38 : vector<16xi1>, vector<16xi32>
      %min3A_816 = arith.minsi %min3A_798, %select_n3A_815 : vector<16xi32>
      %eq3A_817 = arith.cmpf oeq, %get3A_813, %max3A_736 : vector<16xf32>
      %select_n3A_818 = arith.select %eq3A_817, %broadcast_in_dim3A_806, %broadcast_in_dim3A_38 : vector<16xi1>, vector<16xi32>
      %min3A_819 = arith.minsi %min3A_801, %select_n3A_818 : vector<16xi32>
      %sub3A_820 = arith.subf %get3A_813, %max3A_733 : vector<16xf32>
      %exp3A_821 = math.exp %sub3A_820 : vector<16xf32>
      %add3A_822 = arith.addf %add3A_786, %exp3A_821 : vector<16xf32>
      %broadcast_in_dim3A_823 = arith.constant 5 : i32
      %broadcast_in_dim3A_824 = vector.broadcast %broadcast_in_dim3A_823 : i32 to vector<16xi32>
      %get3A_825 = arith.constant 1 : i32
      %get3A_826 = arith.constant 5 : i32
      %get3A_827 = arith.index_cast %get3A_825 : i32 to index
      %get3A_828 = arith.index_cast %get3A_826 : i32 to index
      %get3A_829 = arith.index_cast %mul3A_93 : i32 to index
      %get3A_830 = tpu.vector_load %arg7[%get3A_827, %get3A_828, %get3A_829] {strides = array<i32>} : memref<2x64x256xf32, #tpu.memory_space<vmem>>, vector<1x1x16xf32>,
      %get3A_831 = vector.shape_cast %get3A_830 : vector<1x1x16xf32> to vector<16xf32>
      %eq3A_832 = arith.cmpf oeq, %get3A_831, %max3A_733 : vector<16xf32>
      %select_n3A_833 = arith.select %eq3A_832, %broadcast_in_dim3A_824, %broadcast_in_dim3A_38 : vector<16xi1>, vector<16xi32>
      %min3A_834 = arith.minsi %min3A_816, %select_n3A_833 : vector<16xi32>
      %eq3A_835 = arith.cmpf oeq, %get3A_831, %max3A_736 : vector<16xf32>
      %select_n3A_836 = arith.select %eq3A_835, %broadcast_in_dim3A_824, %broadcast_in_dim3A_38 : vector<16xi1>, vector<16xi32>
      %min3A_837 = arith.minsi %min3A_819, %select_n3A_836 : vector<16xi32>
      %sub3A_838 = arith.subf %get3A_831, %max3A_733 : vector<16xf32>
      %exp3A_839 = math.exp %sub3A_838 : vector<16xf32>
      %add3A_840 = arith.addf %add3A_804, %exp3A_839 : vector<16xf32>
      %broadcast_in_dim3A_841 = arith.constant 6 : i32
      %broadcast_in_dim3A_842 = vector.broadcast %broadcast_in_dim3A_841 : i32 to vector<16xi32>
      %get3A_843 = arith.constant 1 : i32
      %get3A_844 = arith.constant 6 : i32
      %get3A_845 = arith.index_cast %get3A_843 : i32 to index
      %get3A_846 = arith.index_cast %get3A_844 : i32 to index
      %get3A_847 = arith.index_cast %mul3A_93 : i32 to index
      %get3A_848 = tpu.vector_load %arg7[%get3A_845, %get3A_846, %get3A_847] {strides = array<i32>} : memref<2x64x256xf32, #tpu.memory_space<vmem>>, vector<1x1x16xf32>,
      %get3A_849 = vector.shape_cast %get3A_848 : vector<1x1x16xf32> to vector<16xf32>
      %eq3A_850 = arith.cmpf oeq, %get3A_849, %max3A_733 : vector<16xf32>
      %select_n3A_851 = arith.select %eq3A_850, %broadcast_in_dim3A_842, %broadcast_in_dim3A_38 : vector<16xi1>, vector<16xi32>
      %min3A_852 = arith.minsi %min3A_834, %select_n3A_851 : vector<16xi32>
      %eq3A_853 = arith.cmpf oeq, %get3A_849, %max3A_736 : vector<16xf32>
      %select_n3A_854 = arith.select %eq3A_853, %broadcast_in_dim3A_842, %broadcast_in_dim3A_38 : vector<16xi1>, vector<16xi32>
      %min3A_855 = arith.minsi %min3A_837, %select_n3A_854 : vector<16xi32>
      %sub3A_856 = arith.subf %get3A_849, %max3A_733 : vector<16xf32>
      %exp3A_857 = math.exp %sub3A_856 : vector<16xf32>
      %add3A_858 = arith.addf %add3A_822, %exp3A_857 : vector<16xf32>
      %broadcast_in_dim3A_859 = arith.constant 7 : i32
      %broadcast_in_dim3A_860 = vector.broadcast %broadcast_in_dim3A_859 : i32 to vector<16xi32>
      %get3A_861 = arith.constant 1 : i32
      %get3A_862 = arith.constant 7 : i32
      %get3A_863 = arith.index_cast %get3A_861 : i32 to index
      %get3A_864 = arith.index_cast %get3A_862 : i32 to index
      %get3A_865 = arith.index_cast %mul3A_93 : i32 to index
      %get3A_866 = tpu.vector_load %arg7[%get3A_863, %get3A_864, %get3A_865] {strides = array<i32>} : memref<2x64x256xf32, #tpu.memory_space<vmem>>, vector<1x1x16xf32>,
      %get3A_867 = vector.shape_cast %get3A_866 : vector<1x1x16xf32> to vector<16xf32>
      %eq3A_868 = arith.cmpf oeq, %get3A_867, %max3A_733 : vector<16xf32>
      %select_n3A_869 = arith.select %eq3A_868, %broadcast_in_dim3A_860, %broadcast_in_dim3A_38 : vector<16xi1>, vector<16xi32>
      %min3A_870 = arith.minsi %min3A_852, %select_n3A_869 : vector<16xi32>
      %eq3A_871 = arith.cmpf oeq, %get3A_867, %max3A_736 : vector<16xf32>
      %select_n3A_872 = arith.select %eq3A_871, %broadcast_in_dim3A_860, %broadcast_in_dim3A_38 : vector<16xi1>, vector<16xi32>
      %min3A_873 = arith.minsi %min3A_855, %select_n3A_872 : vector<16xi32>
      %sub3A_874 = arith.subf %get3A_867, %max3A_733 : vector<16xf32>
      %exp3A_875 = math.exp %sub3A_874 : vector<16xf32>
      %add3A_876 = arith.addf %add3A_840, %exp3A_875 : vector<16xf32>
      %broadcast_in_dim3A_877 = arith.constant 8 : i32
      %broadcast_in_dim3A_878 = vector.broadcast %broadcast_in_dim3A_877 : i32 to vector<16xi32>
      %get3A_879 = arith.constant 1 : i32
      %get3A_880 = arith.constant 8 : i32
      %get3A_881 = arith.index_cast %get3A_879 : i32 to index
      %get3A_882 = arith.index_cast %get3A_880 : i32 to index
      %get3A_883 = arith.index_cast %mul3A_93 : i32 to index
      %get3A_884 = tpu.vector_load %arg7[%get3A_881, %get3A_882, %get3A_883] {strides = array<i32>} : memref<2x64x256xf32, #tpu.memory_space<vmem>>, vector<1x1x16xf32>,
      %get3A_885 = vector.shape_cast %get3A_884 : vector<1x1x16xf32> to vector<16xf32>
      %eq3A_886 = arith.cmpf oeq, %get3A_885, %max3A_733 : vector<16xf32>
      %select_n3A_887 = arith.select %eq3A_886, %broadcast_in_dim3A_878, %broadcast_in_dim3A_38 : vector<16xi1>, vector<16xi32>
      %min3A_888 = arith.minsi %min3A_870, %select_n3A_887 : vector<16xi32>
      %eq3A_889 = arith.cmpf oeq, %get3A_885, %max3A_736 : vector<16xf32>
      %select_n3A_890 = arith.select %eq3A_889, %broadcast_in_dim3A_878, %broadcast_in_dim3A_38 : vector<16xi1>, vector<16xi32>
      %min3A_891 = arith.minsi %min3A_873, %select_n3A_890 : vector<16xi32>
      %sub3A_892 = arith.subf %get3A_885, %max3A_733 : vector<16xf32>
      %exp3A_893 = math.exp %sub3A_892 : vector<16xf32>
      %add3A_894 = arith.addf %add3A_858, %exp3A_893 : vector<16xf32>
      %broadcast_in_dim3A_895 = arith.constant 9 : i32
      %broadcast_in_dim3A_896 = vector.broadcast %broadcast_in_dim3A_895 : i32 to vector<16xi32>
      %get3A_897 = arith.constant 1 : i32
      %get3A_898 = arith.constant 9 : i32
      %get3A_899 = arith.index_cast %get3A_897 : i32 to index
      %get3A_900 = arith.index_cast %get3A_898 : i32 to index
      %get3A_901 = arith.index_cast %mul3A_93 : i32 to index
      %get3A_902 = tpu.vector_load %arg7[%get3A_899, %get3A_900, %get3A_901] {strides = array<i32>} : memref<2x64x256xf32, #tpu.memory_space<vmem>>, vector<1x1x16xf32>,
      %get3A_903 = vector.shape_cast %get3A_902 : vector<1x1x16xf32> to vector<16xf32>
      %eq3A_904 = arith.cmpf oeq, %get3A_903, %max3A_733 : vector<16xf32>
      %select_n3A_905 = arith.select %eq3A_904, %broadcast_in_dim3A_896, %broadcast_in_dim3A_38 : vector<16xi1>, vector<16xi32>
      %min3A_906 = arith.minsi %min3A_888, %select_n3A_905 : vector<16xi32>
      %eq3A_907 = arith.cmpf oeq, %get3A_903, %max3A_736 : vector<16xf32>
      %select_n3A_908 = arith.select %eq3A_907, %broadcast_in_dim3A_896, %broadcast_in_dim3A_38 : vector<16xi1>, vector<16xi32>
      %min3A_909 = arith.minsi %min3A_891, %select_n3A_908 : vector<16xi32>
      %sub3A_910 = arith.subf %get3A_903, %max3A_733 : vector<16xf32>
      %exp3A_911 = math.exp %sub3A_910 : vector<16xf32>
      %add3A_912 = arith.addf %add3A_876, %exp3A_911 : vector<16xf32>
      %broadcast_in_dim3A_913 = arith.constant 10 : i32
      %broadcast_in_dim3A_914 = vector.broadcast %broadcast_in_dim3A_913 : i32 to vector<16xi32>
      %get3A_915 = arith.constant 1 : i32
      %get3A_916 = arith.constant 10 : i32
      %get3A_917 = arith.index_cast %get3A_915 : i32 to index
      %get3A_918 = arith.index_cast %get3A_916 : i32 to index
      %get3A_919 = arith.index_cast %mul3A_93 : i32 to index
      %get3A_920 = tpu.vector_load %arg7[%get3A_917, %get3A_918, %get3A_919] {strides = array<i32>} : memref<2x64x256xf32, #tpu.memory_space<vmem>>, vector<1x1x16xf32>,
      %get3A_921 = vector.shape_cast %get3A_920 : vector<1x1x16xf32> to vector<16xf32>
      %eq3A_922 = arith.cmpf oeq, %get3A_921, %max3A_733 : vector<16xf32>
      %select_n3A_923 = arith.select %eq3A_922, %broadcast_in_dim3A_914, %broadcast_in_dim3A_38 : vector<16xi1>, vector<16xi32>
      %min3A_924 = arith.minsi %min3A_906, %select_n3A_923 : vector<16xi32>
      %eq3A_925 = arith.cmpf oeq, %get3A_921, %max3A_736 : vector<16xf32>
      %select_n3A_926 = arith.select %eq3A_925, %broadcast_in_dim3A_914, %broadcast_in_dim3A_38 : vector<16xi1>, vector<16xi32>
      %min3A_927 = arith.minsi %min3A_909, %select_n3A_926 : vector<16xi32>
      %sub3A_928 = arith.subf %get3A_921, %max3A_733 : vector<16xf32>
      %exp3A_929 = math.exp %sub3A_928 : vector<16xf32>
      %add3A_930 = arith.addf %add3A_894, %exp3A_929 : vector<16xf32>
      %broadcast_in_dim3A_931 = arith.constant 11 : i32
      %broadcast_in_dim3A_932 = vector.broadcast %broadcast_in_dim3A_931 : i32 to vector<16xi32>
      %get3A_933 = arith.constant 1 : i32
      %get3A_934 = arith.constant 11 : i32
      %get3A_935 = arith.index_cast %get3A_933 : i32 to index
      %get3A_936 = arith.index_cast %get3A_934 : i32 to index
      %get3A_937 = arith.index_cast %mul3A_93 : i32 to index
      %get3A_938 = tpu.vector_load %arg7[%get3A_935, %get3A_936, %get3A_937] {strides = array<i32>} : memref<2x64x256xf32, #tpu.memory_space<vmem>>, vector<1x1x16xf32>,
      %get3A_939 = vector.shape_cast %get3A_938 : vector<1x1x16xf32> to vector<16xf32>
      %eq3A_940 = arith.cmpf oeq, %get3A_939, %max3A_733 : vector<16xf32>
      %select_n3A_941 = arith.select %eq3A_940, %broadcast_in_dim3A_932, %broadcast_in_dim3A_38 : vector<16xi1>, vector<16xi32>
      %min3A_942 = arith.minsi %min3A_924, %select_n3A_941 : vector<16xi32>
      %eq3A_943 = arith.cmpf oeq, %get3A_939, %max3A_736 : vector<16xf32>
      %select_n3A_944 = arith.select %eq3A_943, %broadcast_in_dim3A_932, %broadcast_in_dim3A_38 : vector<16xi1>, vector<16xi32>
      %min3A_945 = arith.minsi %min3A_927, %select_n3A_944 : vector<16xi32>
      %sub3A_946 = arith.subf %get3A_939, %max3A_733 : vector<16xf32>
      %exp3A_947 = math.exp %sub3A_946 : vector<16xf32>
      %add3A_948 = arith.addf %add3A_912, %exp3A_947 : vector<16xf32>
      %broadcast_in_dim3A_949 = arith.constant 12 : i32
      %broadcast_in_dim3A_950 = vector.broadcast %broadcast_in_dim3A_949 : i32 to vector<16xi32>
      %get3A_951 = arith.constant 1 : i32
      %get3A_952 = arith.constant 12 : i32
      %get3A_953 = arith.index_cast %get3A_951 : i32 to index
      %get3A_954 = arith.index_cast %get3A_952 : i32 to index
      %get3A_955 = arith.index_cast %mul3A_93 : i32 to index
      %get3A_956 = tpu.vector_load %arg7[%get3A_953, %get3A_954, %get3A_955] {strides = array<i32>} : memref<2x64x256xf32, #tpu.memory_space<vmem>>, vector<1x1x16xf32>,
      %get3A_957 = vector.shape_cast %get3A_956 : vector<1x1x16xf32> to vector<16xf32>
      %eq3A_958 = arith.cmpf oeq, %get3A_957, %max3A_733 : vector<16xf32>
      %select_n3A_959 = arith.select %eq3A_958, %broadcast_in_dim3A_950, %broadcast_in_dim3A_38 : vector<16xi1>, vector<16xi32>
      %min3A_960 = arith.minsi %min3A_942, %select_n3A_959 : vector<16xi32>
      %eq3A_961 = arith.cmpf oeq, %get3A_957, %max3A_736 : vector<16xf32>
      %select_n3A_962 = arith.select %eq3A_961, %broadcast_in_dim3A_950, %broadcast_in_dim3A_38 : vector<16xi1>, vector<16xi32>
      %min3A_963 = arith.minsi %min3A_945, %select_n3A_962 : vector<16xi32>
      %sub3A_964 = arith.subf %get3A_957, %max3A_733 : vector<16xf32>
      %exp3A_965 = math.exp %sub3A_964 : vector<16xf32>
      %add3A_966 = arith.addf %add3A_930, %exp3A_965 : vector<16xf32>
      %broadcast_in_dim3A_967 = arith.constant 13 : i32
      %broadcast_in_dim3A_968 = vector.broadcast %broadcast_in_dim3A_967 : i32 to vector<16xi32>
      %get3A_969 = arith.constant 1 : i32
      %get3A_970 = arith.constant 13 : i32
      %get3A_971 = arith.index_cast %get3A_969 : i32 to index
      %get3A_972 = arith.index_cast %get3A_970 : i32 to index
      %get3A_973 = arith.index_cast %mul3A_93 : i32 to index
      %get3A_974 = tpu.vector_load %arg7[%get3A_971, %get3A_972, %get3A_973] {strides = array<i32>} : memref<2x64x256xf32, #tpu.memory_space<vmem>>, vector<1x1x16xf32>,
      %get3A_975 = vector.shape_cast %get3A_974 : vector<1x1x16xf32> to vector<16xf32>
      %eq3A_976 = arith.cmpf oeq, %get3A_975, %max3A_733 : vector<16xf32>
      %select_n3A_977 = arith.select %eq3A_976, %broadcast_in_dim3A_968, %broadcast_in_dim3A_38 : vector<16xi1>, vector<16xi32>
      %min3A_978 = arith.minsi %min3A_960, %select_n3A_977 : vector<16xi32>
      %eq3A_979 = arith.cmpf oeq, %get3A_975, %max3A_736 : vector<16xf32>
      %select_n3A_980 = arith.select %eq3A_979, %broadcast_in_dim3A_968, %broadcast_in_dim3A_38 : vector<16xi1>, vector<16xi32>
      %min3A_981 = arith.minsi %min3A_963, %select_n3A_980 : vector<16xi32>
      %sub3A_982 = arith.subf %get3A_975, %max3A_733 : vector<16xf32>
      %exp3A_983 = math.exp %sub3A_982 : vector<16xf32>
      %add3A_984 = arith.addf %add3A_948, %exp3A_983 : vector<16xf32>
      %broadcast_in_dim3A_985 = arith.constant 14 : i32
      %broadcast_in_dim3A_986 = vector.broadcast %broadcast_in_dim3A_985 : i32 to vector<16xi32>
      %get3A_987 = arith.constant 1 : i32
      %get3A_988 = arith.constant 14 : i32
      %get3A_989 = arith.index_cast %get3A_987 : i32 to index
      %get3A_990 = arith.index_cast %get3A_988 : i32 to index
      %get3A_991 = arith.index_cast %mul3A_93 : i32 to index
      %get3A_992 = tpu.vector_load %arg7[%get3A_989, %get3A_990, %get3A_991] {strides = array<i32>} : memref<2x64x256xf32, #tpu.memory_space<vmem>>, vector<1x1x16xf32>,
      %get3A_993 = vector.shape_cast %get3A_992 : vector<1x1x16xf32> to vector<16xf32>
      %eq3A_994 = arith.cmpf oeq, %get3A_993, %max3A_733 : vector<16xf32>
      %select_n3A_995 = arith.select %eq3A_994, %broadcast_in_dim3A_986, %broadcast_in_dim3A_38 : vector<16xi1>, vector<16xi32>
      %min3A_996 = arith.minsi %min3A_978, %select_n3A_995 : vector<16xi32>
      %eq3A_997 = arith.cmpf oeq, %get3A_993, %max3A_736 : vector<16xf32>
      %select_n3A_998 = arith.select %eq3A_997, %broadcast_in_dim3A_986, %broadcast_in_dim3A_38 : vector<16xi1>, vector<16xi32>
      %min3A_999 = arith.minsi %min3A_981, %select_n3A_998 : vector<16xi32>
      %sub3A_1000 = arith.subf %get3A_993, %max3A_733 : vector<16xf32>
      %exp3A_1001 = math.exp %sub3A_1000 : vector<16xf32>
      %add3A_1002 = arith.addf %add3A_966, %exp3A_1001 : vector<16xf32>
      %broadcast_in_dim3A_1003 = arith.constant 15 : i32
      %broadcast_in_dim3A_1004 = vector.broadcast %broadcast_in_dim3A_1003 : i32 to vector<16xi32>
      %get3A_1005 = arith.constant 1 : i32
      %get3A_1006 = arith.constant 15 : i32
      %get3A_1007 = arith.index_cast %get3A_1005 : i32 to index
      %get3A_1008 = arith.index_cast %get3A_1006 : i32 to index
      %get3A_1009 = arith.index_cast %mul3A_93 : i32 to index
      %get3A_1010 = tpu.vector_load %arg7[%get3A_1007, %get3A_1008, %get3A_1009] {strides = array<i32>} : memref<2x64x256xf32, #tpu.memory_space<vmem>>, vector<1x1x16xf32>,
      %get3A_1011 = vector.shape_cast %get3A_1010 : vector<1x1x16xf32> to vector<16xf32>
      %eq3A_1012 = arith.cmpf oeq, %get3A_1011, %max3A_733 : vector<16xf32>
      %select_n3A_1013 = arith.select %eq3A_1012, %broadcast_in_dim3A_1004, %broadcast_in_dim3A_38 : vector<16xi1>, vector<16xi32>
      %min3A_1014 = arith.minsi %min3A_996, %select_n3A_1013 : vector<16xi32>
      %eq3A_1015 = arith.cmpf oeq, %get3A_1011, %max3A_736 : vector<16xf32>
      %select_n3A_1016 = arith.select %eq3A_1015, %broadcast_in_dim3A_1004, %broadcast_in_dim3A_38 : vector<16xi1>, vector<16xi32>
      %min3A_1017 = arith.minsi %min3A_999, %select_n3A_1016 : vector<16xi32>
      %sub3A_1018 = arith.subf %get3A_1011, %max3A_733 : vector<16xf32>
      %exp3A_1019 = math.exp %sub3A_1018 : vector<16xf32>
      %add3A_1020 = arith.addf %add3A_984, %exp3A_1019 : vector<16xf32>
      %broadcast_in_dim3A_1021 = arith.constant 16 : i32
      %broadcast_in_dim3A_1022 = vector.broadcast %broadcast_in_dim3A_1021 : i32 to vector<16xi32>
      %get3A_1023 = arith.constant 1 : i32
      %get3A_1024 = arith.constant 16 : i32
      %get3A_1025 = arith.index_cast %get3A_1023 : i32 to index
      %get3A_1026 = arith.index_cast %get3A_1024 : i32 to index
      %get3A_1027 = arith.index_cast %mul3A_93 : i32 to index
      %get3A_1028 = tpu.vector_load %arg7[%get3A_1025, %get3A_1026, %get3A_1027] {strides = array<i32>} : memref<2x64x256xf32, #tpu.memory_space<vmem>>, vector<1x1x16xf32>,
      %get3A_1029 = vector.shape_cast %get3A_1028 : vector<1x1x16xf32> to vector<16xf32>
      %eq3A_1030 = arith.cmpf oeq, %get3A_1029, %max3A_733 : vector<16xf32>
      %select_n3A_1031 = arith.select %eq3A_1030, %broadcast_in_dim3A_1022, %broadcast_in_dim3A_38 : vector<16xi1>, vector<16xi32>
      %min3A_1032 = arith.minsi %min3A_1014, %select_n3A_1031 : vector<16xi32>
      %eq3A_1033 = arith.cmpf oeq, %get3A_1029, %max3A_736 : vector<16xf32>
      %select_n3A_1034 = arith.select %eq3A_1033, %broadcast_in_dim3A_1022, %broadcast_in_dim3A_38 : vector<16xi1>, vector<16xi32>
      %min3A_1035 = arith.minsi %min3A_1017, %select_n3A_1034 : vector<16xi32>
      %sub3A_1036 = arith.subf %get3A_1029, %max3A_733 : vector<16xf32>
      %exp3A_1037 = math.exp %sub3A_1036 : vector<16xf32>
      %add3A_1038 = arith.addf %add3A_1002, %exp3A_1037 : vector<16xf32>
      %broadcast_in_dim3A_1039 = arith.constant 17 : i32
      %broadcast_in_dim3A_1040 = vector.broadcast %broadcast_in_dim3A_1039 : i32 to vector<16xi32>
      %get3A_1041 = arith.constant 1 : i32
      %get3A_1042 = arith.constant 17 : i32
      %get3A_1043 = arith.index_cast %get3A_1041 : i32 to index
      %get3A_1044 = arith.index_cast %get3A_1042 : i32 to index
      %get3A_1045 = arith.index_cast %mul3A_93 : i32 to index
      %get3A_1046 = tpu.vector_load %arg7[%get3A_1043, %get3A_1044, %get3A_1045] {strides = array<i32>} : memref<2x64x256xf32, #tpu.memory_space<vmem>>, vector<1x1x16xf32>,
      %get3A_1047 = vector.shape_cast %get3A_1046 : vector<1x1x16xf32> to vector<16xf32>
      %eq3A_1048 = arith.cmpf oeq, %get3A_1047, %max3A_733 : vector<16xf32>
      %select_n3A_1049 = arith.select %eq3A_1048, %broadcast_in_dim3A_1040, %broadcast_in_dim3A_38 : vector<16xi1>, vector<16xi32>
      %min3A_1050 = arith.minsi %min3A_1032, %select_n3A_1049 : vector<16xi32>
      %eq3A_1051 = arith.cmpf oeq, %get3A_1047, %max3A_736 : vector<16xf32>
      %select_n3A_1052 = arith.select %eq3A_1051, %broadcast_in_dim3A_1040, %broadcast_in_dim3A_38 : vector<16xi1>, vector<16xi32>
      %min3A_1053 = arith.minsi %min3A_1035, %select_n3A_1052 : vector<16xi32>
      %sub3A_1054 = arith.subf %get3A_1047, %max3A_733 : vector<16xf32>
      %exp3A_1055 = math.exp %sub3A_1054 : vector<16xf32>
      %add3A_1056 = arith.addf %add3A_1020, %exp3A_1055 : vector<16xf32>
      %broadcast_in_dim3A_1057 = arith.constant 18 : i32
      %broadcast_in_dim3A_1058 = vector.broadcast %broadcast_in_dim3A_1057 : i32 to vector<16xi32>
      %get3A_1059 = arith.constant 1 : i32
      %get3A_1060 = arith.constant 18 : i32
      %get3A_1061 = arith.index_cast %get3A_1059 : i32 to index
      %get3A_1062 = arith.index_cast %get3A_1060 : i32 to index
      %get3A_1063 = arith.index_cast %mul3A_93 : i32 to index
      %get3A_1064 = tpu.vector_load %arg7[%get3A_1061, %get3A_1062, %get3A_1063] {strides = array<i32>} : memref<2x64x256xf32, #tpu.memory_space<vmem>>, vector<1x1x16xf32>,
      %get3A_1065 = vector.shape_cast %get3A_1064 : vector<1x1x16xf32> to vector<16xf32>
      %eq3A_1066 = arith.cmpf oeq, %get3A_1065, %max3A_733 : vector<16xf32>
      %select_n3A_1067 = arith.select %eq3A_1066, %broadcast_in_dim3A_1058, %broadcast_in_dim3A_38 : vector<16xi1>, vector<16xi32>
      %min3A_1068 = arith.minsi %min3A_1050, %select_n3A_1067 : vector<16xi32>
      %eq3A_1069 = arith.cmpf oeq, %get3A_1065, %max3A_736 : vector<16xf32>
      %select_n3A_1070 = arith.select %eq3A_1069, %broadcast_in_dim3A_1058, %broadcast_in_dim3A_38 : vector<16xi1>, vector<16xi32>
      %min3A_1071 = arith.minsi %min3A_1053, %select_n3A_1070 : vector<16xi32>
      %sub3A_1072 = arith.subf %get3A_1065, %max3A_733 : vector<16xf32>
      %exp3A_1073 = math.exp %sub3A_1072 : vector<16xf32>
      %add3A_1074 = arith.addf %add3A_1038, %exp3A_1073 : vector<16xf32>
      %broadcast_in_dim3A_1075 = arith.constant 19 : i32
      %broadcast_in_dim3A_1076 = vector.broadcast %broadcast_in_dim3A_1075 : i32 to vector<16xi32>
      %get3A_1077 = arith.constant 1 : i32
      %get3A_1078 = arith.constant 19 : i32
      %get3A_1079 = arith.index_cast %get3A_1077 : i32 to index
      %get3A_1080 = arith.index_cast %get3A_1078 : i32 to index
      %get3A_1081 = arith.index_cast %mul3A_93 : i32 to index
      %get3A_1082 = tpu.vector_load %arg7[%get3A_1079, %get3A_1080, %get3A_1081] {strides = array<i32>} : memref<2x64x256xf32, #tpu.memory_space<vmem>>, vector<1x1x16xf32>,
      %get3A_1083 = vector.shape_cast %get3A_1082 : vector<1x1x16xf32> to vector<16xf32>
      %eq3A_1084 = arith.cmpf oeq, %get3A_1083, %max3A_733 : vector<16xf32>
      %select_n3A_1085 = arith.select %eq3A_1084, %broadcast_in_dim3A_1076, %broadcast_in_dim3A_38 : vector<16xi1>, vector<16xi32>
      %min3A_1086 = arith.minsi %min3A_1068, %select_n3A_1085 : vector<16xi32>
      %eq3A_1087 = arith.cmpf oeq, %get3A_1083, %max3A_736 : vector<16xf32>
      %select_n3A_1088 = arith.select %eq3A_1087, %broadcast_in_dim3A_1076, %broadcast_in_dim3A_38 : vector<16xi1>, vector<16xi32>
      %min3A_1089 = arith.minsi %min3A_1071, %select_n3A_1088 : vector<16xi32>
      %sub3A_1090 = arith.subf %get3A_1083, %max3A_733 : vector<16xf32>
      %exp3A_1091 = math.exp %sub3A_1090 : vector<16xf32>
      %add3A_1092 = arith.addf %add3A_1056, %exp3A_1091 : vector<16xf32>
      %broadcast_in_dim3A_1093 = arith.constant 20 : i32
      %broadcast_in_dim3A_1094 = vector.broadcast %broadcast_in_dim3A_1093 : i32 to vector<16xi32>
      %get3A_1095 = arith.constant 1 : i32
      %get3A_1096 = arith.constant 20 : i32
      %get3A_1097 = arith.index_cast %get3A_1095 : i32 to index
      %get3A_1098 = arith.index_cast %get3A_1096 : i32 to index
      %get3A_1099 = arith.index_cast %mul3A_93 : i32 to index
      %get3A_1100 = tpu.vector_load %arg7[%get3A_1097, %get3A_1098, %get3A_1099] {strides = array<i32>} : memref<2x64x256xf32, #tpu.memory_space<vmem>>, vector<1x1x16xf32>,
      %get3A_1101 = vector.shape_cast %get3A_1100 : vector<1x1x16xf32> to vector<16xf32>
      %eq3A_1102 = arith.cmpf oeq, %get3A_1101, %max3A_733 : vector<16xf32>
      %select_n3A_1103 = arith.select %eq3A_1102, %broadcast_in_dim3A_1094, %broadcast_in_dim3A_38 : vector<16xi1>, vector<16xi32>
      %min3A_1104 = arith.minsi %min3A_1086, %select_n3A_1103 : vector<16xi32>
      %eq3A_1105 = arith.cmpf oeq, %get3A_1101, %max3A_736 : vector<16xf32>
      %select_n3A_1106 = arith.select %eq3A_1105, %broadcast_in_dim3A_1094, %broadcast_in_dim3A_38 : vector<16xi1>, vector<16xi32>
      %min3A_1107 = arith.minsi %min3A_1089, %select_n3A_1106 : vector<16xi32>
      %sub3A_1108 = arith.subf %get3A_1101, %max3A_733 : vector<16xf32>
      %exp3A_1109 = math.exp %sub3A_1108 : vector<16xf32>
      %add3A_1110 = arith.addf %add3A_1074, %exp3A_1109 : vector<16xf32>
      %broadcast_in_dim3A_1111 = arith.constant 21 : i32
      %broadcast_in_dim3A_1112 = vector.broadcast %broadcast_in_dim3A_1111 : i32 to vector<16xi32>
      %get3A_1113 = arith.constant 1 : i32
      %get3A_1114 = arith.constant 21 : i32
      %get3A_1115 = arith.index_cast %get3A_1113 : i32 to index
      %get3A_1116 = arith.index_cast %get3A_1114 : i32 to index
      %get3A_1117 = arith.index_cast %mul3A_93 : i32 to index
      %get3A_1118 = tpu.vector_load %arg7[%get3A_1115, %get3A_1116, %get3A_1117] {strides = array<i32>} : memref<2x64x256xf32, #tpu.memory_space<vmem>>, vector<1x1x16xf32>,
      %get3A_1119 = vector.shape_cast %get3A_1118 : vector<1x1x16xf32> to vector<16xf32>
      %eq3A_1120 = arith.cmpf oeq, %get3A_1119, %max3A_733 : vector<16xf32>
      %select_n3A_1121 = arith.select %eq3A_1120, %broadcast_in_dim3A_1112, %broadcast_in_dim3A_38 : vector<16xi1>, vector<16xi32>
      %min3A_1122 = arith.minsi %min3A_1104, %select_n3A_1121 : vector<16xi32>
      %eq3A_1123 = arith.cmpf oeq, %get3A_1119, %max3A_736 : vector<16xf32>
      %select_n3A_1124 = arith.select %eq3A_1123, %broadcast_in_dim3A_1112, %broadcast_in_dim3A_38 : vector<16xi1>, vector<16xi32>
      %min3A_1125 = arith.minsi %min3A_1107, %select_n3A_1124 : vector<16xi32>
      %sub3A_1126 = arith.subf %get3A_1119, %max3A_733 : vector<16xf32>
      %exp3A_1127 = math.exp %sub3A_1126 : vector<16xf32>
      %add3A_1128 = arith.addf %add3A_1092, %exp3A_1127 : vector<16xf32>
      %broadcast_in_dim3A_1129 = arith.constant 22 : i32
      %broadcast_in_dim3A_1130 = vector.broadcast %broadcast_in_dim3A_1129 : i32 to vector<16xi32>
      %get3A_1131 = arith.constant 1 : i32
      %get3A_1132 = arith.constant 22 : i32
      %get3A_1133 = arith.index_cast %get3A_1131 : i32 to index
      %get3A_1134 = arith.index_cast %get3A_1132 : i32 to index
      %get3A_1135 = arith.index_cast %mul3A_93 : i32 to index
      %get3A_1136 = tpu.vector_load %arg7[%get3A_1133, %get3A_1134, %get3A_1135] {strides = array<i32>} : memref<2x64x256xf32, #tpu.memory_space<vmem>>, vector<1x1x16xf32>,
      %get3A_1137 = vector.shape_cast %get3A_1136 : vector<1x1x16xf32> to vector<16xf32>
      %eq3A_1138 = arith.cmpf oeq, %get3A_1137, %max3A_733 : vector<16xf32>
      %select_n3A_1139 = arith.select %eq3A_1138, %broadcast_in_dim3A_1130, %broadcast_in_dim3A_38 : vector<16xi1>, vector<16xi32>
      %min3A_1140 = arith.minsi %min3A_1122, %select_n3A_1139 : vector<16xi32>
      %eq3A_1141 = arith.cmpf oeq, %get3A_1137, %max3A_736 : vector<16xf32>
      %select_n3A_1142 = arith.select %eq3A_1141, %broadcast_in_dim3A_1130, %broadcast_in_dim3A_38 : vector<16xi1>, vector<16xi32>
      %min3A_1143 = arith.minsi %min3A_1125, %select_n3A_1142 : vector<16xi32>
      %sub3A_1144 = arith.subf %get3A_1137, %max3A_733 : vector<16xf32>
      %exp3A_1145 = math.exp %sub3A_1144 : vector<16xf32>
      %add3A_1146 = arith.addf %add3A_1110, %exp3A_1145 : vector<16xf32>
      %broadcast_in_dim3A_1147 = arith.constant 23 : i32
      %broadcast_in_dim3A_1148 = vector.broadcast %broadcast_in_dim3A_1147 : i32 to vector<16xi32>
      %get3A_1149 = arith.constant 1 : i32
      %get3A_1150 = arith.constant 23 : i32
      %get3A_1151 = arith.index_cast %get3A_1149 : i32 to index
      %get3A_1152 = arith.index_cast %get3A_1150 : i32 to index
      %get3A_1153 = arith.index_cast %mul3A_93 : i32 to index
      %get3A_1154 = tpu.vector_load %arg7[%get3A_1151, %get3A_1152, %get3A_1153] {strides = array<i32>} : memref<2x64x256xf32, #tpu.memory_space<vmem>>, vector<1x1x16xf32>,
      %get3A_1155 = vector.shape_cast %get3A_1154 : vector<1x1x16xf32> to vector<16xf32>
      %eq3A_1156 = arith.cmpf oeq, %get3A_1155, %max3A_733 : vector<16xf32>
      %select_n3A_1157 = arith.select %eq3A_1156, %broadcast_in_dim3A_1148, %broadcast_in_dim3A_38 : vector<16xi1>, vector<16xi32>
      %min3A_1158 = arith.minsi %min3A_1140, %select_n3A_1157 : vector<16xi32>
      %eq3A_1159 = arith.cmpf oeq, %get3A_1155, %max3A_736 : vector<16xf32>
      %select_n3A_1160 = arith.select %eq3A_1159, %broadcast_in_dim3A_1148, %broadcast_in_dim3A_38 : vector<16xi1>, vector<16xi32>
      %min3A_1161 = arith.minsi %min3A_1143, %select_n3A_1160 : vector<16xi32>
      %sub3A_1162 = arith.subf %get3A_1155, %max3A_733 : vector<16xf32>
      %exp3A_1163 = math.exp %sub3A_1162 : vector<16xf32>
      %add3A_1164 = arith.addf %add3A_1128, %exp3A_1163 : vector<16xf32>
      %broadcast_in_dim3A_1165 = arith.constant 24 : i32
      %broadcast_in_dim3A_1166 = vector.broadcast %broadcast_in_dim3A_1165 : i32 to vector<16xi32>
      %get3A_1167 = arith.constant 1 : i32
      %get3A_1168 = arith.constant 24 : i32
      %get3A_1169 = arith.index_cast %get3A_1167 : i32 to index
      %get3A_1170 = arith.index_cast %get3A_1168 : i32 to index
      %get3A_1171 = arith.index_cast %mul3A_93 : i32 to index
      %get3A_1172 = tpu.vector_load %arg7[%get3A_1169, %get3A_1170, %get3A_1171] {strides = array<i32>} : memref<2x64x256xf32, #tpu.memory_space<vmem>>, vector<1x1x16xf32>,
      %get3A_1173 = vector.shape_cast %get3A_1172 : vector<1x1x16xf32> to vector<16xf32>
      %eq3A_1174 = arith.cmpf oeq, %get3A_1173, %max3A_733 : vector<16xf32>
      %select_n3A_1175 = arith.select %eq3A_1174, %broadcast_in_dim3A_1166, %broadcast_in_dim3A_38 : vector<16xi1>, vector<16xi32>
      %min3A_1176 = arith.minsi %min3A_1158, %select_n3A_1175 : vector<16xi32>
      %eq3A_1177 = arith.cmpf oeq, %get3A_1173, %max3A_736 : vector<16xf32>
      %select_n3A_1178 = arith.select %eq3A_1177, %broadcast_in_dim3A_1166, %broadcast_in_dim3A_38 : vector<16xi1>, vector<16xi32>
      %min3A_1179 = arith.minsi %min3A_1161, %select_n3A_1178 : vector<16xi32>
      %sub3A_1180 = arith.subf %get3A_1173, %max3A_733 : vector<16xf32>
      %exp3A_1181 = math.exp %sub3A_1180 : vector<16xf32>
      %add3A_1182 = arith.addf %add3A_1146, %exp3A_1181 : vector<16xf32>
      %broadcast_in_dim3A_1183 = arith.constant 25 : i32
      %broadcast_in_dim3A_1184 = vector.broadcast %broadcast_in_dim3A_1183 : i32 to vector<16xi32>
      %get3A_1185 = arith.constant 1 : i32
      %get3A_1186 = arith.constant 25 : i32
      %get3A_1187 = arith.index_cast %get3A_1185 : i32 to index
      %get3A_1188 = arith.index_cast %get3A_1186 : i32 to index
      %get3A_1189 = arith.index_cast %mul3A_93 : i32 to index
      %get3A_1190 = tpu.vector_load %arg7[%get3A_1187, %get3A_1188, %get3A_1189] {strides = array<i32>} : memref<2x64x256xf32, #tpu.memory_space<vmem>>, vector<1x1x16xf32>,
      %get3A_1191 = vector.shape_cast %get3A_1190 : vector<1x1x16xf32> to vector<16xf32>
      %eq3A_1192 = arith.cmpf oeq, %get3A_1191, %max3A_733 : vector<16xf32>
      %select_n3A_1193 = arith.select %eq3A_1192, %broadcast_in_dim3A_1184, %broadcast_in_dim3A_38 : vector<16xi1>, vector<16xi32>
      %min3A_1194 = arith.minsi %min3A_1176, %select_n3A_1193 : vector<16xi32>
      %eq3A_1195 = arith.cmpf oeq, %get3A_1191, %max3A_736 : vector<16xf32>
      %select_n3A_1196 = arith.select %eq3A_1195, %broadcast_in_dim3A_1184, %broadcast_in_dim3A_38 : vector<16xi1>, vector<16xi32>
      %min3A_1197 = arith.minsi %min3A_1179, %select_n3A_1196 : vector<16xi32>
      %sub3A_1198 = arith.subf %get3A_1191, %max3A_733 : vector<16xf32>
      %exp3A_1199 = math.exp %sub3A_1198 : vector<16xf32>
      %add3A_1200 = arith.addf %add3A_1164, %exp3A_1199 : vector<16xf32>
      %broadcast_in_dim3A_1201 = arith.constant 26 : i32
      %broadcast_in_dim3A_1202 = vector.broadcast %broadcast_in_dim3A_1201 : i32 to vector<16xi32>
      %get3A_1203 = arith.constant 1 : i32
      %get3A_1204 = arith.constant 26 : i32
      %get3A_1205 = arith.index_cast %get3A_1203 : i32 to index
      %get3A_1206 = arith.index_cast %get3A_1204 : i32 to index
      %get3A_1207 = arith.index_cast %mul3A_93 : i32 to index
      %get3A_1208 = tpu.vector_load %arg7[%get3A_1205, %get3A_1206, %get3A_1207] {strides = array<i32>} : memref<2x64x256xf32, #tpu.memory_space<vmem>>, vector<1x1x16xf32>,
      %get3A_1209 = vector.shape_cast %get3A_1208 : vector<1x1x16xf32> to vector<16xf32>
      %eq3A_1210 = arith.cmpf oeq, %get3A_1209, %max3A_733 : vector<16xf32>
      %select_n3A_1211 = arith.select %eq3A_1210, %broadcast_in_dim3A_1202, %broadcast_in_dim3A_38 : vector<16xi1>, vector<16xi32>
      %min3A_1212 = arith.minsi %min3A_1194, %select_n3A_1211 : vector<16xi32>
      %eq3A_1213 = arith.cmpf oeq, %get3A_1209, %max3A_736 : vector<16xf32>
      %select_n3A_1214 = arith.select %eq3A_1213, %broadcast_in_dim3A_1202, %broadcast_in_dim3A_38 : vector<16xi1>, vector<16xi32>
      %min3A_1215 = arith.minsi %min3A_1197, %select_n3A_1214 : vector<16xi32>
      %sub3A_1216 = arith.subf %get3A_1209, %max3A_733 : vector<16xf32>
      %exp3A_1217 = math.exp %sub3A_1216 : vector<16xf32>
      %add3A_1218 = arith.addf %add3A_1182, %exp3A_1217 : vector<16xf32>
      %broadcast_in_dim3A_1219 = arith.constant 27 : i32
      %broadcast_in_dim3A_1220 = vector.broadcast %broadcast_in_dim3A_1219 : i32 to vector<16xi32>
      %get3A_1221 = arith.constant 1 : i32
      %get3A_1222 = arith.constant 27 : i32
      %get3A_1223 = arith.index_cast %get3A_1221 : i32 to index
      %get3A_1224 = arith.index_cast %get3A_1222 : i32 to index
      %get3A_1225 = arith.index_cast %mul3A_93 : i32 to index
      %get3A_1226 = tpu.vector_load %arg7[%get3A_1223, %get3A_1224, %get3A_1225] {strides = array<i32>} : memref<2x64x256xf32, #tpu.memory_space<vmem>>, vector<1x1x16xf32>,
      %get3A_1227 = vector.shape_cast %get3A_1226 : vector<1x1x16xf32> to vector<16xf32>
      %eq3A_1228 = arith.cmpf oeq, %get3A_1227, %max3A_733 : vector<16xf32>
      %select_n3A_1229 = arith.select %eq3A_1228, %broadcast_in_dim3A_1220, %broadcast_in_dim3A_38 : vector<16xi1>, vector<16xi32>
      %min3A_1230 = arith.minsi %min3A_1212, %select_n3A_1229 : vector<16xi32>
      %eq3A_1231 = arith.cmpf oeq, %get3A_1227, %max3A_736 : vector<16xf32>
      %select_n3A_1232 = arith.select %eq3A_1231, %broadcast_in_dim3A_1220, %broadcast_in_dim3A_38 : vector<16xi1>, vector<16xi32>
      %min3A_1233 = arith.minsi %min3A_1215, %select_n3A_1232 : vector<16xi32>
      %sub3A_1234 = arith.subf %get3A_1227, %max3A_733 : vector<16xf32>
      %exp3A_1235 = math.exp %sub3A_1234 : vector<16xf32>
      %add3A_1236 = arith.addf %add3A_1200, %exp3A_1235 : vector<16xf32>
      %broadcast_in_dim3A_1237 = arith.constant 28 : i32
      %broadcast_in_dim3A_1238 = vector.broadcast %broadcast_in_dim3A_1237 : i32 to vector<16xi32>
      %get3A_1239 = arith.constant 1 : i32
      %get3A_1240 = arith.constant 28 : i32
      %get3A_1241 = arith.index_cast %get3A_1239 : i32 to index
      %get3A_1242 = arith.index_cast %get3A_1240 : i32 to index
      %get3A_1243 = arith.index_cast %mul3A_93 : i32 to index
      %get3A_1244 = tpu.vector_load %arg7[%get3A_1241, %get3A_1242, %get3A_1243] {strides = array<i32>} : memref<2x64x256xf32, #tpu.memory_space<vmem>>, vector<1x1x16xf32>,
      %get3A_1245 = vector.shape_cast %get3A_1244 : vector<1x1x16xf32> to vector<16xf32>
      %eq3A_1246 = arith.cmpf oeq, %get3A_1245, %max3A_733 : vector<16xf32>
      %select_n3A_1247 = arith.select %eq3A_1246, %broadcast_in_dim3A_1238, %broadcast_in_dim3A_38 : vector<16xi1>, vector<16xi32>
      %min3A_1248 = arith.minsi %min3A_1230, %select_n3A_1247 : vector<16xi32>
      %eq3A_1249 = arith.cmpf oeq, %get3A_1245, %max3A_736 : vector<16xf32>
      %select_n3A_1250 = arith.select %eq3A_1249, %broadcast_in_dim3A_1238, %broadcast_in_dim3A_38 : vector<16xi1>, vector<16xi32>
      %min3A_1251 = arith.minsi %min3A_1233, %select_n3A_1250 : vector<16xi32>
      %sub3A_1252 = arith.subf %get3A_1245, %max3A_733 : vector<16xf32>
      %exp3A_1253 = math.exp %sub3A_1252 : vector<16xf32>
      %add3A_1254 = arith.addf %add3A_1218, %exp3A_1253 : vector<16xf32>
      %broadcast_in_dim3A_1255 = arith.constant 29 : i32
      %broadcast_in_dim3A_1256 = vector.broadcast %broadcast_in_dim3A_1255 : i32 to vector<16xi32>
      %get3A_1257 = arith.constant 1 : i32
      %get3A_1258 = arith.constant 29 : i32
      %get3A_1259 = arith.index_cast %get3A_1257 : i32 to index
      %get3A_1260 = arith.index_cast %get3A_1258 : i32 to index
      %get3A_1261 = arith.index_cast %mul3A_93 : i32 to index
      %get3A_1262 = tpu.vector_load %arg7[%get3A_1259, %get3A_1260, %get3A_1261] {strides = array<i32>} : memref<2x64x256xf32, #tpu.memory_space<vmem>>, vector<1x1x16xf32>,
      %get3A_1263 = vector.shape_cast %get3A_1262 : vector<1x1x16xf32> to vector<16xf32>
      %eq3A_1264 = arith.cmpf oeq, %get3A_1263, %max3A_733 : vector<16xf32>
      %select_n3A_1265 = arith.select %eq3A_1264, %broadcast_in_dim3A_1256, %broadcast_in_dim3A_38 : vector<16xi1>, vector<16xi32>
      %min3A_1266 = arith.minsi %min3A_1248, %select_n3A_1265 : vector<16xi32>
      %eq3A_1267 = arith.cmpf oeq, %get3A_1263, %max3A_736 : vector<16xf32>
      %select_n3A_1268 = arith.select %eq3A_1267, %broadcast_in_dim3A_1256, %broadcast_in_dim3A_38 : vector<16xi1>, vector<16xi32>
      %min3A_1269 = arith.minsi %min3A_1251, %select_n3A_1268 : vector<16xi32>
      %sub3A_1270 = arith.subf %get3A_1263, %max3A_733 : vector<16xf32>
      %exp3A_1271 = math.exp %sub3A_1270 : vector<16xf32>
      %add3A_1272 = arith.addf %add3A_1236, %exp3A_1271 : vector<16xf32>
      %broadcast_in_dim3A_1273 = arith.constant 30 : i32
      %broadcast_in_dim3A_1274 = vector.broadcast %broadcast_in_dim3A_1273 : i32 to vector<16xi32>
      %get3A_1275 = arith.constant 1 : i32
      %get3A_1276 = arith.constant 30 : i32
      %get3A_1277 = arith.index_cast %get3A_1275 : i32 to index
      %get3A_1278 = arith.index_cast %get3A_1276 : i32 to index
      %get3A_1279 = arith.index_cast %mul3A_93 : i32 to index
      %get3A_1280 = tpu.vector_load %arg7[%get3A_1277, %get3A_1278, %get3A_1279] {strides = array<i32>} : memref<2x64x256xf32, #tpu.memory_space<vmem>>, vector<1x1x16xf32>,
      %get3A_1281 = vector.shape_cast %get3A_1280 : vector<1x1x16xf32> to vector<16xf32>
      %eq3A_1282 = arith.cmpf oeq, %get3A_1281, %max3A_733 : vector<16xf32>
      %select_n3A_1283 = arith.select %eq3A_1282, %broadcast_in_dim3A_1274, %broadcast_in_dim3A_38 : vector<16xi1>, vector<16xi32>
      %min3A_1284 = arith.minsi %min3A_1266, %select_n3A_1283 : vector<16xi32>
      %eq3A_1285 = arith.cmpf oeq, %get3A_1281, %max3A_736 : vector<16xf32>
      %select_n3A_1286 = arith.select %eq3A_1285, %broadcast_in_dim3A_1274, %broadcast_in_dim3A_38 : vector<16xi1>, vector<16xi32>
      %min3A_1287 = arith.minsi %min3A_1269, %select_n3A_1286 : vector<16xi32>
      %sub3A_1288 = arith.subf %get3A_1281, %max3A_733 : vector<16xf32>
      %exp3A_1289 = math.exp %sub3A_1288 : vector<16xf32>
      %add3A_1290 = arith.addf %add3A_1254, %exp3A_1289 : vector<16xf32>
      %broadcast_in_dim3A_1291 = arith.constant 31 : i32
      %broadcast_in_dim3A_1292 = vector.broadcast %broadcast_in_dim3A_1291 : i32 to vector<16xi32>
      %get3A_1293 = arith.constant 1 : i32
      %get3A_1294 = arith.constant 31 : i32
      %get3A_1295 = arith.index_cast %get3A_1293 : i32 to index
      %get3A_1296 = arith.index_cast %get3A_1294 : i32 to index
      %get3A_1297 = arith.index_cast %mul3A_93 : i32 to index
      %get3A_1298 = tpu.vector_load %arg7[%get3A_1295, %get3A_1296, %get3A_1297] {strides = array<i32>} : memref<2x64x256xf32, #tpu.memory_space<vmem>>, vector<1x1x16xf32>,
      %get3A_1299 = vector.shape_cast %get3A_1298 : vector<1x1x16xf32> to vector<16xf32>
      %eq3A_1300 = arith.cmpf oeq, %get3A_1299, %max3A_733 : vector<16xf32>
      %select_n3A_1301 = arith.select %eq3A_1300, %broadcast_in_dim3A_1292, %broadcast_in_dim3A_38 : vector<16xi1>, vector<16xi32>
      %min3A_1302 = arith.minsi %min3A_1284, %select_n3A_1301 : vector<16xi32>
      %eq3A_1303 = arith.cmpf oeq, %get3A_1299, %max3A_736 : vector<16xf32>
      %select_n3A_1304 = arith.select %eq3A_1303, %broadcast_in_dim3A_1292, %broadcast_in_dim3A_38 : vector<16xi1>, vector<16xi32>
      %min3A_1305 = arith.minsi %min3A_1287, %select_n3A_1304 : vector<16xi32>
      %sub3A_1306 = arith.subf %get3A_1299, %max3A_733 : vector<16xf32>
      %exp3A_1307 = math.exp %sub3A_1306 : vector<16xf32>
      %add3A_1308 = arith.addf %add3A_1272, %exp3A_1307 : vector<16xf32>
      %broadcast_in_dim3A_1309 = arith.constant 32 : i32
      %broadcast_in_dim3A_1310 = vector.broadcast %broadcast_in_dim3A_1309 : i32 to vector<16xi32>
      %get3A_1311 = arith.constant 1 : i32
      %get3A_1312 = arith.constant 32 : i32
      %get3A_1313 = arith.index_cast %get3A_1311 : i32 to index
      %get3A_1314 = arith.index_cast %get3A_1312 : i32 to index
      %get3A_1315 = arith.index_cast %mul3A_93 : i32 to index
      %get3A_1316 = tpu.vector_load %arg7[%get3A_1313, %get3A_1314, %get3A_1315] {strides = array<i32>} : memref<2x64x256xf32, #tpu.memory_space<vmem>>, vector<1x1x16xf32>,
      %get3A_1317 = vector.shape_cast %get3A_1316 : vector<1x1x16xf32> to vector<16xf32>
      %eq3A_1318 = arith.cmpf oeq, %get3A_1317, %max3A_733 : vector<16xf32>
      %select_n3A_1319 = arith.select %eq3A_1318, %broadcast_in_dim3A_1310, %broadcast_in_dim3A_38 : vector<16xi1>, vector<16xi32>
      %min3A_1320 = arith.minsi %min3A_1302, %select_n3A_1319 : vector<16xi32>
      %eq3A_1321 = arith.cmpf oeq, %get3A_1317, %max3A_736 : vector<16xf32>
      %select_n3A_1322 = arith.select %eq3A_1321, %broadcast_in_dim3A_1310, %broadcast_in_dim3A_38 : vector<16xi1>, vector<16xi32>
      %min3A_1323 = arith.minsi %min3A_1305, %select_n3A_1322 : vector<16xi32>
      %sub3A_1324 = arith.subf %get3A_1317, %max3A_733 : vector<16xf32>
      %exp3A_1325 = math.exp %sub3A_1324 : vector<16xf32>
      %add3A_1326 = arith.addf %add3A_1290, %exp3A_1325 : vector<16xf32>
      %broadcast_in_dim3A_1327 = arith.constant 33 : i32
      %broadcast_in_dim3A_1328 = vector.broadcast %broadcast_in_dim3A_1327 : i32 to vector<16xi32>
      %get3A_1329 = arith.constant 1 : i32
      %get3A_1330 = arith.constant 33 : i32
      %get3A_1331 = arith.index_cast %get3A_1329 : i32 to index
      %get3A_1332 = arith.index_cast %get3A_1330 : i32 to index
      %get3A_1333 = arith.index_cast %mul3A_93 : i32 to index
      %get3A_1334 = tpu.vector_load %arg7[%get3A_1331, %get3A_1332, %get3A_1333] {strides = array<i32>} : memref<2x64x256xf32, #tpu.memory_space<vmem>>, vector<1x1x16xf32>,
      %get3A_1335 = vector.shape_cast %get3A_1334 : vector<1x1x16xf32> to vector<16xf32>
      %eq3A_1336 = arith.cmpf oeq, %get3A_1335, %max3A_733 : vector<16xf32>
      %select_n3A_1337 = arith.select %eq3A_1336, %broadcast_in_dim3A_1328, %broadcast_in_dim3A_38 : vector<16xi1>, vector<16xi32>
      %min3A_1338 = arith.minsi %min3A_1320, %select_n3A_1337 : vector<16xi32>
      %eq3A_1339 = arith.cmpf oeq, %get3A_1335, %max3A_736 : vector<16xf32>
      %select_n3A_1340 = arith.select %eq3A_1339, %broadcast_in_dim3A_1328, %broadcast_in_dim3A_38 : vector<16xi1>, vector<16xi32>
      %min3A_1341 = arith.minsi %min3A_1323, %select_n3A_1340 : vector<16xi32>
      %sub3A_1342 = arith.subf %get3A_1335, %max3A_733 : vector<16xf32>
      %exp3A_1343 = math.exp %sub3A_1342 : vector<16xf32>
      %add3A_1344 = arith.addf %add3A_1308, %exp3A_1343 : vector<16xf32>
      %broadcast_in_dim3A_1345 = arith.constant 34 : i32
      %broadcast_in_dim3A_1346 = vector.broadcast %broadcast_in_dim3A_1345 : i32 to vector<16xi32>
      %get3A_1347 = arith.constant 1 : i32
      %get3A_1348 = arith.constant 34 : i32
      %get3A_1349 = arith.index_cast %get3A_1347 : i32 to index
      %get3A_1350 = arith.index_cast %get3A_1348 : i32 to index
      %get3A_1351 = arith.index_cast %mul3A_93 : i32 to index
      %get3A_1352 = tpu.vector_load %arg7[%get3A_1349, %get3A_1350, %get3A_1351] {strides = array<i32>} : memref<2x64x256xf32, #tpu.memory_space<vmem>>, vector<1x1x16xf32>,
      %get3A_1353 = vector.shape_cast %get3A_1352 : vector<1x1x16xf32> to vector<16xf32>
      %eq3A_1354 = arith.cmpf oeq, %get3A_1353, %max3A_733 : vector<16xf32>
      %select_n3A_1355 = arith.select %eq3A_1354, %broadcast_in_dim3A_1346, %broadcast_in_dim3A_38 : vector<16xi1>, vector<16xi32>
      %min3A_1356 = arith.minsi %min3A_1338, %select_n3A_1355 : vector<16xi32>
      %eq3A_1357 = arith.cmpf oeq, %get3A_1353, %max3A_736 : vector<16xf32>
      %select_n3A_1358 = arith.select %eq3A_1357, %broadcast_in_dim3A_1346, %broadcast_in_dim3A_38 : vector<16xi1>, vector<16xi32>
      %min3A_1359 = arith.minsi %min3A_1341, %select_n3A_1358 : vector<16xi32>
      %sub3A_1360 = arith.subf %get3A_1353, %max3A_733 : vector<16xf32>
      %exp3A_1361 = math.exp %sub3A_1360 : vector<16xf32>
      %add3A_1362 = arith.addf %add3A_1326, %exp3A_1361 : vector<16xf32>
      %broadcast_in_dim3A_1363 = arith.constant 35 : i32
      %broadcast_in_dim3A_1364 = vector.broadcast %broadcast_in_dim3A_1363 : i32 to vector<16xi32>
      %get3A_1365 = arith.constant 1 : i32
      %get3A_1366 = arith.constant 35 : i32
      %get3A_1367 = arith.index_cast %get3A_1365 : i32 to index
      %get3A_1368 = arith.index_cast %get3A_1366 : i32 to index
      %get3A_1369 = arith.index_cast %mul3A_93 : i32 to index
      %get3A_1370 = tpu.vector_load %arg7[%get3A_1367, %get3A_1368, %get3A_1369] {strides = array<i32>} : memref<2x64x256xf32, #tpu.memory_space<vmem>>, vector<1x1x16xf32>,
      %get3A_1371 = vector.shape_cast %get3A_1370 : vector<1x1x16xf32> to vector<16xf32>
      %eq3A_1372 = arith.cmpf oeq, %get3A_1371, %max3A_733 : vector<16xf32>
      %select_n3A_1373 = arith.select %eq3A_1372, %broadcast_in_dim3A_1364, %broadcast_in_dim3A_38 : vector<16xi1>, vector<16xi32>
      %min3A_1374 = arith.minsi %min3A_1356, %select_n3A_1373 : vector<16xi32>
      %eq3A_1375 = arith.cmpf oeq, %get3A_1371, %max3A_736 : vector<16xf32>
      %select_n3A_1376 = arith.select %eq3A_1375, %broadcast_in_dim3A_1364, %broadcast_in_dim3A_38 : vector<16xi1>, vector<16xi32>
      %min3A_1377 = arith.minsi %min3A_1359, %select_n3A_1376 : vector<16xi32>
      %sub3A_1378 = arith.subf %get3A_1371, %max3A_733 : vector<16xf32>
      %exp3A_1379 = math.exp %sub3A_1378 : vector<16xf32>
      %add3A_1380 = arith.addf %add3A_1344, %exp3A_1379 : vector<16xf32>
      %broadcast_in_dim3A_1381 = arith.constant 36 : i32
      %broadcast_in_dim3A_1382 = vector.broadcast %broadcast_in_dim3A_1381 : i32 to vector<16xi32>
      %get3A_1383 = arith.constant 1 : i32
      %get3A_1384 = arith.constant 36 : i32
      %get3A_1385 = arith.index_cast %get3A_1383 : i32 to index
      %get3A_1386 = arith.index_cast %get3A_1384 : i32 to index
      %get3A_1387 = arith.index_cast %mul3A_93 : i32 to index
      %get3A_1388 = tpu.vector_load %arg7[%get3A_1385, %get3A_1386, %get3A_1387] {strides = array<i32>} : memref<2x64x256xf32, #tpu.memory_space<vmem>>, vector<1x1x16xf32>,
      %get3A_1389 = vector.shape_cast %get3A_1388 : vector<1x1x16xf32> to vector<16xf32>
      %eq3A_1390 = arith.cmpf oeq, %get3A_1389, %max3A_733 : vector<16xf32>
      %select_n3A_1391 = arith.select %eq3A_1390, %broadcast_in_dim3A_1382, %broadcast_in_dim3A_38 : vector<16xi1>, vector<16xi32>
      %min3A_1392 = arith.minsi %min3A_1374, %select_n3A_1391 : vector<16xi32>
      %eq3A_1393 = arith.cmpf oeq, %get3A_1389, %max3A_736 : vector<16xf32>
      %select_n3A_1394 = arith.select %eq3A_1393, %broadcast_in_dim3A_1382, %broadcast_in_dim3A_38 : vector<16xi1>, vector<16xi32>
      %min3A_1395 = arith.minsi %min3A_1377, %select_n3A_1394 : vector<16xi32>
      %sub3A_1396 = arith.subf %get3A_1389, %max3A_733 : vector<16xf32>
      %exp3A_1397 = math.exp %sub3A_1396 : vector<16xf32>
      %add3A_1398 = arith.addf %add3A_1362, %exp3A_1397 : vector<16xf32>
      %broadcast_in_dim3A_1399 = arith.constant 37 : i32
      %broadcast_in_dim3A_1400 = vector.broadcast %broadcast_in_dim3A_1399 : i32 to vector<16xi32>
      %get3A_1401 = arith.constant 1 : i32
      %get3A_1402 = arith.constant 37 : i32
      %get3A_1403 = arith.index_cast %get3A_1401 : i32 to index
      %get3A_1404 = arith.index_cast %get3A_1402 : i32 to index
      %get3A_1405 = arith.index_cast %mul3A_93 : i32 to index
      %get3A_1406 = tpu.vector_load %arg7[%get3A_1403, %get3A_1404, %get3A_1405] {strides = array<i32>} : memref<2x64x256xf32, #tpu.memory_space<vmem>>, vector<1x1x16xf32>,
      %get3A_1407 = vector.shape_cast %get3A_1406 : vector<1x1x16xf32> to vector<16xf32>
      %eq3A_1408 = arith.cmpf oeq, %get3A_1407, %max3A_733 : vector<16xf32>
      %select_n3A_1409 = arith.select %eq3A_1408, %broadcast_in_dim3A_1400, %broadcast_in_dim3A_38 : vector<16xi1>, vector<16xi32>
      %min3A_1410 = arith.minsi %min3A_1392, %select_n3A_1409 : vector<16xi32>
      %eq3A_1411 = arith.cmpf oeq, %get3A_1407, %max3A_736 : vector<16xf32>
      %select_n3A_1412 = arith.select %eq3A_1411, %broadcast_in_dim3A_1400, %broadcast_in_dim3A_38 : vector<16xi1>, vector<16xi32>
      %min3A_1413 = arith.minsi %min3A_1395, %select_n3A_1412 : vector<16xi32>
      %sub3A_1414 = arith.subf %get3A_1407, %max3A_733 : vector<16xf32>
      %exp3A_1415 = math.exp %sub3A_1414 : vector<16xf32>
      %add3A_1416 = arith.addf %add3A_1380, %exp3A_1415 : vector<16xf32>
      %broadcast_in_dim3A_1417 = arith.constant 38 : i32
      %broadcast_in_dim3A_1418 = vector.broadcast %broadcast_in_dim3A_1417 : i32 to vector<16xi32>
      %get3A_1419 = arith.constant 1 : i32
      %get3A_1420 = arith.constant 38 : i32
      %get3A_1421 = arith.index_cast %get3A_1419 : i32 to index
      %get3A_1422 = arith.index_cast %get3A_1420 : i32 to index
      %get3A_1423 = arith.index_cast %mul3A_93 : i32 to index
      %get3A_1424 = tpu.vector_load %arg7[%get3A_1421, %get3A_1422, %get3A_1423] {strides = array<i32>} : memref<2x64x256xf32, #tpu.memory_space<vmem>>, vector<1x1x16xf32>,
      %get3A_1425 = vector.shape_cast %get3A_1424 : vector<1x1x16xf32> to vector<16xf32>
      %eq3A_1426 = arith.cmpf oeq, %get3A_1425, %max3A_733 : vector<16xf32>
      %select_n3A_1427 = arith.select %eq3A_1426, %broadcast_in_dim3A_1418, %broadcast_in_dim3A_38 : vector<16xi1>, vector<16xi32>
      %min3A_1428 = arith.minsi %min3A_1410, %select_n3A_1427 : vector<16xi32>
      %eq3A_1429 = arith.cmpf oeq, %get3A_1425, %max3A_736 : vector<16xf32>
      %select_n3A_1430 = arith.select %eq3A_1429, %broadcast_in_dim3A_1418, %broadcast_in_dim3A_38 : vector<16xi1>, vector<16xi32>
      %min3A_1431 = arith.minsi %min3A_1413, %select_n3A_1430 : vector<16xi32>
      %sub3A_1432 = arith.subf %get3A_1425, %max3A_733 : vector<16xf32>
      %exp3A_1433 = math.exp %sub3A_1432 : vector<16xf32>
      %add3A_1434 = arith.addf %add3A_1398, %exp3A_1433 : vector<16xf32>
      %broadcast_in_dim3A_1435 = arith.constant 39 : i32
      %broadcast_in_dim3A_1436 = vector.broadcast %broadcast_in_dim3A_1435 : i32 to vector<16xi32>
      %get3A_1437 = arith.constant 1 : i32
      %get3A_1438 = arith.constant 39 : i32
      %get3A_1439 = arith.index_cast %get3A_1437 : i32 to index
      %get3A_1440 = arith.index_cast %get3A_1438 : i32 to index
      %get3A_1441 = arith.index_cast %mul3A_93 : i32 to index
      %get3A_1442 = tpu.vector_load %arg7[%get3A_1439, %get3A_1440, %get3A_1441] {strides = array<i32>} : memref<2x64x256xf32, #tpu.memory_space<vmem>>, vector<1x1x16xf32>,
      %get3A_1443 = vector.shape_cast %get3A_1442 : vector<1x1x16xf32> to vector<16xf32>
      %eq3A_1444 = arith.cmpf oeq, %get3A_1443, %max3A_733 : vector<16xf32>
      %select_n3A_1445 = arith.select %eq3A_1444, %broadcast_in_dim3A_1436, %broadcast_in_dim3A_38 : vector<16xi1>, vector<16xi32>
      %min3A_1446 = arith.minsi %min3A_1428, %select_n3A_1445 : vector<16xi32>
      %eq3A_1447 = arith.cmpf oeq, %get3A_1443, %max3A_736 : vector<16xf32>
      %select_n3A_1448 = arith.select %eq3A_1447, %broadcast_in_dim3A_1436, %broadcast_in_dim3A_38 : vector<16xi1>, vector<16xi32>
      %min3A_1449 = arith.minsi %min3A_1431, %select_n3A_1448 : vector<16xi32>
      %sub3A_1450 = arith.subf %get3A_1443, %max3A_733 : vector<16xf32>
      %exp3A_1451 = math.exp %sub3A_1450 : vector<16xf32>
      %add3A_1452 = arith.addf %add3A_1416, %exp3A_1451 : vector<16xf32>
      %broadcast_in_dim3A_1453 = arith.constant 40 : i32
      %broadcast_in_dim3A_1454 = vector.broadcast %broadcast_in_dim3A_1453 : i32 to vector<16xi32>
      %get3A_1455 = arith.constant 1 : i32
      %get3A_1456 = arith.constant 40 : i32
      %get3A_1457 = arith.index_cast %get3A_1455 : i32 to index
      %get3A_1458 = arith.index_cast %get3A_1456 : i32 to index
      %get3A_1459 = arith.index_cast %mul3A_93 : i32 to index
      %get3A_1460 = tpu.vector_load %arg7[%get3A_1457, %get3A_1458, %get3A_1459] {strides = array<i32>} : memref<2x64x256xf32, #tpu.memory_space<vmem>>, vector<1x1x16xf32>,
      %get3A_1461 = vector.shape_cast %get3A_1460 : vector<1x1x16xf32> to vector<16xf32>
      %eq3A_1462 = arith.cmpf oeq, %get3A_1461, %max3A_733 : vector<16xf32>
      %select_n3A_1463 = arith.select %eq3A_1462, %broadcast_in_dim3A_1454, %broadcast_in_dim3A_38 : vector<16xi1>, vector<16xi32>
      %min3A_1464 = arith.minsi %min3A_1446, %select_n3A_1463 : vector<16xi32>
      %eq3A_1465 = arith.cmpf oeq, %get3A_1461, %max3A_736 : vector<16xf32>
      %select_n3A_1466 = arith.select %eq3A_1465, %broadcast_in_dim3A_1454, %broadcast_in_dim3A_38 : vector<16xi1>, vector<16xi32>
      %min3A_1467 = arith.minsi %min3A_1449, %select_n3A_1466 : vector<16xi32>
      %sub3A_1468 = arith.subf %get3A_1461, %max3A_733 : vector<16xf32>
      %exp3A_1469 = math.exp %sub3A_1468 : vector<16xf32>
      %add3A_1470 = arith.addf %add3A_1434, %exp3A_1469 : vector<16xf32>
      %broadcast_in_dim3A_1471 = arith.constant 41 : i32
      %broadcast_in_dim3A_1472 = vector.broadcast %broadcast_in_dim3A_1471 : i32 to vector<16xi32>
      %get3A_1473 = arith.constant 1 : i32
      %get3A_1474 = arith.constant 41 : i32
      %get3A_1475 = arith.index_cast %get3A_1473 : i32 to index
      %get3A_1476 = arith.index_cast %get3A_1474 : i32 to index
      %get3A_1477 = arith.index_cast %mul3A_93 : i32 to index
      %get3A_1478 = tpu.vector_load %arg7[%get3A_1475, %get3A_1476, %get3A_1477] {strides = array<i32>} : memref<2x64x256xf32, #tpu.memory_space<vmem>>, vector<1x1x16xf32>,
      %get3A_1479 = vector.shape_cast %get3A_1478 : vector<1x1x16xf32> to vector<16xf32>
      %eq3A_1480 = arith.cmpf oeq, %get3A_1479, %max3A_733 : vector<16xf32>
      %select_n3A_1481 = arith.select %eq3A_1480, %broadcast_in_dim3A_1472, %broadcast_in_dim3A_38 : vector<16xi1>, vector<16xi32>
      %min3A_1482 = arith.minsi %min3A_1464, %select_n3A_1481 : vector<16xi32>
      %eq3A_1483 = arith.cmpf oeq, %get3A_1479, %max3A_736 : vector<16xf32>
      %select_n3A_1484 = arith.select %eq3A_1483, %broadcast_in_dim3A_1472, %broadcast_in_dim3A_38 : vector<16xi1>, vector<16xi32>
      %min3A_1485 = arith.minsi %min3A_1467, %select_n3A_1484 : vector<16xi32>
      %sub3A_1486 = arith.subf %get3A_1479, %max3A_733 : vector<16xf32>
      %exp3A_1487 = math.exp %sub3A_1486 : vector<16xf32>
      %add3A_1488 = arith.addf %add3A_1452, %exp3A_1487 : vector<16xf32>
      %broadcast_in_dim3A_1489 = arith.constant 42 : i32
      %broadcast_in_dim3A_1490 = vector.broadcast %broadcast_in_dim3A_1489 : i32 to vector<16xi32>
      %get3A_1491 = arith.constant 1 : i32
      %get3A_1492 = arith.constant 42 : i32
      %get3A_1493 = arith.index_cast %get3A_1491 : i32 to index
      %get3A_1494 = arith.index_cast %get3A_1492 : i32 to index
      %get3A_1495 = arith.index_cast %mul3A_93 : i32 to index
      %get3A_1496 = tpu.vector_load %arg7[%get3A_1493, %get3A_1494, %get3A_1495] {strides = array<i32>} : memref<2x64x256xf32, #tpu.memory_space<vmem>>, vector<1x1x16xf32>,
      %get3A_1497 = vector.shape_cast %get3A_1496 : vector<1x1x16xf32> to vector<16xf32>
      %eq3A_1498 = arith.cmpf oeq, %get3A_1497, %max3A_733 : vector<16xf32>
      %select_n3A_1499 = arith.select %eq3A_1498, %broadcast_in_dim3A_1490, %broadcast_in_dim3A_38 : vector<16xi1>, vector<16xi32>
      %min3A_1500 = arith.minsi %min3A_1482, %select_n3A_1499 : vector<16xi32>
      %eq3A_1501 = arith.cmpf oeq, %get3A_1497, %max3A_736 : vector<16xf32>
      %select_n3A_1502 = arith.select %eq3A_1501, %broadcast_in_dim3A_1490, %broadcast_in_dim3A_38 : vector<16xi1>, vector<16xi32>
      %min3A_1503 = arith.minsi %min3A_1485, %select_n3A_1502 : vector<16xi32>
      %sub3A_1504 = arith.subf %get3A_1497, %max3A_733 : vector<16xf32>
      %exp3A_1505 = math.exp %sub3A_1504 : vector<16xf32>
      %add3A_1506 = arith.addf %add3A_1470, %exp3A_1505 : vector<16xf32>
      %broadcast_in_dim3A_1507 = arith.constant 43 : i32
      %broadcast_in_dim3A_1508 = vector.broadcast %broadcast_in_dim3A_1507 : i32 to vector<16xi32>
      %get3A_1509 = arith.constant 1 : i32
      %get3A_1510 = arith.constant 43 : i32
      %get3A_1511 = arith.index_cast %get3A_1509 : i32 to index
      %get3A_1512 = arith.index_cast %get3A_1510 : i32 to index
      %get3A_1513 = arith.index_cast %mul3A_93 : i32 to index
      %get3A_1514 = tpu.vector_load %arg7[%get3A_1511, %get3A_1512, %get3A_1513] {strides = array<i32>} : memref<2x64x256xf32, #tpu.memory_space<vmem>>, vector<1x1x16xf32>,
      %get3A_1515 = vector.shape_cast %get3A_1514 : vector<1x1x16xf32> to vector<16xf32>
      %eq3A_1516 = arith.cmpf oeq, %get3A_1515, %max3A_733 : vector<16xf32>
      %select_n3A_1517 = arith.select %eq3A_1516, %broadcast_in_dim3A_1508, %broadcast_in_dim3A_38 : vector<16xi1>, vector<16xi32>
      %min3A_1518 = arith.minsi %min3A_1500, %select_n3A_1517 : vector<16xi32>
      %eq3A_1519 = arith.cmpf oeq, %get3A_1515, %max3A_736 : vector<16xf32>
      %select_n3A_1520 = arith.select %eq3A_1519, %broadcast_in_dim3A_1508, %broadcast_in_dim3A_38 : vector<16xi1>, vector<16xi32>
      %min3A_1521 = arith.minsi %min3A_1503, %select_n3A_1520 : vector<16xi32>
      %sub3A_1522 = arith.subf %get3A_1515, %max3A_733 : vector<16xf32>
      %exp3A_1523 = math.exp %sub3A_1522 : vector<16xf32>
      %add3A_1524 = arith.addf %add3A_1488, %exp3A_1523 : vector<16xf32>
      %broadcast_in_dim3A_1525 = arith.constant 44 : i32
      %broadcast_in_dim3A_1526 = vector.broadcast %broadcast_in_dim3A_1525 : i32 to vector<16xi32>
      %get3A_1527 = arith.constant 1 : i32
      %get3A_1528 = arith.constant 44 : i32
      %get3A_1529 = arith.index_cast %get3A_1527 : i32 to index
      %get3A_1530 = arith.index_cast %get3A_1528 : i32 to index
      %get3A_1531 = arith.index_cast %mul3A_93 : i32 to index
      %get3A_1532 = tpu.vector_load %arg7[%get3A_1529, %get3A_1530, %get3A_1531] {strides = array<i32>} : memref<2x64x256xf32, #tpu.memory_space<vmem>>, vector<1x1x16xf32>,
      %get3A_1533 = vector.shape_cast %get3A_1532 : vector<1x1x16xf32> to vector<16xf32>
      %eq3A_1534 = arith.cmpf oeq, %get3A_1533, %max3A_733 : vector<16xf32>
      %select_n3A_1535 = arith.select %eq3A_1534, %broadcast_in_dim3A_1526, %broadcast_in_dim3A_38 : vector<16xi1>, vector<16xi32>
      %min3A_1536 = arith.minsi %min3A_1518, %select_n3A_1535 : vector<16xi32>
      %eq3A_1537 = arith.cmpf oeq, %get3A_1533, %max3A_736 : vector<16xf32>
      %select_n3A_1538 = arith.select %eq3A_1537, %broadcast_in_dim3A_1526, %broadcast_in_dim3A_38 : vector<16xi1>, vector<16xi32>
      %min3A_1539 = arith.minsi %min3A_1521, %select_n3A_1538 : vector<16xi32>
      %sub3A_1540 = arith.subf %get3A_1533, %max3A_733 : vector<16xf32>
      %exp3A_1541 = math.exp %sub3A_1540 : vector<16xf32>
      %add3A_1542 = arith.addf %add3A_1506, %exp3A_1541 : vector<16xf32>
      %broadcast_in_dim3A_1543 = arith.constant 45 : i32
      %broadcast_in_dim3A_1544 = vector.broadcast %broadcast_in_dim3A_1543 : i32 to vector<16xi32>
      %get3A_1545 = arith.constant 1 : i32
      %get3A_1546 = arith.constant 45 : i32
      %get3A_1547 = arith.index_cast %get3A_1545 : i32 to index
      %get3A_1548 = arith.index_cast %get3A_1546 : i32 to index
      %get3A_1549 = arith.index_cast %mul3A_93 : i32 to index
      %get3A_1550 = tpu.vector_load %arg7[%get3A_1547, %get3A_1548, %get3A_1549] {strides = array<i32>} : memref<2x64x256xf32, #tpu.memory_space<vmem>>, vector<1x1x16xf32>,
      %get3A_1551 = vector.shape_cast %get3A_1550 : vector<1x1x16xf32> to vector<16xf32>
      %eq3A_1552 = arith.cmpf oeq, %get3A_1551, %max3A_733 : vector<16xf32>
      %select_n3A_1553 = arith.select %eq3A_1552, %broadcast_in_dim3A_1544, %broadcast_in_dim3A_38 : vector<16xi1>, vector<16xi32>
      %min3A_1554 = arith.minsi %min3A_1536, %select_n3A_1553 : vector<16xi32>
      %eq3A_1555 = arith.cmpf oeq, %get3A_1551, %max3A_736 : vector<16xf32>
      %select_n3A_1556 = arith.select %eq3A_1555, %broadcast_in_dim3A_1544, %broadcast_in_dim3A_38 : vector<16xi1>, vector<16xi32>
      %min3A_1557 = arith.minsi %min3A_1539, %select_n3A_1556 : vector<16xi32>
      %sub3A_1558 = arith.subf %get3A_1551, %max3A_733 : vector<16xf32>
      %exp3A_1559 = math.exp %sub3A_1558 : vector<16xf32>
      %add3A_1560 = arith.addf %add3A_1524, %exp3A_1559 : vector<16xf32>
      %broadcast_in_dim3A_1561 = arith.constant 46 : i32
      %broadcast_in_dim3A_1562 = vector.broadcast %broadcast_in_dim3A_1561 : i32 to vector<16xi32>
      %get3A_1563 = arith.constant 1 : i32
      %get3A_1564 = arith.constant 46 : i32
      %get3A_1565 = arith.index_cast %get3A_1563 : i32 to index
      %get3A_1566 = arith.index_cast %get3A_1564 : i32 to index
      %get3A_1567 = arith.index_cast %mul3A_93 : i32 to index
      %get3A_1568 = tpu.vector_load %arg7[%get3A_1565, %get3A_1566, %get3A_1567] {strides = array<i32>} : memref<2x64x256xf32, #tpu.memory_space<vmem>>, vector<1x1x16xf32>,
      %get3A_1569 = vector.shape_cast %get3A_1568 : vector<1x1x16xf32> to vector<16xf32>
      %eq3A_1570 = arith.cmpf oeq, %get3A_1569, %max3A_733 : vector<16xf32>
      %select_n3A_1571 = arith.select %eq3A_1570, %broadcast_in_dim3A_1562, %broadcast_in_dim3A_38 : vector<16xi1>, vector<16xi32>
      %min3A_1572 = arith.minsi %min3A_1554, %select_n3A_1571 : vector<16xi32>
      %eq3A_1573 = arith.cmpf oeq, %get3A_1569, %max3A_736 : vector<16xf32>
      %select_n3A_1574 = arith.select %eq3A_1573, %broadcast_in_dim3A_1562, %broadcast_in_dim3A_38 : vector<16xi1>, vector<16xi32>
      %min3A_1575 = arith.minsi %min3A_1557, %select_n3A_1574 : vector<16xi32>
      %sub3A_1576 = arith.subf %get3A_1569, %max3A_733 : vector<16xf32>
      %exp3A_1577 = math.exp %sub3A_1576 : vector<16xf32>
      %add3A_1578 = arith.addf %add3A_1542, %exp3A_1577 : vector<16xf32>
      %broadcast_in_dim3A_1579 = arith.constant 47 : i32
      %broadcast_in_dim3A_1580 = vector.broadcast %broadcast_in_dim3A_1579 : i32 to vector<16xi32>
      %get3A_1581 = arith.constant 1 : i32
      %get3A_1582 = arith.constant 47 : i32
      %get3A_1583 = arith.index_cast %get3A_1581 : i32 to index
      %get3A_1584 = arith.index_cast %get3A_1582 : i32 to index
      %get3A_1585 = arith.index_cast %mul3A_93 : i32 to index
      %get3A_1586 = tpu.vector_load %arg7[%get3A_1583, %get3A_1584, %get3A_1585] {strides = array<i32>} : memref<2x64x256xf32, #tpu.memory_space<vmem>>, vector<1x1x16xf32>,
      %get3A_1587 = vector.shape_cast %get3A_1586 : vector<1x1x16xf32> to vector<16xf32>
      %eq3A_1588 = arith.cmpf oeq, %get3A_1587, %max3A_733 : vector<16xf32>
      %select_n3A_1589 = arith.select %eq3A_1588, %broadcast_in_dim3A_1580, %broadcast_in_dim3A_38 : vector<16xi1>, vector<16xi32>
      %min3A_1590 = arith.minsi %min3A_1572, %select_n3A_1589 : vector<16xi32>
      %eq3A_1591 = arith.cmpf oeq, %get3A_1587, %max3A_736 : vector<16xf32>
      %select_n3A_1592 = arith.select %eq3A_1591, %broadcast_in_dim3A_1580, %broadcast_in_dim3A_38 : vector<16xi1>, vector<16xi32>
      %min3A_1593 = arith.minsi %min3A_1575, %select_n3A_1592 : vector<16xi32>
      %sub3A_1594 = arith.subf %get3A_1587, %max3A_733 : vector<16xf32>
      %exp3A_1595 = math.exp %sub3A_1594 : vector<16xf32>
      %add3A_1596 = arith.addf %add3A_1560, %exp3A_1595 : vector<16xf32>
      %broadcast_in_dim3A_1597 = arith.constant 48 : i32
      %broadcast_in_dim3A_1598 = vector.broadcast %broadcast_in_dim3A_1597 : i32 to vector<16xi32>
      %get3A_1599 = arith.constant 1 : i32
      %get3A_1600 = arith.constant 48 : i32
      %get3A_1601 = arith.index_cast %get3A_1599 : i32 to index
      %get3A_1602 = arith.index_cast %get3A_1600 : i32 to index
      %get3A_1603 = arith.index_cast %mul3A_93 : i32 to index
      %get3A_1604 = tpu.vector_load %arg7[%get3A_1601, %get3A_1602, %get3A_1603] {strides = array<i32>} : memref<2x64x256xf32, #tpu.memory_space<vmem>>, vector<1x1x16xf32>,
      %get3A_1605 = vector.shape_cast %get3A_1604 : vector<1x1x16xf32> to vector<16xf32>
      %eq3A_1606 = arith.cmpf oeq, %get3A_1605, %max3A_733 : vector<16xf32>
      %select_n3A_1607 = arith.select %eq3A_1606, %broadcast_in_dim3A_1598, %broadcast_in_dim3A_38 : vector<16xi1>, vector<16xi32>
      %min3A_1608 = arith.minsi %min3A_1590, %select_n3A_1607 : vector<16xi32>
      %eq3A_1609 = arith.cmpf oeq, %get3A_1605, %max3A_736 : vector<16xf32>
      %select_n3A_1610 = arith.select %eq3A_1609, %broadcast_in_dim3A_1598, %broadcast_in_dim3A_38 : vector<16xi1>, vector<16xi32>
      %min3A_1611 = arith.minsi %min3A_1593, %select_n3A_1610 : vector<16xi32>
      %sub3A_1612 = arith.subf %get3A_1605, %max3A_733 : vector<16xf32>
      %exp3A_1613 = math.exp %sub3A_1612 : vector<16xf32>
      %add3A_1614 = arith.addf %add3A_1578, %exp3A_1613 : vector<16xf32>
      %broadcast_in_dim3A_1615 = arith.constant 49 : i32
      %broadcast_in_dim3A_1616 = vector.broadcast %broadcast_in_dim3A_1615 : i32 to vector<16xi32>
      %get3A_1617 = arith.constant 1 : i32
      %get3A_1618 = arith.constant 49 : i32
      %get3A_1619 = arith.index_cast %get3A_1617 : i32 to index
      %get3A_1620 = arith.index_cast %get3A_1618 : i32 to index
      %get3A_1621 = arith.index_cast %mul3A_93 : i32 to index
      %get3A_1622 = tpu.vector_load %arg7[%get3A_1619, %get3A_1620, %get3A_1621] {strides = array<i32>} : memref<2x64x256xf32, #tpu.memory_space<vmem>>, vector<1x1x16xf32>,
      %get3A_1623 = vector.shape_cast %get3A_1622 : vector<1x1x16xf32> to vector<16xf32>
      %eq3A_1624 = arith.cmpf oeq, %get3A_1623, %max3A_733 : vector<16xf32>
      %select_n3A_1625 = arith.select %eq3A_1624, %broadcast_in_dim3A_1616, %broadcast_in_dim3A_38 : vector<16xi1>, vector<16xi32>
      %min3A_1626 = arith.minsi %min3A_1608, %select_n3A_1625 : vector<16xi32>
      %eq3A_1627 = arith.cmpf oeq, %get3A_1623, %max3A_736 : vector<16xf32>
      %select_n3A_1628 = arith.select %eq3A_1627, %broadcast_in_dim3A_1616, %broadcast_in_dim3A_38 : vector<16xi1>, vector<16xi32>
      %min3A_1629 = arith.minsi %min3A_1611, %select_n3A_1628 : vector<16xi32>
      %sub3A_1630 = arith.subf %get3A_1623, %max3A_733 : vector<16xf32>
      %exp3A_1631 = math.exp %sub3A_1630 : vector<16xf32>
      %add3A_1632 = arith.addf %add3A_1596, %exp3A_1631 : vector<16xf32>
      %broadcast_in_dim3A_1633 = arith.constant 50 : i32
      %broadcast_in_dim3A_1634 = vector.broadcast %broadcast_in_dim3A_1633 : i32 to vector<16xi32>
      %get3A_1635 = arith.constant 1 : i32
      %get3A_1636 = arith.constant 50 : i32
      %get3A_1637 = arith.index_cast %get3A_1635 : i32 to index
      %get3A_1638 = arith.index_cast %get3A_1636 : i32 to index
      %get3A_1639 = arith.index_cast %mul3A_93 : i32 to index
      %get3A_1640 = tpu.vector_load %arg7[%get3A_1637, %get3A_1638, %get3A_1639] {strides = array<i32>} : memref<2x64x256xf32, #tpu.memory_space<vmem>>, vector<1x1x16xf32>,
      %get3A_1641 = vector.shape_cast %get3A_1640 : vector<1x1x16xf32> to vector<16xf32>
      %eq3A_1642 = arith.cmpf oeq, %get3A_1641, %max3A_733 : vector<16xf32>
      %select_n3A_1643 = arith.select %eq3A_1642, %broadcast_in_dim3A_1634, %broadcast_in_dim3A_38 : vector<16xi1>, vector<16xi32>
      %min3A_1644 = arith.minsi %min3A_1626, %select_n3A_1643 : vector<16xi32>
      %eq3A_1645 = arith.cmpf oeq, %get3A_1641, %max3A_736 : vector<16xf32>
      %select_n3A_1646 = arith.select %eq3A_1645, %broadcast_in_dim3A_1634, %broadcast_in_dim3A_38 : vector<16xi1>, vector<16xi32>
      %min3A_1647 = arith.minsi %min3A_1629, %select_n3A_1646 : vector<16xi32>
      %sub3A_1648 = arith.subf %get3A_1641, %max3A_733 : vector<16xf32>
      %exp3A_1649 = math.exp %sub3A_1648 : vector<16xf32>
      %add3A_1650 = arith.addf %add3A_1614, %exp3A_1649 : vector<16xf32>
      %broadcast_in_dim3A_1651 = arith.constant 51 : i32
      %broadcast_in_dim3A_1652 = vector.broadcast %broadcast_in_dim3A_1651 : i32 to vector<16xi32>
      %get3A_1653 = arith.constant 1 : i32
      %get3A_1654 = arith.constant 51 : i32
      %get3A_1655 = arith.index_cast %get3A_1653 : i32 to index
      %get3A_1656 = arith.index_cast %get3A_1654 : i32 to index
      %get3A_1657 = arith.index_cast %mul3A_93 : i32 to index
      %get3A_1658 = tpu.vector_load %arg7[%get3A_1655, %get3A_1656, %get3A_1657] {strides = array<i32>} : memref<2x64x256xf32, #tpu.memory_space<vmem>>, vector<1x1x16xf32>,
      %get3A_1659 = vector.shape_cast %get3A_1658 : vector<1x1x16xf32> to vector<16xf32>
      %eq3A_1660 = arith.cmpf oeq, %get3A_1659, %max3A_733 : vector<16xf32>
      %select_n3A_1661 = arith.select %eq3A_1660, %broadcast_in_dim3A_1652, %broadcast_in_dim3A_38 : vector<16xi1>, vector<16xi32>
      %min3A_1662 = arith.minsi %min3A_1644, %select_n3A_1661 : vector<16xi32>
      %eq3A_1663 = arith.cmpf oeq, %get3A_1659, %max3A_736 : vector<16xf32>
      %select_n3A_1664 = arith.select %eq3A_1663, %broadcast_in_dim3A_1652, %broadcast_in_dim3A_38 : vector<16xi1>, vector<16xi32>
      %min3A_1665 = arith.minsi %min3A_1647, %select_n3A_1664 : vector<16xi32>
      %sub3A_1666 = arith.subf %get3A_1659, %max3A_733 : vector<16xf32>
      %exp3A_1667 = math.exp %sub3A_1666 : vector<16xf32>
      %add3A_1668 = arith.addf %add3A_1632, %exp3A_1667 : vector<16xf32>
      %broadcast_in_dim3A_1669 = arith.constant 52 : i32
      %broadcast_in_dim3A_1670 = vector.broadcast %broadcast_in_dim3A_1669 : i32 to vector<16xi32>
      %get3A_1671 = arith.constant 1 : i32
      %get3A_1672 = arith.constant 52 : i32
      %get3A_1673 = arith.index_cast %get3A_1671 : i32 to index
      %get3A_1674 = arith.index_cast %get3A_1672 : i32 to index
      %get3A_1675 = arith.index_cast %mul3A_93 : i32 to index
      %get3A_1676 = tpu.vector_load %arg7[%get3A_1673, %get3A_1674, %get3A_1675] {strides = array<i32>} : memref<2x64x256xf32, #tpu.memory_space<vmem>>, vector<1x1x16xf32>,
      %get3A_1677 = vector.shape_cast %get3A_1676 : vector<1x1x16xf32> to vector<16xf32>
      %eq3A_1678 = arith.cmpf oeq, %get3A_1677, %max3A_733 : vector<16xf32>
      %select_n3A_1679 = arith.select %eq3A_1678, %broadcast_in_dim3A_1670, %broadcast_in_dim3A_38 : vector<16xi1>, vector<16xi32>
      %min3A_1680 = arith.minsi %min3A_1662, %select_n3A_1679 : vector<16xi32>
      %eq3A_1681 = arith.cmpf oeq, %get3A_1677, %max3A_736 : vector<16xf32>
      %select_n3A_1682 = arith.select %eq3A_1681, %broadcast_in_dim3A_1670, %broadcast_in_dim3A_38 : vector<16xi1>, vector<16xi32>
      %min3A_1683 = arith.minsi %min3A_1665, %select_n3A_1682 : vector<16xi32>
      %sub3A_1684 = arith.subf %get3A_1677, %max3A_733 : vector<16xf32>
      %exp3A_1685 = math.exp %sub3A_1684 : vector<16xf32>
      %add3A_1686 = arith.addf %add3A_1650, %exp3A_1685 : vector<16xf32>
      %broadcast_in_dim3A_1687 = arith.constant 53 : i32
      %broadcast_in_dim3A_1688 = vector.broadcast %broadcast_in_dim3A_1687 : i32 to vector<16xi32>
      %get3A_1689 = arith.constant 1 : i32
      %get3A_1690 = arith.constant 53 : i32
      %get3A_1691 = arith.index_cast %get3A_1689 : i32 to index
      %get3A_1692 = arith.index_cast %get3A_1690 : i32 to index
      %get3A_1693 = arith.index_cast %mul3A_93 : i32 to index
      %get3A_1694 = tpu.vector_load %arg7[%get3A_1691, %get3A_1692, %get3A_1693] {strides = array<i32>} : memref<2x64x256xf32, #tpu.memory_space<vmem>>, vector<1x1x16xf32>,
      %get3A_1695 = vector.shape_cast %get3A_1694 : vector<1x1x16xf32> to vector<16xf32>
      %eq3A_1696 = arith.cmpf oeq, %get3A_1695, %max3A_733 : vector<16xf32>
      %select_n3A_1697 = arith.select %eq3A_1696, %broadcast_in_dim3A_1688, %broadcast_in_dim3A_38 : vector<16xi1>, vector<16xi32>
      %min3A_1698 = arith.minsi %min3A_1680, %select_n3A_1697 : vector<16xi32>
      %eq3A_1699 = arith.cmpf oeq, %get3A_1695, %max3A_736 : vector<16xf32>
      %select_n3A_1700 = arith.select %eq3A_1699, %broadcast_in_dim3A_1688, %broadcast_in_dim3A_38 : vector<16xi1>, vector<16xi32>
      %min3A_1701 = arith.minsi %min3A_1683, %select_n3A_1700 : vector<16xi32>
      %sub3A_1702 = arith.subf %get3A_1695, %max3A_733 : vector<16xf32>
      %exp3A_1703 = math.exp %sub3A_1702 : vector<16xf32>
      %add3A_1704 = arith.addf %add3A_1668, %exp3A_1703 : vector<16xf32>
      %broadcast_in_dim3A_1705 = arith.constant 54 : i32
      %broadcast_in_dim3A_1706 = vector.broadcast %broadcast_in_dim3A_1705 : i32 to vector<16xi32>
      %get3A_1707 = arith.constant 1 : i32
      %get3A_1708 = arith.constant 54 : i32
      %get3A_1709 = arith.index_cast %get3A_1707 : i32 to index
      %get3A_1710 = arith.index_cast %get3A_1708 : i32 to index
      %get3A_1711 = arith.index_cast %mul3A_93 : i32 to index
      %get3A_1712 = tpu.vector_load %arg7[%get3A_1709, %get3A_1710, %get3A_1711] {strides = array<i32>} : memref<2x64x256xf32, #tpu.memory_space<vmem>>, vector<1x1x16xf32>,
      %get3A_1713 = vector.shape_cast %get3A_1712 : vector<1x1x16xf32> to vector<16xf32>
      %eq3A_1714 = arith.cmpf oeq, %get3A_1713, %max3A_733 : vector<16xf32>
      %select_n3A_1715 = arith.select %eq3A_1714, %broadcast_in_dim3A_1706, %broadcast_in_dim3A_38 : vector<16xi1>, vector<16xi32>
      %min3A_1716 = arith.minsi %min3A_1698, %select_n3A_1715 : vector<16xi32>
      %eq3A_1717 = arith.cmpf oeq, %get3A_1713, %max3A_736 : vector<16xf32>
      %select_n3A_1718 = arith.select %eq3A_1717, %broadcast_in_dim3A_1706, %broadcast_in_dim3A_38 : vector<16xi1>, vector<16xi32>
      %min3A_1719 = arith.minsi %min3A_1701, %select_n3A_1718 : vector<16xi32>
      %sub3A_1720 = arith.subf %get3A_1713, %max3A_733 : vector<16xf32>
      %exp3A_1721 = math.exp %sub3A_1720 : vector<16xf32>
      %add3A_1722 = arith.addf %add3A_1686, %exp3A_1721 : vector<16xf32>
      %broadcast_in_dim3A_1723 = arith.constant 55 : i32
      %broadcast_in_dim3A_1724 = vector.broadcast %broadcast_in_dim3A_1723 : i32 to vector<16xi32>
      %get3A_1725 = arith.constant 1 : i32
      %get3A_1726 = arith.constant 55 : i32
      %get3A_1727 = arith.index_cast %get3A_1725 : i32 to index
      %get3A_1728 = arith.index_cast %get3A_1726 : i32 to index
      %get3A_1729 = arith.index_cast %mul3A_93 : i32 to index
      %get3A_1730 = tpu.vector_load %arg7[%get3A_1727, %get3A_1728, %get3A_1729] {strides = array<i32>} : memref<2x64x256xf32, #tpu.memory_space<vmem>>, vector<1x1x16xf32>,
      %get3A_1731 = vector.shape_cast %get3A_1730 : vector<1x1x16xf32> to vector<16xf32>
      %eq3A_1732 = arith.cmpf oeq, %get3A_1731, %max3A_733 : vector<16xf32>
      %select_n3A_1733 = arith.select %eq3A_1732, %broadcast_in_dim3A_1724, %broadcast_in_dim3A_38 : vector<16xi1>, vector<16xi32>
      %min3A_1734 = arith.minsi %min3A_1716, %select_n3A_1733 : vector<16xi32>
      %eq3A_1735 = arith.cmpf oeq, %get3A_1731, %max3A_736 : vector<16xf32>
      %select_n3A_1736 = arith.select %eq3A_1735, %broadcast_in_dim3A_1724, %broadcast_in_dim3A_38 : vector<16xi1>, vector<16xi32>
      %min3A_1737 = arith.minsi %min3A_1719, %select_n3A_1736 : vector<16xi32>
      %sub3A_1738 = arith.subf %get3A_1731, %max3A_733 : vector<16xf32>
      %exp3A_1739 = math.exp %sub3A_1738 : vector<16xf32>
      %add3A_1740 = arith.addf %add3A_1704, %exp3A_1739 : vector<16xf32>
      %broadcast_in_dim3A_1741 = arith.constant 56 : i32
      %broadcast_in_dim3A_1742 = vector.broadcast %broadcast_in_dim3A_1741 : i32 to vector<16xi32>
      %get3A_1743 = arith.constant 1 : i32
      %get3A_1744 = arith.constant 56 : i32
      %get3A_1745 = arith.index_cast %get3A_1743 : i32 to index
      %get3A_1746 = arith.index_cast %get3A_1744 : i32 to index
      %get3A_1747 = arith.index_cast %mul3A_93 : i32 to index
      %get3A_1748 = tpu.vector_load %arg7[%get3A_1745, %get3A_1746, %get3A_1747] {strides = array<i32>} : memref<2x64x256xf32, #tpu.memory_space<vmem>>, vector<1x1x16xf32>,
      %get3A_1749 = vector.shape_cast %get3A_1748 : vector<1x1x16xf32> to vector<16xf32>
      %eq3A_1750 = arith.cmpf oeq, %get3A_1749, %max3A_733 : vector<16xf32>
      %select_n3A_1751 = arith.select %eq3A_1750, %broadcast_in_dim3A_1742, %broadcast_in_dim3A_38 : vector<16xi1>, vector<16xi32>
      %min3A_1752 = arith.minsi %min3A_1734, %select_n3A_1751 : vector<16xi32>
      %eq3A_1753 = arith.cmpf oeq, %get3A_1749, %max3A_736 : vector<16xf32>
      %select_n3A_1754 = arith.select %eq3A_1753, %broadcast_in_dim3A_1742, %broadcast_in_dim3A_38 : vector<16xi1>, vector<16xi32>
      %min3A_1755 = arith.minsi %min3A_1737, %select_n3A_1754 : vector<16xi32>
      %sub3A_1756 = arith.subf %get3A_1749, %max3A_733 : vector<16xf32>
      %exp3A_1757 = math.exp %sub3A_1756 : vector<16xf32>
      %add3A_1758 = arith.addf %add3A_1722, %exp3A_1757 : vector<16xf32>
      %broadcast_in_dim3A_1759 = arith.constant 57 : i32
      %broadcast_in_dim3A_1760 = vector.broadcast %broadcast_in_dim3A_1759 : i32 to vector<16xi32>
      %get3A_1761 = arith.constant 1 : i32
      %get3A_1762 = arith.constant 57 : i32
      %get3A_1763 = arith.index_cast %get3A_1761 : i32 to index
      %get3A_1764 = arith.index_cast %get3A_1762 : i32 to index
      %get3A_1765 = arith.index_cast %mul3A_93 : i32 to index
      %get3A_1766 = tpu.vector_load %arg7[%get3A_1763, %get3A_1764, %get3A_1765] {strides = array<i32>} : memref<2x64x256xf32, #tpu.memory_space<vmem>>, vector<1x1x16xf32>,
      %get3A_1767 = vector.shape_cast %get3A_1766 : vector<1x1x16xf32> to vector<16xf32>
      %eq3A_1768 = arith.cmpf oeq, %get3A_1767, %max3A_733 : vector<16xf32>
      %select_n3A_1769 = arith.select %eq3A_1768, %broadcast_in_dim3A_1760, %broadcast_in_dim3A_38 : vector<16xi1>, vector<16xi32>
      %min3A_1770 = arith.minsi %min3A_1752, %select_n3A_1769 : vector<16xi32>
      %eq3A_1771 = arith.cmpf oeq, %get3A_1767, %max3A_736 : vector<16xf32>
      %select_n3A_1772 = arith.select %eq3A_1771, %broadcast_in_dim3A_1760, %broadcast_in_dim3A_38 : vector<16xi1>, vector<16xi32>
      %min3A_1773 = arith.minsi %min3A_1755, %select_n3A_1772 : vector<16xi32>
      %sub3A_1774 = arith.subf %get3A_1767, %max3A_733 : vector<16xf32>
      %exp3A_1775 = math.exp %sub3A_1774 : vector<16xf32>
      %add3A_1776 = arith.addf %add3A_1740, %exp3A_1775 : vector<16xf32>
      %broadcast_in_dim3A_1777 = arith.constant 58 : i32
      %broadcast_in_dim3A_1778 = vector.broadcast %broadcast_in_dim3A_1777 : i32 to vector<16xi32>
      %get3A_1779 = arith.constant 1 : i32
      %get3A_1780 = arith.constant 58 : i32
      %get3A_1781 = arith.index_cast %get3A_1779 : i32 to index
      %get3A_1782 = arith.index_cast %get3A_1780 : i32 to index
      %get3A_1783 = arith.index_cast %mul3A_93 : i32 to index
      %get3A_1784 = tpu.vector_load %arg7[%get3A_1781, %get3A_1782, %get3A_1783] {strides = array<i32>} : memref<2x64x256xf32, #tpu.memory_space<vmem>>, vector<1x1x16xf32>,
      %get3A_1785 = vector.shape_cast %get3A_1784 : vector<1x1x16xf32> to vector<16xf32>
      %eq3A_1786 = arith.cmpf oeq, %get3A_1785, %max3A_733 : vector<16xf32>
      %select_n3A_1787 = arith.select %eq3A_1786, %broadcast_in_dim3A_1778, %broadcast_in_dim3A_38 : vector<16xi1>, vector<16xi32>
      %min3A_1788 = arith.minsi %min3A_1770, %select_n3A_1787 : vector<16xi32>
      %eq3A_1789 = arith.cmpf oeq, %get3A_1785, %max3A_736 : vector<16xf32>
      %select_n3A_1790 = arith.select %eq3A_1789, %broadcast_in_dim3A_1778, %broadcast_in_dim3A_38 : vector<16xi1>, vector<16xi32>
      %min3A_1791 = arith.minsi %min3A_1773, %select_n3A_1790 : vector<16xi32>
      %sub3A_1792 = arith.subf %get3A_1785, %max3A_733 : vector<16xf32>
      %exp3A_1793 = math.exp %sub3A_1792 : vector<16xf32>
      %add3A_1794 = arith.addf %add3A_1758, %exp3A_1793 : vector<16xf32>
      %broadcast_in_dim3A_1795 = arith.constant 59 : i32
      %broadcast_in_dim3A_1796 = vector.broadcast %broadcast_in_dim3A_1795 : i32 to vector<16xi32>
      %get3A_1797 = arith.constant 1 : i32
      %get3A_1798 = arith.constant 59 : i32
      %get3A_1799 = arith.index_cast %get3A_1797 : i32 to index
      %get3A_1800 = arith.index_cast %get3A_1798 : i32 to index
      %get3A_1801 = arith.index_cast %mul3A_93 : i32 to index
      %get3A_1802 = tpu.vector_load %arg7[%get3A_1799, %get3A_1800, %get3A_1801] {strides = array<i32>} : memref<2x64x256xf32, #tpu.memory_space<vmem>>, vector<1x1x16xf32>,
      %get3A_1803 = vector.shape_cast %get3A_1802 : vector<1x1x16xf32> to vector<16xf32>
      %eq3A_1804 = arith.cmpf oeq, %get3A_1803, %max3A_733 : vector<16xf32>
      %select_n3A_1805 = arith.select %eq3A_1804, %broadcast_in_dim3A_1796, %broadcast_in_dim3A_38 : vector<16xi1>, vector<16xi32>
      %min3A_1806 = arith.minsi %min3A_1788, %select_n3A_1805 : vector<16xi32>
      %eq3A_1807 = arith.cmpf oeq, %get3A_1803, %max3A_736 : vector<16xf32>
      %select_n3A_1808 = arith.select %eq3A_1807, %broadcast_in_dim3A_1796, %broadcast_in_dim3A_38 : vector<16xi1>, vector<16xi32>
      %min3A_1809 = arith.minsi %min3A_1791, %select_n3A_1808 : vector<16xi32>
      %sub3A_1810 = arith.subf %get3A_1803, %max3A_733 : vector<16xf32>
      %exp3A_1811 = math.exp %sub3A_1810 : vector<16xf32>
      %add3A_1812 = arith.addf %add3A_1776, %exp3A_1811 : vector<16xf32>
      %broadcast_in_dim3A_1813 = arith.constant 60 : i32
      %broadcast_in_dim3A_1814 = vector.broadcast %broadcast_in_dim3A_1813 : i32 to vector<16xi32>
      %get3A_1815 = arith.constant 1 : i32
      %get3A_1816 = arith.constant 60 : i32
      %get3A_1817 = arith.index_cast %get3A_1815 : i32 to index
      %get3A_1818 = arith.index_cast %get3A_1816 : i32 to index
      %get3A_1819 = arith.index_cast %mul3A_93 : i32 to index
      %get3A_1820 = tpu.vector_load %arg7[%get3A_1817, %get3A_1818, %get3A_1819] {strides = array<i32>} : memref<2x64x256xf32, #tpu.memory_space<vmem>>, vector<1x1x16xf32>,
      %get3A_1821 = vector.shape_cast %get3A_1820 : vector<1x1x16xf32> to vector<16xf32>
      %eq3A_1822 = arith.cmpf oeq, %get3A_1821, %max3A_733 : vector<16xf32>
      %select_n3A_1823 = arith.select %eq3A_1822, %broadcast_in_dim3A_1814, %broadcast_in_dim3A_38 : vector<16xi1>, vector<16xi32>
      %min3A_1824 = arith.minsi %min3A_1806, %select_n3A_1823 : vector<16xi32>
      %eq3A_1825 = arith.cmpf oeq, %get3A_1821, %max3A_736 : vector<16xf32>
      %select_n3A_1826 = arith.select %eq3A_1825, %broadcast_in_dim3A_1814, %broadcast_in_dim3A_38 : vector<16xi1>, vector<16xi32>
      %min3A_1827 = arith.minsi %min3A_1809, %select_n3A_1826 : vector<16xi32>
      %sub3A_1828 = arith.subf %get3A_1821, %max3A_733 : vector<16xf32>
      %exp3A_1829 = math.exp %sub3A_1828 : vector<16xf32>
      %add3A_1830 = arith.addf %add3A_1794, %exp3A_1829 : vector<16xf32>
      %broadcast_in_dim3A_1831 = arith.constant 61 : i32
      %broadcast_in_dim3A_1832 = vector.broadcast %broadcast_in_dim3A_1831 : i32 to vector<16xi32>
      %get3A_1833 = arith.constant 1 : i32
      %get3A_1834 = arith.constant 61 : i32
      %get3A_1835 = arith.index_cast %get3A_1833 : i32 to index
      %get3A_1836 = arith.index_cast %get3A_1834 : i32 to index
      %get3A_1837 = arith.index_cast %mul3A_93 : i32 to index
      %get3A_1838 = tpu.vector_load %arg7[%get3A_1835, %get3A_1836, %get3A_1837] {strides = array<i32>} : memref<2x64x256xf32, #tpu.memory_space<vmem>>, vector<1x1x16xf32>,
      %get3A_1839 = vector.shape_cast %get3A_1838 : vector<1x1x16xf32> to vector<16xf32>
      %eq3A_1840 = arith.cmpf oeq, %get3A_1839, %max3A_733 : vector<16xf32>
      %select_n3A_1841 = arith.select %eq3A_1840, %broadcast_in_dim3A_1832, %broadcast_in_dim3A_38 : vector<16xi1>, vector<16xi32>
      %min3A_1842 = arith.minsi %min3A_1824, %select_n3A_1841 : vector<16xi32>
      %eq3A_1843 = arith.cmpf oeq, %get3A_1839, %max3A_736 : vector<16xf32>
      %select_n3A_1844 = arith.select %eq3A_1843, %broadcast_in_dim3A_1832, %broadcast_in_dim3A_38 : vector<16xi1>, vector<16xi32>
      %min3A_1845 = arith.minsi %min3A_1827, %select_n3A_1844 : vector<16xi32>
      %sub3A_1846 = arith.subf %get3A_1839, %max3A_733 : vector<16xf32>
      %exp3A_1847 = math.exp %sub3A_1846 : vector<16xf32>
      %add3A_1848 = arith.addf %add3A_1812, %exp3A_1847 : vector<16xf32>
      %broadcast_in_dim3A_1849 = arith.constant 62 : i32
      %broadcast_in_dim3A_1850 = vector.broadcast %broadcast_in_dim3A_1849 : i32 to vector<16xi32>
      %get3A_1851 = arith.constant 1 : i32
      %get3A_1852 = arith.constant 62 : i32
      %get3A_1853 = arith.index_cast %get3A_1851 : i32 to index
      %get3A_1854 = arith.index_cast %get3A_1852 : i32 to index
      %get3A_1855 = arith.index_cast %mul3A_93 : i32 to index
      %get3A_1856 = tpu.vector_load %arg7[%get3A_1853, %get3A_1854, %get3A_1855] {strides = array<i32>} : memref<2x64x256xf32, #tpu.memory_space<vmem>>, vector<1x1x16xf32>,
      %get3A_1857 = vector.shape_cast %get3A_1856 : vector<1x1x16xf32> to vector<16xf32>
      %eq3A_1858 = arith.cmpf oeq, %get3A_1857, %max3A_733 : vector<16xf32>
      %select_n3A_1859 = arith.select %eq3A_1858, %broadcast_in_dim3A_1850, %broadcast_in_dim3A_38 : vector<16xi1>, vector<16xi32>
      %min3A_1860 = arith.minsi %min3A_1842, %select_n3A_1859 : vector<16xi32>
      %eq3A_1861 = arith.cmpf oeq, %get3A_1857, %max3A_736 : vector<16xf32>
      %select_n3A_1862 = arith.select %eq3A_1861, %broadcast_in_dim3A_1850, %broadcast_in_dim3A_38 : vector<16xi1>, vector<16xi32>
      %min3A_1863 = arith.minsi %min3A_1845, %select_n3A_1862 : vector<16xi32>
      %sub3A_1864 = arith.subf %get3A_1857, %max3A_733 : vector<16xf32>
      %exp3A_1865 = math.exp %sub3A_1864 : vector<16xf32>
      %add3A_1866 = arith.addf %add3A_1830, %exp3A_1865 : vector<16xf32>
      %broadcast_in_dim3A_1867 = arith.constant 63 : i32
      %broadcast_in_dim3A_1868 = vector.broadcast %broadcast_in_dim3A_1867 : i32 to vector<16xi32>
      %get3A_1869 = arith.constant 1 : i32
      %get3A_1870 = arith.constant 63 : i32
      %get3A_1871 = arith.index_cast %get3A_1869 : i32 to index
      %get3A_1872 = arith.index_cast %get3A_1870 : i32 to index
      %get3A_1873 = arith.index_cast %mul3A_93 : i32 to index
      %get3A_1874 = tpu.vector_load %arg7[%get3A_1871, %get3A_1872, %get3A_1873] {strides = array<i32>} : memref<2x64x256xf32, #tpu.memory_space<vmem>>, vector<1x1x16xf32>,
      %get3A_1875 = vector.shape_cast %get3A_1874 : vector<1x1x16xf32> to vector<16xf32>
      %eq3A_1876 = arith.cmpf oeq, %get3A_1875, %max3A_733 : vector<16xf32>
      %select_n3A_1877 = arith.select %eq3A_1876, %broadcast_in_dim3A_1868, %broadcast_in_dim3A_38 : vector<16xi1>, vector<16xi32>
      %min3A_1878 = arith.minsi %min3A_1860, %select_n3A_1877 : vector<16xi32>
      %eq3A_1879 = arith.cmpf oeq, %get3A_1875, %max3A_736 : vector<16xf32>
      %select_n3A_1880 = arith.select %eq3A_1879, %broadcast_in_dim3A_1868, %broadcast_in_dim3A_38 : vector<16xi1>, vector<16xi32>
      %min3A_1881 = arith.minsi %min3A_1863, %select_n3A_1880 : vector<16xi32>
      %sub3A_1882 = arith.subf %get3A_1875, %max3A_733 : vector<16xf32>
      %exp3A_1883 = math.exp %sub3A_1882 : vector<16xf32>
      %add3A_1884 = arith.addf %add3A_1848, %exp3A_1883 : vector<16xf32>
      %add3A_1885 = arith.addf %add3A_1866, %add3A_1884 : vector<16xf32>
      %div3A = arith.constant 1.000000e+00 : f32
      %div3A_1886 = vector.broadcast %div3A : f32 to vector<16xf32>
      %div3A_1887 = arith.divf %div3A_1886, %add3A_1885 : vector<16xf32>
      %sub3A_1888 = arith.subf %max3A_736, %max3A_733 : vector<16xf32>
      %exp3A_1889 = math.exp %sub3A_1888 : vector<16xf32>
      %div3A_1890 = arith.divf %exp3A_1889, %add3A_1885 : vector<16xf32>
      %add3A_1891 = arith.addf %div3A_1887, %div3A_1890 : vector<16xf32>
      %add3A_1892 = arith.constant 9.99999971E-10 : f32
      %add3A_1893 = vector.broadcast %add3A_1892 : f32 to vector<16xf32>
      %add3A_1894 = arith.addf %add3A_1891, %add3A_1893 : vector<16xf32>
      %div3A_1895 = arith.divf %div3A_1887, %add3A_1894 : vector<16xf32>
      %swap3A = arith.index_cast %add3A_95 : i32 to index
      %swap3A_1896 = tpu.vector_load %arg8[%swap3A] {strides = array<i32>} : memref<512xf32, #tpu.memory_space<vmem>>, vector<16xf32>,
      %swap3A_1897 = vector.shape_cast %swap3A_1896 : vector<16xf32> to vector<16xf32>
      %swap3A_1898 = vector.shape_cast %div3A_1895 : vector<16xf32> to vector<16xf32>
      tpu.vector_store %arg8[%swap3A], %swap3A_1898 {strides = array<i32>} : memref<512xf32, #tpu.memory_space<vmem>>, vector<16xf32>,
      %div3A_1899 = arith.divf %div3A_1890, %add3A_1894 : vector<16xf32>
      %swap3A_1900 = arith.index_cast %add3A_95 : i32 to index
      %swap3A_1901 = tpu.vector_load %arg9[%swap3A_1900] {strides = array<i32>} : memref<512xf32, #tpu.memory_space<vmem>>, vector<16xf32>,
      %swap3A_1902 = vector.shape_cast %swap3A_1901 : vector<16xf32> to vector<16xf32>
      %swap3A_1903 = vector.shape_cast %div3A_1899 : vector<16xf32> to vector<16xf32>
      tpu.vector_store %arg9[%swap3A_1900], %swap3A_1903 {strides = array<i32>} : memref<512xf32, #tpu.memory_space<vmem>>, vector<16xf32>,
      %swap3A_1904 = arith.index_cast %add3A_95 : i32 to index
      %swap3A_1905 = tpu.vector_load %arg10[%swap3A_1904] {strides = array<i32>} : memref<512xi32, #tpu.memory_space<vmem>>, vector<16xi32>,
      %swap3A_1906 = vector.shape_cast %swap3A_1905 : vector<16xi32> to vector<16xi32>
      %swap3A_1907 = vector.shape_cast %min3A_1878 : vector<16xi32> to vector<16xi32>
      tpu.vector_store %arg10[%swap3A_1904], %swap3A_1907 {strides = array<i32>} : memref<512xi32, #tpu.memory_space<vmem>>, vector<16xi32>,
      %swap3A_1908 = arith.index_cast %add3A_95 : i32 to index
      %swap3A_1909 = tpu.vector_load %arg11[%swap3A_1908] {strides = array<i32>} : memref<512xi32, #tpu.memory_space<vmem>>, vector<16xi32>,
      %swap3A_1910 = vector.shape_cast %swap3A_1909 : vector<16xi32> to vector<16xi32>
      %swap3A_1911 = vector.shape_cast %min3A_1881 : vector<16xi32> to vector<16xi32>
      tpu.vector_store %arg11[%swap3A_1908], %swap3A_1911 {strides = array<i32>} : memref<512xi32, #tpu.memory_space<vmem>>, vector<16xi32>,
    }
    %scan3A_74 = arith.constant 16 : i32
    %dma_start3A_75 = tpu.memref_slice %arg3[%mul3A_2] : memref<16384xf32, #tpu.memory_space<hbm>> -> memref<512xf32, #tpu.memory_space<hbm>>
    %dma_start3A_76 = tpu.memref_slice %arg3[%mul3A_2] : memref<16384xf32, #tpu.memory_space<hbm>> -> memref<512xf32, #tpu.memory_space<hbm>>
    tpu.enqueue_dma source(%arg8 : memref<512xf32, #tpu.memory_space<vmem>>) target(%dma_start3A_76 : memref<512xf32, #tpu.memory_space<hbm>>) target_semaphore(%arg14 : memref<!tpu.dma_semaphore, #tpu.memory_space<semaphore_mem>>)
    %dma_start3A_77 = tpu.memref_slice %arg4[%mul3A_2] : memref<16384xf32, #tpu.memory_space<hbm>> -> memref<512xf32, #tpu.memory_space<hbm>>
    %dma_start3A_78 = tpu.memref_slice %arg4[%mul3A_2] : memref<16384xf32, #tpu.memory_space<hbm>> -> memref<512xf32, #tpu.memory_space<hbm>>
    tpu.enqueue_dma source(%arg9 : memref<512xf32, #tpu.memory_space<vmem>>) target(%dma_start3A_78 : memref<512xf32, #tpu.memory_space<hbm>>) target_semaphore(%arg15 : memref<!tpu.dma_semaphore, #tpu.memory_space<semaphore_mem>>)
    %dma_start3A_79 = tpu.memref_slice %arg5[%mul3A_2] : memref<16384xi32, #tpu.memory_space<hbm>> -> memref<512xi32, #tpu.memory_space<hbm>>
    %dma_start3A_80 = tpu.memref_slice %arg5[%mul3A_2] : memref<16384xi32, #tpu.memory_space<hbm>> -> memref<512xi32, #tpu.memory_space<hbm>>
    tpu.enqueue_dma source(%arg10 : memref<512xi32, #tpu.memory_space<vmem>>) target(%dma_start3A_80 : memref<512xi32, #tpu.memory_space<hbm>>) target_semaphore(%arg16 : memref<!tpu.dma_semaphore, #tpu.memory_space<semaphore_mem>>)
    %dma_start3A_81 = tpu.memref_slice %arg6[%mul3A_2] : memref<16384xi32, #tpu.memory_space<hbm>> -> memref<512xi32, #tpu.memory_space<hbm>>
    %dma_start3A_82 = tpu.memref_slice %arg6[%mul3A_2] : memref<16384xi32, #tpu.memory_space<hbm>> -> memref<512xi32, #tpu.memory_space<hbm>>
    tpu.enqueue_dma source(%arg11 : memref<512xi32, #tpu.memory_space<vmem>>) target(%dma_start3A_82 : memref<512xi32, #tpu.memory_space<hbm>>) target_semaphore(%arg17 : memref<!tpu.dma_semaphore, #tpu.memory_space<semaphore_mem>>)
    %dma_wait3A_83 = tpu.memref_slice %arg3[%mul3A_2] : memref<16384xf32, #tpu.memory_space<hbm>> -> memref<512xf32, #tpu.memory_space<hbm>>
    %dma_wait3A_84 = tpu.memref_slice %arg3[%mul3A_2] : memref<16384xf32, #tpu.memory_space<hbm>> -> memref<512xf32, #tpu.memory_space<hbm>>
    tpu.wait_dma2 semaphore(%arg14 : memref<!tpu.dma_semaphore, #tpu.memory_space<semaphore_mem>>) src(%arg8 : memref<512xf32, #tpu.memory_space<vmem>>) dst(%dma_wait3A_84 : memref<512xf32, #tpu.memory_space<hbm>>)
    %dma_wait3A_85 = tpu.memref_slice %arg4[%mul3A_2] : memref<16384xf32, #tpu.memory_space<hbm>> -> memref<512xf32, #tpu.memory_space<hbm>>
    %dma_wait3A_86 = tpu.memref_slice %arg4[%mul3A_2] : memref<16384xf32, #tpu.memory_space<hbm>> -> memref<512xf32, #tpu.memory_space<hbm>>
    tpu.wait_dma2 semaphore(%arg15 : memref<!tpu.dma_semaphore, #tpu.memory_space<semaphore_mem>>) src(%arg9 : memref<512xf32, #tpu.memory_space<vmem>>) dst(%dma_wait3A_86 : memref<512xf32, #tpu.memory_space<hbm>>)
    %dma_wait3A_87 = tpu.memref_slice %arg5[%mul3A_2] : memref<16384xi32, #tpu.memory_space<hbm>> -> memref<512xi32, #tpu.memory_space<hbm>>
    %dma_wait3A_88 = tpu.memref_slice %arg5[%mul3A_2] : memref<16384xi32, #tpu.memory_space<hbm>> -> memref<512xi32, #tpu.memory_space<hbm>>
    tpu.wait_dma2 semaphore(%arg16 : memref<!tpu.dma_semaphore, #tpu.memory_space<semaphore_mem>>) src(%arg10 : memref<512xi32, #tpu.memory_space<vmem>>) dst(%dma_wait3A_88 : memref<512xi32, #tpu.memory_space<hbm>>)
    %dma_wait3A_89 = tpu.memref_slice %arg6[%mul3A_2] : memref<16384xi32, #tpu.memory_space<hbm>> -> memref<512xi32, #tpu.memory_space<hbm>>
    %dma_wait3A_90 = tpu.memref_slice %arg6[%mul3A_2] : memref<16384xi32, #tpu.memory_space<hbm>> -> memref<512xi32, #tpu.memory_space<hbm>>
    tpu.wait_dma2 semaphore(%arg17 : memref<!tpu.dma_semaphore, #tpu.memory_space<semaphore_mem>>) src(%arg11 : memref<512xi32, #tpu.memory_space<vmem>>) dst(%dma_wait3A_90 : memref<512xi32, #tpu.memory_space<hbm>>)
    return
  }
}

module attributes {stable_mosaic.version = 14 : i64} {
  func.func @_logits_body(%arg0: i32, %arg1: memref<1024x2048xf32, #tpu.memory_space<vmem>>, %arg2: memref<2048x64xf32, #tpu.memory_space<vmem>>, %arg3: memref<1024x64xf32, #tpu.memory_space<vmem>>, %arg4: memref<64x1024xf32, #tpu.memory_space<vmem>>) attributes {dimension_semantics = [#tpu.dimension_semantics<arbitrary>], iteration_bounds = array<i64: 16>, scalar_prefetch = 0 : i64, scratch_operands = 0 : i64, tpu.core_type = #tpu.core_type<tc>, window_params = [{transform_indices = @transform_0, window_bounds = array<i64: 1024, 2048>}, {pipeline_mode = #tpu.pipeline_mode<synchronous>, transform_indices = @transform_1, window_bounds = array<i64: 2048, 64>}, {transform_indices = @transform_2, window_bounds = array<i64: 1024, 64>}, {transform_indices = @transform_3, window_bounds = array<i64: 64, 1024>}]} {
    %get3A = arith.constant 0 : index
    %get3A_0 = arith.constant 0 : index
    %get3A_1 = vector.load %arg1[%get3A, %get3A_0] : memref<1024x2048xf32, #tpu.memory_space<vmem>>, vector<1024x2048xf32>
    %get3A_2 = arith.constant 0 : index
    %get3A_3 = arith.constant 0 : index
    %get3A_4 = vector.load %arg2[%get3A_2, %get3A_3] : memref<2048x64xf32, #tpu.memory_space<vmem>>, vector<2048x64xf32>
    %dot_general3A = arith.constant dense<0.000000e+00> : vector<1024x64xf32>
    %dot_general3A_5 = tpu.matmul %get3A_1, %get3A_4, %dot_general3A {dimension_numbers = #tpu.dot_dimension_numbers<[1], [0], [0], [1], [0, 0, 1, 1], [], []>, transpose_lhs_hint = false} : vector<1024x2048xf32>, vector<2048x64xf32>, vector<1024x64xf32> -> vector<1024x64xf32>
    %swap3A = arith.constant 0 : index
    %swap3A_6 = arith.constant 0 : index
    %swap3A_7 = vector.load %arg3[%swap3A, %swap3A_6] : memref<1024x64xf32, #tpu.memory_space<vmem>>, vector<1024x64xf32>
    tpu.vector_store %arg3[%swap3A, %swap3A_6], %dot_general3A_5 {strides = array<i32>} : memref<1024x64xf32, #tpu.memory_space<vmem>>, vector<1024x64xf32>,
    %transpose3A = tpu.transpose %dot_general3A_5, [1, 0] : vector<1024x64xf32> -> vector<64x1024xf32>
    %swap3A_8 = arith.constant 0 : index
    %swap3A_9 = arith.constant 0 : index
    %swap3A_10 = vector.load %arg4[%swap3A_8, %swap3A_9] : memref<64x1024xf32, #tpu.memory_space<vmem>>, vector<64x1024xf32>
    tpu.vector_store %arg4[%swap3A_8, %swap3A_9], %transpose3A {strides = array<i32>} : memref<64x1024xf32, #tpu.memory_space<vmem>>, vector<64x1024xf32>,
    return
  }
  func.func @transform_0(%arg0: i32) -> (i32, i32) {
    %c0_i32 = arith.constant 0 : i32
    %c0_i32_0 = arith.constant 0 : i32
    return %arg0, %c0_i32 : i32, i32
  }
  func.func @transform_1(%arg0: i32) -> (i32, i32) {
    %c0_i32 = arith.constant 0 : i32
    %c0_i32_0 = arith.constant 0 : i32
    %c0_i32_1 = arith.constant 0 : i32
    return %c0_i32, %c0_i32_0 : i32, i32
  }
  func.func @transform_2(%arg0: i32) -> (i32, i32) {
    %c0_i32 = arith.constant 0 : i32
    %c0_i32_0 = arith.constant 0 : i32
    return %arg0, %c0_i32 : i32, i32
  }
  func.func @transform_3(%arg0: i32) -> (i32, i32) {
    %c0_i32 = arith.constant 0 : i32
    %c0_i32_0 = arith.constant 0 : i32
    return %c0_i32, %arg0 : i32, i32
  }
}

</mosaic_0001>

<sc_bundles>
// kernel: kernel.4.cloned.1.call-start
scs
__scs_entry_jumppad:
0x0: {  	(pc) =	sbr.rel $0x88, $3  }
0x1: {  	(tag) =	ssettag $0x0;
	lr =	simm.s32 $0x1  }
0x2: {  	[smem:$0x3F9F] =	sst lr;
	_ =	strace $0xD0000000  }
0x3: {  	_ = 	snop  }
0x4: {  	_ = 	snop  }
0x5: {  	_ = 	snop  }
0x6: {  	_ = 	snop  }
0x7: {  	_ = 	snop  }
__scs_overlays_trampoline_lowered:
0x8: {  	[smem:$0x3FAE] =	sst s0  }
0x9: {  	[smem:$0x3FAF] =	sst s1  }
0xa: {  	[smem:$0x3FB0] =	sst s2  }
0xb: {  	[smem:$0x3FB1] =	sst s3  }
0xc: {  	[smem:$0x3FB2] =	sst s4  }
0xd: {  	[smem:$0x3FB3] =	sst s5  }
0xe: {  	[smem:$0x3FB4] =	sst s6  }
0xf: {  	[smem:$0x3FB5] =	sst s7  }
0x10: {  	[smem:$0x3FB6] =	sst s8  }
0x11: {  	[smem:$0x3FB7] =	sst s9;
	s0 =	simm.s32 @!p0 $0x0  }
0x12: {  	s1 =	sld [smem:$0x3F9D];
	s0 =	simm.s32 @p0 $0x1  }
0x13: {  	[smem:$0x3FB8] =	sst s0;
	s0 =	simm.s32 @!p1 $0x0  }
0x14: {  	s2 =	sld [smem:$0x3F9C];
	s0 =	simm.s32 @p1 $0x1  }
0x15: {  	[smem:$0x3FB9] =	sst s0;
	s0 =	simm.s32 @!p2 $0x0  }
0x16: {  	s3 =	sld [smem:$0x3FDB];
	s0 =	simm.s32 @p2 $0x1  }
0x17: {  	s4 =	simm.s32 $0x1BF5;
	[smem:$0x3FBB] =	sst s0  }
0x18: {  	s0 =	sld [smem:$0x3F9E];
	_ =	swait.ge [sflag:s4], $0x0  }
0x19: {  	s7 =	sld [smem:$0x3F9F]  }
0x1a: {  	s8 =	sadd.s32 $0xFFFFE003, lr  }
0x1b: {  	s9 =	sadd.s32 $0xFFFFFEF7, lr;
	s5 =	simm.s32 $0xFFFFFFFF;
	p2 =	slt.u32 s8, $0xFFFFF086  }
0x1c: {  	p1 =	slt.u32 s9, $0xF7A;
	s5 =	simm.s32 @!p2 $0x0  }
0x1d: {  	s5 =	simm.s32 @p1 $0x1;
	p0 =	seq.s32 s7, s2  }
0x1e: {  	s7 =	smul.u32 @!p0 $0xF7A, s2;
	p2 =	seq.s32 @!p0 s5, $0x0  }
0x1f: {  	s9 =	smul.u32 $0xF7A, s1;
	s8 =	simm.s32 @!p0 $0x1BF5;
	p2 =	por !p2, p0  }
0x20: {  	[sflag:s8] =	ssyncset.s32 @!p0 $0xFFFFF086;
	s6 =	sadd.s32 @!p0 s3, s7;
	s7 =	simm.s32 @!p0 $0x108  }
0x21: {  	s3 =	sadd.s32 s3, s9;
	s6 =	sadd.s32 @!p0 $0x88, s6;
	s7 =	simm.s32 @p2 $0x1082  }
0x22: {  	[simem:s7], [sflag:s8] =	dma.local @!p0 [hbm:s6], $0xF7A  }
0x23: {  	s9 =	sor.u32 $0xD0000000, s2;
	s6 =	simm.s32 $0x108;
	_ =	swait.ge @!p0 [sflag:s8], $0x0  }
0x24: {  	s3 =	sadd.s32 $0x88, s3;
	s6 =	simm.s32 @!p1 $0x1082;
	[sflag:s4] =	ssyncset.s32 $0xFFFFF086  }
0x25: {  	[simem:s6], [sflag:s4] =	dma.local [hbm:s3], $0xF7A  }
0x26: {  	[smem:$0x3F9F] =	sst s1;
	(tag) =	ssettag s2;
	_ =	strace s9  }
0x27: {  	s1 =	sld [smem:$0x3FAF]  }
0x28: {  	s2 =	sld [smem:$0x3FB0]  }
0x29: {  	s4 =	sld [smem:$0x3FB2]  }
0x2a: {  	p0 =	seq.s32 s5, $0x0;
	s5 =	sld [smem:$0x3FB3]  }
0x2b: {  	s6 =	sld [smem:$0x3FB4]  }
0x2c: {  	s7 =	sld [smem:$0x3FB5]  }
0x2d: {  	s3 =	simm.s32 $0x108;
	s8 =	sld [smem:$0x3FB6]  }
0x2e: {  	s3 =	simm.s32 @!p0 $0x1082;
	s9 =	sld [smem:$0x3FB7]  }
0x2f: {  	lr =	sadd.s32 s0, s3;
	s0 =	sld [smem:$0x3FAE]  }
0x30: {  	s3 =	sld [smem:$0x3FB1]  }
0x31: {  	[smem:$0x3FBA] =	sst s10  }
0x32: {  	s10 =	sld [smem:$0x3FB8];
	_ =	sdelay $0x3  }
0x33: {  	p0 =	seq.s32 s10, $0x1;
	s10 =	sld [smem:$0x3FBA];
	_ =	sdelay $0x3  }
0x34: {  	[smem:$0x3FBA] =	sst s10  }
0x35: {  	s10 =	sld [smem:$0x3FB9];
	_ =	sdelay $0x3  }
0x36: {  	p1 =	seq.s32 s10, $0x1;
	s10 =	sld [smem:$0x3FBA];
	_ =	sdelay $0x3  }
0x37: {  	[smem:$0x3FBA] =	sst s10  }
0x38: {  	s10 =	sld [smem:$0x3FBB]  }
0x39: {  	_ = 	snop;
	(pc) =	sbr.ind lr, $3  }
0x3a: {  	_ = 	snop  }
0x3b: {  	_ = 	snop  }
0x3c: {  	p2 =	seq.s32 s10, $0x1;
	s10 =	sld [smem:$0x3FBA]  }
0x3d: {  	_ =	shalt  }
0x3e: {  	_ =	shalt  }
0x3f: {  	_ =	shalt  }
0x40: {  	_ =	shalt  }
0x41: {  	_ =	shalt  }
0x42: {  	_ =	shalt  }
0x43: {  	_ =	shalt  }
0x44: {  	_ =	shalt  }
0x45: {  	_ =	shalt  }
0x46: {  	_ =	shalt  }
0x47: {  	_ =	shalt  }
0x48: {  	_ =	shalt  }
0x49: {  	_ =	shalt  }
0x4a: {  	_ =	shalt  }
0x4b: {  	_ =	shalt  }
0x4c: {  	_ =	shalt  }
0x4d: {  	_ =	shalt  }
0x4e: {  	_ =	shalt  }
0x4f: {  	_ =	shalt  }
0x50: {  	_ =	shalt  }
0x51: {  	_ =	shalt  }
0x52: {  	_ =	shalt  }
0x53: {  	_ =	shalt  }
0x54: {  	_ =	shalt  }
0x55: {  	_ =	shalt  }
0x56: {  	_ =	shalt  }
0x57: {  	_ =	shalt  }
0x58: {  	_ =	shalt  }
0x59: {  	_ =	shalt  }
0x5a: {  	_ =	shalt  }
0x5b: {  	_ =	shalt  }
0x5c: {  	_ =	shalt  }
0x5d: {  	_ =	shalt  }
0x5e: {  	_ =	shalt  }
0x5f: {  	_ =	shalt  }
0x60: {  	_ =	shalt  }
0x61: {  	_ =	shalt  }
0x62: {  	_ =	shalt  }
0x63: {  	_ =	shalt  }
0x64: {  	_ =	shalt  }
0x65: {  	_ =	shalt  }
0x66: {  	_ =	shalt  }
0x67: {  	_ =	shalt  }
0x68: {  	_ =	shalt  }
0x69: {  	_ =	shalt  }
0x6a: {  	_ =	shalt  }
0x6b: {  	_ =	shalt  }
0x6c: {  	_ =	shalt  }
0x6d: {  	_ =	shalt  }
0x6e: {  	_ =	shalt  }
0x6f: {  	_ =	shalt  }
0x70: {  	_ =	shalt  }
0x71: {  	_ =	shalt  }
0x72: {  	_ =	shalt  }
0x73: {  	_ =	shalt  }
0x74: {  	_ =	shalt  }
0x75: {  	_ =	shalt  }
0x76: {  	_ =	shalt  }
0x77: {  	_ =	shalt  }
0x78: {  	_ =	shalt  }
0x79: {  	_ =	shalt  }
0x7a: {  	_ =	shalt  }
0x7b: {  	_ =	shalt  }
0x7c: {  	_ =	shalt  }
0x7d: {  	_ =	shalt  }
0x7e: {  	_ =	shalt  }
0x7f: {  	_ =	shalt  }
0x80: {  	_ =	shalt  }
0x81: {  	_ =	shalt  }
0x82: {  	_ =	shalt  }
0x83: {  	_ =	shalt  }
0x84: {  	_ =	shalt  }
0x85: {  	_ =	shalt  }
0x86: {  	_ =	shalt  }
0x87: {  	_ =	shalt  }
.Lfunc_end0:
.L_simem_size_0:
called_computation_lowered:
.L_overlay_start_0:
0x88: {  	s2 =	sld [smem:$0x3FD9]  }
0x89: {  	s3 =	sld [smem:$0x3FFE];
	_ =	sdelay $0x1  }
0x8a: {  	s1 =	srdreg.scid  }
0x8b: {  	s0 =	sand.u32 $0x1, s1  }
0x8c: {  	s14 =	sshll.u32 s0, $0xA;
	s2 =	sadd.s32 s3, s2  }
0x8d: {  	s2 =	sadd.s32 s2, s14  }
0x8e: {  	[smem:$0x3FC6] =	sst s2  }
0x8f: {  	_ = 	snop  }
0x90: {  	s2 =	sld [smem:$0x3FD0];
	_ =	sdelay $0x2  }
0x91: {  	s15 =	simm.s32 $0xA;
	s4 =	simm.s32 $0x10  }
0x92: {  	[smem:s4], [sflag:s15] =	dma.local [hbm:s2], $0x1  }
0x93: {  	_ =	swait.eq [sflag:s15], $0x1  }
0x94: {  	[sflag:s15] =	ssyncset.done $0x0  }
0x95: {  	[sflag:s15] =	ssyncadd.s32 $0xFFFFFFFF  }
0x96: {  	s16 =	sld [smem:$0x11];
	(tm) =	ssettm $0x1  }
0x97: {  	s17 =	sld [smem:$0x3FFB];
	_ =	sdelay $0x3  }
0x98: {  	_ =	strace s17  }
0x99: {  	s3 =	sld [smem:$0x3FFC];
	_ =	sdelay $0x3  }
0x9a: {  	_ =	strace s3  }
0x9b: {  	s3 =	sld [smem:$0x3FFD];
	_ =	sdelay $0x3  }
0x9c: {  	_ =	strace s3  }
0x9d: {  	_ =	strace $0x8FFFFFFF  }
0x9e: {  	s18 =	sld [smem:$0x3FDB];
	_ =	sdelay $0x1  }
0x9f: {  	s19 =	simm.s32 $_scs_section_size  }
0xa0: {  	s5 =	simm.s32 $_size__tile_overlayer_lowered;
	s6 =	simm.s32 $_tile_overlayer_lowered  }
0xa1: {  	s22 =	simm.s32 $0x1BFF;
	s21 =	sshll.u32 s6, $0x1;
	s3 =	sadd.s32 s19, s18  }
0xa2: {  	s7 =	simm.s32 $0x0;
	s20 =	sshll.u32 s5, $0x1;
	s5 =	sadd.s32 s21, s3  }
0xa3: {  	[timem:s7], [sflag:s22] =	dma.local [hbm:s5], s20  }
0xa4: {  	_ =	swait.ge [sflag:s22], s20  }
0xa5: {  	s4 =	ssub.s32 $0x0, s20;
	[sflag:s22] =	ssyncset.done $0x0  }
0xa6: {  	[sflag:s22] =	ssyncadd.s32 s4;
	_ =	sdelay $0x1  }
0xa7: {  	s23 =	simm.s32 $0x1B8B  }
0xa8: {  	_ =	swait.ge [sflag:s23], $0x1  }
0xa9: {  	[sflag:s23] =	ssyncset.done $0x0  }
0xaa: {  	s25 =	simm.s32 $0x1B8E;
	s24 =	sld [smem:$0x3FFE];
	[sflag:s23] =	ssyncadd.s32 $0xFFFFFFFF  }
0xab: {  	s26 =	simm.s32 $execute0_lowered;
	[smem:$0x3FD2] =	sst s25  }
0xac: {  	s5 =	sshll.u32 s26, $0x1;
	_ =	strace $0x80000046;
	[dreg:$0x1] =	wrdreg $0xFFFFFFFF  }
0xad: {  	s28 =	simm.s32 $_size_execute0_lowered;
	s3 =	sadd.s32 s3, s5;
	[dreg:$0x0] =	wrdreg $0x0  }
0xae: {  	s5 =	sshll.u32 s28, $0x1;
	[dreg:$0x2] =	wrdreg s3  }
0xaf: {  	[dreg:$0x3] =	wrdreg s5  }
0xb0: {  	[dreg:$0x4] =	wrdreg $0xC0  }
0xb1: {  	_ =	task [dreg:s7], $0x5FFFF  }
0xb2: {  	[dreg:$0x1] =	wrdreg $0xFFFFFFFF  }
0xb3: {  	[dreg:$0x0] =	wrdreg $0x60  }
0xb4: {  	[dreg:$0x2] =	wrdreg s24  }
0xb5: {  	[dreg:$0x3] =	wrdreg s16  }
0xb6: {  	[dreg:$0x4] =	wrdreg $0x9  }
0xb7: {  	_ =	task.clear_ibuf [dreg:s7], $0x5FFFF;
	_ =	strace $0x90000046  }
0xb8: {  	s29 =	simm.s32 $0x9;
	_ =	strace $0x80000048  }
0xb9: {  	_ =	swait.ge [sflag:s29], $0x1  }
0xba: {  	[sflag:s29] =	ssyncadd.s32 $0xFFFFFFFF  }
0xbb: {  	_ =	strace $0x90000048  }
0xbc: {  	_ =	sfence  }
0xbd: {  	s30 =	sld [smem:$0x0];
	_ =	sdelay $0x2  }
0xbe: {  	s31 =	sshll.u32 s1, $0xD;
	s1 =	sshrl.u32 s1, $0x2  }
0xbf: {  	s3 =	sand.u32 $0x4000, s31;
	s1 =	sadd.s32 s1, s30  }
0xc0: {  	s0 =	sor.u32 s3, s0;
	s1 =	sshll.u32 s1, $0x11  }
0xc1: {  	s0 =	sor.u32 s1, s0  }
0xc2: {  	s0 =	sadd.s32 $0x8F2B, s0  }
0xc3: {  	[sflag:s0] =	ssyncadd.remote.s32 $0x1  }
0xc4: {  	_ =	sfence.sel $0xFFFF  }
0xc5: {  	[dreg:$0x0] =	wrdreg $0xFFFFFFFF;
	(pc) =	sbr.abs _section_cstart, $3  }
0xc6: {  	[dreg:$0x1] =	wrdreg $0xFFFFFFFF  }
0xc7: {  	_ =	task.clear_ibuf [dreg:s7], $0x2FFFF;
	_ =	strace $0x9FFFFFFF  }
0xc8: {  	(tm) =	ssettm $0x7FFFFFFF  }
0xc9: {  	_ =	shalt  }
tec
execute0_lowered:
.L_overlay_start_1:
0x0: {  	(tag) =	ssettag $0x1  }
0x1: {  	s3 =	rddreg [dreg:$0x0]  }
0x2: {  	s5 =	rddreg [dreg:$0x1]  }
0x3: {  	s2 =	srdreg.scid;
	s1 =	stileid.u32;
	s11 =	simm.s32 $0x20000  }
0x4: {  	s12 =	simm.s32 $0x4000;
	s13 =	simm.s32 $0x1;
	s14 =	simm.s32 $0x2  }
0x5: {  	s15 =	simm.s32 $0x8000;
	s16 =	simm.s32 $0x8200;
	s17 =	simm.s32 $0x8400  }
0x6: {  	s18 =	simm.s32 $0x8600;
	s19 =	simm.s32 $0x3;
	s20 =	simm.s32 $0x4  }
0x7: {  	s21 =	simm.s32 $0x5;
	s22 =	simm.s32 $0x6;
	s23 =	simm.s32 $0x0  }
0x8: {  	s4 =	sand.u32 $0x1, s2;
	s2 =	simm.s32 $0x0;
	s6 =	sshll.u32 s1, $0xA  }
0x9: {  	s7 =	sshll.u32 s4, $0x9;
	[smem:$0x7FF] =	sst s2;
	s4 =	ssub.s32 $0x2, s4  }
0xa: {  	s6 =	sor.u32 s7, s6;
	_ =	strace $0x80000047;
	s8 =	sshrl.u32 s4, $0x1  }
0xb: {  	s7 =	sshrl.u32 s6, $0x3;
	s6 =	sadd.s32 s6, s3;
	s10 =	ssub.s32 s4, s8  }
0xc: {  	s9 =	sadd.s32 s7, s3;
	s3 =	sadd.s32 $0xC00, s6;
	s4 =	sadd.s32 $0xD00, s6  }
0xd: {  	s5 =	sadd.s32 s5, s7;
	s6 =	sadd.s32 $0x20C00, s9;
	s7 =	sadd.s32 $0x21400, s9  }
0xe: {  	s8 =	sadd.s32 $0x21C00, s9;
	s9 =	smax.u32 s10, $0x1;
	s10 =	simm.s32 $0x800  }
.LBB2_1:
0xf: {  	[tilespmem:s2], [sflag:$0x1] =	stream.strided.gather [hbm4b:s3+s10], $0x4000, s11, s10, $0x38;
	[tilespmem:$0x8800] =	vst v63  }
0x10: {  	_ = 	snop  }
0x11: {  	[tilespmem:s12], [sflag:$0x2] =	stream.strided.gather [hbm4b:s4+s10], $0x4000, s11, s10, $0x38;
	[tilespmem:$0x8800] =	vst v63  }
0x12: {  	s24 =	simm.s32 $0x8600;
	s25 =	simm.s32 $0x8400;
	_ =	swait.ge [sflag:s13], $0x4000  }
0x13: {  	s26 =	simm.s32 $0x8200;
	s28 =	simm.s32 $0x8000;
	[sflag:s13] =	ssyncset.done $0x0  }
0x14: {  	s29 =	simm.s32 $0x0;
	s30 =	simm.s32 $0x0;
	[sflag:s13] =	ssyncadd.s32 $0xFFFFC000  }
.LBB2_2:
0x15: {  	s31 =	sand.u32 $0x70, s30;
	s0 =	sand.u32 $0x400, s29  }
0x16: {  	s31 =	sor.u32 s31, s0  }
0x17: {  	v57 =	vld [tilespmem:s31+$0x0]  }
0x18: {  	v62 =	vld [tilespmem:s31+$0x80]  }
0x19: {  	v61 =	vld [tilespmem:s31+$0x100]  }
0x1a: {  	v60 =	vld [tilespmem:s31+$0x180]  }
0x1b: {  	v59 =	vld [tilespmem:s31+$0x200]  }
0x1c: {  	v56 =	vld [tilespmem:s31+$0x280]  }
0x1d: {  	v54 =	vld [tilespmem:s31+$0x300]  }
0x1e: {  	v52 =	vld [tilespmem:s31+$0x380]  }
0x1f: {  	v49 =	vld [tilespmem:s31+$0x800]  }
0x20: {  	v41 =	vld [tilespmem:s31+$0x880]  }
0x21: {  	v40 =	vld [tilespmem:s31+$0x900]  }
0x22: {  	v14 =	vld [tilespmem:s31+$0x980]  }
0x23: {  	v15 =	vld [tilespmem:s31+$0xA00]  }
0x24: {  	v18 =	vld [tilespmem:s31+$0xA80]  }
0x25: {  	v16 =	vld [tilespmem:s31+$0xB00]  }
0x26: {  	v19 =	vld [tilespmem:s31+$0xB80]  }
0x27: {  	v20 =	vld [tilespmem:s31+$0x1000]  }
0x28: {  	v21 =	vld [tilespmem:s31+$0x1080]  }
0x29: {  	v22 =	vld [tilespmem:s31+$0x1100]  }
0x2a: {  	v23 =	vld [tilespmem:s31+$0x1180]  }
0x2b: {  	v1 =	vld [tilespmem:s31+$0x1980]  }
0x2c: {  	v3 =	vld [tilespmem:s31+$0x1B00]  }
0x2d: {  	v58 =	vld [tilespmem:s31+$0x1B80]  }
0x2e: {  	v63 =	vld [tilespmem:s31+$0x1200]  }
0x2f: {  	v10 =	vld [tilespmem:s31+$0x2100]  }
0x30: {  	v25 =	vld [tilespmem:s31+$0x1280];
	[tilespmem:$0x1FC30] =	vst v1  }
0x31: {  	v27 =	vld [tilespmem:s31+$0x1300];
	[tilespmem:$0x1FC40] =	vst v3  }
0x32: {  	v31 =	vld [tilespmem:s31+$0x1380];
	[tilespmem:$0x1FC50] =	vst v58  }
0x33: {  	v38 =	vld [tilespmem:s31+$0x1800];
	[tilespmem:$0x1FF40] =	vst v14  }
0x34: {  	v46 =	vld [tilespmem:s31+$0x1880];
	v0 =	vmin.f32 v57, $-Inf;
	v50 =	vmin.f32 v57, v62;
	v2 =	vmax.f32 v57, v62;
	[tilespmem:$0x1FDE0] =	vst v10  }
0x35: {  	v17 =	vld [tilespmem:s31+$0x2180];
	[tilespmem:$0x1FF30] =	vst v15;
	v0 =	vmax.f32 v0, v50;
	v51 =	vmin.f32 v2, v61;
	v2 =	vmax.f32 v2, v61  }
0x36: {  	v28 =	vld [tilespmem:s31+$0x2280];
	[tilespmem:$0x1FF20] =	vst v18;
	v0 =	vmax.f32 v0, v51;
	v53 =	vmin.f32 v2, v60;
	v2 =	vmax.f32 v2, v60  }
0x37: {  	v30 =	vld [tilespmem:s31+$0x2300];
	[tilespmem:$0x1FC80] =	vst v16;
	v0 =	vmax.f32 v0, v53;
	v55 =	vmin.f32 v2, v59;
	v2 =	vmax.f32 v2, v59  }
0x38: {  	[tilespmem:$0x1FC90] =	vst v19;
	v53 =	vld [tilespmem:s31+$0x2000];
	v0 =	vmax.f32 v0, v55;
	v5 =	vmin.f32 v2, v56;
	v2 =	vmax.f32 v2, v56  }
0x39: {  	[tilespmem:$0x1FCA0] =	vst v20;
	v55 =	vld [tilespmem:s31+$0x2080];
	v0 =	vmax.f32 v0, v5;
	v6 =	vmin.f32 v2, v54;
	v2 =	vmax.f32 v2, v54  }
0x3a: {  	v36 =	vld [tilespmem:s31+$0x2900];
	[tilespmem:$0x1FCB0] =	vst v21;
	v0 =	vmax.f32 v0, v6;
	v7 =	vmin.f32 v2, v52;
	v2 =	vmax.f32 v2, v52  }
0x3b: {  	v48 =	vld [tilespmem:s31+$0x2980];
	[tilespmem:$0x1FCC0] =	vst v22;
	v0 =	vmax.f32 v0, v7;
	v8 =	vmin.f32 v2, v49;
	v2 =	vmax.f32 v2, v49  }
0x3c: {  	[tilespmem:$0x1FEF0] =	vst v23;
	v5 =	vld [tilespmem:s31+$0x2200];
	v0 =	vmax.f32 v0, v8;
	v9 =	vmin.f32 v2, v41;
	v2 =	vmax.f32 v2, v41  }
0x3d: {  	v47 =	vld [tilespmem:s31+$0x2A00];
	[tilespmem:$0x1FF00] =	vst v25;
	v0 =	vmax.f32 v0, v9;
	v11 =	vmin.f32 v2, v40;
	v2 =	vmax.f32 v2, v40  }
0x3e: {  	v42 =	vld [tilespmem:s31+$0x2B80];
	[tilespmem:$0x1FEE0] =	vst v27;
	v9 =	vmax.f32 v53, v55;
	v0 =	vmax.f32 v0, v11;
	v12 =	vmin.f32 v2, v14  }
0x3f: {  	v3 =	vld [tilespmem:s31+$0x3100];
	[tilespmem:$0x1FCD0] =	vst v31;
	v2 =	vmax.f32 v2, v14;
	v26 =	vmax.f32 v9, v10;
	v0 =	vmax.f32 v0, v12  }
0x40: {  	[tilespmem:$0x1FED0] =	vst v38;
	v51 =	vld [tilespmem:s31+$0x2380];
	v13 =	vmin.f32 v2, v15;
	v2 =	vmax.f32 v2, v15;
	v29 =	vmax.f32 v26, v17  }
0x41: {  	v11 =	vld [tilespmem:s31+$0x2800];
	v14 =	vmovc v18;
	v0 =	vmax.f32 v0, v13;
	v15 =	vmin.f32 v2, v18;
	v32 =	vmax.f32 v29, v5  }
0x42: {  	[tilespmem:$0x1FEC0] =	vst v46;
	v50 =	vld [tilespmem:s31+$0x2880];
	v2 =	vmax.f32 v2, v14;
	v1 =	vmax.f32 v0, v15;
	v33 =	vmax.f32 v32, v28  }
0x43: {  	v58 =	vld [tilespmem:s31+$0x2B00];
	[tilespmem:$0x1FE00] =	vst v5;
	v4 =	vmin.f32 v2, v16;
	v16 =	vmax.f32 v2, v16;
	v34 =	vmax.f32 v33, v30  }
0x44: {  	v18 =	vmovc v5;
	v2 =	vld [tilespmem:s31+$0x3080];
	v4 =	vmax.f32 v1, v4;
	v6 =	vmin.f32 v16, v19;
	v5 =	vmax.f32 v16, v19  }
0x45: {  	[tilespmem:$0x1FD20] =	vst v3;
	v0 =	vld [tilespmem:s31+$0x3200];
	v35 =	vmax.f32 v34, v51;
	v6 =	vmax.f32 v4, v6;
	v7 =	vmin.f32 v5, v20  }
0x46: {  	[tilespmem:$0x1FDC0] =	vst v53;
	v19 =	vld [tilespmem:s31+$0x2A80];
	v8 =	vmax.f32 v5, v20;
	v37 =	vmax.f32 v35, v11;
	v7 =	vmax.f32 v6, v7  }
0x47: {  	[tilespmem:$0x1FDD0] =	vst v55;
	v1 =	vld [tilespmem:s31+$0x3280];
	v20 =	vmin.f32 v8, v21;
	v8 =	vmax.f32 v8, v21;
	v39 =	vmax.f32 v37, v50  }
0x48: {  	[tilespmem:$0x1FC60] =	vst v11;
	v5 =	vld [tilespmem:s31+$0x3000];
	v12 =	vmax.f32 v7, v20;
	v13 =	vmin.f32 v8, v22;
	v6 =	vmax.f32 v39, v36  }
0x49: {  	v4 =	vld [tilespmem:s31+$0x3180];
	v21 =	vmax.f32 v8, v22;
	[tilespmem:$0x1FD00] =	vst v2;
	v12 =	vmax.f32 v12, v13;
	v7 =	vmax.f32 v6, v48  }
0x4a: {  	v22 =	vmin.f32 v21, v23;
	v20 =	vmax.f32 v21, v23;
	[tilespmem:$0x1FD60] =	vst v0;
	v11 =	vmax.f32 v7, v47  }
0x4b: {  	[tilespmem:$0x1FC70] =	vst v19;
	v24 =	vmax.f32 v12, v22;
	v14 =	vmin.f32 v20, v63;
	v8 =	vmax.f32 v11, v19  }
0x4c: {  	v45 =	vld [tilespmem:s31+$0x1900];
	v21 =	vmax.f32 v20, v63;
	[tilespmem:$0x1FD80] =	vst v1;
	v15 =	vmax.f32 v24, v14;
	v12 =	vmax.f32 v8, v58  }
0x4d: {  	v44 =	vld [tilespmem:s31+$0x1A00];
	v9 =	vmin.f32 v9, v10;
	[tilespmem:$0x1FCE0] =	vst v5;
	v23 =	vmin.f32 v21, v25;
	v22 =	vmax.f32 v12, v42  }
0x4e: {  	v43 =	vld [tilespmem:s31+$0x1A80];
	[tilespmem:$0x1FD40] =	vst v4;
	v16 =	vmax.f32 v21, v25;
	v19 =	vmax.f32 v15, v23;
	v24 =	vmax.f32 v22, v5  }
0x4f: {  	v14 =	vmovc v27;
	v15 =	vmov v25;
	v25 =	vmin.f32 v16, v27;
	[tilespmem:$0x1FCF0] =	vst v22;
	v5 =	vmax.f32 v24, v2;
	v2 =	vld [tilespmem:s31+$0x3300]  }
0x50: {  	v20 =	vmax.f32 v19, v25;
	[tilespmem:$0x1FD10] =	vst v24;
	v24 =	vmax.f32 v16, v27;
	v13 =	vmax.f32 v5, v3;
	v3 =	vld [tilespmem:s31+$0x3380]  }
0x51: {  	[tilespmem:$0x1FD30] =	vst v5;
	v25 =	vmin.f32 v24, v31;
	v27 =	vmax.f32 v24, v31;
	v5 =	vmax.f32 v13, v4;
	v4 =	vld [tilespmem:s31+$0x3800]  }
0x52: {  	v22 =	vmax.f32 v20, v25;
	v31 =	vmin.f32 v27, v38;
	[tilespmem:$0x1FD70] =	vst v5;
	v0 =	vmax.f32 v5, v0;
	v5 =	vld [tilespmem:s31+$0x3880]  }
0x53: {  	v10 =	vld [tilespmem:$0x1FC50];
	[tilespmem:$0x1FD50] =	vst v13;
	v24 =	vmax.f32 v27, v38;
	v23 =	vmax.f32 v22, v31;
	v20 =	vmax.f32 v0, v1  }
0x54: {  	v31 =	vmin.f32 v53, v55;
	[tilespmem:$0x1FD90] =	vst v0;
	v1 =	vld [tilespmem:s31+$0x3900];
	v0 =	vmin.f32 v24, v46;
	v22 =	vmax.f32 v20, v2  }
0x55: {  	v19 =	vmin.f32 v53, $-Inf;
	v16 =	vld [tilespmem:s31+$0x3980];
	v13 =	vmovc v38;
	v38 =	vmax.f32 v23, v0;
	[tilespmem:$0x1FDB0] =	vst v3;
	v23 =	vmax.f32 v22, v3  }
0x56: {  	v53 =	vld [tilespmem:s31+$0x3A80];
	v25 =	vmax.f32 v19, v31;
	v31 =	vmax.f32 v24, v46;
	[tilespmem:$0x1FE20] =	vst v4;
	v3 =	vmax.f32 v23, v4  }
0x57: {  	v0 =	vmov v45;
	[tilespmem:$0x1FE40] =	vst v3;
	v4 =	vmax.f32 v3, v5;
	v3 =	vmax.f32 v31, v45;
	v45 =	vld [tilespmem:$0x1FC30]  }
0x58: {  	[tilespmem:$0x1FDA0] =	vst v2;
	v2 =	vld [tilespmem:s31+$0x3A00]  }
0x59: {  	v55 =	vld [tilespmem:s31+$0x3B00];
	v9 =	vmax.f32 v25, v9;
	[tilespmem:$0x1FE50] =	vst v1;
	v24 =	vmax.f32 v4, v1;
	v1 =	vmin.f32 v26, v17  }
0x5a: {  	[tilespmem:$0x1FE70] =	vst v16;
	v1 =	vmax.f32 v9, v1;
	v9 =	vld [tilespmem:$0x1FC40]  }
0x5b: {  	v27 =	vld [tilespmem:s31+$0x3B80];
	[tilespmem:$0x1FE30] =	vst v5  }
0x5c: {  	[tilespmem:$0x1FE60] =	vst v4;
	v25 =	vmax.f32 v24, v16;
	v4 =	vmax.f32 v3, v45  }
0x5d: {  	[tilespmem:$0x1FE80] =	vst v2;
	v26 =	vmax.f32 v25, v2;
	v5 =	vmax.f32 v4, v44  }
0x5e: {  	v21 =	vmovc v46;
	v46 =	vmov v43;
	[tilespmem:$0x1FE90] =	vst v26;
	v26 =	vmax.f32 v26, v53;
	v16 =	vmax.f32 v5, v43  }
0x5f: {  	v2 =	vmin.f32 v31, v0;
	[tilespmem:$0x1FEA0] =	vst v26;
	v31 =	vmax.f32 v26, v55;
	v19 =	vmax.f32 v16, v9  }
0x60: {  	v43 =	vmovc v0;
	v0 =	vmin.f32 v29, v18;
	v29 =	vmax.f32 v31, v27;
	v26 =	vmax.f32 v19, v10  }
0x61: {  	[tilespmem:$0x1FDF0] =	vst v17;
	v32 =	vmin.f32 v32, v28;
	v2 =	vmax.f32 v38, v2;
	v38 =	vmax.f32 v26, v29  }
0x62: {  	v0 =	vmax.f32 v1, v0;
	[tilespmem:$0x1FEB0] =	vst v26;
	v26 =	vmin.f32 v3, v45;
	v17 =	vsub.f32 v57, v38  }
0x63: {  	[tilespmem:$0x1FFF0] =	vst v57;
	v0 =	vmax.f32 v0, v32;
	v1 =	vmax.f32 v2, v26;
	v57 =	vsub.f32 v62, v38  }
0x64: {  	[tilespmem:$0x1FFE0] =	vst v62;
	v62 =	vmin.f32 v33, v30;
	v26 =	vsub.f32 v61, v38;
	v17 =	vmul.f32 $1.442695020e+00, v17  }
0x65: {  	[tilespmem:$0x1FE10] =	vst v28;
	v28 =	vsub.f32 v60, v38;
	v33 =	vsub.f32 v59, v38;
	v2 =	vmul.f32 $1.442695020e+00, v57  }
0x66: {  	[tilespmem:$0x1FFB0] =	vst v59;
	v59 =	vsub.f32 v56, v38;
	v32 =	vmul.f32 $1.442695020e+00, v26;
	(erf) = vpow2.f32 v17  }
0x67: {  	[tilespmem:$0x1FFD0] =	vst v61;
	v61 =	vsub.f32 v54, v38;
	v57 =	vmul.f32 $1.442695020e+00, v28;
	(erf) = vpow2.f32 v2  }
0x68: {  	[tilespmem:$0x1FFC0] =	vst v60;
	v0 =	vmax.f32 v0, v62;
	v60 =	vmul.f32 $1.442695020e+00, v33;
	(erf) = vpow2.f32 v32  }
0x69: {  	v62 =	vmul.f32 $1.442695020e+00, v59;
	v26 =	vsub.f32 v52, v38;
	(erf) = vpow2.f32 v57  }
0x6a: {  	v28 =	vmul.f32 $1.442695020e+00, v61;
	v32 =	vsub.f32 v49, v38;
	(erf) = vpow2.f32 v60  }
0x6b: {  	v33 =	vmul.f32 $1.442695020e+00, v26;
	(erf) = vpow2.f32 v62  }
0x6c: {  	[tilespmem:$0x1FF80] =	vst v52;
	v61 =	vld [tilespmem:$0x1FF40];
	v52 =	vmul.f32 $1.442695020e+00, v32;
	(erf) = vpow2.f32 v28  }
0x6d: {  	(erf) = vpow2.f32 v33  }
0x6e: {  	(erf) = vpow2.f32 v52;
	v52 =	vld [tilespmem:$0x1FC60]  }
0x6f: {  	[tilespmem:$0x1FF70] =	vst v49;
	v49 =	vsub.f32 v41, v38  }
0x70: {  	[tilespmem:$0x1FF90] =	vst v54;
	v54 =	vsub.f32 v40, v38  }
0x71: {  	[tilespmem:$0x1FFA0] =	vst v56;
	v56 =	vmin.f32 v34, v51;
	v18 =	vsub.f32 v61, v38;
	v3 =	vmul.f32 $1.442695020e+00, v49  }
0x72: {  	[tilespmem:$0x1FF50] =	vst v40;
	v40 =	vmin.f32 v39, v36;
	v0 =	vmax.f32 v0, v56;
	v57 =	vmul.f32 $1.442695020e+00, v54;
	v60 =	vpop (erf)  }
0x73: {  	v18 =	vmul.f32 $1.442695020e+00, v18;
	(erf) = vpow2.f32 v3;
	v32 =	vpop (erf);
	v59 =	vmin.f32 v35, v52  }
0x74: {  	v33 =	vmin.f32 v37, v50;
	(erf) = vpow2.f32 v57;
	v34 =	vpop (erf);
	v35 =	vld [tilespmem:$0x1FF30];
	v0 =	vmax.f32 v0, v59  }
0x75: {  	v26 =	vld [tilespmem:$0x1FF20];
	v3 =	vadd.f32 $0.0e+00, v32;
	v37 =	vpop (erf);
	(erf) = vpow2.f32 v18;
	v0 =	vmax.f32 v0, v33  }
0x76: {  	v6 =	vmin.f32 v6, v48;
	v0 =	vmax.f32 v0, v40;
	v40 =	vld [tilespmem:$0x1FC80]  }
0x77: {  	v4 =	vmin.f32 v4, v44;
	v39 =	vmov v46;
	v32 =	vld [tilespmem:$0x1FC70];
	v49 =	vpop (erf);
	v3 =	vadd.f32 v3, v37  }
0x78: {  	v1 =	vmax.f32 v1, v4;
	v17 =	vmin.f32 v8, v58;
	v62 =	vadd.f32 $0.0e+00, v60;
	v54 =	vpop (erf)  }
0x79: {  	v57 =	vmin.f32 v5, v46;
	v3 =	vadd.f32 v3, v54;
	v56 =	vpop (erf);
	v28 =	vsub.f32 v35, v38  }
0x7a: {  	v2 =	vadd.f32 v62, v34;
	v59 =	vmin.f32 v7, v47;
	v7 =	vsub.f32 v26, v38;
	v60 =	vpop (erf)  }
0x7b: {  	[tilespmem:$0x1FF60] =	vst v41;
	v61 =	vpop (erf);
	v3 =	vadd.f32 v3, v60;
	v41 =	vmul.f32 $1.442695020e+00, v28;
	v35 =	vsub.f32 v40, v38  }
0x7c: {  	v37 =	vld [tilespmem:$0x1FC90];
	v2 =	vadd.f32 v2, v49;
	v62 =	vmin.f32 v11, v32;
	v33 =	vmul.f32 $1.442695020e+00, v7;
	v11 =	vpop (erf)  }
0x7d: {  	v18 =	vpop (erf);
	v3 =	vadd.f32 v3, v11;
	(erf) = vpow2.f32 v41;
	v46 =	vmul.f32 $1.442695020e+00, v35;
	v35 =	vld [tilespmem:$0x1FCA0]  }
0x7e: {  	v2 =	vadd.f32 v2, v56;
	v0 =	vmax.f32 v0, v6;
	v34 =	vpop (erf);
	(erf) = vpow2.f32 v33;
	v33 =	vld [tilespmem:$0x1FCB0]  }
0x7f: {  	v1 =	vmax.f32 v1, v57;
	v0 =	vmax.f32 v0, v59;
	v3 =	vadd.f32 v3, v34;
	v34 =	vld [tilespmem:$0x1FCC0]  }
0x80: {  	v2 =	vadd.f32 v2, v61;
	v61 =	vld [tilespmem:$0x1FEF0];
	v0 =	vmax.f32 v0, v62;
	v11 =	vsub.f32 v63, v38  }
0x81: {  	v0 =	vmax.f32 v0, v17;
	v28 =	vmin.f32 v12, v42;
	v41 =	vsub.f32 v37, v38  }
0x82: {  	v2 =	vadd.f32 v2, v18;
	v0 =	vmax.f32 v0, v28;
	v54 =	vsub.f32 v35, v38  }
0x83: {  	v18 =	vmul.f32 $1.442695020e+00, v11;
	v4 =	vmul.f32 $1.442695020e+00, v41;
	v56 =	vsub.f32 v33, v38  }
0x84: {  	(erf) = vpow2.f32 v46;
	v59 =	vsub.f32 v34, v38;
	v57 =	vmul.f32 $1.442695020e+00, v54  }
0x85: {  	v28 =	vld [tilespmem:$0x1FCD0];
	v6 =	vsub.f32 v61, v38;
	(erf) = vpow2.f32 v4;
	v60 =	vmul.f32 $1.442695020e+00, v56  }
0x86: {  	v62 =	vmul.f32 $1.442695020e+00, v59;
	(erf) = vpow2.f32 v57  }
0x87: {  	v11 =	vsub.f32 v43, v38;
	v12 =	vmul.f32 $1.442695020e+00, v6;
	v49 =	vpop (erf);
	(erf) = vpow2.f32 v60  }
0x88: {  	v17 =	vsub.f32 v15, v38;
	(erf) = vpow2.f32 v62  }
0x89: {  	v26 =	vsub.f32 v14, v38;
	v5 =	vmul.f32 $1.442695020e+00, v11;
	(erf) = vpow2.f32 v12  }
0x8a: {  	v41 =	vmul.f32 $1.442695020e+00, v17;
	v46 =	vsub.f32 v28, v38;
	v54 =	vsub.f32 v13, v38  }
0x8b: {  	v2 =	vadd.f32 v2, v49;
	v49 =	vmul.f32 $1.442695020e+00, v26;
	(erf) = vpow2.f32 v18  }
0x8c: {  	v59 =	vsub.f32 v21, v38;
	v56 =	vmul.f32 $1.442695020e+00, v46;
	v57 =	vpop (erf);
	(erf) = vpow2.f32 v41  }
0x8d: {  	[tilespmem:$0x1FF10] =	vst v63;
	v15 =	vsub.f32 v45, v38;
	v61 =	vld [tilespmem:$0x1FCF0];
	v60 =	vmul.f32 $1.442695020e+00, v54;
	v63 =	vpop (erf);
	(erf) = vpow2.f32 v49  }
0x8e: {  	v11 =	vld [tilespmem:$0x1FD70];
	v62 =	vmul.f32 $1.442695020e+00, v59;
	v3 =	vadd.f32 v3, v57;
	v8 =	vpop (erf);
	(erf) = vpow2.f32 v56  }
0x8f: {  	v21 =	vld [tilespmem:$0x1FCE0];
	v46 =	vmov v43;
	(erf) = vpow2.f32 v60;
	v12 =	vpop (erf)  }
0x90: {  	v43 =	vld [tilespmem:$0x1FD00];
	v26 =	vmul.f32 $1.442695020e+00, v15;
	v3 =	vadd.f32 v3, v8;
	(erf) = vpow2.f32 v62;
	v14 =	vpop (erf)  }
0x91: {  	v13 =	vld [tilespmem:$0x1FD10];
	v17 =	vpop (erf);
	(erf) = vpow2.f32 v5  }
0x92: {  	v54 =	vld [tilespmem:$0x1FD40];
	v2 =	vadd.f32 v2, v63;
	v3 =	vadd.f32 v3, v14;
	v41 =	vpop (erf);
	(erf) = vpow2.f32 v26  }
0x93: {  	v62 =	vmin.f32 v19, v10;
	v19 =	vld [tilespmem:$0x1FDA0]  }
0x94: {  	v4 =	vmin.f32 v61, v21;
	v61 =	vld [tilespmem:$0x1FD20];
	v2 =	vadd.f32 v2, v12;
	v3 =	vadd.f32 v3, v41;
	v59 =	vpop (erf)  }
0x95: {  	v18 =	vld [tilespmem:$0x1FD30];
	v60 =	vpop (erf)  }
0x96: {  	v57 =	vld [tilespmem:$0x1FD50];
	v49 =	vmin.f32 v16, v9;
	v2 =	vadd.f32 v2, v17;
	v3 =	vadd.f32 v3, v60;
	v12 =	vpop (erf)  }
0x97: {  	v0 =	vmax.f32 v0, v4;
	v6 =	vmin.f32 v13, v43;
	v63 =	vmov v9;
	v9 =	vld [tilespmem:$0x1FD60];
	v13 =	vpop (erf)  }
0x98: {  	v2 =	vadd.f32 v2, v59;
	v26 =	vmin.f32 v20, v19;
	v20 =	vld [tilespmem:$0x1FDB0];
	v3 =	vadd.f32 v3, v13;
	v15 =	vpop (erf)  }
0x99: {  	v0 =	vmax.f32 v0, v6;
	v1 =	vmax.f32 v1, v49;
	v14 =	vld [tilespmem:$0x1FD90];
	v49 =	vpop (erf)  }
0x9a: {  	v5 =	vmin.f32 v18, v61;
	v17 =	vld [tilespmem:$0x1FD80];
	v2 =	vadd.f32 v2, v12;
	v3 =	vadd.f32 v3, v49;
	v12 =	vpop (erf)  }
0x9b: {  	v1 =	vmax.f32 v1, v62;
	v0 =	vmax.f32 v0, v5;
	v5 =	vmin.f32 v57, v54;
	v18 =	vpop (erf)  }
0x9c: {  	v0 =	vmax.f32 v0, v5;
	v41 =	vmovc v10;
	v2 =	vadd.f32 v2, v15;
	v3 =	vadd.f32 v3, v18;
	v18 =	vld [tilespmem:$0x1FDC0]  }
0x9d: {  	v5 =	vmin.f32 v11, v9;
	v62 =	vmin.f32 v22, v20;
	v22 =	vsub.f32 v41, v38  }
0x9e: {  	v0 =	vmax.f32 v0, v5;
	v60 =	vsub.f32 v44, v38;
	v2 =	vadd.f32 v2, v12;
	v12 =	vld [tilespmem:$0x1FDD0]  }
0x9f: {  	v59 =	vmovc v44;
	v4 =	vmin.f32 v14, v17;
	v13 =	vsub.f32 v39, v38;
	v44 =	vmul.f32 $1.442695020e+00, v22;
	v22 =	vld [tilespmem:$0x1FDE0]  }
0xa0: {  	v16 =	vld [tilespmem:$0x1FDF0];
	v11 =	vmul.f32 $1.442695020e+00, v60;
	v14 =	vsub.f32 v63, v38;
	v0 =	vmax.f32 v0, v4  }
0xa1: {  	v0 =	vmax.f32 v0, v26;
	v15 =	vmul.f32 $1.442695020e+00, v13;
	v13 =	vld [tilespmem:$0x1FE00];
	v26 =	vsub.f32 v18, v38  }
0xa2: {  	vm0 =	veq.f32 v27, v38;
	(erf) = vpow2.f32 v11;
	v4 =	vmul.f32 $1.442695020e+00, v14  }
0xa3: {  	(erf) = vpow2.f32 v15;
	v49 =	vsub.f32 v12, v38;
	v56 =	vmul.f32 $1.442695020e+00, v26;
	v26 =	vld [tilespmem:$0x1FE10]  }
0xa4: {  	v0 =	vmax.f32 v0, v62;
	(erf) = vpow2.f32 v4;
	v57 =	vsub.f32 v22, v38  }
0xa5: {  	v62 =	vsub.f32 v16, v38;
	(erf) = vpow2.f32 v44;
	v60 =	vmul.f32 $1.442695020e+00, v49  }
0xa6: {  	v44 =	vsub.f32 v13, v38;
	v11 =	vmul.f32 $1.442695020e+00, v57;
	(erf) = vpow2.f32 v56  }
0xa7: {  	v49 =	vmul.f32 $1.442695020e+00, v62;
	(erf) = vpow2.f32 v60;
	v60 =	vsub.f32 v30, v38  }
0xa8: {  	v14 =	vmovc v30;
	v30 =	vsub.f32 v51, v38;
	(erf) = vpow2.f32 v11;
	v56 =	vsub.f32 v26, v38  }
0xa9: {  	vm1 =	veq.f32 v55, v38;
	v8 =	vld [tilespmem:$0x1FE70];
	v57 =	vmul.f32 $1.442695020e+00, v44;
	(erf) = vpow2.f32 v49  }
0xaa: {  	vm10 =	veq.f32 v53, v38;
	v62 =	vmul.f32 $1.442695020e+00, v56;
	v56 =	vmul.f32 $1.442695020e+00, v30;
	v30 =	vld [tilespmem:$0x1FE20]  }
0xab: {  	vm8 =	veq.f32 v54, v38;
	v49 =	vmul.f32 $1.442695020e+00, v60;
	(erf) = vpow2.f32 v57  }
0xac: {  	vm9 =	veq.f32 v61, v38;
	v15 =	vmov v51;
	v51 =	vpop (erf);
	(erf) = vpow2.f32 v62  }
0xad: {  	v44 =	vmovc v52;
	v52 =	vsub.f32 v52, v38;
	v2 =	vadd.f32 v2, v51;
	v51 =	vld [tilespmem:$0x1FE60];
	(erf) = vpow2.f32 v49  }
0xae: {  	vm12 =	veq.f32 v8, v38;
	vm7 =	veq.f32 v9, v38;
	v62 =	vpop (erf);
	(erf) = vpow2.f32 v56;
	v56 =	vld [tilespmem:$0x1FE30]  }
0xaf: {  	v10 =	vimm.s32 $0x40;
	vm5 =	veq.f32 v19, v38;
	v57 =	vmin.f32 v23, v30;
	v11 =	vpop (erf);
	v23 =	vld [tilespmem:$0x1FE40]  }
0xb0: {  	v3 =	vadd.f32 v3, v62;
	v0 =	vmax.f32 v0, v57;
	v2 =	vadd.f32 v2, v11;
	v49 =	vpop (erf);
	v57 =	vld [tilespmem:$0x1FE50]  }
0xb1: {  	vm6 =	veq.f32 v17, v38;
	vm4 =	veq.f32 v20, v38;
	v60 =	vmul.f32 $1.442695020e+00, v52;
	v52 =	vpop (erf)  }
0xb2: {  	vm3 =	veq.f32 v22, v38;
	v3 =	vadd.f32 v3, v49;
	v2 =	vadd.f32 v2, v52;
	v52 =	vld [tilespmem:$0x1FE80]  }
0xb3: {  	vm2 =	veq.f32 v26, v38;
	(erf) = vpow2.f32 v60;
	v60 =	vmin.f32 v24, v8;
	v24 =	vld [tilespmem:$0x1FE90];
	v62 =	vpop (erf)  }
0xb4: {  	vm15 =	veq.f32 v30, v38;
	v3 =	vadd.f32 v3, v62;
	v4 =	vmin.f32 v23, v56  }
0xb5: {  	v49 =	vld [tilespmem:$0x1FEA0];
	vm14 =	veq.f32 v56, v38;
	v23 =	vpop (erf);
	v0 =	vmax.f32 v0, v4;
	v4 =	vmin.f32 v51, v57  }
0xb6: {  	v2 =	vadd.f32 v2, v23;
	v23 =	vsub.f32 v50, v38;
	v0 =	vmax.f32 v0, v4  }
0xb7: {  	vm13 =	veq.f32 v57, v38;
	v0 =	vmax.f32 v0, v60;
	v11 =	vmin.f32 v25, v52  }
0xb8: {  	v4 =	vmin.f32 v24, v53;
	v25 =	vpop (erf);
	v60 =	vmin.f32 v31, v27;
	v0 =	vmax.f32 v0, v11  }
0xb9: {  	v24 =	vld [tilespmem:$0x1FEB0];
	vm11 =	veq.f32 v52, v38;
	v3 =	vadd.f32 v3, v25;
	v51 =	vpop (erf);
	v0 =	vmax.f32 v0, v4  }
0xba: {  	v4 =	vmin.f32 v49, v55;
	v2 =	vadd.f32 v2, v51;
	v62 =	vpop (erf);
	v51 =	vmov v36  }
0xbb: {  	v36 =	vsub.f32 v36, v38;
	v49 =	vsel vm0, $0x3F, v10;
	v0 =	vmax.f32 v0, v4;
	v11 =	vpop (erf)  }
0xbc: {  	v3 =	vadd.f32 v3, v62;
	v0 =	vmax.f32 v0, v60;
	v2 =	vadd.f32 v2, v11  }
0xbd: {  	v4 =	vmul.f32 $1.442695020e+00, v36;
	v60 =	vsub.f32 v48, v38;
	v11 =	vsub.f32 v32, v38  }
0xbe: {  	v25 =	vpop (erf);
	v0 =	vmax.f32 v1, v0;
	v1 =	vmin.f32 v24, v29;
	v29 =	vmul.f32 $1.442695020e+00, v23  }
0xbf: {  	v31 =	vpop (erf);
	v23 =	vsub.f32 v58, v38;
	v0 =	vmax.f32 v0, v1;
	v1 =	vadd.f32 v3, v25  }
0xc0: {  	v2 =	vadd.f32 v2, v31;
	v3 =	vsel vm1, $0x3E, v49;
	v62 =	vmul.f32 $1.442695020e+00, v60  }
0xc1: {  	v7 =	vmovc v17;
	v36 =	vmovc v8;
	v8 =	vsub.f32 v47, v38;
	v17 =	vmul.f32 $1.442695020e+00, v11;
	v25 =	vsub.f32 v42, v38  }
0xc2: {  	v31 =	vsub.f32 v21, v38;
	(erf) = vpow2.f32 v29;
	v3 =	vsel vm10, $0x3D, v3  }
0xc3: {  	v24 =	vmul.f32 $1.442695020e+00, v23;
	vm10 =	veq.f32 v43, v38;
	vm0 =	veq.f32 v58, v0  }
0xc4: {  	vm1 =	veq.f32 v42, v0;
	v23 =	vsub.f32 v43, v38;
	(erf) = vpow2.f32 v4  }
0xc5: {  	v3 =	vsel vm11, $0x3C, v3;
	v10 =	vmul.f32 $1.442695020e+00, v8;
	vm11 =	veq.f32 v21, v38  }
0xc6: {  	v29 =	vmul.f32 $1.442695020e+00, v25;
	v3 =	vsel vm12, $0x3B, v3;
	(erf) = vpow2.f32 v62  }
0xc7: {  	vm12 =	veq.f32 v42, v38;
	v4 =	vmul.f32 $1.442695020e+00, v23;
	v42 =	vsub.f32 v54, v38  }
0xc8: {  	v3 =	vsel vm13, $0x3A, v3;
	(erf) = vpow2.f32 v10;
	vm13 =	veq.f32 v58, v38  }
0xc9: {  	v58 =	vsub.f32 v20, v38;
	v3 =	vsel vm14, $0x39, v3;
	(erf) = vpow2.f32 v17  }
0xca: {  	vm14 =	veq.f32 v32, v38;
	v5 =	vmul.f32 $1.442695020e+00, v42;
	v42 =	vsub.f32 v52, v38  }
0xcb: {  	v3 =	vsel vm15, $0x38, v3;
	(erf) = vpow2.f32 v24;
	vm15 =	veq.f32 v47, v38  }
0xcc: {  	v24 =	vsub.f32 v61, v38;
	v3 =	vsel vm4, $0x37, v3;
	(erf) = vpow2.f32 v29  }
0xcd: {  	v10 =	vmovc v48;
	vm4 =	veq.f32 v48, v38;
	v48 =	vmul.f32 $1.442695020e+00, v31;
	v3 =	vsel vm5, $0x36, v3  }
0xce: {  	v29 =	vimm.s32 $0x40;
	vm5 =	veq.f32 v51, v38;
	v3 =	vsel vm6, $0x35, v3  }
0xcf: {  	v25 =	vmul.f32 $1.442695020e+00, v24;
	(erf) = vpow2.f32 v48;
	v3 =	vsel vm7, $0x34, v3  }
0xd0: {  	vm6 =	veq.f32 v50, v38;
	v49 =	vpop (erf);
	vm7 =	veq.f32 v44, v38;
	v3 =	vsel vm8, $0x33, v3  }
0xd1: {  	v1 =	vadd.f32 v1, v49;
	v60 =	vpop (erf);
	vm8 =	veq.f32 v15, v38;
	v3 =	vsel vm9, $0x32, v3  }
0xd2: {  	v49 =	vsub.f32 v7, v38;
	v2 =	vadd.f32 v2, v60;
	v62 =	vpop (erf);
	v3 =	vsel vm10, $0x31, v3  }
0xd3: {  	v48 =	vmovc v14;
	vm9 =	veq.f32 v14, v38;
	v1 =	vadd.f32 v1, v62;
	v3 =	vsel vm11, $0x30, v3  }
0xd4: {  	v8 =	vpop (erf);
	vm10 =	veq.f32 v13, v38;
	v6 =	vmul.f32 $1.442695020e+00, v49;
	v3 =	vsel vm12, $0x2F, v3  }
0xd5: {  	v2 =	vadd.f32 v2, v8;
	v11 =	vpop (erf);
	vm11 =	veq.f32 v16, v38;
	v3 =	vsel vm13, $0x2E, v3  }
0xd6: {  	v1 =	vadd.f32 v1, v11;
	v14 =	vpop (erf);
	vm12 =	veq.f32 v18, v38;
	v3 =	vsel vm14, $0x2D, v3  }
0xd7: {  	(erf) = vpow2.f32 v4;
	v2 =	vadd.f32 v2, v14;
	v3 =	vsel vm15, $0x2C, v3  }
0xd8: {  	v17 =	vpop (erf);
	vm13 =	veq.f32 v41, v38;
	(erf) = vpow2.f32 v25;
	v3 =	vsel vm4, $0x2B, v3  }
0xd9: {  	v25 =	vld [tilespmem:$0x1FEE0];
	v14 =	vmul.f32 $1.442695020e+00, v58;
	v58 =	vsub.f32 v27, v38;
	v3 =	vsel vm5, $0x2A, v3  }
0xda: {  	v1 =	vadd.f32 v1, v17;
	vm14 =	veq.f32 v39, v38;
	v3 =	vsel vm6, $0x29, v3  }
0xdb: {  	v31 =	vld [tilespmem:$0x1FED0];
	(erf) = vpow2.f32 v5;
	v17 =	vsub.f32 v56, v38;
	v3 =	vsel vm7, $0x28, v3  }
0xdc: {  	vm15 =	veq.f32 v59, v38;
	vm4 =	veq.f32 v12, v38;
	v3 =	vsel vm8, $0x27, v3  }
0xdd: {  	v62 =	vmovc v46;
	vm5 =	veq.f32 v63, v38;
	v3 =	vsel vm9, $0x26, v3;
	vm9 =	veq.f32 v46, v38;
	v46 =	vld [tilespmem:$0x1FEC0]  }
0xde: {  	v23 =	vld [tilespmem:$0x1FF10];
	vm7 =	veq.f32 v25, v38;
	v3 =	vsel vm2, $0x25, v3;
	vm2 =	veq.f32 v21, v0;
	v21 =	vpop (erf)  }
0xdf: {  	vm8 =	veq.f32 v45, v38;
	v3 =	vsel vm10, $0x24, v3;
	v2 =	vadd.f32 v2, v21;
	v21 =	vld [tilespmem:$0x1FEF0]  }
0xe0: {  	vm10 =	veq.f32 v31, v38;
	v3 =	vsel vm11, $0x23, v3;
	vm11 =	veq.f32 v28, v38  }
0xe1: {  	v3 =	vsel vm3, $0x22, v3;
	vm3 =	veq.f32 v43, v0;
	v43 =	vsub.f32 v9, v38  }
0xe2: {  	v3 =	vsel vm4, $0x21, v3;
	vm6 =	veq.f32 v46, v38;
	vm4 =	veq.f32 v61, v0  }
0xe3: {  	v61 =	vsub.f32 v30, v38;
	v3 =	vsel vm12, $0x20, v3;
	v5 =	vmul.f32 $1.442695020e+00, v43  }
0xe4: {  	v24 =	vld [tilespmem:$0x1FF00];
	v3 =	vsel vm13, $0x1F, v3;
	vm12 =	veq.f32 v21, v38;
	vm13 =	veq.f32 v23, v38  }
0xe5: {  	v3 =	vsel vm5, $0x1E, v3;
	vm5 =	veq.f32 v33, v38;
	(erf) = vpow2.f32 v5  }
0xe6: {  	v3 =	vsel vm14, $0x1D, v3;
	vm14 =	veq.f32 v27, v0;
	(erf) = vpow2.f32 v6  }
0xe7: {  	v3 =	vsel vm15, $0x1C, v3;
	vm15 =	veq.f32 v55, v0;
	v4 =	vsel vm14, $0x3F, v29  }
0xe8: {  	vm14 =	veq.f32 v56, v0;
	v29 =	vmul.f32 $1.442695020e+00, v17;
	v3 =	vsel vm8, $0x1B, v3  }
0xe9: {  	vm8 =	veq.f32 v24, v38;
	v4 =	vsel vm15, $0x3E, v4;
	vm15 =	veq.f32 v30, v0  }
0xea: {  	v30 =	vsub.f32 v36, v38;
	v3 =	vsel vm9, $0x1A, v3;
	vm9 =	veq.f32 v53, v0  }
0xeb: {  	v53 =	vsub.f32 v53, v38;
	v3 =	vsel vm6, $0x19, v3;
	v4 =	vsel vm9, $0x3D, v4  }
0xec: {  	vm6 =	veq.f32 v54, v0;
	vm9 =	veq.f32 v35, v38;
	v54 =	vsub.f32 v19, v38  }
0xed: {  	v43 =	vmul.f32 $1.442695020e+00, v30;
	v3 =	vsel vm10, $0x18, v3;
	vm10 =	veq.f32 v34, v38  }
0xee: {  	v3 =	vsel vm11, $0x17, v3;
	vm11 =	veq.f32 v52, v0;
	v60 =	vmul.f32 $1.442695020e+00, v54  }
0xef: {  	v52 =	vmul.f32 $1.442695020e+00, v42;
	v54 =	vsub.f32 v55, v38;
	v55 =	vmul.f32 $1.442695020e+00, v53  }
0xf0: {  	v42 =	vsub.f32 v0, v38;
	v3 =	vsel vm7, $0x16, v3;
	v4 =	vsel vm11, $0x3C, v4  }
0xf1: {  	vm11 =	veq.f32 v19, v0;
	v19 =	vmul.f32 $1.442695020e+00, v61;
	v61 =	vmul.f32 $1.442695020e+00, v58  }
0xf2: {  	vm7 =	veq.f32 v16, v0;
	v3 =	vsel vm8, $0x15, v3;
	(erf) = vpow2.f32 v60  }
0xf3: {  	v5 =	vmul.f32 $1.442695020e+00, v54;
	vm8 =	veq.f32 v10, v0;
	v3 =	vsel vm13, $0x14, v3  }
0xf4: {  	(erf) = vpow2.f32 v14;
	v3 =	vsel vm12, $0x13, v3;
	vm12 =	veq.f32 v36, v0  }
0xf5: {  	vm13 =	veq.f32 v57, v0;
	(erf) = vpow2.f32 v19;
	v4 =	vsel vm12, $0x3B, v4  }
0xf6: {  	v3 =	vsel vm10, $0x12, v3;
	vm10 =	veq.f32 v20, v0;
	v4 =	vsel vm13, $0x3A, v4  }
0xf7: {  	v36 =	vpop (erf);
	vm12 =	veq.f32 v7, v0;
	v20 =	vsub.f32 v57, v38;
	v4 =	vsel vm14, $0x39, v4  }
0xf8: {  	v1 =	vadd.f32 v1, v36;
	(erf) = vpow2.f32 v29;
	v4 =	vsel vm15, $0x38, v4  }
0xf9: {  	v49 =	vpop (erf);
	v3 =	vsel vm5, $0x11, v3;
	vm13 =	veq.f32 v37, v38;
	v4 =	vsel vm10, $0x37, v4  }
0xfa: {  	v2 =	vadd.f32 v2, v49;
	vm5 =	veq.f32 v32, v0;
	v4 =	vsel vm11, $0x36, v4  }
0xfb: {  	v56 =	vpop (erf);
	v3 =	vsel vm9, $0x10, v3;
	vm14 =	veq.f32 v9, v0;
	v4 =	vsel vm12, $0x35, v4  }
0xfc: {  	v7 =	vmul.f32 $1.442695020e+00, v20;
	v1 =	vadd.f32 v1, v56;
	v4 =	vsel vm14, $0x34, v4  }
0xfd: {  	vm9 =	veq.f32 v51, v0;
	v3 =	vsel vm13, $0xF, v3;
	v4 =	vsel vm6, $0x33, v4  }
0xfe: {  	v57 =	vpop (erf);
	vm15 =	veq.f32 v40, v38;
	(erf) = vpow2.f32 v7;
	v4 =	vsel vm4, $0x32, v4  }
0xff: {  	v2 =	vadd.f32 v2, v57;
	(erf) = vpow2.f32 v43;
	v4 =	vsel vm3, $0x31, v4  }
0x100: {  	vm13 =	veq.f32 v48, v0;
	(erf) = vpow2.f32 v52;
	v4 =	vsel vm2, $0x30, v4  }
0x101: {  	v9 =	vpop (erf);
	v3 =	vsel vm15, $0xE, v3;
	(erf) = vpow2.f32 v55;
	v4 =	vsel vm1, $0x2F, v4  }
0x102: {  	v1 =	vadd.f32 v1, v9;
	(erf) = vpow2.f32 v5;
	v4 =	vsel vm0, $0x2E, v4  }
0x103: {  	v60 =	vld [tilespmem:$0x1FF20];
	v11 =	vpop (erf);
	vm4 =	veq.f32 v47, v0;
	(erf) = vpow2.f32 v61;
	v4 =	vsel vm5, $0x2D, v4  }
0x104: {  	vm10 =	veq.f32 v50, v0;
	vm15 =	veq.f32 v13, v0;
	v16 =	vpop (erf);
	v4 =	vsel vm4, $0x2C, v4  }
0x105: {  	v2 =	vadd.f32 v2, v11;
	v1 =	vadd.f32 v1, v16;
	v17 =	vpop (erf);
	v4 =	vsel vm8, $0x2B, v4  }
0x106: {  	vm11 =	veq.f32 v44, v0;
	v44 =	vmul.f32 $1.442695020e+00, v42;
	v19 =	vpop (erf);
	v4 =	vsel vm9, $0x2A, v4  }
0x107: {  	v2 =	vadd.f32 v2, v17;
	v1 =	vadd.f32 v1, v19;
	v20 =	vpop (erf);
	v4 =	vsel vm10, $0x29, v4  }
0x108: {  	vm12 =	veq.f32 v15, v0;
	vm6 =	veq.f32 v60, v38;
	v27 =	vpop (erf);
	v4 =	vsel vm11, $0x28, v4  }
0x109: {  	v32 =	vld [tilespmem:$0x1FF30];
	v2 =	vadd.f32 v2, v20;
	v1 =	vadd.f32 v1, v27;
	v29 =	vpop (erf);
	v4 =	vsel vm12, $0x27, v4  }
0x10a: {  	vm14 =	veq.f32 v26, v0;
	v3 =	vsel vm6, $0xD, v3;
	v30 =	vpop (erf);
	v4 =	vsel vm13, $0x26, v4  }
0x10b: {  	v2 =	vadd.f32 v2, v29;
	v1 =	vadd.f32 v1, v30;
	v36 =	vpop (erf);
	v4 =	vsel vm14, $0x25, v4  }
0x10c: {  	vm6 =	veq.f32 v22, v0;
	vm5 =	veq.f32 v39, v0;
	v39 =	vpop (erf);
	v4 =	vsel vm15, $0x24, v4  }
0x10d: {  	v2 =	vadd.f32 v2, v36;
	v1 =	vadd.f32 v1, v39;
	v4 =	vsel vm7, $0x23, v4  }
0x10e: {  	v48 =	vld [tilespmem:$0x1FF40];
	vm4 =	veq.f32 v32, v38;
	vm7 =	veq.f32 v12, v0;
	v4 =	vsel vm6, $0x22, v4  }
0x10f: {  	vm8 =	veq.f32 v18, v0;
	v1 =	vadd.f32 v1, v2;
	v4 =	vsel vm7, $0x21, v4  }
0x110: {  	v54 =	vld [tilespmem:$0x1FF80];
	v3 =	vsel vm4, $0xC, v3;
	vm9 =	veq.f32 v41, v0;
	v43 =	vsel vm8, $0x20, v4  }
0x111: {  	v50 =	vld [tilespmem:$0x1FF50];
	vm10 =	veq.f32 v63, v0;
	(erf) = vrcp.f32 v1;
	v2 =	vsel vm9, $0x1F, v43  }
0x112: {  	v52 =	vld [tilespmem:$0x1FF70];
	vm4 =	veq.f32 v46, v0;
	(erf) = vpow2.f32 v44;
	v47 =	vsel vm10, $0x1E, v2  }
0x113: {  	vm11 =	veq.f32 v48, v38;
	vm12 =	veq.f32 v59, v0;
	v1 =	vsel vm5, $0x1D, v47  }
0x114: {  	v51 =	vld [tilespmem:$0x1FF60];
	v49 =	vsel vm11, $0xB, v3;
	vm13 =	veq.f32 v45, v0;
	v1 =	vsel vm12, $0x1C, v1  }
0x115: {  	vm11 =	veq.f32 v54, v38;
	vm15 =	veq.f32 v62, v0;
	v1 =	vsel vm13, $0x1B, v1  }
0x116: {  	vm14 =	veq.f32 v50, v38;
	vm6 =	veq.f32 v31, v0;
	v1 =	vsel vm15, $0x1A, v1  }
0x117: {  	vm7 =	veq.f32 v28, v0;
	vm8 =	veq.f32 v52, v38;
	v1 =	vsel vm4, $0x19, v1  }
0x118: {  	vm9 =	veq.f32 v25, v0;
	v2 =	vsel vm14, $0xA, v49;
	v1 =	vsel vm6, $0x18, v1  }
0x119: {  	vm10 =	veq.f32 v24, v0;
	vm5 =	veq.f32 v51, v38;
	v1 =	vsel vm7, $0x17, v1  }
0x11a: {  	v55 =	vld [tilespmem:$0x1FF90];
	vm14 =	veq.f32 v34, v0;
	v2 =	vsel vm5, $0x9, v2;
	v53 =	vpop (erf);
	v1 =	vsel vm9, $0x16, v1  }
0x11b: {  	vm12 =	veq.f32 v23, v0;
	vm5 =	veq.f32 v35, v0;
	v4 =	vpop (erf);
	v1 =	vsel vm10, $0x15, v1  }
0x11c: {  	vm13 =	veq.f32 v21, v0;
	v4 =	vmul.f32 v53, v4;
	v1 =	vsel vm12, $0x14, v1  }
0x11d: {  	v2 =	vsel vm8, $0x8, v2;
	vm8 =	veq.f32 v40, v0;
	v1 =	vsel vm13, $0x13, v1  }
0x11e: {  	v57 =	vld [tilespmem:$0x1FFA0];
	vm4 =	veq.f32 v33, v0;
	v56 =	vadd.f32 v4, v53;
	v1 =	vsel vm14, $0x12, v1  }
0x11f: {  	v59 =	vld [tilespmem:$0x1FFC0];
	v2 =	vsel vm11, $0x7, v2;
	vm15 =	veq.f32 v55, v38;
	v1 =	vsel vm4, $0x11, v1  }
0x120: {  	v61 =	vld [tilespmem:$0x1FFE0];
	vm6 =	veq.f32 v37, v0;
	v5 =	vadd.f32 $9.999999710e-10, v56;
	v1 =	vsel vm5, $0x10, v1  }
0x121: {  	v58 =	vld [tilespmem:$0x1FFB0];
	vm11 =	veq.f32 v48, v0;
	v2 =	vsel vm15, $0x6, v2;
	v1 =	vsel vm6, $0xF, v1  }
0x122: {  	vm7 =	veq.f32 v60, v0;
	(erf) = vrcp.f32 v5;
	v1 =	vsel vm8, $0xE, v1  }
0x123: {  	vm9 =	veq.f32 v57, v38;
	vm10 =	veq.f32 v32, v0;
	v1 =	vsel vm7, $0xD, v1  }
0x124: {  	vm15 =	veq.f32 v59, v38;
	v60 =	vld [tilespmem:$0x1FFD0];
	v2 =	vsel vm9, $0x5, v2;
	v1 =	vsel vm10, $0xC, v1  }
0x125: {  	vm9 =	veq.f32 v61, v38;
	vm13 =	veq.f32 v50, v0;
	v1 =	vsel vm11, $0xB, v1  }
0x126: {  	vm12 =	veq.f32 v58, v38;
	vm14 =	veq.f32 v51, v0;
	v1 =	vsel vm13, $0xA, v1  }
0x127: {  	v2 =	vsel vm12, $0x4, v2;
	vm4 =	veq.f32 v52, v0;
	v1 =	vsel vm14, $0x9, v1  }
0x128: {  	v2 =	vsel vm15, $0x3, v2;
	vm5 =	veq.f32 v54, v0;
	v1 =	vsel vm4, $0x8, v1  }
0x129: {  	v63 =	vld [tilespmem:$0x1FFF0];
	vm12 =	veq.f32 v60, v0;
	vm7 =	veq.f32 v55, v0;
	v1 =	vsel vm5, $0x7, v1  }
0x12a: {  	vm6 =	veq.f32 v60, v38;
	vm8 =	veq.f32 v57, v0;
	v1 =	vsel vm7, $0x6, v1  }
0x12b: {  	v2 =	vsel vm6, $0x2, v2;
	vm10 =	veq.f32 v58, v0;
	v62 =	vpop (erf);
	v1 =	vsel vm8, $0x5, v1  }
0x12c: {  	p0 =	sne.s32 s30, $0xF0;
	vm11 =	veq.f32 v59, v0;
	v3 =	vmul.f32 v62, v53;
	v1 =	vsel vm10, $0x4, v1  }
.Ltmp0:
0x12d: {  	v2 =	vsel vm9, $0x1, v2;
	v4 =	vmul.f32 v62, v4;
	v1 =	vsel vm11, $0x3, v1;
	(pc) =	sbr.rel @p0 .LBB2_2-.Ltmp0, $4  }
0x12e: {  	vm13 =	veq.f32 v63, v38;
	vm14 =	veq.f32 v61, v0;
	[tilespmem:s28+$0x0] =	vst v3;
	v1 =	vsel vm12, $0x2, v1  }
0x12f: {  	vm15 =	veq.f32 v63, v0;
	v2 =	vsel vm13, $0x0, v2;
	[tilespmem:s26+$0x0] =	vst v4;
	v1 =	vsel vm14, $0x1, v1  }
0x130: {  	s29 =	sadd.s32 $0x80, s29;
	s30 =	sadd.s32 $0x10, s30;
	s28 =	sadd.s32 $0x10, s28;
	[tilespmem:s25+$0x0] =	vst v2;
	v0 =	vsel vm15, $0x0, v1  }
0x131: {  	s26 =	sadd.s32 $0x10, s26;
	s25 =	sadd.s32 $0x10, s25;
	[tilespmem:s24+$0x0] =	vst v0;
	s24 =	sadd.s32 $0x10, s24  }
0x132: {  	_ =	swait.ge [sflag:s14], $0x4000;
	s24 =	simm.s32 $0x0;
	s25 =	simm.s32 $0x8700  }
0x133: {  	s26 =	simm.s32 $0x8500;
	s28 =	simm.s32 $0x8300;
	[sflag:s14] =	ssyncset.done $0x0  }
0x134: {  	s29 =	simm.s32 $0x8100;
	s30 =	simm.s32 $0x0;
	[sflag:s14] =	ssyncadd.s32 $0xFFFFC000  }
.LBB2_4:
0x135: {  	s0 =	sand.u32 $0x70, s30;
	s31 =	sand.u32 $0x400, s24  }
0x136: {  	s31 =	sor.u32 s0, s31  }
0x137: {  	v57 =	vld [tilespmem:s31+$0x4000]  }
0x138: {  	v62 =	vld [tilespmem:s31+$0x4080]  }
0x139: {  	v61 =	vld [tilespmem:s31+$0x4100]  }
0x13a: {  	v60 =	vld [tilespmem:s31+$0x4180]  }
0x13b: {  	v59 =	vld [tilespmem:s31+$0x4200]  }
0x13c: {  	v56 =	vld [tilespmem:s31+$0x4280]  }
0x13d: {  	v54 =	vld [tilespmem:s31+$0x4300]  }
0x13e: {  	v52 =	vld [tilespmem:s31+$0x4380]  }
0x13f: {  	v49 =	vld [tilespmem:s31+$0x4800]  }
0x140: {  	v41 =	vld [tilespmem:s31+$0x4880]  }
0x141: {  	v40 =	vld [tilespmem:s31+$0x4900]  }
0x142: {  	v14 =	vld [tilespmem:s31+$0x4980]  }
0x143: {  	v15 =	vld [tilespmem:s31+$0x4A00]  }
0x144: {  	v18 =	vld [tilespmem:s31+$0x4A80]  }
0x145: {  	v16 =	vld [tilespmem:s31+$0x4B00]  }
0x146: {  	v19 =	vld [tilespmem:s31+$0x4B80]  }
0x147: {  	v20 =	vld [tilespmem:s31+$0x5000]  }
0x148: {  	v21 =	vld [tilespmem:s31+$0x5080]  }
0x149: {  	v22 =	vld [tilespmem:s31+$0x5100]  }
0x14a: {  	v23 =	vld [tilespmem:s31+$0x5180]  }
0x14b: {  	v1 =	vld [tilespmem:s31+$0x5980]  }
0x14c: {  	v3 =	vld [tilespmem:s31+$0x5B00]  }
0x14d: {  	v58 =	vld [tilespmem:s31+$0x5B80]  }
0x14e: {  	v63 =	vld [tilespmem:s31+$0x5200]  }
0x14f: {  	v10 =	vld [tilespmem:s31+$0x6100]  }
0x150: {  	v25 =	vld [tilespmem:s31+$0x5280];
	[tilespmem:$0x1F860] =	vst v1  }
0x151: {  	v27 =	vld [tilespmem:s31+$0x5300];
	[tilespmem:$0x1F870] =	vst v3  }
0x152: {  	v31 =	vld [tilespmem:s31+$0x5380];
	[tilespmem:$0x1F880] =	vst v58  }
0x153: {  	v38 =	vld [tilespmem:s31+$0x5800];
	[tilespmem:$0x1FB70] =	vst v14  }
0x154: {  	v46 =	vld [tilespmem:s31+$0x5880];
	v0 =	vmin.f32 v57, $-Inf;
	v50 =	vmin.f32 v57, v62;
	v2 =	vmax.f32 v57, v62;
	[tilespmem:$0x1FA10] =	vst v10  }
0x155: {  	v17 =	vld [tilespmem:s31+$0x6180];
	[tilespmem:$0x1FB60] =	vst v15;
	v0 =	vmax.f32 v0, v50;
	v51 =	vmin.f32 v2, v61;
	v2 =	vmax.f32 v2, v61  }
0x156: {  	v28 =	vld [tilespmem:s31+$0x6280];
	[tilespmem:$0x1FB50] =	vst v18;
	v0 =	vmax.f32 v0, v51;
	v53 =	vmin.f32 v2, v60;
	v2 =	vmax.f32 v2, v60  }
0x157: {  	v30 =	vld [tilespmem:s31+$0x6300];
	[tilespmem:$0x1F8B0] =	vst v16;
	v0 =	vmax.f32 v0, v53;
	v55 =	vmin.f32 v2, v59;
	v2 =	vmax.f32 v2, v59  }
0x158: {  	[tilespmem:$0x1F8C0] =	vst v19;
	v53 =	vld [tilespmem:s31+$0x6000];
	v0 =	vmax.f32 v0, v55;
	v5 =	vmin.f32 v2, v56;
	v2 =	vmax.f32 v2, v56  }
0x159: {  	[tilespmem:$0x1F8D0] =	vst v20;
	v55 =	vld [tilespmem:s31+$0x6080];
	v0 =	vmax.f32 v0, v5;
	v6 =	vmin.f32 v2, v54;
	v2 =	vmax.f32 v2, v54  }
0x15a: {  	v36 =	vld [tilespmem:s31+$0x6900];
	[tilespmem:$0x1F8E0] =	vst v21;
	v0 =	vmax.f32 v0, v6;
	v7 =	vmin.f32 v2, v52;
	v2 =	vmax.f32 v2, v52  }
0x15b: {  	v48 =	vld [tilespmem:s31+$0x6980];
	[tilespmem:$0x1F8F0] =	vst v22;
	v0 =	vmax.f32 v0, v7;
	v8 =	vmin.f32 v2, v49;
	v2 =	vmax.f32 v2, v49  }
0x15c: {  	[tilespmem:$0x1FB20] =	vst v23;
	v5 =	vld [tilespmem:s31+$0x6200];
	v0 =	vmax.f32 v0, v8;
	v9 =	vmin.f32 v2, v41;
	v2 =	vmax.f32 v2, v41  }
0x15d: {  	v47 =	vld [tilespmem:s31+$0x6A00];
	[tilespmem:$0x1FB30] =	vst v25;
	v0 =	vmax.f32 v0, v9;
	v11 =	vmin.f32 v2, v40;
	v2 =	vmax.f32 v2, v40  }
0x15e: {  	v42 =	vld [tilespmem:s31+$0x6B80];
	[tilespmem:$0x1FB10] =	vst v27;
	v9 =	vmax.f32 v53, v55;
	v0 =	vmax.f32 v0, v11;
	v12 =	vmin.f32 v2, v14  }
0x15f: {  	v3 =	vld [tilespmem:s31+$0x7100];
	[tilespmem:$0x1F900] =	vst v31;
	v2 =	vmax.f32 v2, v14;
	v26 =	vmax.f32 v9, v10;
	v0 =	vmax.f32 v0, v12  }
0x160: {  	[tilespmem:$0x1FB00] =	vst v38;
	v51 =	vld [tilespmem:s31+$0x6380];
	v13 =	vmin.f32 v2, v15;
	v2 =	vmax.f32 v2, v15;
	v29 =	vmax.f32 v26, v17  }
0x161: {  	v11 =	vld [tilespmem:s31+$0x6800];
	v14 =	vmovc v18;
	v0 =	vmax.f32 v0, v13;
	v15 =	vmin.f32 v2, v18;
	v32 =	vmax.f32 v29, v5  }
0x162: {  	[tilespmem:$0x1FAF0] =	vst v46;
	v50 =	vld [tilespmem:s31+$0x6880];
	v2 =	vmax.f32 v2, v14;
	v1 =	vmax.f32 v0, v15;
	v33 =	vmax.f32 v32, v28  }
0x163: {  	v58 =	vld [tilespmem:s31+$0x6B00];
	[tilespmem:$0x1FA30] =	vst v5;
	v4 =	vmin.f32 v2, v16;
	v16 =	vmax.f32 v2, v16;
	v34 =	vmax.f32 v33, v30  }
0x164: {  	v18 =	vmovc v5;
	v2 =	vld [tilespmem:s31+$0x7080];
	v4 =	vmax.f32 v1, v4;
	v6 =	vmin.f32 v16, v19;
	v5 =	vmax.f32 v16, v19  }
0x165: {  	[tilespmem:$0x1F950] =	vst v3;
	v0 =	vld [tilespmem:s31+$0x7200];
	v35 =	vmax.f32 v34, v51;
	v6 =	vmax.f32 v4, v6;
	v7 =	vmin.f32 v5, v20  }
0x166: {  	[tilespmem:$0x1F9F0] =	vst v53;
	v19 =	vld [tilespmem:s31+$0x6A80];
	v8 =	vmax.f32 v5, v20;
	v37 =	vmax.f32 v35, v11;
	v7 =	vmax.f32 v6, v7  }
0x167: {  	[tilespmem:$0x1FA00] =	vst v55;
	v1 =	vld [tilespmem:s31+$0x7280];
	v20 =	vmin.f32 v8, v21;
	v8 =	vmax.f32 v8, v21;
	v39 =	vmax.f32 v37, v50  }
0x168: {  	[tilespmem:$0x1F890] =	vst v11;
	v5 =	vld [tilespmem:s31+$0x7000];
	v12 =	vmax.f32 v7, v20;
	v13 =	vmin.f32 v8, v22;
	v6 =	vmax.f32 v39, v36  }
0x169: {  	v4 =	vld [tilespmem:s31+$0x7180];
	v21 =	vmax.f32 v8, v22;
	[tilespmem:$0x1F930] =	vst v2;
	v12 =	vmax.f32 v12, v13;
	v7 =	vmax.f32 v6, v48  }
0x16a: {  	v22 =	vmin.f32 v21, v23;
	v20 =	vmax.f32 v21, v23;
	[tilespmem:$0x1F990] =	vst v0;
	v11 =	vmax.f32 v7, v47  }
0x16b: {  	[tilespmem:$0x1F8A0] =	vst v19;
	v24 =	vmax.f32 v12, v22;
	v14 =	vmin.f32 v20, v63;
	v8 =	vmax.f32 v11, v19  }
0x16c: {  	v45 =	vld [tilespmem:s31+$0x5900];
	v21 =	vmax.f32 v20, v63;
	[tilespmem:$0x1F9B0] =	vst v1;
	v15 =	vmax.f32 v24, v14;
	v12 =	vmax.f32 v8, v58  }
0x16d: {  	v44 =	vld [tilespmem:s31+$0x5A00];
	v9 =	vmin.f32 v9, v10;
	[tilespmem:$0x1F910] =	vst v5;
	v23 =	vmin.f32 v21, v25;
	v22 =	vmax.f32 v12, v42  }
0x16e: {  	v43 =	vld [tilespmem:s31+$0x5A80];
	[tilespmem:$0x1F970] =	vst v4;
	v16 =	vmax.f32 v21, v25;
	v19 =	vmax.f32 v15, v23;
	v24 =	vmax.f32 v22, v5  }
0x16f: {  	v14 =	vmovc v27;
	v15 =	vmov v25;
	v25 =	vmin.f32 v16, v27;
	[tilespmem:$0x1F920] =	vst v22;
	v5 =	vmax.f32 v24, v2;
	v2 =	vld [tilespmem:s31+$0x7300]  }
0x170: {  	v20 =	vmax.f32 v19, v25;
	[tilespmem:$0x1F940] =	vst v24;
	v24 =	vmax.f32 v16, v27;
	v13 =	vmax.f32 v5, v3;
	v3 =	vld [tilespmem:s31+$0x7380]  }
0x171: {  	[tilespmem:$0x1F960] =	vst v5;
	v25 =	vmin.f32 v24, v31;
	v27 =	vmax.f32 v24, v31;
	v5 =	vmax.f32 v13, v4;
	v4 =	vld [tilespmem:s31+$0x7800]  }
0x172: {  	v22 =	vmax.f32 v20, v25;
	v31 =	vmin.f32 v27, v38;
	[tilespmem:$0x1F9A0] =	vst v5;
	v0 =	vmax.f32 v5, v0;
	v5 =	vld [tilespmem:s31+$0x7880]  }
0x173: {  	v10 =	vld [tilespmem:$0x1F880];
	[tilespmem:$0x1F980] =	vst v13;
	v24 =	vmax.f32 v27, v38;
	v23 =	vmax.f32 v22, v31;
	v20 =	vmax.f32 v0, v1  }
0x174: {  	v31 =	vmin.f32 v53, v55;
	[tilespmem:$0x1F9C0] =	vst v0;
	v1 =	vld [tilespmem:s31+$0x7900];
	v0 =	vmin.f32 v24, v46;
	v22 =	vmax.f32 v20, v2  }
0x175: {  	v19 =	vmin.f32 v53, $-Inf;
	v16 =	vld [tilespmem:s31+$0x7980];
	v13 =	vmovc v38;
	v38 =	vmax.f32 v23, v0;
	[tilespmem:$0x1F9E0] =	vst v3;
	v23 =	vmax.f32 v22, v3  }
0x176: {  	v53 =	vld [tilespmem:s31+$0x7A80];
	v25 =	vmax.f32 v19, v31;
	v31 =	vmax.f32 v24, v46;
	[tilespmem:$0x1FA50] =	vst v4;
	v3 =	vmax.f32 v23, v4  }
0x177: {  	v0 =	vmov v45;
	[tilespmem:$0x1FA70] =	vst v3;
	v4 =	vmax.f32 v3, v5;
	v3 =	vmax.f32 v31, v45;
	v45 =	vld [tilespmem:$0x1F860]  }
0x178: {  	[tilespmem:$0x1F9D0] =	vst v2;
	v2 =	vld [tilespmem:s31+$0x7A00]  }
0x179: {  	v55 =	vld [tilespmem:s31+$0x7B00];
	v9 =	vmax.f32 v25, v9;
	[tilespmem:$0x1FA80] =	vst v1;
	v24 =	vmax.f32 v4, v1;
	v1 =	vmin.f32 v26, v17  }
0x17a: {  	[tilespmem:$0x1FAA0] =	vst v16;
	v1 =	vmax.f32 v9, v1;
	v9 =	vld [tilespmem:$0x1F870]  }
0x17b: {  	v27 =	vld [tilespmem:s31+$0x7B80];
	[tilespmem:$0x1FA60] =	vst v5  }
0x17c: {  	[tilespmem:$0x1FA90] =	vst v4;
	v25 =	vmax.f32 v24, v16;
	v4 =	vmax.f32 v3, v45  }
0x17d: {  	[tilespmem:$0x1FAB0] =	vst v2;
	v26 =	vmax.f32 v25, v2;
	v5 =	vmax.f32 v4, v44  }
0x17e: {  	v21 =	vmovc v46;
	v46 =	vmov v43;
	[tilespmem:$0x1FAC0] =	vst v26;
	v26 =	vmax.f32 v26, v53;
	v16 =	vmax.f32 v5, v43  }
0x17f: {  	v2 =	vmin.f32 v31, v0;
	[tilespmem:$0x1FAD0] =	vst v26;
	v31 =	vmax.f32 v26, v55;
	v19 =	vmax.f32 v16, v9  }
0x180: {  	v43 =	vmovc v0;
	v0 =	vmin.f32 v29, v18;
	v29 =	vmax.f32 v31, v27;
	v26 =	vmax.f32 v19, v10  }
0x181: {  	[tilespmem:$0x1FA20] =	vst v17;
	v32 =	vmin.f32 v32, v28;
	v2 =	vmax.f32 v38, v2;
	v38 =	vmax.f32 v26, v29  }
0x182: {  	v0 =	vmax.f32 v1, v0;
	[tilespmem:$0x1FAE0] =	vst v26;
	v26 =	vmin.f32 v3, v45;
	v17 =	vsub.f32 v57, v38  }
0x183: {  	[tilespmem:$0x1FC20] =	vst v57;
	v0 =	vmax.f32 v0, v32;
	v1 =	vmax.f32 v2, v26;
	v57 =	vsub.f32 v62, v38  }
0x184: {  	[tilespmem:$0x1FC10] =	vst v62;
	v62 =	vmin.f32 v33, v30;
	v26 =	vsub.f32 v61, v38;
	v17 =	vmul.f32 $1.442695020e+00, v17  }
0x185: {  	[tilespmem:$0x1FA40] =	vst v28;
	v28 =	vsub.f32 v60, v38;
	v33 =	vsub.f32 v59, v38;
	v2 =	vmul.f32 $1.442695020e+00, v57  }
0x186: {  	[tilespmem:$0x1FBE0] =	vst v59;
	v59 =	vsub.f32 v56, v38;
	v32 =	vmul.f32 $1.442695020e+00, v26;
	(erf) = vpow2.f32 v17  }
0x187: {  	[tilespmem:$0x1FC00] =	vst v61;
	v61 =	vsub.f32 v54, v38;
	v57 =	vmul.f32 $1.442695020e+00, v28;
	(erf) = vpow2.f32 v2  }
0x188: {  	[tilespmem:$0x1FBF0] =	vst v60;
	v0 =	vmax.f32 v0, v62;
	v60 =	vmul.f32 $1.442695020e+00, v33;
	(erf) = vpow2.f32 v32  }
0x189: {  	v62 =	vmul.f32 $1.442695020e+00, v59;
	v26 =	vsub.f32 v52, v38;
	(erf) = vpow2.f32 v57  }
0x18a: {  	v28 =	vmul.f32 $1.442695020e+00, v61;
	v32 =	vsub.f32 v49, v38;
	(erf) = vpow2.f32 v60  }
0x18b: {  	v33 =	vmul.f32 $1.442695020e+00, v26;
	(erf) = vpow2.f32 v62  }
0x18c: {  	[tilespmem:$0x1FBB0] =	vst v52;
	v61 =	vld [tilespmem:$0x1FB70];
	v52 =	vmul.f32 $1.442695020e+00, v32;
	(erf) = vpow2.f32 v28  }
0x18d: {  	(erf) = vpow2.f32 v33  }
0x18e: {  	(erf) = vpow2.f32 v52;
	v52 =	vld [tilespmem:$0x1F890]  }
0x18f: {  	[tilespmem:$0x1FBA0] =	vst v49;
	v49 =	vsub.f32 v41, v38  }
0x190: {  	[tilespmem:$0x1FBC0] =	vst v54;
	v54 =	vsub.f32 v40, v38  }
0x191: {  	[tilespmem:$0x1FBD0] =	vst v56;
	v56 =	vmin.f32 v34, v51;
	v18 =	vsub.f32 v61, v38;
	v3 =	vmul.f32 $1.442695020e+00, v49  }
0x192: {  	[tilespmem:$0x1FB80] =	vst v40;
	v40 =	vmin.f32 v39, v36;
	v0 =	vmax.f32 v0, v56;
	v57 =	vmul.f32 $1.442695020e+00, v54;
	v60 =	vpop (erf)  }
0x193: {  	v18 =	vmul.f32 $1.442695020e+00, v18;
	(erf) = vpow2.f32 v3;
	v32 =	vpop (erf);
	v59 =	vmin.f32 v35, v52  }
0x194: {  	v33 =	vmin.f32 v37, v50;
	(erf) = vpow2.f32 v57;
	v34 =	vpop (erf);
	v35 =	vld [tilespmem:$0x1FB60];
	v0 =	vmax.f32 v0, v59  }
0x195: {  	v26 =	vld [tilespmem:$0x1FB50];
	v3 =	vadd.f32 $0.0e+00, v32;
	v37 =	vpop (erf);
	(erf) = vpow2.f32 v18;
	v0 =	vmax.f32 v0, v33  }
0x196: {  	v6 =	vmin.f32 v6, v48;
	v0 =	vmax.f32 v0, v40;
	v40 =	vld [tilespmem:$0x1F8B0]  }
0x197: {  	v4 =	vmin.f32 v4, v44;
	v39 =	vmov v46;
	v32 =	vld [tilespmem:$0x1F8A0];
	v49 =	vpop (erf);
	v3 =	vadd.f32 v3, v37  }
0x198: {  	v1 =	vmax.f32 v1, v4;
	v17 =	vmin.f32 v8, v58;
	v62 =	vadd.f32 $0.0e+00, v60;
	v54 =	vpop (erf)  }
0x199: {  	v57 =	vmin.f32 v5, v46;
	v3 =	vadd.f32 v3, v54;
	v56 =	vpop (erf);
	v28 =	vsub.f32 v35, v38  }
0x19a: {  	v2 =	vadd.f32 v62, v34;
	v59 =	vmin.f32 v7, v47;
	v7 =	vsub.f32 v26, v38;
	v60 =	vpop (erf)  }
0x19b: {  	[tilespmem:$0x1FB90] =	vst v41;
	v61 =	vpop (erf);
	v3 =	vadd.f32 v3, v60;
	v41 =	vmul.f32 $1.442695020e+00, v28;
	v35 =	vsub.f32 v40, v38  }
0x19c: {  	v37 =	vld [tilespmem:$0x1F8C0];
	v2 =	vadd.f32 v2, v49;
	v62 =	vmin.f32 v11, v32;
	v33 =	vmul.f32 $1.442695020e+00, v7;
	v11 =	vpop (erf)  }
0x19d: {  	v18 =	vpop (erf);
	v3 =	vadd.f32 v3, v11;
	(erf) = vpow2.f32 v41;
	v46 =	vmul.f32 $1.442695020e+00, v35;
	v35 =	vld [tilespmem:$0x1F8D0]  }
0x19e: {  	v2 =	vadd.f32 v2, v56;
	v0 =	vmax.f32 v0, v6;
	v34 =	vpop (erf);
	(erf) = vpow2.f32 v33;
	v33 =	vld [tilespmem:$0x1F8E0]  }
0x19f: {  	v1 =	vmax.f32 v1, v57;
	v0 =	vmax.f32 v0, v59;
	v3 =	vadd.f32 v3, v34;
	v34 =	vld [tilespmem:$0x1F8F0]  }
0x1a0: {  	v2 =	vadd.f32 v2, v61;
	v61 =	vld [tilespmem:$0x1FB20];
	v0 =	vmax.f32 v0, v62;
	v11 =	vsub.f32 v63, v38  }
0x1a1: {  	v0 =	vmax.f32 v0, v17;
	v28 =	vmin.f32 v12, v42;
	v41 =	vsub.f32 v37, v38  }
0x1a2: {  	v2 =	vadd.f32 v2, v18;
	v0 =	vmax.f32 v0, v28;
	v54 =	vsub.f32 v35, v38  }
0x1a3: {  	v18 =	vmul.f32 $1.442695020e+00, v11;
	v4 =	vmul.f32 $1.442695020e+00, v41;
	v56 =	vsub.f32 v33, v38  }
0x1a4: {  	(erf) = vpow2.f32 v46;
	v59 =	vsub.f32 v34, v38;
	v57 =	vmul.f32 $1.442695020e+00, v54  }
0x1a5: {  	v28 =	vld [tilespmem:$0x1F900];
	v6 =	vsub.f32 v61, v38;
	(erf) = vpow2.f32 v4;
	v60 =	vmul.f32 $1.442695020e+00, v56  }
0x1a6: {  	v62 =	vmul.f32 $1.442695020e+00, v59;
	(erf) = vpow2.f32 v57  }
0x1a7: {  	v11 =	vsub.f32 v43, v38;
	v12 =	vmul.f32 $1.442695020e+00, v6;
	v49 =	vpop (erf);
	(erf) = vpow2.f32 v60  }
0x1a8: {  	v17 =	vsub.f32 v15, v38;
	(erf) = vpow2.f32 v62  }
0x1a9: {  	v26 =	vsub.f32 v14, v38;
	v5 =	vmul.f32 $1.442695020e+00, v11;
	(erf) = vpow2.f32 v12  }
0x1aa: {  	v41 =	vmul.f32 $1.442695020e+00, v17;
	v46 =	vsub.f32 v28, v38;
	v54 =	vsub.f32 v13, v38  }
0x1ab: {  	v2 =	vadd.f32 v2, v49;
	v49 =	vmul.f32 $1.442695020e+00, v26;
	(erf) = vpow2.f32 v18  }
0x1ac: {  	v59 =	vsub.f32 v21, v38;
	v56 =	vmul.f32 $1.442695020e+00, v46;
	v57 =	vpop (erf);
	(erf) = vpow2.f32 v41  }
0x1ad: {  	[tilespmem:$0x1FB40] =	vst v63;
	v15 =	vsub.f32 v45, v38;
	v61 =	vld [tilespmem:$0x1F920];
	v60 =	vmul.f32 $1.442695020e+00, v54;
	v63 =	vpop (erf);
	(erf) = vpow2.f32 v49  }
0x1ae: {  	v11 =	vld [tilespmem:$0x1F9A0];
	v62 =	vmul.f32 $1.442695020e+00, v59;
	v3 =	vadd.f32 v3, v57;
	v8 =	vpop (erf);
	(erf) = vpow2.f32 v56  }
0x1af: {  	v21 =	vld [tilespmem:$0x1F910];
	v46 =	vmov v43;
	(erf) = vpow2.f32 v60;
	v12 =	vpop (erf)  }
0x1b0: {  	v43 =	vld [tilespmem:$0x1F930];
	v26 =	vmul.f32 $1.442695020e+00, v15;
	v3 =	vadd.f32 v3, v8;
	(erf) = vpow2.f32 v62;
	v14 =	vpop (erf)  }
0x1b1: {  	v13 =	vld [tilespmem:$0x1F940];
	v17 =	vpop (erf);
	(erf) = vpow2.f32 v5  }
0x1b2: {  	v54 =	vld [tilespmem:$0x1F970];
	v2 =	vadd.f32 v2, v63;
	v3 =	vadd.f32 v3, v14;
	v41 =	vpop (erf);
	(erf) = vpow2.f32 v26  }
0x1b3: {  	v62 =	vmin.f32 v19, v10;
	v19 =	vld [tilespmem:$0x1F9D0]  }
0x1b4: {  	v4 =	vmin.f32 v61, v21;
	v61 =	vld [tilespmem:$0x1F950];
	v2 =	vadd.f32 v2, v12;
	v3 =	vadd.f32 v3, v41;
	v59 =	vpop (erf)  }
0x1b5: {  	v18 =	vld [tilespmem:$0x1F960];
	v60 =	vpop (erf)  }
0x1b6: {  	v57 =	vld [tilespmem:$0x1F980];
	v49 =	vmin.f32 v16, v9;
	v2 =	vadd.f32 v2, v17;
	v3 =	vadd.f32 v3, v60;
	v12 =	vpop (erf)  }
0x1b7: {  	v0 =	vmax.f32 v0, v4;
	v6 =	vmin.f32 v13, v43;
	v63 =	vmov v9;
	v9 =	vld [tilespmem:$0x1F990];
	v13 =	vpop (erf)  }
0x1b8: {  	v2 =	vadd.f32 v2, v59;
	v26 =	vmin.f32 v20, v19;
	v20 =	vld [tilespmem:$0x1F9E0];
	v3 =	vadd.f32 v3, v13;
	v15 =	vpop (erf)  }
0x1b9: {  	v0 =	vmax.f32 v0, v6;
	v1 =	vmax.f32 v1, v49;
	v14 =	vld [tilespmem:$0x1F9C0];
	v49 =	vpop (erf)  }
0x1ba: {  	v5 =	vmin.f32 v18, v61;
	v17 =	vld [tilespmem:$0x1F9B0];
	v2 =	vadd.f32 v2, v12;
	v3 =	vadd.f32 v3, v49;
	v12 =	vpop (erf)  }
0x1bb: {  	v1 =	vmax.f32 v1, v62;
	v0 =	vmax.f32 v0, v5;
	v5 =	vmin.f32 v57, v54;
	v18 =	vpop (erf)  }
0x1bc: {  	v0 =	vmax.f32 v0, v5;
	v41 =	vmovc v10;
	v2 =	vadd.f32 v2, v15;
	v3 =	vadd.f32 v3, v18;
	v18 =	vld [tilespmem:$0x1F9F0]  }
0x1bd: {  	v5 =	vmin.f32 v11, v9;
	v62 =	vmin.f32 v22, v20;
	v22 =	vsub.f32 v41, v38  }
0x1be: {  	v0 =	vmax.f32 v0, v5;
	v60 =	vsub.f32 v44, v38;
	v2 =	vadd.f32 v2, v12;
	v12 =	vld [tilespmem:$0x1FA00]  }
0x1bf: {  	v59 =	vmovc v44;
	v4 =	vmin.f32 v14, v17;
	v13 =	vsub.f32 v39, v38;
	v44 =	vmul.f32 $1.442695020e+00, v22;
	v22 =	vld [tilespmem:$0x1FA10]  }
0x1c0: {  	v16 =	vld [tilespmem:$0x1FA20];
	v11 =	vmul.f32 $1.442695020e+00, v60;
	v14 =	vsub.f32 v63, v38;
	v0 =	vmax.f32 v0, v4  }
0x1c1: {  	v0 =	vmax.f32 v0, v26;
	v15 =	vmul.f32 $1.442695020e+00, v13;
	v13 =	vld [tilespmem:$0x1FA30];
	v26 =	vsub.f32 v18, v38  }
0x1c2: {  	vm0 =	veq.f32 v27, v38;
	(erf) = vpow2.f32 v11;
	v4 =	vmul.f32 $1.442695020e+00, v14  }
0x1c3: {  	(erf) = vpow2.f32 v15;
	v49 =	vsub.f32 v12, v38;
	v56 =	vmul.f32 $1.442695020e+00, v26;
	v26 =	vld [tilespmem:$0x1FA40]  }
0x1c4: {  	v0 =	vmax.f32 v0, v62;
	(erf) = vpow2.f32 v4;
	v57 =	vsub.f32 v22, v38  }
0x1c5: {  	v62 =	vsub.f32 v16, v38;
	(erf) = vpow2.f32 v44;
	v60 =	vmul.f32 $1.442695020e+00, v49  }
0x1c6: {  	v44 =	vsub.f32 v13, v38;
	v11 =	vmul.f32 $1.442695020e+00, v57;
	(erf) = vpow2.f32 v56  }
0x1c7: {  	v49 =	vmul.f32 $1.442695020e+00, v62;
	(erf) = vpow2.f32 v60;
	v60 =	vsub.f32 v30, v38  }
0x1c8: {  	v14 =	vmovc v30;
	v30 =	vsub.f32 v51, v38;
	(erf) = vpow2.f32 v11;
	v56 =	vsub.f32 v26, v38  }
0x1c9: {  	vm1 =	veq.f32 v55, v38;
	v8 =	vld [tilespmem:$0x1FAA0];
	v57 =	vmul.f32 $1.442695020e+00, v44;
	(erf) = vpow2.f32 v49  }
0x1ca: {  	vm10 =	veq.f32 v53, v38;
	v62 =	vmul.f32 $1.442695020e+00, v56;
	v56 =	vmul.f32 $1.442695020e+00, v30;
	v30 =	vld [tilespmem:$0x1FA50]  }
0x1cb: {  	vm8 =	veq.f32 v54, v38;
	v49 =	vmul.f32 $1.442695020e+00, v60;
	(erf) = vpow2.f32 v57  }
0x1cc: {  	vm9 =	veq.f32 v61, v38;
	v15 =	vmov v51;
	v51 =	vpop (erf);
	(erf) = vpow2.f32 v62  }
0x1cd: {  	v44 =	vmovc v52;
	v52 =	vsub.f32 v52, v38;
	v2 =	vadd.f32 v2, v51;
	v51 =	vld [tilespmem:$0x1FA90];
	(erf) = vpow2.f32 v49  }
0x1ce: {  	vm12 =	veq.f32 v8, v38;
	vm7 =	veq.f32 v9, v38;
	v62 =	vpop (erf);
	(erf) = vpow2.f32 v56;
	v56 =	vld [tilespmem:$0x1FA60]  }
0x1cf: {  	v10 =	vimm.s32 $0x40;
	vm5 =	veq.f32 v19, v38;
	v57 =	vmin.f32 v23, v30;
	v11 =	vpop (erf);
	v23 =	vld [tilespmem:$0x1FA70]  }
0x1d0: {  	v3 =	vadd.f32 v3, v62;
	v0 =	vmax.f32 v0, v57;
	v2 =	vadd.f32 v2, v11;
	v49 =	vpop (erf);
	v57 =	vld [tilespmem:$0x1FA80]  }
0x1d1: {  	vm6 =	veq.f32 v17, v38;
	vm4 =	veq.f32 v20, v38;
	v60 =	vmul.f32 $1.442695020e+00, v52;
	v52 =	vpop (erf)  }
0x1d2: {  	vm3 =	veq.f32 v22, v38;
	v3 =	vadd.f32 v3, v49;
	v2 =	vadd.f32 v2, v52;
	v52 =	vld [tilespmem:$0x1FAB0]  }
0x1d3: {  	vm2 =	veq.f32 v26, v38;
	(erf) = vpow2.f32 v60;
	v60 =	vmin.f32 v24, v8;
	v24 =	vld [tilespmem:$0x1FAC0];
	v62 =	vpop (erf)  }
0x1d4: {  	vm15 =	veq.f32 v30, v38;
	v3 =	vadd.f32 v3, v62;
	v4 =	vmin.f32 v23, v56  }
0x1d5: {  	v49 =	vld [tilespmem:$0x1FAD0];
	vm14 =	veq.f32 v56, v38;
	v23 =	vpop (erf);
	v0 =	vmax.f32 v0, v4;
	v4 =	vmin.f32 v51, v57  }
0x1d6: {  	v2 =	vadd.f32 v2, v23;
	v23 =	vsub.f32 v50, v38;
	v0 =	vmax.f32 v0, v4  }
0x1d7: {  	vm13 =	veq.f32 v57, v38;
	v0 =	vmax.f32 v0, v60;
	v11 =	vmin.f32 v25, v52  }
0x1d8: {  	v4 =	vmin.f32 v24, v53;
	v25 =	vpop (erf);
	v60 =	vmin.f32 v31, v27;
	v0 =	vmax.f32 v0, v11  }
0x1d9: {  	v24 =	vld [tilespmem:$0x1FAE0];
	vm11 =	veq.f32 v52, v38;
	v3 =	vadd.f32 v3, v25;
	v51 =	vpop (erf);
	v0 =	vmax.f32 v0, v4  }
0x1da: {  	v4 =	vmin.f32 v49, v55;
	v2 =	vadd.f32 v2, v51;
	v62 =	vpop (erf);
	v51 =	vmov v36  }
0x1db: {  	v36 =	vsub.f32 v36, v38;
	v49 =	vsel vm0, $0x3F, v10;
	v0 =	vmax.f32 v0, v4;
	v11 =	vpop (erf)  }
0x1dc: {  	v3 =	vadd.f32 v3, v62;
	v0 =	vmax.f32 v0, v60;
	v2 =	vadd.f32 v2, v11  }
0x1dd: {  	v4 =	vmul.f32 $1.442695020e+00, v36;
	v60 =	vsub.f32 v48, v38;
	v11 =	vsub.f32 v32, v38  }
0x1de: {  	v25 =	vpop (erf);
	v0 =	vmax.f32 v1, v0;
	v1 =	vmin.f32 v24, v29;
	v29 =	vmul.f32 $1.442695020e+00, v23  }
0x1df: {  	v31 =	vpop (erf);
	v23 =	vsub.f32 v58, v38;
	v0 =	vmax.f32 v0, v1;
	v1 =	vadd.f32 v3, v25  }
0x1e0: {  	v2 =	vadd.f32 v2, v31;
	v3 =	vsel vm1, $0x3E, v49;
	v62 =	vmul.f32 $1.442695020e+00, v60  }
0x1e1: {  	v7 =	vmovc v17;
	v36 =	vmovc v8;
	v8 =	vsub.f32 v47, v38;
	v17 =	vmul.f32 $1.442695020e+00, v11;
	v25 =	vsub.f32 v42, v38  }
0x1e2: {  	v31 =	vsub.f32 v21, v38;
	(erf) = vpow2.f32 v29;
	v3 =	vsel vm10, $0x3D, v3  }
0x1e3: {  	v24 =	vmul.f32 $1.442695020e+00, v23;
	vm10 =	veq.f32 v43, v38;
	vm0 =	veq.f32 v58, v0  }
0x1e4: {  	vm1 =	veq.f32 v42, v0;
	v23 =	vsub.f32 v43, v38;
	(erf) = vpow2.f32 v4  }
0x1e5: {  	v3 =	vsel vm11, $0x3C, v3;
	v10 =	vmul.f32 $1.442695020e+00, v8;
	vm11 =	veq.f32 v21, v38  }
0x1e6: {  	v29 =	vmul.f32 $1.442695020e+00, v25;
	v3 =	vsel vm12, $0x3B, v3;
	(erf) = vpow2.f32 v62  }
0x1e7: {  	vm12 =	veq.f32 v42, v38;
	v4 =	vmul.f32 $1.442695020e+00, v23;
	v42 =	vsub.f32 v54, v38  }
0x1e8: {  	v3 =	vsel vm13, $0x3A, v3;
	(erf) = vpow2.f32 v10;
	vm13 =	veq.f32 v58, v38  }
0x1e9: {  	v58 =	vsub.f32 v20, v38;
	v3 =	vsel vm14, $0x39, v3;
	(erf) = vpow2.f32 v17  }
0x1ea: {  	vm14 =	veq.f32 v32, v38;
	v5 =	vmul.f32 $1.442695020e+00, v42;
	v42 =	vsub.f32 v52, v38  }
0x1eb: {  	v3 =	vsel vm15, $0x38, v3;
	(erf) = vpow2.f32 v24;
	vm15 =	veq.f32 v47, v38  }
0x1ec: {  	v24 =	vsub.f32 v61, v38;
	v3 =	vsel vm4, $0x37, v3;
	(erf) = vpow2.f32 v29  }
0x1ed: {  	v10 =	vmovc v48;
	vm4 =	veq.f32 v48, v38;
	v48 =	vmul.f32 $1.442695020e+00, v31;
	v3 =	vsel vm5, $0x36, v3  }
0x1ee: {  	v29 =	vimm.s32 $0x40;
	vm5 =	veq.f32 v51, v38;
	v3 =	vsel vm6, $0x35, v3  }
0x1ef: {  	v25 =	vmul.f32 $1.442695020e+00, v24;
	(erf) = vpow2.f32 v48;
	v3 =	vsel vm7, $0x34, v3  }
0x1f0: {  	vm6 =	veq.f32 v50, v38;
	v49 =	vpop (erf);
	vm7 =	veq.f32 v44, v38;
	v3 =	vsel vm8, $0x33, v3  }
0x1f1: {  	v1 =	vadd.f32 v1, v49;
	v60 =	vpop (erf);
	vm8 =	veq.f32 v15, v38;
	v3 =	vsel vm9, $0x32, v3  }
0x1f2: {  	v49 =	vsub.f32 v7, v38;
	v2 =	vadd.f32 v2, v60;
	v62 =	vpop (erf);
	v3 =	vsel vm10, $0x31, v3  }
0x1f3: {  	v48 =	vmovc v14;
	vm9 =	veq.f32 v14, v38;
	v1 =	vadd.f32 v1, v62;
	v3 =	vsel vm11, $0x30, v3  }
0x1f4: {  	v8 =	vpop (erf);
	vm10 =	veq.f32 v13, v38;
	v6 =	vmul.f32 $1.442695020e+00, v49;
	v3 =	vsel vm12, $0x2F, v3  }
0x1f5: {  	v2 =	vadd.f32 v2, v8;
	v11 =	vpop (erf);
	vm11 =	veq.f32 v16, v38;
	v3 =	vsel vm13, $0x2E, v3  }
0x1f6: {  	v1 =	vadd.f32 v1, v11;
	v14 =	vpop (erf);
	vm12 =	veq.f32 v18, v38;
	v3 =	vsel vm14, $0x2D, v3  }
0x1f7: {  	(erf) = vpow2.f32 v4;
	v2 =	vadd.f32 v2, v14;
	v3 =	vsel vm15, $0x2C, v3  }
0x1f8: {  	v17 =	vpop (erf);
	vm13 =	veq.f32 v41, v38;
	(erf) = vpow2.f32 v25;
	v3 =	vsel vm4, $0x2B, v3  }
0x1f9: {  	v25 =	vld [tilespmem:$0x1FB10];
	v14 =	vmul.f32 $1.442695020e+00, v58;
	v58 =	vsub.f32 v27, v38;
	v3 =	vsel vm5, $0x2A, v3  }
0x1fa: {  	v1 =	vadd.f32 v1, v17;
	vm14 =	veq.f32 v39, v38;
	v3 =	vsel vm6, $0x29, v3  }
0x1fb: {  	v31 =	vld [tilespmem:$0x1FB00];
	(erf) = vpow2.f32 v5;
	v17 =	vsub.f32 v56, v38;
	v3 =	vsel vm7, $0x28, v3  }
0x1fc: {  	vm15 =	veq.f32 v59, v38;
	vm4 =	veq.f32 v12, v38;
	v3 =	vsel vm8, $0x27, v3  }
0x1fd: {  	v62 =	vmovc v46;
	vm5 =	veq.f32 v63, v38;
	v3 =	vsel vm9, $0x26, v3;
	vm9 =	veq.f32 v46, v38;
	v46 =	vld [tilespmem:$0x1FAF0]  }
0x1fe: {  	v23 =	vld [tilespmem:$0x1FB40];
	vm7 =	veq.f32 v25, v38;
	v3 =	vsel vm2, $0x25, v3;
	vm2 =	veq.f32 v21, v0;
	v21 =	vpop (erf)  }
0x1ff: {  	vm8 =	veq.f32 v45, v38;
	v3 =	vsel vm10, $0x24, v3;
	v2 =	vadd.f32 v2, v21;
	v21 =	vld [tilespmem:$0x1FB20]  }
0x200: {  	vm10 =	veq.f32 v31, v38;
	v3 =	vsel vm11, $0x23, v3;
	vm11 =	veq.f32 v28, v38  }
0x201: {  	v3 =	vsel vm3, $0x22, v3;
	vm3 =	veq.f32 v43, v0;
	v43 =	vsub.f32 v9, v38  }
0x202: {  	v3 =	vsel vm4, $0x21, v3;
	vm6 =	veq.f32 v46, v38;
	vm4 =	veq.f32 v61, v0  }
0x203: {  	v61 =	vsub.f32 v30, v38;
	v3 =	vsel vm12, $0x20, v3;
	v5 =	vmul.f32 $1.442695020e+00, v43  }
0x204: {  	v24 =	vld [tilespmem:$0x1FB30];
	v3 =	vsel vm13, $0x1F, v3;
	vm12 =	veq.f32 v21, v38;
	vm13 =	veq.f32 v23, v38  }
0x205: {  	v3 =	vsel vm5, $0x1E, v3;
	vm5 =	veq.f32 v33, v38;
	(erf) = vpow2.f32 v5  }
0x206: {  	v3 =	vsel vm14, $0x1D, v3;
	vm14 =	veq.f32 v27, v0;
	(erf) = vpow2.f32 v6  }
0x207: {  	v3 =	vsel vm15, $0x1C, v3;
	vm15 =	veq.f32 v55, v0;
	v4 =	vsel vm14, $0x3F, v29  }
0x208: {  	vm14 =	veq.f32 v56, v0;
	v29 =	vmul.f32 $1.442695020e+00, v17;
	v3 =	vsel vm8, $0x1B, v3  }
0x209: {  	vm8 =	veq.f32 v24, v38;
	v4 =	vsel vm15, $0x3E, v4;
	vm15 =	veq.f32 v30, v0  }
0x20a: {  	v30 =	vsub.f32 v36, v38;
	v3 =	vsel vm9, $0x1A, v3;
	vm9 =	veq.f32 v53, v0  }
0x20b: {  	v53 =	vsub.f32 v53, v38;
	v3 =	vsel vm6, $0x19, v3;
	v4 =	vsel vm9, $0x3D, v4  }
0x20c: {  	vm6 =	veq.f32 v54, v0;
	vm9 =	veq.f32 v35, v38;
	v54 =	vsub.f32 v19, v38  }
0x20d: {  	v43 =	vmul.f32 $1.442695020e+00, v30;
	v3 =	vsel vm10, $0x18, v3;
	vm10 =	veq.f32 v34, v38  }
0x20e: {  	v3 =	vsel vm11, $0x17, v3;
	vm11 =	veq.f32 v52, v0;
	v60 =	vmul.f32 $1.442695020e+00, v54  }
0x20f: {  	v52 =	vmul.f32 $1.442695020e+00, v42;
	v54 =	vsub.f32 v55, v38;
	v55 =	vmul.f32 $1.442695020e+00, v53  }
0x210: {  	v42 =	vsub.f32 v0, v38;
	v3 =	vsel vm7, $0x16, v3;
	v4 =	vsel vm11, $0x3C, v4  }
0x211: {  	vm11 =	veq.f32 v19, v0;
	v19 =	vmul.f32 $1.442695020e+00, v61;
	v61 =	vmul.f32 $1.442695020e+00, v58  }
0x212: {  	vm7 =	veq.f32 v16, v0;
	v3 =	vsel vm8, $0x15, v3;
	(erf) = vpow2.f32 v60  }
0x213: {  	v5 =	vmul.f32 $1.442695020e+00, v54;
	vm8 =	veq.f32 v10, v0;
	v3 =	vsel vm13, $0x14, v3  }
0x214: {  	(erf) = vpow2.f32 v14;
	v3 =	vsel vm12, $0x13, v3;
	vm12 =	veq.f32 v36, v0  }
0x215: {  	vm13 =	veq.f32 v57, v0;
	(erf) = vpow2.f32 v19;
	v4 =	vsel vm12, $0x3B, v4  }
0x216: {  	v3 =	vsel vm10, $0x12, v3;
	vm10 =	veq.f32 v20, v0;
	v4 =	vsel vm13, $0x3A, v4  }
0x217: {  	v36 =	vpop (erf);
	vm12 =	veq.f32 v7, v0;
	v20 =	vsub.f32 v57, v38;
	v4 =	vsel vm14, $0x39, v4  }
0x218: {  	v1 =	vadd.f32 v1, v36;
	(erf) = vpow2.f32 v29;
	v4 =	vsel vm15, $0x38, v4  }
0x219: {  	v49 =	vpop (erf);
	v3 =	vsel vm5, $0x11, v3;
	vm13 =	veq.f32 v37, v38;
	v4 =	vsel vm10, $0x37, v4  }
0x21a: {  	v2 =	vadd.f32 v2, v49;
	vm5 =	veq.f32 v32, v0;
	v4 =	vsel vm11, $0x36, v4  }
0x21b: {  	v56 =	vpop (erf);
	v3 =	vsel vm9, $0x10, v3;
	vm14 =	veq.f32 v9, v0;
	v4 =	vsel vm12, $0x35, v4  }
0x21c: {  	v7 =	vmul.f32 $1.442695020e+00, v20;
	v1 =	vadd.f32 v1, v56;
	v4 =	vsel vm14, $0x34, v4  }
0x21d: {  	vm9 =	veq.f32 v51, v0;
	v3 =	vsel vm13, $0xF, v3;
	v4 =	vsel vm6, $0x33, v4  }
0x21e: {  	v57 =	vpop (erf);
	vm15 =	veq.f32 v40, v38;
	(erf) = vpow2.f32 v7;
	v4 =	vsel vm4, $0x32, v4  }
0x21f: {  	v2 =	vadd.f32 v2, v57;
	(erf) = vpow2.f32 v43;
	v4 =	vsel vm3, $0x31, v4  }
0x220: {  	vm13 =	veq.f32 v48, v0;
	(erf) = vpow2.f32 v52;
	v4 =	vsel vm2, $0x30, v4  }
0x221: {  	v9 =	vpop (erf);
	v3 =	vsel vm15, $0xE, v3;
	(erf) = vpow2.f32 v55;
	v4 =	vsel vm1, $0x2F, v4  }
0x222: {  	v1 =	vadd.f32 v1, v9;
	(erf) = vpow2.f32 v5;
	v4 =	vsel vm0, $0x2E, v4  }
0x223: {  	v60 =	vld [tilespmem:$0x1FB50];
	v11 =	vpop (erf);
	vm4 =	veq.f32 v47, v0;
	(erf) = vpow2.f32 v61;
	v4 =	vsel vm5, $0x2D, v4  }
0x224: {  	vm10 =	veq.f32 v50, v0;
	vm15 =	veq.f32 v13, v0;
	v16 =	vpop (erf);
	v4 =	vsel vm4, $0x2C, v4  }
0x225: {  	v2 =	vadd.f32 v2, v11;
	v1 =	vadd.f32 v1, v16;
	v17 =	vpop (erf);
	v4 =	vsel vm8, $0x2B, v4  }
0x226: {  	vm11 =	veq.f32 v44, v0;
	v44 =	vmul.f32 $1.442695020e+00, v42;
	v19 =	vpop (erf);
	v4 =	vsel vm9, $0x2A, v4  }
0x227: {  	v2 =	vadd.f32 v2, v17;
	v1 =	vadd.f32 v1, v19;
	v20 =	vpop (erf);
	v4 =	vsel vm10, $0x29, v4  }
0x228: {  	vm12 =	veq.f32 v15, v0;
	vm6 =	veq.f32 v60, v38;
	v27 =	vpop (erf);
	v4 =	vsel vm11, $0x28, v4  }
0x229: {  	v32 =	vld [tilespmem:$0x1FB60];
	v2 =	vadd.f32 v2, v20;
	v1 =	vadd.f32 v1, v27;
	v29 =	vpop (erf);
	v4 =	vsel vm12, $0x27, v4  }
0x22a: {  	vm14 =	veq.f32 v26, v0;
	v3 =	vsel vm6, $0xD, v3;
	v30 =	vpop (erf);
	v4 =	vsel vm13, $0x26, v4  }
0x22b: {  	v2 =	vadd.f32 v2, v29;
	v1 =	vadd.f32 v1, v30;
	v36 =	vpop (erf);
	v4 =	vsel vm14, $0x25, v4  }
0x22c: {  	vm6 =	veq.f32 v22, v0;
	vm5 =	veq.f32 v39, v0;
	v39 =	vpop (erf);
	v4 =	vsel vm15, $0x24, v4  }
0x22d: {  	v2 =	vadd.f32 v2, v36;
	v1 =	vadd.f32 v1, v39;
	v4 =	vsel vm7, $0x23, v4  }
0x22e: {  	v48 =	vld [tilespmem:$0x1FB70];
	vm4 =	veq.f32 v32, v38;
	vm7 =	veq.f32 v12, v0;
	v4 =	vsel vm6, $0x22, v4  }
0x22f: {  	vm8 =	veq.f32 v18, v0;
	v1 =	vadd.f32 v1, v2;
	v4 =	vsel vm7, $0x21, v4  }
0x230: {  	v54 =	vld [tilespmem:$0x1FBB0];
	v3 =	vsel vm4, $0xC, v3;
	vm9 =	veq.f32 v41, v0;
	v43 =	vsel vm8, $0x20, v4  }
0x231: {  	v50 =	vld [tilespmem:$0x1FB80];
	vm10 =	veq.f32 v63, v0;
	(erf) = vrcp.f32 v1;
	v2 =	vsel vm9, $0x1F, v43  }
0x232: {  	v52 =	vld [tilespmem:$0x1FBA0];
	vm4 =	veq.f32 v46, v0;
	(erf) = vpow2.f32 v44;
	v47 =	vsel vm10, $0x1E, v2  }
0x233: {  	vm11 =	veq.f32 v48, v38;
	vm12 =	veq.f32 v59, v0;
	v1 =	vsel vm5, $0x1D, v47  }
0x234: {  	v51 =	vld [tilespmem:$0x1FB90];
	v49 =	vsel vm11, $0xB, v3;
	vm13 =	veq.f32 v45, v0;
	v1 =	vsel vm12, $0x1C, v1  }
0x235: {  	vm11 =	veq.f32 v54, v38;
	vm15 =	veq.f32 v62, v0;
	v1 =	vsel vm13, $0x1B, v1  }
0x236: {  	vm14 =	veq.f32 v50, v38;
	vm6 =	veq.f32 v31, v0;
	v1 =	vsel vm15, $0x1A, v1  }
0x237: {  	vm7 =	veq.f32 v28, v0;
	vm8 =	veq.f32 v52, v38;
	v1 =	vsel vm4, $0x19, v1  }
0x238: {  	vm9 =	veq.f32 v25, v0;
	v2 =	vsel vm14, $0xA, v49;
	v1 =	vsel vm6, $0x18, v1  }
0x239: {  	vm10 =	veq.f32 v24, v0;
	vm5 =	veq.f32 v51, v38;
	v1 =	vsel vm7, $0x17, v1  }
0x23a: {  	v55 =	vld [tilespmem:$0x1FBC0];
	vm14 =	veq.f32 v34, v0;
	v2 =	vsel vm5, $0x9, v2;
	v53 =	vpop (erf);
	v1 =	vsel vm9, $0x16, v1  }
0x23b: {  	vm12 =	veq.f32 v23, v0;
	vm5 =	veq.f32 v35, v0;
	v4 =	vpop (erf);
	v1 =	vsel vm10, $0x15, v1  }
0x23c: {  	vm13 =	veq.f32 v21, v0;
	v4 =	vmul.f32 v53, v4;
	v1 =	vsel vm12, $0x14, v1  }
0x23d: {  	v2 =	vsel vm8, $0x8, v2;
	vm8 =	veq.f32 v40, v0;
	v1 =	vsel vm13, $0x13, v1  }
0x23e: {  	v57 =	vld [tilespmem:$0x1FBD0];
	vm4 =	veq.f32 v33, v0;
	v56 =	vadd.f32 v4, v53;
	v1 =	vsel vm14, $0x12, v1  }
0x23f: {  	v59 =	vld [tilespmem:$0x1FBF0];
	v2 =	vsel vm11, $0x7, v2;
	vm15 =	veq.f32 v55, v38;
	v1 =	vsel vm4, $0x11, v1  }
0x240: {  	v61 =	vld [tilespmem:$0x1FC10];
	vm6 =	veq.f32 v37, v0;
	v5 =	vadd.f32 $9.999999710e-10, v56;
	v1 =	vsel vm5, $0x10, v1  }
0x241: {  	v58 =	vld [tilespmem:$0x1FBE0];
	vm11 =	veq.f32 v48, v0;
	v2 =	vsel vm15, $0x6, v2;
	v1 =	vsel vm6, $0xF, v1  }
0x242: {  	vm7 =	veq.f32 v60, v0;
	(erf) = vrcp.f32 v5;
	v1 =	vsel vm8, $0xE, v1  }
0x243: {  	vm9 =	veq.f32 v57, v38;
	vm10 =	veq.f32 v32, v0;
	v1 =	vsel vm7, $0xD, v1  }
0x244: {  	vm15 =	veq.f32 v59, v38;
	v60 =	vld [tilespmem:$0x1FC00];
	v2 =	vsel vm9, $0x5, v2;
	v1 =	vsel vm10, $0xC, v1  }
0x245: {  	vm9 =	veq.f32 v61, v38;
	vm13 =	veq.f32 v50, v0;
	v1 =	vsel vm11, $0xB, v1  }
0x246: {  	vm12 =	veq.f32 v58, v38;
	vm14 =	veq.f32 v51, v0;
	v1 =	vsel vm13, $0xA, v1  }
0x247: {  	v2 =	vsel vm12, $0x4, v2;
	vm4 =	veq.f32 v52, v0;
	v1 =	vsel vm14, $0x9, v1  }
0x248: {  	v2 =	vsel vm15, $0x3, v2;
	vm5 =	veq.f32 v54, v0;
	v1 =	vsel vm4, $0x8, v1  }
0x249: {  	v63 =	vld [tilespmem:$0x1FC20];
	vm12 =	veq.f32 v60, v0;
	vm7 =	veq.f32 v55, v0;
	v1 =	vsel vm5, $0x7, v1  }
0x24a: {  	vm6 =	veq.f32 v60, v38;
	vm8 =	veq.f32 v57, v0;
	v1 =	vsel vm7, $0x6, v1  }
0x24b: {  	v2 =	vsel vm6, $0x2, v2;
	vm10 =	veq.f32 v58, v0;
	v62 =	vpop (erf);
	v1 =	vsel vm8, $0x5, v1  }
0x24c: {  	p0 =	sne.s32 s30, $0xF0;
	vm11 =	veq.f32 v59, v0;
	v3 =	vmul.f32 v62, v53;
	v1 =	vsel vm10, $0x4, v1  }
.Ltmp1:
0x24d: {  	v2 =	vsel vm9, $0x1, v2;
	v4 =	vmul.f32 v62, v4;
	v1 =	vsel vm11, $0x3, v1;
	(pc) =	sbr.rel @p0 .LBB2_4-.Ltmp1, $4  }
0x24e: {  	vm13 =	veq.f32 v63, v38;
	vm14 =	veq.f32 v61, v0;
	[tilespmem:s29+$0x0] =	vst v3;
	v1 =	vsel vm12, $0x2, v1  }
0x24f: {  	vm15 =	veq.f32 v63, v0;
	v2 =	vsel vm13, $0x0, v2;
	[tilespmem:s28+$0x0] =	vst v4;
	v1 =	vsel vm14, $0x1, v1  }
0x250: {  	s24 =	sadd.s32 $0x80, s24;
	s30 =	sadd.s32 $0x10, s30;
	s29 =	sadd.s32 $0x10, s29;
	[tilespmem:s26+$0x0] =	vst v2;
	v0 =	vsel vm15, $0x0, v1  }
0x251: {  	s28 =	sadd.s32 $0x10, s28;
	s26 =	sadd.s32 $0x10, s26;
	[tilespmem:s25+$0x0] =	vst v0;
	s25 =	sadd.s32 $0x10, s25  }
0x252: {  	[hbm4b:s5+s2] =	stream.linear.scatter [tilespmem:s15], [sflag:$0x3], $0x200, $0x38;
	[tilespmem:$0x8800] =	vst v63  }
0x253: {  	_ = 	snop  }
0x254: {  	[hbm4b:s6+s2] =	stream.linear.scatter [tilespmem:s16], [sflag:$0x4], $0x200, $0x38;
	[tilespmem:$0x8800] =	vst v63  }
0x255: {  	_ = 	snop  }
0x256: {  	[hbm4b:s7+s2] =	stream.linear.scatter [tilespmem:s17], [sflag:$0x5], $0x200, $0x38;
	[tilespmem:$0x8800] =	vst v63  }
0x257: {  	_ = 	snop  }
0x258: {  	[hbm4b:s8+s2] =	stream.linear.scatter [tilespmem:s18], [sflag:$0x6], $0x200, $0x38;
	[tilespmem:$0x8800] =	vst v63  }
0x259: {  	_ =	swait.ge [sflag:s19], $0x200  }
0x25a: {  	[sflag:s19] =	ssyncset.done $0x0  }
0x25b: {  	[sflag:s19] =	ssyncadd.s32 $0xFFFFFE00  }
0x25c: {  	_ =	swait.ge [sflag:s20], $0x200  }
0x25d: {  	[sflag:s20] =	ssyncset.done $0x0  }
0x25e: {  	s23 =	sadd.s32 $0x1, s23;
	[sflag:s20] =	ssyncadd.s32 $0xFFFFFE00  }
0x25f: {  	p0 =	sne.s32 s23, s9;
	_ =	swait.ge [sflag:s21], $0x200  }
.Ltmp2:
0x260: {  	[sflag:s21] =	ssyncset.done $0x0;
	(pc) =	sbr.rel @p0 .LBB2_1-.Ltmp2, $4  }
0x261: {  	[sflag:s21] =	ssyncadd.s32 $0xFFFFFE00  }
0x262: {  	_ =	swait.ge [sflag:s22], $0x200  }
0x263: {  	[sflag:s22] =	ssyncset.done $0x0  }
0x264: {  	[sflag:s22] =	ssyncadd.s32 $0xFFFFFE00  }
0x265: {  	_ =	sfence.sel $0x180000  }
0x266: {  	[bflag:$0x0] =	sbarrier.arrive $0xFFFF  }
0x267: {  	_ =	strace $0x90000047  }
0x268: {  	[bflag:$0x2] =	sbarrier.arrive $0xFFFF  }
0x269: {  	p0 =	sne.s32 s1, $0x0;
	s0 =	rddreg [dreg:$0x2]  }
0x26a: {  	s0 =	sadd.s32 @!p0 $0x100000, s0  }
0x26b: {  	[sflag:s0] =	ssyncadd.tile.s32 @!p0 $0x1;
	_ =	shalt  }
.Lfunc_end2:
_tile_overlayer_lowered:
.L_overlay_start_2:
0x26c: {  	(tag) =	ssettag $0x2  }
0x26d: {  	s0 =	rddreg [dreg:$0x0];
	s2 =	stileid.u32  }
0x26e: {  	s1 =	rddreg [dreg:$0x1];
	p0 =	sne.s32 s2, $0x0  }
0x26f: {  	s3 =	rddreg [dreg:$0x2];
	[bflag:$0x3] =	sbarrier.arrive $0xFFFF;
	s2 =	simm.s32 @!p0 $0x1C07  }
0x270: {  	[timem:s3], [sflag:s2] =	dma.local @!p0 [hbm:s0], s1  }
0x271: {  	s0 =	simm.s32 @!p0 $0x7  }
0x272: {  	_ =	swait.ge @!p0 [sflag:s0], s1  }
0x273: {  	s1 =	ssub.s32 @!p0 $0x0, s1;
	[sflag:s0] =	ssyncset.done @!p0 $0x0  }
0x274: {  	[sflag:s0] =	ssyncadd.s32 @!p0 s1  }
0x275: {  	[bflag:$0x3] =	sbarrier.arrive $0xFFFF  }
0x276: {  	_ =	shalt  }

</sc_bundles>
